<compile_context>
chip_gen: v7x
topology: tpu7x:2x2x1
jax: 0.10.2.dev20260603
libtpu: 0.0.44.dev20260713+nightly
codegen_flags: <defaults>
</compile_context>

<pallas_src>
import functools
import jax
import jax.numpy as jnp
from jax import lax
from jax.experimental import pallas as pl
from jax.experimental.pallas import tpu as pltpu
from jax.experimental.pallas import tpu_sc as plsc

F32 = jnp.float32


def _newton_rsqrt(d):
    i = lax.bitcast_convert_type(d, jnp.int32)
    i = jnp.int32(0x5F3759DF) - (i >> 1)
    y = lax.bitcast_convert_type(i, F32)
    for _ in range(3):
        y = y * (1.5 - 0.5 * d * y * y)
    return jnp.where(d > 0.0, y, 0.0)


def _make_sc_propagate(N, E, F):
    assert F == 128 and N % 16 == 0 and E % 256 == 0
    EROWS = E // 128
    RB1 = 10
    assert EROWS % RB1 == 0
    NB1 = EROWS // RB1
    EPC = EROWS // 2
    R2 = EPC // 16
    R2X = EPC % 16
    CH = 640
    LAST = N - 15 * CH
    assert 0 < LAST <= CH and LAST % 8 == 0 and CH % 128 == 0
    LASTF = LAST // 32
    LASTR = LAST % 32

    mesh = plsc.VectorSubcoreMesh(core_axis_name="c", subcore_axis_name="s")

    @functools.partial(
        pl.kernel,
        mesh=mesh,
        compiler_params=pltpu.CompilerParams(needs_layout_passes=False),
        out_type=[
            jax.ShapeDtypeStruct((2 * N, F), F32),
            jax.ShapeDtypeStruct((N,), F32),
        ],
        scratch_types=[
            pltpu.VMEM_SHARED((N, F), F32),
            pltpu.VMEM_SHARED((N,), F32),
            pltpu.VMEM((N,), F32),
            pltpu.VMEM((RB1, 128), jnp.int32),
            pltpu.VMEM((RB1 * 128,), F32),
            pltpu.VMEM((128,), jnp.int32),
            pltpu.VMEM((128, F), F32),
            pltpu.VMEM((128,), F32),
            pltpu.VMEM((32, F), F32),
            pltpu.VMEM((CH,), F32),
            pltpu.SemaphoreType.DMA,
            pltpu.SemaphoreType.DMA,
        ],
    )
    def sc_fn(src_hbm, dst_hbm, w_hbm, x_hbm, pout_hbm, dinv_hbm,
              p_sh, deg_sh, dinv_v, dstb, wb, srcb, rows, normb, zbuf,
              onesb, sem_s, sem_g):
        c = lax.axis_index("c")
        s = lax.axis_index("s")

        z16 = jnp.zeros((16,), F32)
        o16 = jnp.ones((16,), F32)

        def fill_z(i, _):
            for j in range(F // 16):
                zbuf[i, pl.ds(16 * j, 16)] = z16
            return 0
        lax.fori_loop(0, 32, fill_z, 0)

        def fill_o(i, _):
            onesb[pl.ds(16 * i, 16)] = o16
            return 0
        lax.fori_loop(0, CH // 16, fill_o, 0)

        @pl.when(s < 15)
        def _():
            for k in range(CH // 32):
                pltpu.sync_copy(zbuf, p_sh.at[pl.ds(s * CH + k * 32, 32)])
            pltpu.sync_copy(onesb, deg_sh.at[pl.ds(s * CH, CH)])

        @pl.when(s == 15)
        def _():
            for k in range(LASTF):
                pltpu.sync_copy(zbuf, p_sh.at[pl.ds(15 * CH + k * 32, 32)])
            if LASTR:
                pltpu.sync_copy(
                    zbuf.at[pl.ds(0, LASTR)],
                    p_sh.at[pl.ds(15 * CH + LASTF * 32, LASTR)])
            pltpu.sync_copy(onesb.at[pl.ds(0, LAST)],
                            deg_sh.at[pl.ds(15 * CH, LAST)])

        plsc.subcore_barrier()

        n1 = (NB1 // 16) + jnp.where(s < (NB1 % 16), 1, 0)

        def p1(k, _):
            e0 = (s + 16 * k) * RB1 * 128
            pltpu.sync_copy(w_hbm.at[pl.ds(e0, RB1 * 128)], wb)
            for j in range(RB1):
                pltpu.sync_copy(dst_hbm.at[pl.ds(e0 + 128 * j, 128)],
                                dstb.at[j])
            descs = [
                pltpu.async_copy(wb.at[pl.ds(128 * j, 128)],
                                 deg_sh.at[dstb.at[j]], sem_s, add=True)
                for j in range(RB1)
            ]
            for dsc in descs:
                dsc.wait()
            return 0

        lax.fori_loop(0, n1, p1, 0)
        plsc.subcore_barrier()

        pltpu.sync_copy(deg_sh, dinv_v)

        def inv(i, _):
            d = dinv_v[pl.ds(16 * i, 16)]
            dinv_v[pl.ds(16 * i, 16)] = _newton_rsqrt(d)
            return 0
        lax.fori_loop(0, N // 16, inv, 0)
        plsc.subcore_barrier()

        r0 = c * EPC + s * R2 + jnp.minimum(s, R2X)
        n2 = R2 + jnp.where(s < R2X, 1, 0)

        def p2(k, _):
            e0 = (r0 + k) * 128
            pltpu.sync_copy(src_hbm.at[pl.ds(e0, 128)], srcb)
            pltpu.sync_copy(dst_hbm.at[pl.ds(e0, 128)], dstb.at[0])
            pltpu.sync_copy(w_hbm.at[pl.ds(e0, 128)],
                            wb.at[pl.ds(0, 128)])
            pltpu.async_copy(x_hbm.at[srcb], rows, sem_g).wait()
            for j in range(8):
                sl = pl.ds(16 * j, 16)
                s16 = srcb[sl]
                d16 = dstb[0, sl]
                w16 = wb[sl]
                n16 = (plsc.load_gather(dinv_v, [s16]) * w16
                       * plsc.load_gather(dinv_v, [d16]))
                normb[sl] = n16

            def scale(e, _):
                spl = plsc.load_gather(normb, [jnp.full((16,), e, jnp.int32)])
                for cb in range(F // 16):
                    sl = pl.ds(16 * cb, 16)
                    rows[e, sl] = rows[e, sl] * spl
                return 0
            lax.fori_loop(0, 128, scale, 0)
            pltpu.async_copy(rows, p_sh.at[dstb.at[0]], sem_s,
                             add=True).wait()
            return 0

        lax.fori_loop(0, n2, p2, 0)
        plsc.subcore_barrier()

        @pl.when(s < 15)
        def _():
            pltpu.sync_copy(p_sh.at[pl.ds(s * CH, CH)],
                            pout_hbm.at[pl.ds(c * N + s * CH, CH)])

        @pl.when(s == 15)
        def _():
            pltpu.sync_copy(p_sh.at[pl.ds(15 * CH, LAST)],
                            pout_hbm.at[pl.ds(c * N + 15 * CH, LAST)])

        @pl.when(jnp.logical_and(c == 0, s == 0))
        def _():
            pltpu.sync_copy(dinv_v, dinv_hbm)

    return sc_fn


def _tc_epilogue(t0, t1, x, dinv2, Wz, bz2, Wlzt, blz2, Wh, bh2, Wlht,
                 blh2, Wout, bout2):
    N, F = x.shape
    BN = 1000
    assert N % BN == 0

    def body(t0_r, t1_r, x_r, di_r, wz_r, bz_r, wlz_r, blz_r, wh_r, bh_r,
             wlh_r, blh_r, wo_r, bo_r, o_r):
        di = di_r[...]
        P = t0_r[...] + t1_r[...] + di * di * x_r[...]
        wzf = jnp.dot(wz_r[...], wlz_r[...], preferred_element_type=F32)
        bzf = jnp.dot(bz_r[...], wlz_r[...], preferred_element_type=F32) \
            + blz_r[...]
        whf = jnp.dot(wh_r[...], wlh_r[...], preferred_element_type=F32)
        bhf = jnp.dot(bh_r[...], wlh_r[...], preferred_element_type=F32) \
            + blh_r[...]
        Z = jax.nn.sigmoid(jnp.dot(P, wzf, preferred_element_type=F32) + bzf)
        Ht = jnp.tanh(jnp.dot(P, whf, preferred_element_type=F32) + bhf)
        H = (1.0 - Z) * Ht
        o_r[...] = jnp.dot(jnp.maximum(H, 0.0), wo_r[...],
                           preferred_element_type=F32) + bo_r[...]

    full = lambda shape: pl.BlockSpec(shape, lambda i: (0, 0))
    rowb = lambda: pl.BlockSpec((BN, F), lambda i: (i, 0))
    return pl.pallas_call(
        body,
        grid=(N // BN,),
        in_specs=[
            rowb(), rowb(), rowb(),
            pl.BlockSpec((BN, 1), lambda i: (i, 0)),
            full((F, F)), full((1, F)), full((F, F)), full((1, F)),
            full((F, F)), full((1, F)), full((F, F)), full((1, F)),
            full((F, 1)), full((1, 1)),
        ],
        out_specs=pl.BlockSpec((BN, 1), lambda i: (i, 0)),
        out_shape=jax.ShapeDtypeStruct((N, 1), F32),
    )(t0, t1, x, dinv2, Wz, bz2, Wlzt, blz2, Wh, bh2, Wlht, blh2, Wout,
      bout2)


@jax.jit
def kernel(x, edge_index, edge_weight, Wz, bz, Wlz, blz, Wr, br, Wlr, blr,
           Wh, bh, Wlh, blh, Wout, bout):
    N, F = x.shape
    E = edge_index.shape[1]
    sc_fn = _make_sc_propagate(N, E, F)
    pout, dinv = sc_fn(edge_index[0], edge_index[1], edge_weight, x)

    return _tc_epilogue(
        pout[:N], pout[N:], x, dinv[:, None],
        Wz, bz[None, :], Wlz[:F], blz[None, :],
        Wh, bh[None, :], Wlh[:F], blh[None, :],
        Wout, bout[None, :],
    )

# --- scband reference (transcript-rebuilt; emitter-appended) ---
"""Pipeline reference for scband-recurrent-gcn-26018911879765 (READ-ONLY COPY).

The authoritative reference and input builder live on the scoring server;
editing this copy changes nothing except your own understanding.
"""

import jax, jax.numpy as jnp
import numpy as np

N = 10000
E = 320000
F_IN = 128
F_HID = 128


def setup_inputs(seed: int = 0) -> dict:
    key = jax.random.key(seed)
    ks = jax.random.split(key, 12)
    inp = {}
    inp["x"] = jax.random.normal(ks[0], (N, F_IN), dtype=jnp.float32)
    inp["edge_index"] = jax.random.randint(ks[1], (2, E), 0, N, dtype=jnp.int32)
    inp["edge_weight"] = jax.random.uniform(ks[2], (E,), dtype=jnp.float32)

    def lin(k, fi, fo):
        return jax.random.normal(k, (fi, fo), dtype=jnp.float32) / np.sqrt(fi)

    inp["Wz"] = lin(ks[3], F_IN, F_HID)
    inp["bz"] = jnp.zeros((F_HID,), jnp.float32)
    inp["Wlz"] = lin(ks[4], 2 * F_HID, F_HID)
    inp["blz"] = jnp.zeros((F_HID,), jnp.float32)
    inp["Wr"] = lin(ks[5], F_IN, F_HID)
    inp["br"] = jnp.zeros((F_HID,), jnp.float32)
    inp["Wlr"] = lin(ks[6], 2 * F_HID, F_HID)
    inp["blr"] = jnp.zeros((F_HID,), jnp.float32)
    inp["Wh"] = lin(ks[7], F_IN, F_HID)
    inp["bh"] = jnp.zeros((F_HID,), jnp.float32)
    inp["Wlh"] = lin(ks[8], 2 * F_HID, F_HID)
    inp["blh"] = jnp.zeros((F_HID,), jnp.float32)
    inp["Wout"] = lin(ks[9], F_HID, 1)
    inp["bout"] = jnp.zeros((1,), jnp.float32)
    return inp


def _gcn_conv(x, src, dst, w, W, b):
    # PyG GCNConv with add_self_loops=True, normalize=True, bias=True
    n = x.shape[0]
    loop = jnp.arange(n, dtype=src.dtype)
    s = jnp.concatenate([src, loop])
    d = jnp.concatenate([dst, loop])
    ww = jnp.concatenate([w, jnp.ones((n,), w.dtype)])
    deg = jnp.zeros((n,), x.dtype).at[d].add(ww)
    dinv = jnp.where(deg > 0, jax.lax.rsqrt(deg), 0.0)
    norm = dinv[s] * ww * dinv[d]
    xw = x @ W
    out = jnp.zeros((n, W.shape[1]), x.dtype).at[d].add(xw[s] * norm[:, None])
    return out + b


def reference(x, edge_index, edge_weight, Wz, bz, Wlz, blz, Wr, br, Wlr, blr, Wh, bh, Wlh, blh, Wout, bout):
    # TGCN cell (H=None -> zeros) followed by ReLU + Linear(F_HID -> 1)
    src, dst = edge_index[0], edge_index[1]
    H = jnp.zeros((x.shape[0], F_HID), x.dtype)
    Z = jax.nn.sigmoid(jnp.concatenate([_gcn_conv(x, src, dst, edge_weight, Wz, bz), H], axis=1) @ Wlz + blz)
    R = jax.nn.sigmoid(jnp.concatenate([_gcn_conv(x, src, dst, edge_weight, Wr, br), H], axis=1) @ Wlr + blr)
    H_tilde = jnp.tanh(jnp.concatenate([_gcn_conv(x, src, dst, edge_weight, Wh, bh), H * R], axis=1) @ Wlh + blh)
    H = Z * H + (1.0 - Z) * H_tilde
    y = jax.nn.relu(H) @ Wout + bout
    return y

if __name__ == "__main__":
    import jax
    _d = setup_inputs()
    print(jax.jit(kernel)(*tuple(_d.values())))

</pallas_src>

<mosaic_0001>
#map = affine_map<(d0, d1) -> (0)>
#map1 = affine_map<(d0, d1) -> (0, 0)>
module attributes {stable_mosaic.version = 14 : i64} {
  func.func @sc_fn(%arg0: i32, %arg1: i32, %arg2: memref<320000xi32, #tpu.memory_space<hbm>>, %arg3: memref<320000xi32, #tpu.memory_space<hbm>>, %arg4: memref<320000xf32, #tpu.memory_space<hbm>>, %arg5: memref<10000x128xf32, #tpu.memory_space<hbm>>, %arg6: memref<20000x128xf32, #tpu.memory_space<hbm>>, %arg7: memref<10000xf32, #tpu.memory_space<hbm>>, %arg8: memref<10000x128xf32, #tpu.memory_space<vmem_shared>>, %arg9: memref<10000xf32, #tpu.memory_space<vmem_shared>>, %arg10: memref<10000xf32, #tpu.memory_space<vmem>>, %arg11: memref<10x128xi32, #tpu.memory_space<vmem>>, %arg12: memref<1280xf32, #tpu.memory_space<vmem>>, %arg13: memref<128xi32, #tpu.memory_space<vmem>>, %arg14: memref<128x128xf32, #tpu.memory_space<vmem>>, %arg15: memref<128xf32, #tpu.memory_space<vmem>>, %arg16: memref<32x128xf32, #tpu.memory_space<vmem>>, %arg17: memref<640xf32, #tpu.memory_space<vmem>>, %arg18: memref<!tpu.dma_semaphore, #tpu.memory_space<semaphore_mem>>, %arg19: memref<!tpu.dma_semaphore, #tpu.memory_space<semaphore_mem>>) attributes {dimension_semantics = [#tpu.dimension_semantics<core_parallel>, #tpu.dimension_semantics<subcore_parallel>], iteration_bounds = array<i64: 2, 16>, scalar_prefetch = 0 : i64, scratch_operands = 12 : i64, tpu.core_type = #tpu.core_type<sc_vector_subcore>, window_params = [{transform_indices = #map}, {transform_indices = #map}, {transform_indices = #map}, {transform_indices = #map1}, {transform_indices = #map1}, {transform_indices = #map}]} {
    %broadcast_in_dim3A = arith.constant 0.000000e+00 : f32
    %broadcast_in_dim3A_0 = vector.broadcast %broadcast_in_dim3A : f32 to vector<16xf32>
    %broadcast_in_dim3A_1 = arith.constant 1.000000e+00 : f32
    %broadcast_in_dim3A_2 = vector.broadcast %broadcast_in_dim3A_1 : f32 to vector<16xf32>
    %scan3A = arith.constant 0 : i32
    %scan3A_3 = arith.constant 0 : i32
    %scan3A_4 = arith.constant 32 : i32
    %scan3A_5 = arith.addi %scan3A_3, %scan3A_4 : i32
    %scan3A_6 = arith.constant 1 : i32
    %scan3A_7 = scf.for %scan3A_89 = %scan3A_3 to %scan3A_5 step %scan3A_6 iter_args(%scan3A_90 = %scan3A) -> (i32)  : i32 {
      %swap3A = arith.index_cast %scan3A_89 : i32 to index
      %swap3A_91 = arith.constant 0 : index
      %swap3A_92 = tpu.vector_load %arg16[%swap3A, %swap3A_91] {strides = array<i32>} : memref<32x128xf32, #tpu.memory_space<vmem>>, vector<16xf32>,
      tpu.vector_store %arg16[%swap3A, %swap3A_91], %broadcast_in_dim3A_0 {strides = array<i32>} : memref<32x128xf32, #tpu.memory_space<vmem>>, vector<16xf32>,
      %swap3A_93 = arith.index_cast %scan3A_89 : i32 to index
      %swap3A_94 = arith.constant 16 : index
      %swap3A_95 = tpu.vector_load %arg16[%swap3A_93, %swap3A_94] {strides = array<i32>} : memref<32x128xf32, #tpu.memory_space<vmem>>, vector<16xf32>,
      tpu.vector_store %arg16[%swap3A_93, %swap3A_94], %broadcast_in_dim3A_0 {strides = array<i32>} : memref<32x128xf32, #tpu.memory_space<vmem>>, vector<16xf32>,
      %swap3A_96 = arith.index_cast %scan3A_89 : i32 to index
      %swap3A_97 = arith.constant 32 : index
      %swap3A_98 = tpu.vector_load %arg16[%swap3A_96, %swap3A_97] {strides = array<i32>} : memref<32x128xf32, #tpu.memory_space<vmem>>, vector<16xf32>,
      tpu.vector_store %arg16[%swap3A_96, %swap3A_97], %broadcast_in_dim3A_0 {strides = array<i32>} : memref<32x128xf32, #tpu.memory_space<vmem>>, vector<16xf32>,
      %swap3A_99 = arith.index_cast %scan3A_89 : i32 to index
      %swap3A_100 = arith.constant 48 : index
      %swap3A_101 = tpu.vector_load %arg16[%swap3A_99, %swap3A_100] {strides = array<i32>} : memref<32x128xf32, #tpu.memory_space<vmem>>, vector<16xf32>,
      tpu.vector_store %arg16[%swap3A_99, %swap3A_100], %broadcast_in_dim3A_0 {strides = array<i32>} : memref<32x128xf32, #tpu.memory_space<vmem>>, vector<16xf32>,
      %swap3A_102 = arith.index_cast %scan3A_89 : i32 to index
      %swap3A_103 = arith.constant 64 : index
      %swap3A_104 = tpu.vector_load %arg16[%swap3A_102, %swap3A_103] {strides = array<i32>} : memref<32x128xf32, #tpu.memory_space<vmem>>, vector<16xf32>,
      tpu.vector_store %arg16[%swap3A_102, %swap3A_103], %broadcast_in_dim3A_0 {strides = array<i32>} : memref<32x128xf32, #tpu.memory_space<vmem>>, vector<16xf32>,
      %swap3A_105 = arith.index_cast %scan3A_89 : i32 to index
      %swap3A_106 = arith.constant 80 : index
      %swap3A_107 = tpu.vector_load %arg16[%swap3A_105, %swap3A_106] {strides = array<i32>} : memref<32x128xf32, #tpu.memory_space<vmem>>, vector<16xf32>,
      tpu.vector_store %arg16[%swap3A_105, %swap3A_106], %broadcast_in_dim3A_0 {strides = array<i32>} : memref<32x128xf32, #tpu.memory_space<vmem>>, vector<16xf32>,
      %swap3A_108 = arith.index_cast %scan3A_89 : i32 to index
      %swap3A_109 = arith.constant 96 : index
      %swap3A_110 = tpu.vector_load %arg16[%swap3A_108, %swap3A_109] {strides = array<i32>} : memref<32x128xf32, #tpu.memory_space<vmem>>, vector<16xf32>,
      tpu.vector_store %arg16[%swap3A_108, %swap3A_109], %broadcast_in_dim3A_0 {strides = array<i32>} : memref<32x128xf32, #tpu.memory_space<vmem>>, vector<16xf32>,
      %swap3A_111 = arith.index_cast %scan3A_89 : i32 to index
      %swap3A_112 = arith.constant 112 : index
      %swap3A_113 = tpu.vector_load %arg16[%swap3A_111, %swap3A_112] {strides = array<i32>} : memref<32x128xf32, #tpu.memory_space<vmem>>, vector<16xf32>,
      tpu.vector_store %arg16[%swap3A_111, %swap3A_112], %broadcast_in_dim3A_0 {strides = array<i32>} : memref<32x128xf32, #tpu.memory_space<vmem>>, vector<16xf32>,
      %scan3A_114 = arith.constant 0 : i32
      scf.yield %scan3A_114 : i32
    }
    %scan3A_8 = arith.constant 32 : i32
    %scan3A_9 = arith.constant 0 : i32
    %scan3A_10 = arith.constant 0 : i32
    %scan3A_11 = arith.constant 40 : i32
    %scan3A_12 = arith.addi %scan3A_10, %scan3A_11 : i32
    %scan3A_13 = arith.constant 1 : i32
    %scan3A_14 = scf.for %scan3A_89 = %scan3A_10 to %scan3A_12 step %scan3A_13 iter_args(%scan3A_90 = %scan3A_9) -> (i32)  : i32 {
      %mul3A_91 = arith.constant 16 : i32
      %mul3A_92 = arith.muli %mul3A_91, %scan3A_89 : i32
      %swap3A = arith.index_cast %mul3A_92 : i32 to index
      %swap3A_93 = tpu.vector_load %arg17[%swap3A] {strides = array<i32>} : memref<640xf32, #tpu.memory_space<vmem>>, vector<16xf32>,
      tpu.vector_store %arg17[%swap3A], %broadcast_in_dim3A_2 {strides = array<i32>} : memref<640xf32, #tpu.memory_space<vmem>>, vector<16xf32>,
      %scan3A_94 = arith.constant 0 : i32
      scf.yield %scan3A_94 : i32
    }
    %scan3A_15 = arith.constant 40 : i32
    %lt3A = arith.constant 15 : i32
    %lt3A_16 = arith.cmpi slt, %arg1, %lt3A : i32
    %convert_element_type3A = arith.extui %lt3A_16 : i1 to i32
    %cond3A = arith.constant 0 : i32
    %cond3A_17 = arith.cmpi ne, %convert_element_type3A, %cond3A : i32
    scf.if %cond3A_17 {
      %mul3A_89 = arith.constant 640 : i32
      %mul3A_90 = arith.muli %arg1, %mul3A_89 : i32
      %add3A_91 = arith.constant 0 : i32
      %add3A_92 = arith.addi %mul3A_90, %add3A_91 : i32
      "tpu.region"() ({
        %run_scoped3A = tpu.sem_alloc : memref<!tpu.dma_semaphore, #tpu.memory_space<semaphore_mem>>
        %dma_start3A = arith.constant 0 : i32
        %dma_start3A_171 = tpu.memref_slice %arg8[%add3A_92, %dma_start3A] : memref<10000x128xf32, #tpu.memory_space<vmem_shared>> -> memref<32x128xf32, #tpu.memory_space<vmem_shared>>
        %dma_start3A_172 = arith.constant 0 : i32
        %dma_start3A_173 = tpu.memref_slice %arg8[%add3A_92, %dma_start3A_172] : memref<10000x128xf32, #tpu.memory_space<vmem_shared>> -> memref<32x128xf32, #tpu.memory_space<vmem_shared>>
        tpu.enqueue_dma source(%arg16 : memref<32x128xf32, #tpu.memory_space<vmem>>) target(%dma_start3A_173 : memref<32x128xf32, #tpu.memory_space<vmem_shared>>) target_semaphore(%run_scoped3A : memref<!tpu.dma_semaphore, #tpu.memory_space<semaphore_mem>>)
        %dma_wait3A = arith.constant 0 : i32
        %dma_wait3A_174 = tpu.memref_slice %arg8[%add3A_92, %dma_wait3A] : memref<10000x128xf32, #tpu.memory_space<vmem_shared>> -> memref<32x128xf32, #tpu.memory_space<vmem_shared>>
        %dma_wait3A_175 = arith.constant 0 : i32
        %dma_wait3A_176 = tpu.memref_slice %arg8[%add3A_92, %dma_wait3A_175] : memref<10000x128xf32, #tpu.memory_space<vmem_shared>> -> memref<32x128xf32, #tpu.memory_space<vmem_shared>>
        tpu.wait_dma2 semaphore(%run_scoped3A : memref<!tpu.dma_semaphore, #tpu.memory_space<semaphore_mem>>) src(%arg16 : memref<32x128xf32, #tpu.memory_space<vmem>>) dst(%dma_wait3A_176 : memref<32x128xf32, #tpu.memory_space<vmem_shared>>)
        tpu.yield
      }) : () -> ()
      %mul3A_93 = arith.constant 640 : i32
      %mul3A_94 = arith.muli %arg1, %mul3A_93 : i32
      %add3A_95 = arith.constant 32 : i32
      %add3A_96 = arith.addi %mul3A_94, %add3A_95 : i32
      "tpu.region"() ({
        %run_scoped3A = tpu.sem_alloc : memref<!tpu.dma_semaphore, #tpu.memory_space<semaphore_mem>>
        %dma_start3A = arith.constant 0 : i32
        %dma_start3A_171 = tpu.memref_slice %arg8[%add3A_96, %dma_start3A] : memref<10000x128xf32, #tpu.memory_space<vmem_shared>> -> memref<32x128xf32, #tpu.memory_space<vmem_shared>>
        %dma_start3A_172 = arith.constant 0 : i32
        %dma_start3A_173 = tpu.memref_slice %arg8[%add3A_96, %dma_start3A_172] : memref<10000x128xf32, #tpu.memory_space<vmem_shared>> -> memref<32x128xf32, #tpu.memory_space<vmem_shared>>
        tpu.enqueue_dma source(%arg16 : memref<32x128xf32, #tpu.memory_space<vmem>>) target(%dma_start3A_173 : memref<32x128xf32, #tpu.memory_space<vmem_shared>>) target_semaphore(%run_scoped3A : memref<!tpu.dma_semaphore, #tpu.memory_space<semaphore_mem>>)
        %dma_wait3A = arith.constant 0 : i32
        %dma_wait3A_174 = tpu.memref_slice %arg8[%add3A_96, %dma_wait3A] : memref<10000x128xf32, #tpu.memory_space<vmem_shared>> -> memref<32x128xf32, #tpu.memory_space<vmem_shared>>
        %dma_wait3A_175 = arith.constant 0 : i32
        %dma_wait3A_176 = tpu.memref_slice %arg8[%add3A_96, %dma_wait3A_175] : memref<10000x128xf32, #tpu.memory_space<vmem_shared>> -> memref<32x128xf32, #tpu.memory_space<vmem_shared>>
        tpu.wait_dma2 semaphore(%run_scoped3A : memref<!tpu.dma_semaphore, #tpu.memory_space<semaphore_mem>>) src(%arg16 : memref<32x128xf32, #tpu.memory_space<vmem>>) dst(%dma_wait3A_176 : memref<32x128xf32, #tpu.memory_space<vmem_shared>>)
        tpu.yield
      }) : () -> ()
      %mul3A_97 = arith.constant 640 : i32
      %mul3A_98 = arith.muli %arg1, %mul3A_97 : i32
      %add3A_99 = arith.constant 64 : i32
      %add3A_100 = arith.addi %mul3A_98, %add3A_99 : i32
      "tpu.region"() ({
        %run_scoped3A = tpu.sem_alloc : memref<!tpu.dma_semaphore, #tpu.memory_space<semaphore_mem>>
        %dma_start3A = arith.constant 0 : i32
        %dma_start3A_171 = tpu.memref_slice %arg8[%add3A_100, %dma_start3A] : memref<10000x128xf32, #tpu.memory_space<vmem_shared>> -> memref<32x128xf32, #tpu.memory_space<vmem_shared>>
        %dma_start3A_172 = arith.constant 0 : i32
        %dma_start3A_173 = tpu.memref_slice %arg8[%add3A_100, %dma_start3A_172] : memref<10000x128xf32, #tpu.memory_space<vmem_shared>> -> memref<32x128xf32, #tpu.memory_space<vmem_shared>>
        tpu.enqueue_dma source(%arg16 : memref<32x128xf32, #tpu.memory_space<vmem>>) target(%dma_start3A_173 : memref<32x128xf32, #tpu.memory_space<vmem_shared>>) target_semaphore(%run_scoped3A : memref<!tpu.dma_semaphore, #tpu.memory_space<semaphore_mem>>)
        %dma_wait3A = arith.constant 0 : i32
        %dma_wait3A_174 = tpu.memref_slice %arg8[%add3A_100, %dma_wait3A] : memref<10000x128xf32, #tpu.memory_space<vmem_shared>> -> memref<32x128xf32, #tpu.memory_space<vmem_shared>>
        %dma_wait3A_175 = arith.constant 0 : i32
        %dma_wait3A_176 = tpu.memref_slice %arg8[%add3A_100, %dma_wait3A_175] : memref<10000x128xf32, #tpu.memory_space<vmem_shared>> -> memref<32x128xf32, #tpu.memory_space<vmem_shared>>
        tpu.wait_dma2 semaphore(%run_scoped3A : memref<!tpu.dma_semaphore, #tpu.memory_space<semaphore_mem>>) src(%arg16 : memref<32x128xf32, #tpu.memory_space<vmem>>) dst(%dma_wait3A_176 : memref<32x128xf32, #tpu.memory_space<vmem_shared>>)
        tpu.yield
      }) : () -> ()
      %mul3A_101 = arith.constant 640 : i32
      %mul3A_102 = arith.muli %arg1, %mul3A_101 : i32
      %add3A_103 = arith.constant 96 : i32
      %add3A_104 = arith.addi %mul3A_102, %add3A_103 : i32
      "tpu.region"() ({
        %run_scoped3A = tpu.sem_alloc : memref<!tpu.dma_semaphore, #tpu.memory_space<semaphore_mem>>
        %dma_start3A = arith.constant 0 : i32
        %dma_start3A_171 = tpu.memref_slice %arg8[%add3A_104, %dma_start3A] : memref<10000x128xf32, #tpu.memory_space<vmem_shared>> -> memref<32x128xf32, #tpu.memory_space<vmem_shared>>
        %dma_start3A_172 = arith.constant 0 : i32
        %dma_start3A_173 = tpu.memref_slice %arg8[%add3A_104, %dma_start3A_172] : memref<10000x128xf32, #tpu.memory_space<vmem_shared>> -> memref<32x128xf32, #tpu.memory_space<vmem_shared>>
        tpu.enqueue_dma source(%arg16 : memref<32x128xf32, #tpu.memory_space<vmem>>) target(%dma_start3A_173 : memref<32x128xf32, #tpu.memory_space<vmem_shared>>) target_semaphore(%run_scoped3A : memref<!tpu.dma_semaphore, #tpu.memory_space<semaphore_mem>>)
        %dma_wait3A = arith.constant 0 : i32
        %dma_wait3A_174 = tpu.memref_slice %arg8[%add3A_104, %dma_wait3A] : memref<10000x128xf32, #tpu.memory_space<vmem_shared>> -> memref<32x128xf32, #tpu.memory_space<vmem_shared>>
        %dma_wait3A_175 = arith.constant 0 : i32
        %dma_wait3A_176 = tpu.memref_slice %arg8[%add3A_104, %dma_wait3A_175] : memref<10000x128xf32, #tpu.memory_space<vmem_shared>> -> memref<32x128xf32, #tpu.memory_space<vmem_shared>>
        tpu.wait_dma2 semaphore(%run_scoped3A : memref<!tpu.dma_semaphore, #tpu.memory_space<semaphore_mem>>) src(%arg16 : memref<32x128xf32, #tpu.memory_space<vmem>>) dst(%dma_wait3A_176 : memref<32x128xf32, #tpu.memory_space<vmem_shared>>)
        tpu.yield
      }) : () -> ()
      %mul3A_105 = arith.constant 640 : i32
      %mul3A_106 = arith.muli %arg1, %mul3A_105 : i32
      %add3A_107 = arith.constant 128 : i32
      %add3A_108 = arith.addi %mul3A_106, %add3A_107 : i32
      "tpu.region"() ({
        %run_scoped3A = tpu.sem_alloc : memref<!tpu.dma_semaphore, #tpu.memory_space<semaphore_mem>>
        %dma_start3A = arith.constant 0 : i32
        %dma_start3A_171 = tpu.memref_slice %arg8[%add3A_108, %dma_start3A] : memref<10000x128xf32, #tpu.memory_space<vmem_shared>> -> memref<32x128xf32, #tpu.memory_space<vmem_shared>>
        %dma_start3A_172 = arith.constant 0 : i32
        %dma_start3A_173 = tpu.memref_slice %arg8[%add3A_108, %dma_start3A_172] : memref<10000x128xf32, #tpu.memory_space<vmem_shared>> -> memref<32x128xf32, #tpu.memory_space<vmem_shared>>
        tpu.enqueue_dma source(%arg16 : memref<32x128xf32, #tpu.memory_space<vmem>>) target(%dma_start3A_173 : memref<32x128xf32, #tpu.memory_space<vmem_shared>>) target_semaphore(%run_scoped3A : memref<!tpu.dma_semaphore, #tpu.memory_space<semaphore_mem>>)
        %dma_wait3A = arith.constant 0 : i32
        %dma_wait3A_174 = tpu.memref_slice %arg8[%add3A_108, %dma_wait3A] : memref<10000x128xf32, #tpu.memory_space<vmem_shared>> -> memref<32x128xf32, #tpu.memory_space<vmem_shared>>
        %dma_wait3A_175 = arith.constant 0 : i32
        %dma_wait3A_176 = tpu.memref_slice %arg8[%add3A_108, %dma_wait3A_175] : memref<10000x128xf32, #tpu.memory_space<vmem_shared>> -> memref<32x128xf32, #tpu.memory_space<vmem_shared>>
        tpu.wait_dma2 semaphore(%run_scoped3A : memref<!tpu.dma_semaphore, #tpu.memory_space<semaphore_mem>>) src(%arg16 : memref<32x128xf32, #tpu.memory_space<vmem>>) dst(%dma_wait3A_176 : memref<32x128xf32, #tpu.memory_space<vmem_shared>>)
        tpu.yield
      }) : () -> ()
      %mul3A_109 = arith.constant 640 : i32
      %mul3A_110 = arith.muli %arg1, %mul3A_109 : i32
      %add3A_111 = arith.constant 160 : i32
      %add3A_112 = arith.addi %mul3A_110, %add3A_111 : i32
      "tpu.region"() ({
        %run_scoped3A = tpu.sem_alloc : memref<!tpu.dma_semaphore, #tpu.memory_space<semaphore_mem>>
        %dma_start3A = arith.constant 0 : i32
        %dma_start3A_171 = tpu.memref_slice %arg8[%add3A_112, %dma_start3A] : memref<10000x128xf32, #tpu.memory_space<vmem_shared>> -> memref<32x128xf32, #tpu.memory_space<vmem_shared>>
        %dma_start3A_172 = arith.constant 0 : i32
        %dma_start3A_173 = tpu.memref_slice %arg8[%add3A_112, %dma_start3A_172] : memref<10000x128xf32, #tpu.memory_space<vmem_shared>> -> memref<32x128xf32, #tpu.memory_space<vmem_shared>>
        tpu.enqueue_dma source(%arg16 : memref<32x128xf32, #tpu.memory_space<vmem>>) target(%dma_start3A_173 : memref<32x128xf32, #tpu.memory_space<vmem_shared>>) target_semaphore(%run_scoped3A : memref<!tpu.dma_semaphore, #tpu.memory_space<semaphore_mem>>)
        %dma_wait3A = arith.constant 0 : i32
        %dma_wait3A_174 = tpu.memref_slice %arg8[%add3A_112, %dma_wait3A] : memref<10000x128xf32, #tpu.memory_space<vmem_shared>> -> memref<32x128xf32, #tpu.memory_space<vmem_shared>>
        %dma_wait3A_175 = arith.constant 0 : i32
        %dma_wait3A_176 = tpu.memref_slice %arg8[%add3A_112, %dma_wait3A_175] : memref<10000x128xf32, #tpu.memory_space<vmem_shared>> -> memref<32x128xf32, #tpu.memory_space<vmem_shared>>
        tpu.wait_dma2 semaphore(%run_scoped3A : memref<!tpu.dma_semaphore, #tpu.memory_space<semaphore_mem>>) src(%arg16 : memref<32x128xf32, #tpu.memory_space<vmem>>) dst(%dma_wait3A_176 : memref<32x128xf32, #tpu.memory_space<vmem_shared>>)
        tpu.yield
      }) : () -> ()
      %mul3A_113 = arith.constant 640 : i32
      %mul3A_114 = arith.muli %arg1, %mul3A_113 : i32
      %add3A_115 = arith.constant 192 : i32
      %add3A_116 = arith.addi %mul3A_114, %add3A_115 : i32
      "tpu.region"() ({
        %run_scoped3A = tpu.sem_alloc : memref<!tpu.dma_semaphore, #tpu.memory_space<semaphore_mem>>
        %dma_start3A = arith.constant 0 : i32
        %dma_start3A_171 = tpu.memref_slice %arg8[%add3A_116, %dma_start3A] : memref<10000x128xf32, #tpu.memory_space<vmem_shared>> -> memref<32x128xf32, #tpu.memory_space<vmem_shared>>
        %dma_start3A_172 = arith.constant 0 : i32
        %dma_start3A_173 = tpu.memref_slice %arg8[%add3A_116, %dma_start3A_172] : memref<10000x128xf32, #tpu.memory_space<vmem_shared>> -> memref<32x128xf32, #tpu.memory_space<vmem_shared>>
        tpu.enqueue_dma source(%arg16 : memref<32x128xf32, #tpu.memory_space<vmem>>) target(%dma_start3A_173 : memref<32x128xf32, #tpu.memory_space<vmem_shared>>) target_semaphore(%run_scoped3A : memref<!tpu.dma_semaphore, #tpu.memory_space<semaphore_mem>>)
        %dma_wait3A = arith.constant 0 : i32
        %dma_wait3A_174 = tpu.memref_slice %arg8[%add3A_116, %dma_wait3A] : memref<10000x128xf32, #tpu.memory_space<vmem_shared>> -> memref<32x128xf32, #tpu.memory_space<vmem_shared>>
        %dma_wait3A_175 = arith.constant 0 : i32
        %dma_wait3A_176 = tpu.memref_slice %arg8[%add3A_116, %dma_wait3A_175] : memref<10000x128xf32, #tpu.memory_space<vmem_shared>> -> memref<32x128xf32, #tpu.memory_space<vmem_shared>>
        tpu.wait_dma2 semaphore(%run_scoped3A : memref<!tpu.dma_semaphore, #tpu.memory_space<semaphore_mem>>) src(%arg16 : memref<32x128xf32, #tpu.memory_space<vmem>>) dst(%dma_wait3A_176 : memref<32x128xf32, #tpu.memory_space<vmem_shared>>)
        tpu.yield
      }) : () -> ()
      %mul3A_117 = arith.constant 640 : i32
      %mul3A_118 = arith.muli %arg1, %mul3A_117 : i32
      %add3A_119 = arith.constant 224 : i32
      %add3A_120 = arith.addi %mul3A_118, %add3A_119 : i32
      "tpu.region"() ({
        %run_scoped3A = tpu.sem_alloc : memref<!tpu.dma_semaphore, #tpu.memory_space<semaphore_mem>>
        %dma_start3A = arith.constant 0 : i32
        %dma_start3A_171 = tpu.memref_slice %arg8[%add3A_120, %dma_start3A] : memref<10000x128xf32, #tpu.memory_space<vmem_shared>> -> memref<32x128xf32, #tpu.memory_space<vmem_shared>>
        %dma_start3A_172 = arith.constant 0 : i32
        %dma_start3A_173 = tpu.memref_slice %arg8[%add3A_120, %dma_start3A_172] : memref<10000x128xf32, #tpu.memory_space<vmem_shared>> -> memref<32x128xf32, #tpu.memory_space<vmem_shared>>
        tpu.enqueue_dma source(%arg16 : memref<32x128xf32, #tpu.memory_space<vmem>>) target(%dma_start3A_173 : memref<32x128xf32, #tpu.memory_space<vmem_shared>>) target_semaphore(%run_scoped3A : memref<!tpu.dma_semaphore, #tpu.memory_space<semaphore_mem>>)
        %dma_wait3A = arith.constant 0 : i32
        %dma_wait3A_174 = tpu.memref_slice %arg8[%add3A_120, %dma_wait3A] : memref<10000x128xf32, #tpu.memory_space<vmem_shared>> -> memref<32x128xf32, #tpu.memory_space<vmem_shared>>
        %dma_wait3A_175 = arith.constant 0 : i32
        %dma_wait3A_176 = tpu.memref_slice %arg8[%add3A_120, %dma_wait3A_175] : memref<10000x128xf32, #tpu.memory_space<vmem_shared>> -> memref<32x128xf32, #tpu.memory_space<vmem_shared>>
        tpu.wait_dma2 semaphore(%run_scoped3A : memref<!tpu.dma_semaphore, #tpu.memory_space<semaphore_mem>>) src(%arg16 : memref<32x128xf32, #tpu.memory_space<vmem>>) dst(%dma_wait3A_176 : memref<32x128xf32, #tpu.memory_space<vmem_shared>>)
        tpu.yield
      }) : () -> ()
      %mul3A_121 = arith.constant 640 : i32
      %mul3A_122 = arith.muli %arg1, %mul3A_121 : i32
      %add3A_123 = arith.constant 256 : i32
      %add3A_124 = arith.addi %mul3A_122, %add3A_123 : i32
      "tpu.region"() ({
        %run_scoped3A = tpu.sem_alloc : memref<!tpu.dma_semaphore, #tpu.memory_space<semaphore_mem>>
        %dma_start3A = arith.constant 0 : i32
        %dma_start3A_171 = tpu.memref_slice %arg8[%add3A_124, %dma_start3A] : memref<10000x128xf32, #tpu.memory_space<vmem_shared>> -> memref<32x128xf32, #tpu.memory_space<vmem_shared>>
        %dma_start3A_172 = arith.constant 0 : i32
        %dma_start3A_173 = tpu.memref_slice %arg8[%add3A_124, %dma_start3A_172] : memref<10000x128xf32, #tpu.memory_space<vmem_shared>> -> memref<32x128xf32, #tpu.memory_space<vmem_shared>>
        tpu.enqueue_dma source(%arg16 : memref<32x128xf32, #tpu.memory_space<vmem>>) target(%dma_start3A_173 : memref<32x128xf32, #tpu.memory_space<vmem_shared>>) target_semaphore(%run_scoped3A : memref<!tpu.dma_semaphore, #tpu.memory_space<semaphore_mem>>)
        %dma_wait3A = arith.constant 0 : i32
        %dma_wait3A_174 = tpu.memref_slice %arg8[%add3A_124, %dma_wait3A] : memref<10000x128xf32, #tpu.memory_space<vmem_shared>> -> memref<32x128xf32, #tpu.memory_space<vmem_shared>>
        %dma_wait3A_175 = arith.constant 0 : i32
        %dma_wait3A_176 = tpu.memref_slice %arg8[%add3A_124, %dma_wait3A_175] : memref<10000x128xf32, #tpu.memory_space<vmem_shared>> -> memref<32x128xf32, #tpu.memory_space<vmem_shared>>
        tpu.wait_dma2 semaphore(%run_scoped3A : memref<!tpu.dma_semaphore, #tpu.memory_space<semaphore_mem>>) src(%arg16 : memref<32x128xf32, #tpu.memory_space<vmem>>) dst(%dma_wait3A_176 : memref<32x128xf32, #tpu.memory_space<vmem_shared>>)
        tpu.yield
      }) : () -> ()
      %mul3A_125 = arith.constant 640 : i32
      %mul3A_126 = arith.muli %arg1, %mul3A_125 : i32
      %add3A_127 = arith.constant 288 : i32
      %add3A_128 = arith.addi %mul3A_126, %add3A_127 : i32
      "tpu.region"() ({
        %run_scoped3A = tpu.sem_alloc : memref<!tpu.dma_semaphore, #tpu.memory_space<semaphore_mem>>
        %dma_start3A = arith.constant 0 : i32
        %dma_start3A_171 = tpu.memref_slice %arg8[%add3A_128, %dma_start3A] : memref<10000x128xf32, #tpu.memory_space<vmem_shared>> -> memref<32x128xf32, #tpu.memory_space<vmem_shared>>
        %dma_start3A_172 = arith.constant 0 : i32
        %dma_start3A_173 = tpu.memref_slice %arg8[%add3A_128, %dma_start3A_172] : memref<10000x128xf32, #tpu.memory_space<vmem_shared>> -> memref<32x128xf32, #tpu.memory_space<vmem_shared>>
        tpu.enqueue_dma source(%arg16 : memref<32x128xf32, #tpu.memory_space<vmem>>) target(%dma_start3A_173 : memref<32x128xf32, #tpu.memory_space<vmem_shared>>) target_semaphore(%run_scoped3A : memref<!tpu.dma_semaphore, #tpu.memory_space<semaphore_mem>>)
        %dma_wait3A = arith.constant 0 : i32
        %dma_wait3A_174 = tpu.memref_slice %arg8[%add3A_128, %dma_wait3A] : memref<10000x128xf32, #tpu.memory_space<vmem_shared>> -> memref<32x128xf32, #tpu.memory_space<vmem_shared>>
        %dma_wait3A_175 = arith.constant 0 : i32
        %dma_wait3A_176 = tpu.memref_slice %arg8[%add3A_128, %dma_wait3A_175] : memref<10000x128xf32, #tpu.memory_space<vmem_shared>> -> memref<32x128xf32, #tpu.memory_space<vmem_shared>>
        tpu.wait_dma2 semaphore(%run_scoped3A : memref<!tpu.dma_semaphore, #tpu.memory_space<semaphore_mem>>) src(%arg16 : memref<32x128xf32, #tpu.memory_space<vmem>>) dst(%dma_wait3A_176 : memref<32x128xf32, #tpu.memory_space<vmem_shared>>)
        tpu.yield
      }) : () -> ()
      %mul3A_129 = arith.constant 640 : i32
      %mul3A_130 = arith.muli %arg1, %mul3A_129 : i32
      %add3A_131 = arith.constant 320 : i32
      %add3A_132 = arith.addi %mul3A_130, %add3A_131 : i32
      "tpu.region"() ({
        %run_scoped3A = tpu.sem_alloc : memref<!tpu.dma_semaphore, #tpu.memory_space<semaphore_mem>>
        %dma_start3A = arith.constant 0 : i32
        %dma_start3A_171 = tpu.memref_slice %arg8[%add3A_132, %dma_start3A] : memref<10000x128xf32, #tpu.memory_space<vmem_shared>> -> memref<32x128xf32, #tpu.memory_space<vmem_shared>>
        %dma_start3A_172 = arith.constant 0 : i32
        %dma_start3A_173 = tpu.memref_slice %arg8[%add3A_132, %dma_start3A_172] : memref<10000x128xf32, #tpu.memory_space<vmem_shared>> -> memref<32x128xf32, #tpu.memory_space<vmem_shared>>
        tpu.enqueue_dma source(%arg16 : memref<32x128xf32, #tpu.memory_space<vmem>>) target(%dma_start3A_173 : memref<32x128xf32, #tpu.memory_space<vmem_shared>>) target_semaphore(%run_scoped3A : memref<!tpu.dma_semaphore, #tpu.memory_space<semaphore_mem>>)
        %dma_wait3A = arith.constant 0 : i32
        %dma_wait3A_174 = tpu.memref_slice %arg8[%add3A_132, %dma_wait3A] : memref<10000x128xf32, #tpu.memory_space<vmem_shared>> -> memref<32x128xf32, #tpu.memory_space<vmem_shared>>
        %dma_wait3A_175 = arith.constant 0 : i32
        %dma_wait3A_176 = tpu.memref_slice %arg8[%add3A_132, %dma_wait3A_175] : memref<10000x128xf32, #tpu.memory_space<vmem_shared>> -> memref<32x128xf32, #tpu.memory_space<vmem_shared>>
        tpu.wait_dma2 semaphore(%run_scoped3A : memref<!tpu.dma_semaphore, #tpu.memory_space<semaphore_mem>>) src(%arg16 : memref<32x128xf32, #tpu.memory_space<vmem>>) dst(%dma_wait3A_176 : memref<32x128xf32, #tpu.memory_space<vmem_shared>>)
        tpu.yield
      }) : () -> ()
      %mul3A_133 = arith.constant 640 : i32
      %mul3A_134 = arith.muli %arg1, %mul3A_133 : i32
      %add3A_135 = arith.constant 352 : i32
      %add3A_136 = arith.addi %mul3A_134, %add3A_135 : i32
      "tpu.region"() ({
        %run_scoped3A = tpu.sem_alloc : memref<!tpu.dma_semaphore, #tpu.memory_space<semaphore_mem>>
        %dma_start3A = arith.constant 0 : i32
        %dma_start3A_171 = tpu.memref_slice %arg8[%add3A_136, %dma_start3A] : memref<10000x128xf32, #tpu.memory_space<vmem_shared>> -> memref<32x128xf32, #tpu.memory_space<vmem_shared>>
        %dma_start3A_172 = arith.constant 0 : i32
        %dma_start3A_173 = tpu.memref_slice %arg8[%add3A_136, %dma_start3A_172] : memref<10000x128xf32, #tpu.memory_space<vmem_shared>> -> memref<32x128xf32, #tpu.memory_space<vmem_shared>>
        tpu.enqueue_dma source(%arg16 : memref<32x128xf32, #tpu.memory_space<vmem>>) target(%dma_start3A_173 : memref<32x128xf32, #tpu.memory_space<vmem_shared>>) target_semaphore(%run_scoped3A : memref<!tpu.dma_semaphore, #tpu.memory_space<semaphore_mem>>)
        %dma_wait3A = arith.constant 0 : i32
        %dma_wait3A_174 = tpu.memref_slice %arg8[%add3A_136, %dma_wait3A] : memref<10000x128xf32, #tpu.memory_space<vmem_shared>> -> memref<32x128xf32, #tpu.memory_space<vmem_shared>>
        %dma_wait3A_175 = arith.constant 0 : i32
        %dma_wait3A_176 = tpu.memref_slice %arg8[%add3A_136, %dma_wait3A_175] : memref<10000x128xf32, #tpu.memory_space<vmem_shared>> -> memref<32x128xf32, #tpu.memory_space<vmem_shared>>
        tpu.wait_dma2 semaphore(%run_scoped3A : memref<!tpu.dma_semaphore, #tpu.memory_space<semaphore_mem>>) src(%arg16 : memref<32x128xf32, #tpu.memory_space<vmem>>) dst(%dma_wait3A_176 : memref<32x128xf32, #tpu.memory_space<vmem_shared>>)
        tpu.yield
      }) : () -> ()
      %mul3A_137 = arith.constant 640 : i32
      %mul3A_138 = arith.muli %arg1, %mul3A_137 : i32
      %add3A_139 = arith.constant 384 : i32
      %add3A_140 = arith.addi %mul3A_138, %add3A_139 : i32
      "tpu.region"() ({
        %run_scoped3A = tpu.sem_alloc : memref<!tpu.dma_semaphore, #tpu.memory_space<semaphore_mem>>
        %dma_start3A = arith.constant 0 : i32
        %dma_start3A_171 = tpu.memref_slice %arg8[%add3A_140, %dma_start3A] : memref<10000x128xf32, #tpu.memory_space<vmem_shared>> -> memref<32x128xf32, #tpu.memory_space<vmem_shared>>
        %dma_start3A_172 = arith.constant 0 : i32
        %dma_start3A_173 = tpu.memref_slice %arg8[%add3A_140, %dma_start3A_172] : memref<10000x128xf32, #tpu.memory_space<vmem_shared>> -> memref<32x128xf32, #tpu.memory_space<vmem_shared>>
        tpu.enqueue_dma source(%arg16 : memref<32x128xf32, #tpu.memory_space<vmem>>) target(%dma_start3A_173 : memref<32x128xf32, #tpu.memory_space<vmem_shared>>) target_semaphore(%run_scoped3A : memref<!tpu.dma_semaphore, #tpu.memory_space<semaphore_mem>>)
        %dma_wait3A = arith.constant 0 : i32
        %dma_wait3A_174 = tpu.memref_slice %arg8[%add3A_140, %dma_wait3A] : memref<10000x128xf32, #tpu.memory_space<vmem_shared>> -> memref<32x128xf32, #tpu.memory_space<vmem_shared>>
        %dma_wait3A_175 = arith.constant 0 : i32
        %dma_wait3A_176 = tpu.memref_slice %arg8[%add3A_140, %dma_wait3A_175] : memref<10000x128xf32, #tpu.memory_space<vmem_shared>> -> memref<32x128xf32, #tpu.memory_space<vmem_shared>>
        tpu.wait_dma2 semaphore(%run_scoped3A : memref<!tpu.dma_semaphore, #tpu.memory_space<semaphore_mem>>) src(%arg16 : memref<32x128xf32, #tpu.memory_space<vmem>>) dst(%dma_wait3A_176 : memref<32x128xf32, #tpu.memory_space<vmem_shared>>)
        tpu.yield
      }) : () -> ()
      %mul3A_141 = arith.constant 640 : i32
      %mul3A_142 = arith.muli %arg1, %mul3A_141 : i32
      %add3A_143 = arith.constant 416 : i32
      %add3A_144 = arith.addi %mul3A_142, %add3A_143 : i32
      "tpu.region"() ({
        %run_scoped3A = tpu.sem_alloc : memref<!tpu.dma_semaphore, #tpu.memory_space<semaphore_mem>>
        %dma_start3A = arith.constant 0 : i32
        %dma_start3A_171 = tpu.memref_slice %arg8[%add3A_144, %dma_start3A] : memref<10000x128xf32, #tpu.memory_space<vmem_shared>> -> memref<32x128xf32, #tpu.memory_space<vmem_shared>>
        %dma_start3A_172 = arith.constant 0 : i32
        %dma_start3A_173 = tpu.memref_slice %arg8[%add3A_144, %dma_start3A_172] : memref<10000x128xf32, #tpu.memory_space<vmem_shared>> -> memref<32x128xf32, #tpu.memory_space<vmem_shared>>
        tpu.enqueue_dma source(%arg16 : memref<32x128xf32, #tpu.memory_space<vmem>>) target(%dma_start3A_173 : memref<32x128xf32, #tpu.memory_space<vmem_shared>>) target_semaphore(%run_scoped3A : memref<!tpu.dma_semaphore, #tpu.memory_space<semaphore_mem>>)
        %dma_wait3A = arith.constant 0 : i32
        %dma_wait3A_174 = tpu.memref_slice %arg8[%add3A_144, %dma_wait3A] : memref<10000x128xf32, #tpu.memory_space<vmem_shared>> -> memref<32x128xf32, #tpu.memory_space<vmem_shared>>
        %dma_wait3A_175 = arith.constant 0 : i32
        %dma_wait3A_176 = tpu.memref_slice %arg8[%add3A_144, %dma_wait3A_175] : memref<10000x128xf32, #tpu.memory_space<vmem_shared>> -> memref<32x128xf32, #tpu.memory_space<vmem_shared>>
        tpu.wait_dma2 semaphore(%run_scoped3A : memref<!tpu.dma_semaphore, #tpu.memory_space<semaphore_mem>>) src(%arg16 : memref<32x128xf32, #tpu.memory_space<vmem>>) dst(%dma_wait3A_176 : memref<32x128xf32, #tpu.memory_space<vmem_shared>>)
        tpu.yield
      }) : () -> ()
      %mul3A_145 = arith.constant 640 : i32
      %mul3A_146 = arith.muli %arg1, %mul3A_145 : i32
      %add3A_147 = arith.constant 448 : i32
      %add3A_148 = arith.addi %mul3A_146, %add3A_147 : i32
      "tpu.region"() ({
        %run_scoped3A = tpu.sem_alloc : memref<!tpu.dma_semaphore, #tpu.memory_space<semaphore_mem>>
        %dma_start3A = arith.constant 0 : i32
        %dma_start3A_171 = tpu.memref_slice %arg8[%add3A_148, %dma_start3A] : memref<10000x128xf32, #tpu.memory_space<vmem_shared>> -> memref<32x128xf32, #tpu.memory_space<vmem_shared>>
        %dma_start3A_172 = arith.constant 0 : i32
        %dma_start3A_173 = tpu.memref_slice %arg8[%add3A_148, %dma_start3A_172] : memref<10000x128xf32, #tpu.memory_space<vmem_shared>> -> memref<32x128xf32, #tpu.memory_space<vmem_shared>>
        tpu.enqueue_dma source(%arg16 : memref<32x128xf32, #tpu.memory_space<vmem>>) target(%dma_start3A_173 : memref<32x128xf32, #tpu.memory_space<vmem_shared>>) target_semaphore(%run_scoped3A : memref<!tpu.dma_semaphore, #tpu.memory_space<semaphore_mem>>)
        %dma_wait3A = arith.constant 0 : i32
        %dma_wait3A_174 = tpu.memref_slice %arg8[%add3A_148, %dma_wait3A] : memref<10000x128xf32, #tpu.memory_space<vmem_shared>> -> memref<32x128xf32, #tpu.memory_space<vmem_shared>>
        %dma_wait3A_175 = arith.constant 0 : i32
        %dma_wait3A_176 = tpu.memref_slice %arg8[%add3A_148, %dma_wait3A_175] : memref<10000x128xf32, #tpu.memory_space<vmem_shared>> -> memref<32x128xf32, #tpu.memory_space<vmem_shared>>
        tpu.wait_dma2 semaphore(%run_scoped3A : memref<!tpu.dma_semaphore, #tpu.memory_space<semaphore_mem>>) src(%arg16 : memref<32x128xf32, #tpu.memory_space<vmem>>) dst(%dma_wait3A_176 : memref<32x128xf32, #tpu.memory_space<vmem_shared>>)
        tpu.yield
      }) : () -> ()
      %mul3A_149 = arith.constant 640 : i32
      %mul3A_150 = arith.muli %arg1, %mul3A_149 : i32
      %add3A_151 = arith.constant 480 : i32
      %add3A_152 = arith.addi %mul3A_150, %add3A_151 : i32
      "tpu.region"() ({
        %run_scoped3A = tpu.sem_alloc : memref<!tpu.dma_semaphore, #tpu.memory_space<semaphore_mem>>
        %dma_start3A = arith.constant 0 : i32
        %dma_start3A_171 = tpu.memref_slice %arg8[%add3A_152, %dma_start3A] : memref<10000x128xf32, #tpu.memory_space<vmem_shared>> -> memref<32x128xf32, #tpu.memory_space<vmem_shared>>
        %dma_start3A_172 = arith.constant 0 : i32
        %dma_start3A_173 = tpu.memref_slice %arg8[%add3A_152, %dma_start3A_172] : memref<10000x128xf32, #tpu.memory_space<vmem_shared>> -> memref<32x128xf32, #tpu.memory_space<vmem_shared>>
        tpu.enqueue_dma source(%arg16 : memref<32x128xf32, #tpu.memory_space<vmem>>) target(%dma_start3A_173 : memref<32x128xf32, #tpu.memory_space<vmem_shared>>) target_semaphore(%run_scoped3A : memref<!tpu.dma_semaphore, #tpu.memory_space<semaphore_mem>>)
        %dma_wait3A = arith.constant 0 : i32
        %dma_wait3A_174 = tpu.memref_slice %arg8[%add3A_152, %dma_wait3A] : memref<10000x128xf32, #tpu.memory_space<vmem_shared>> -> memref<32x128xf32, #tpu.memory_space<vmem_shared>>
        %dma_wait3A_175 = arith.constant 0 : i32
        %dma_wait3A_176 = tpu.memref_slice %arg8[%add3A_152, %dma_wait3A_175] : memref<10000x128xf32, #tpu.memory_space<vmem_shared>> -> memref<32x128xf32, #tpu.memory_space<vmem_shared>>
        tpu.wait_dma2 semaphore(%run_scoped3A : memref<!tpu.dma_semaphore, #tpu.memory_space<semaphore_mem>>) src(%arg16 : memref<32x128xf32, #tpu.memory_space<vmem>>) dst(%dma_wait3A_176 : memref<32x128xf32, #tpu.memory_space<vmem_shared>>)
        tpu.yield
      }) : () -> ()
      %mul3A_153 = arith.constant 640 : i32
      %mul3A_154 = arith.muli %arg1, %mul3A_153 : i32
      %add3A_155 = arith.constant 512 : i32
      %add3A_156 = arith.addi %mul3A_154, %add3A_155 : i32
      "tpu.region"() ({
        %run_scoped3A = tpu.sem_alloc : memref<!tpu.dma_semaphore, #tpu.memory_space<semaphore_mem>>
        %dma_start3A = arith.constant 0 : i32
        %dma_start3A_171 = tpu.memref_slice %arg8[%add3A_156, %dma_start3A] : memref<10000x128xf32, #tpu.memory_space<vmem_shared>> -> memref<32x128xf32, #tpu.memory_space<vmem_shared>>
        %dma_start3A_172 = arith.constant 0 : i32
        %dma_start3A_173 = tpu.memref_slice %arg8[%add3A_156, %dma_start3A_172] : memref<10000x128xf32, #tpu.memory_space<vmem_shared>> -> memref<32x128xf32, #tpu.memory_space<vmem_shared>>
        tpu.enqueue_dma source(%arg16 : memref<32x128xf32, #tpu.memory_space<vmem>>) target(%dma_start3A_173 : memref<32x128xf32, #tpu.memory_space<vmem_shared>>) target_semaphore(%run_scoped3A : memref<!tpu.dma_semaphore, #tpu.memory_space<semaphore_mem>>)
        %dma_wait3A = arith.constant 0 : i32
        %dma_wait3A_174 = tpu.memref_slice %arg8[%add3A_156, %dma_wait3A] : memref<10000x128xf32, #tpu.memory_space<vmem_shared>> -> memref<32x128xf32, #tpu.memory_space<vmem_shared>>
        %dma_wait3A_175 = arith.constant 0 : i32
        %dma_wait3A_176 = tpu.memref_slice %arg8[%add3A_156, %dma_wait3A_175] : memref<10000x128xf32, #tpu.memory_space<vmem_shared>> -> memref<32x128xf32, #tpu.memory_space<vmem_shared>>
        tpu.wait_dma2 semaphore(%run_scoped3A : memref<!tpu.dma_semaphore, #tpu.memory_space<semaphore_mem>>) src(%arg16 : memref<32x128xf32, #tpu.memory_space<vmem>>) dst(%dma_wait3A_176 : memref<32x128xf32, #tpu.memory_space<vmem_shared>>)
        tpu.yield
      }) : () -> ()
      %mul3A_157 = arith.constant 640 : i32
      %mul3A_158 = arith.muli %arg1, %mul3A_157 : i32
      %add3A_159 = arith.constant 544 : i32
      %add3A_160 = arith.addi %mul3A_158, %add3A_159 : i32
      "tpu.region"() ({
        %run_scoped3A = tpu.sem_alloc : memref<!tpu.dma_semaphore, #tpu.memory_space<semaphore_mem>>
        %dma_start3A = arith.constant 0 : i32
        %dma_start3A_171 = tpu.memref_slice %arg8[%add3A_160, %dma_start3A] : memref<10000x128xf32, #tpu.memory_space<vmem_shared>> -> memref<32x128xf32, #tpu.memory_space<vmem_shared>>
        %dma_start3A_172 = arith.constant 0 : i32
        %dma_start3A_173 = tpu.memref_slice %arg8[%add3A_160, %dma_start3A_172] : memref<10000x128xf32, #tpu.memory_space<vmem_shared>> -> memref<32x128xf32, #tpu.memory_space<vmem_shared>>
        tpu.enqueue_dma source(%arg16 : memref<32x128xf32, #tpu.memory_space<vmem>>) target(%dma_start3A_173 : memref<32x128xf32, #tpu.memory_space<vmem_shared>>) target_semaphore(%run_scoped3A : memref<!tpu.dma_semaphore, #tpu.memory_space<semaphore_mem>>)
        %dma_wait3A = arith.constant 0 : i32
        %dma_wait3A_174 = tpu.memref_slice %arg8[%add3A_160, %dma_wait3A] : memref<10000x128xf32, #tpu.memory_space<vmem_shared>> -> memref<32x128xf32, #tpu.memory_space<vmem_shared>>
        %dma_wait3A_175 = arith.constant 0 : i32
        %dma_wait3A_176 = tpu.memref_slice %arg8[%add3A_160, %dma_wait3A_175] : memref<10000x128xf32, #tpu.memory_space<vmem_shared>> -> memref<32x128xf32, #tpu.memory_space<vmem_shared>>
        tpu.wait_dma2 semaphore(%run_scoped3A : memref<!tpu.dma_semaphore, #tpu.memory_space<semaphore_mem>>) src(%arg16 : memref<32x128xf32, #tpu.memory_space<vmem>>) dst(%dma_wait3A_176 : memref<32x128xf32, #tpu.memory_space<vmem_shared>>)
        tpu.yield
      }) : () -> ()
      %mul3A_161 = arith.constant 640 : i32
      %mul3A_162 = arith.muli %arg1, %mul3A_161 : i32
      %add3A_163 = arith.constant 576 : i32
      %add3A_164 = arith.addi %mul3A_162, %add3A_163 : i32
      "tpu.region"() ({
        %run_scoped3A = tpu.sem_alloc : memref<!tpu.dma_semaphore, #tpu.memory_space<semaphore_mem>>
        %dma_start3A = arith.constant 0 : i32
        %dma_start3A_171 = tpu.memref_slice %arg8[%add3A_164, %dma_start3A] : memref<10000x128xf32, #tpu.memory_space<vmem_shared>> -> memref<32x128xf32, #tpu.memory_space<vmem_shared>>
        %dma_start3A_172 = arith.constant 0 : i32
        %dma_start3A_173 = tpu.memref_slice %arg8[%add3A_164, %dma_start3A_172] : memref<10000x128xf32, #tpu.memory_space<vmem_shared>> -> memref<32x128xf32, #tpu.memory_space<vmem_shared>>
        tpu.enqueue_dma source(%arg16 : memref<32x128xf32, #tpu.memory_space<vmem>>) target(%dma_start3A_173 : memref<32x128xf32, #tpu.memory_space<vmem_shared>>) target_semaphore(%run_scoped3A : memref<!tpu.dma_semaphore, #tpu.memory_space<semaphore_mem>>)
        %dma_wait3A = arith.constant 0 : i32
        %dma_wait3A_174 = tpu.memref_slice %arg8[%add3A_164, %dma_wait3A] : memref<10000x128xf32, #tpu.memory_space<vmem_shared>> -> memref<32x128xf32, #tpu.memory_space<vmem_shared>>
        %dma_wait3A_175 = arith.constant 0 : i32
        %dma_wait3A_176 = tpu.memref_slice %arg8[%add3A_164, %dma_wait3A_175] : memref<10000x128xf32, #tpu.memory_space<vmem_shared>> -> memref<32x128xf32, #tpu.memory_space<vmem_shared>>
        tpu.wait_dma2 semaphore(%run_scoped3A : memref<!tpu.dma_semaphore, #tpu.memory_space<semaphore_mem>>) src(%arg16 : memref<32x128xf32, #tpu.memory_space<vmem>>) dst(%dma_wait3A_176 : memref<32x128xf32, #tpu.memory_space<vmem_shared>>)
        tpu.yield
      }) : () -> ()
      %mul3A_165 = arith.constant 640 : i32
      %mul3A_166 = arith.muli %arg1, %mul3A_165 : i32
      %add3A_167 = arith.constant 608 : i32
      %add3A_168 = arith.addi %mul3A_166, %add3A_167 : i32
      "tpu.region"() ({
        %run_scoped3A = tpu.sem_alloc : memref<!tpu.dma_semaphore, #tpu.memory_space<semaphore_mem>>
        %dma_start3A = arith.constant 0 : i32
        %dma_start3A_171 = tpu.memref_slice %arg8[%add3A_168, %dma_start3A] : memref<10000x128xf32, #tpu.memory_space<vmem_shared>> -> memref<32x128xf32, #tpu.memory_space<vmem_shared>>
        %dma_start3A_172 = arith.constant 0 : i32
        %dma_start3A_173 = tpu.memref_slice %arg8[%add3A_168, %dma_start3A_172] : memref<10000x128xf32, #tpu.memory_space<vmem_shared>> -> memref<32x128xf32, #tpu.memory_space<vmem_shared>>
        tpu.enqueue_dma source(%arg16 : memref<32x128xf32, #tpu.memory_space<vmem>>) target(%dma_start3A_173 : memref<32x128xf32, #tpu.memory_space<vmem_shared>>) target_semaphore(%run_scoped3A : memref<!tpu.dma_semaphore, #tpu.memory_space<semaphore_mem>>)
        %dma_wait3A = arith.constant 0 : i32
        %dma_wait3A_174 = tpu.memref_slice %arg8[%add3A_168, %dma_wait3A] : memref<10000x128xf32, #tpu.memory_space<vmem_shared>> -> memref<32x128xf32, #tpu.memory_space<vmem_shared>>
        %dma_wait3A_175 = arith.constant 0 : i32
        %dma_wait3A_176 = tpu.memref_slice %arg8[%add3A_168, %dma_wait3A_175] : memref<10000x128xf32, #tpu.memory_space<vmem_shared>> -> memref<32x128xf32, #tpu.memory_space<vmem_shared>>
        tpu.wait_dma2 semaphore(%run_scoped3A : memref<!tpu.dma_semaphore, #tpu.memory_space<semaphore_mem>>) src(%arg16 : memref<32x128xf32, #tpu.memory_space<vmem>>) dst(%dma_wait3A_176 : memref<32x128xf32, #tpu.memory_space<vmem_shared>>)
        tpu.yield
      }) : () -> ()
      %mul3A_169 = arith.constant 640 : i32
      %mul3A_170 = arith.muli %arg1, %mul3A_169 : i32
      "tpu.region"() ({
        %run_scoped3A = tpu.sem_alloc : memref<!tpu.dma_semaphore, #tpu.memory_space<semaphore_mem>>
        %dma_start3A = tpu.memref_slice %arg9[%mul3A_170] : memref<10000xf32, #tpu.memory_space<vmem_shared>> -> memref<640xf32, #tpu.memory_space<vmem_shared>>
        %dma_start3A_171 = tpu.memref_slice %arg9[%mul3A_170] : memref<10000xf32, #tpu.memory_space<vmem_shared>> -> memref<640xf32, #tpu.memory_space<vmem_shared>>
        tpu.enqueue_dma source(%arg17 : memref<640xf32, #tpu.memory_space<vmem>>) target(%dma_start3A_171 : memref<640xf32, #tpu.memory_space<vmem_shared>>) target_semaphore(%run_scoped3A : memref<!tpu.dma_semaphore, #tpu.memory_space<semaphore_mem>>)
        %dma_wait3A = tpu.memref_slice %arg9[%mul3A_170] : memref<10000xf32, #tpu.memory_space<vmem_shared>> -> memref<640xf32, #tpu.memory_space<vmem_shared>>
        %dma_wait3A_172 = tpu.memref_slice %arg9[%mul3A_170] : memref<10000xf32, #tpu.memory_space<vmem_shared>> -> memref<640xf32, #tpu.memory_space<vmem_shared>>
        tpu.wait_dma2 semaphore(%run_scoped3A : memref<!tpu.dma_semaphore, #tpu.memory_space<semaphore_mem>>) src(%arg17 : memref<640xf32, #tpu.memory_space<vmem>>) dst(%dma_wait3A_172 : memref<640xf32, #tpu.memory_space<vmem_shared>>)
        tpu.yield
      }) : () -> ()
    } else {
    }
    %eq3A = arith.constant 15 : i32
    %eq3A_18 = arith.cmpi eq, %arg1, %eq3A : i32
    %convert_element_type3A_19 = arith.extui %eq3A_18 : i1 to i32
    %cond3A_20 = arith.constant 0 : i32
    %cond3A_21 = arith.cmpi ne, %convert_element_type3A_19, %cond3A_20 : i32
    scf.if %cond3A_21 {
      "tpu.region"() ({
        %run_scoped3A = tpu.sem_alloc : memref<!tpu.dma_semaphore, #tpu.memory_space<semaphore_mem>>
        %dma_start3A = arith.constant 9600 : i32
        %dma_start3A_89 = arith.constant 0 : i32
        %dma_start3A_90 = tpu.memref_slice %arg8[%dma_start3A, %dma_start3A_89] : memref<10000x128xf32, #tpu.memory_space<vmem_shared>> -> memref<32x128xf32, #tpu.memory_space<vmem_shared>>
        %dma_start3A_91 = arith.constant 9600 : i32
        %dma_start3A_92 = arith.constant 0 : i32
        %dma_start3A_93 = tpu.memref_slice %arg8[%dma_start3A_91, %dma_start3A_92] : memref<10000x128xf32, #tpu.memory_space<vmem_shared>> -> memref<32x128xf32, #tpu.memory_space<vmem_shared>>
        tpu.enqueue_dma source(%arg16 : memref<32x128xf32, #tpu.memory_space<vmem>>) target(%dma_start3A_93 : memref<32x128xf32, #tpu.memory_space<vmem_shared>>) target_semaphore(%run_scoped3A : memref<!tpu.dma_semaphore, #tpu.memory_space<semaphore_mem>>)
        %dma_wait3A = arith.constant 9600 : i32
        %dma_wait3A_94 = arith.constant 0 : i32
        %dma_wait3A_95 = tpu.memref_slice %arg8[%dma_wait3A, %dma_wait3A_94] : memref<10000x128xf32, #tpu.memory_space<vmem_shared>> -> memref<32x128xf32, #tpu.memory_space<vmem_shared>>
        %dma_wait3A_96 = arith.constant 9600 : i32
        %dma_wait3A_97 = arith.constant 0 : i32
        %dma_wait3A_98 = tpu.memref_slice %arg8[%dma_wait3A_96, %dma_wait3A_97] : memref<10000x128xf32, #tpu.memory_space<vmem_shared>> -> memref<32x128xf32, #tpu.memory_space<vmem_shared>>
        tpu.wait_dma2 semaphore(%run_scoped3A : memref<!tpu.dma_semaphore, #tpu.memory_space<semaphore_mem>>) src(%arg16 : memref<32x128xf32, #tpu.memory_space<vmem>>) dst(%dma_wait3A_98 : memref<32x128xf32, #tpu.memory_space<vmem_shared>>)
        tpu.yield
      }) : () -> ()
      "tpu.region"() ({
        %run_scoped3A = tpu.sem_alloc : memref<!tpu.dma_semaphore, #tpu.memory_space<semaphore_mem>>
        %dma_start3A = arith.constant 9632 : i32
        %dma_start3A_89 = arith.constant 0 : i32
        %dma_start3A_90 = tpu.memref_slice %arg8[%dma_start3A, %dma_start3A_89] : memref<10000x128xf32, #tpu.memory_space<vmem_shared>> -> memref<32x128xf32, #tpu.memory_space<vmem_shared>>
        %dma_start3A_91 = arith.constant 9632 : i32
        %dma_start3A_92 = arith.constant 0 : i32
        %dma_start3A_93 = tpu.memref_slice %arg8[%dma_start3A_91, %dma_start3A_92] : memref<10000x128xf32, #tpu.memory_space<vmem_shared>> -> memref<32x128xf32, #tpu.memory_space<vmem_shared>>
        tpu.enqueue_dma source(%arg16 : memref<32x128xf32, #tpu.memory_space<vmem>>) target(%dma_start3A_93 : memref<32x128xf32, #tpu.memory_space<vmem_shared>>) target_semaphore(%run_scoped3A : memref<!tpu.dma_semaphore, #tpu.memory_space<semaphore_mem>>)
        %dma_wait3A = arith.constant 9632 : i32
        %dma_wait3A_94 = arith.constant 0 : i32
        %dma_wait3A_95 = tpu.memref_slice %arg8[%dma_wait3A, %dma_wait3A_94] : memref<10000x128xf32, #tpu.memory_space<vmem_shared>> -> memref<32x128xf32, #tpu.memory_space<vmem_shared>>
        %dma_wait3A_96 = arith.constant 9632 : i32
        %dma_wait3A_97 = arith.constant 0 : i32
        %dma_wait3A_98 = tpu.memref_slice %arg8[%dma_wait3A_96, %dma_wait3A_97] : memref<10000x128xf32, #tpu.memory_space<vmem_shared>> -> memref<32x128xf32, #tpu.memory_space<vmem_shared>>
        tpu.wait_dma2 semaphore(%run_scoped3A : memref<!tpu.dma_semaphore, #tpu.memory_space<semaphore_mem>>) src(%arg16 : memref<32x128xf32, #tpu.memory_space<vmem>>) dst(%dma_wait3A_98 : memref<32x128xf32, #tpu.memory_space<vmem_shared>>)
        tpu.yield
      }) : () -> ()
      "tpu.region"() ({
        %run_scoped3A = tpu.sem_alloc : memref<!tpu.dma_semaphore, #tpu.memory_space<semaphore_mem>>
        %dma_start3A = arith.constant 9664 : i32
        %dma_start3A_89 = arith.constant 0 : i32
        %dma_start3A_90 = tpu.memref_slice %arg8[%dma_start3A, %dma_start3A_89] : memref<10000x128xf32, #tpu.memory_space<vmem_shared>> -> memref<32x128xf32, #tpu.memory_space<vmem_shared>>
        %dma_start3A_91 = arith.constant 9664 : i32
        %dma_start3A_92 = arith.constant 0 : i32
        %dma_start3A_93 = tpu.memref_slice %arg8[%dma_start3A_91, %dma_start3A_92] : memref<10000x128xf32, #tpu.memory_space<vmem_shared>> -> memref<32x128xf32, #tpu.memory_space<vmem_shared>>
        tpu.enqueue_dma source(%arg16 : memref<32x128xf32, #tpu.memory_space<vmem>>) target(%dma_start3A_93 : memref<32x128xf32, #tpu.memory_space<vmem_shared>>) target_semaphore(%run_scoped3A : memref<!tpu.dma_semaphore, #tpu.memory_space<semaphore_mem>>)
        %dma_wait3A = arith.constant 9664 : i32
        %dma_wait3A_94 = arith.constant 0 : i32
        %dma_wait3A_95 = tpu.memref_slice %arg8[%dma_wait3A, %dma_wait3A_94] : memref<10000x128xf32, #tpu.memory_space<vmem_shared>> -> memref<32x128xf32, #tpu.memory_space<vmem_shared>>
        %dma_wait3A_96 = arith.constant 9664 : i32
        %dma_wait3A_97 = arith.constant 0 : i32
        %dma_wait3A_98 = tpu.memref_slice %arg8[%dma_wait3A_96, %dma_wait3A_97] : memref<10000x128xf32, #tpu.memory_space<vmem_shared>> -> memref<32x128xf32, #tpu.memory_space<vmem_shared>>
        tpu.wait_dma2 semaphore(%run_scoped3A : memref<!tpu.dma_semaphore, #tpu.memory_space<semaphore_mem>>) src(%arg16 : memref<32x128xf32, #tpu.memory_space<vmem>>) dst(%dma_wait3A_98 : memref<32x128xf32, #tpu.memory_space<vmem_shared>>)
        tpu.yield
      }) : () -> ()
      "tpu.region"() ({
        %run_scoped3A = tpu.sem_alloc : memref<!tpu.dma_semaphore, #tpu.memory_space<semaphore_mem>>
        %dma_start3A = arith.constant 9696 : i32
        %dma_start3A_89 = arith.constant 0 : i32
        %dma_start3A_90 = tpu.memref_slice %arg8[%dma_start3A, %dma_start3A_89] : memref<10000x128xf32, #tpu.memory_space<vmem_shared>> -> memref<32x128xf32, #tpu.memory_space<vmem_shared>>
        %dma_start3A_91 = arith.constant 9696 : i32
        %dma_start3A_92 = arith.constant 0 : i32
        %dma_start3A_93 = tpu.memref_slice %arg8[%dma_start3A_91, %dma_start3A_92] : memref<10000x128xf32, #tpu.memory_space<vmem_shared>> -> memref<32x128xf32, #tpu.memory_space<vmem_shared>>
        tpu.enqueue_dma source(%arg16 : memref<32x128xf32, #tpu.memory_space<vmem>>) target(%dma_start3A_93 : memref<32x128xf32, #tpu.memory_space<vmem_shared>>) target_semaphore(%run_scoped3A : memref<!tpu.dma_semaphore, #tpu.memory_space<semaphore_mem>>)
        %dma_wait3A = arith.constant 9696 : i32
        %dma_wait3A_94 = arith.constant 0 : i32
        %dma_wait3A_95 = tpu.memref_slice %arg8[%dma_wait3A, %dma_wait3A_94] : memref<10000x128xf32, #tpu.memory_space<vmem_shared>> -> memref<32x128xf32, #tpu.memory_space<vmem_shared>>
        %dma_wait3A_96 = arith.constant 9696 : i32
        %dma_wait3A_97 = arith.constant 0 : i32
        %dma_wait3A_98 = tpu.memref_slice %arg8[%dma_wait3A_96, %dma_wait3A_97] : memref<10000x128xf32, #tpu.memory_space<vmem_shared>> -> memref<32x128xf32, #tpu.memory_space<vmem_shared>>
        tpu.wait_dma2 semaphore(%run_scoped3A : memref<!tpu.dma_semaphore, #tpu.memory_space<semaphore_mem>>) src(%arg16 : memref<32x128xf32, #tpu.memory_space<vmem>>) dst(%dma_wait3A_98 : memref<32x128xf32, #tpu.memory_space<vmem_shared>>)
        tpu.yield
      }) : () -> ()
      "tpu.region"() ({
        %run_scoped3A = tpu.sem_alloc : memref<!tpu.dma_semaphore, #tpu.memory_space<semaphore_mem>>
        %dma_start3A = arith.constant 9728 : i32
        %dma_start3A_89 = arith.constant 0 : i32
        %dma_start3A_90 = tpu.memref_slice %arg8[%dma_start3A, %dma_start3A_89] : memref<10000x128xf32, #tpu.memory_space<vmem_shared>> -> memref<32x128xf32, #tpu.memory_space<vmem_shared>>
        %dma_start3A_91 = arith.constant 9728 : i32
        %dma_start3A_92 = arith.constant 0 : i32
        %dma_start3A_93 = tpu.memref_slice %arg8[%dma_start3A_91, %dma_start3A_92] : memref<10000x128xf32, #tpu.memory_space<vmem_shared>> -> memref<32x128xf32, #tpu.memory_space<vmem_shared>>
        tpu.enqueue_dma source(%arg16 : memref<32x128xf32, #tpu.memory_space<vmem>>) target(%dma_start3A_93 : memref<32x128xf32, #tpu.memory_space<vmem_shared>>) target_semaphore(%run_scoped3A : memref<!tpu.dma_semaphore, #tpu.memory_space<semaphore_mem>>)
        %dma_wait3A = arith.constant 9728 : i32
        %dma_wait3A_94 = arith.constant 0 : i32
        %dma_wait3A_95 = tpu.memref_slice %arg8[%dma_wait3A, %dma_wait3A_94] : memref<10000x128xf32, #tpu.memory_space<vmem_shared>> -> memref<32x128xf32, #tpu.memory_space<vmem_shared>>
        %dma_wait3A_96 = arith.constant 9728 : i32
        %dma_wait3A_97 = arith.constant 0 : i32
        %dma_wait3A_98 = tpu.memref_slice %arg8[%dma_wait3A_96, %dma_wait3A_97] : memref<10000x128xf32, #tpu.memory_space<vmem_shared>> -> memref<32x128xf32, #tpu.memory_space<vmem_shared>>
        tpu.wait_dma2 semaphore(%run_scoped3A : memref<!tpu.dma_semaphore, #tpu.memory_space<semaphore_mem>>) src(%arg16 : memref<32x128xf32, #tpu.memory_space<vmem>>) dst(%dma_wait3A_98 : memref<32x128xf32, #tpu.memory_space<vmem_shared>>)
        tpu.yield
      }) : () -> ()
      "tpu.region"() ({
        %run_scoped3A = tpu.sem_alloc : memref<!tpu.dma_semaphore, #tpu.memory_space<semaphore_mem>>
        %dma_start3A = arith.constant 9760 : i32
        %dma_start3A_89 = arith.constant 0 : i32
        %dma_start3A_90 = tpu.memref_slice %arg8[%dma_start3A, %dma_start3A_89] : memref<10000x128xf32, #tpu.memory_space<vmem_shared>> -> memref<32x128xf32, #tpu.memory_space<vmem_shared>>
        %dma_start3A_91 = arith.constant 9760 : i32
        %dma_start3A_92 = arith.constant 0 : i32
        %dma_start3A_93 = tpu.memref_slice %arg8[%dma_start3A_91, %dma_start3A_92] : memref<10000x128xf32, #tpu.memory_space<vmem_shared>> -> memref<32x128xf32, #tpu.memory_space<vmem_shared>>
        tpu.enqueue_dma source(%arg16 : memref<32x128xf32, #tpu.memory_space<vmem>>) target(%dma_start3A_93 : memref<32x128xf32, #tpu.memory_space<vmem_shared>>) target_semaphore(%run_scoped3A : memref<!tpu.dma_semaphore, #tpu.memory_space<semaphore_mem>>)
        %dma_wait3A = arith.constant 9760 : i32
        %dma_wait3A_94 = arith.constant 0 : i32
        %dma_wait3A_95 = tpu.memref_slice %arg8[%dma_wait3A, %dma_wait3A_94] : memref<10000x128xf32, #tpu.memory_space<vmem_shared>> -> memref<32x128xf32, #tpu.memory_space<vmem_shared>>
        %dma_wait3A_96 = arith.constant 9760 : i32
        %dma_wait3A_97 = arith.constant 0 : i32
        %dma_wait3A_98 = tpu.memref_slice %arg8[%dma_wait3A_96, %dma_wait3A_97] : memref<10000x128xf32, #tpu.memory_space<vmem_shared>> -> memref<32x128xf32, #tpu.memory_space<vmem_shared>>
        tpu.wait_dma2 semaphore(%run_scoped3A : memref<!tpu.dma_semaphore, #tpu.memory_space<semaphore_mem>>) src(%arg16 : memref<32x128xf32, #tpu.memory_space<vmem>>) dst(%dma_wait3A_98 : memref<32x128xf32, #tpu.memory_space<vmem_shared>>)
        tpu.yield
      }) : () -> ()
      "tpu.region"() ({
        %run_scoped3A = tpu.sem_alloc : memref<!tpu.dma_semaphore, #tpu.memory_space<semaphore_mem>>
        %dma_start3A = arith.constant 9792 : i32
        %dma_start3A_89 = arith.constant 0 : i32
        %dma_start3A_90 = tpu.memref_slice %arg8[%dma_start3A, %dma_start3A_89] : memref<10000x128xf32, #tpu.memory_space<vmem_shared>> -> memref<32x128xf32, #tpu.memory_space<vmem_shared>>
        %dma_start3A_91 = arith.constant 9792 : i32
        %dma_start3A_92 = arith.constant 0 : i32
        %dma_start3A_93 = tpu.memref_slice %arg8[%dma_start3A_91, %dma_start3A_92] : memref<10000x128xf32, #tpu.memory_space<vmem_shared>> -> memref<32x128xf32, #tpu.memory_space<vmem_shared>>
        tpu.enqueue_dma source(%arg16 : memref<32x128xf32, #tpu.memory_space<vmem>>) target(%dma_start3A_93 : memref<32x128xf32, #tpu.memory_space<vmem_shared>>) target_semaphore(%run_scoped3A : memref<!tpu.dma_semaphore, #tpu.memory_space<semaphore_mem>>)
        %dma_wait3A = arith.constant 9792 : i32
        %dma_wait3A_94 = arith.constant 0 : i32
        %dma_wait3A_95 = tpu.memref_slice %arg8[%dma_wait3A, %dma_wait3A_94] : memref<10000x128xf32, #tpu.memory_space<vmem_shared>> -> memref<32x128xf32, #tpu.memory_space<vmem_shared>>
        %dma_wait3A_96 = arith.constant 9792 : i32
        %dma_wait3A_97 = arith.constant 0 : i32
        %dma_wait3A_98 = tpu.memref_slice %arg8[%dma_wait3A_96, %dma_wait3A_97] : memref<10000x128xf32, #tpu.memory_space<vmem_shared>> -> memref<32x128xf32, #tpu.memory_space<vmem_shared>>
        tpu.wait_dma2 semaphore(%run_scoped3A : memref<!tpu.dma_semaphore, #tpu.memory_space<semaphore_mem>>) src(%arg16 : memref<32x128xf32, #tpu.memory_space<vmem>>) dst(%dma_wait3A_98 : memref<32x128xf32, #tpu.memory_space<vmem_shared>>)
        tpu.yield
      }) : () -> ()
      "tpu.region"() ({
        %run_scoped3A = tpu.sem_alloc : memref<!tpu.dma_semaphore, #tpu.memory_space<semaphore_mem>>
        %dma_start3A = arith.constant 9824 : i32
        %dma_start3A_89 = arith.constant 0 : i32
        %dma_start3A_90 = tpu.memref_slice %arg8[%dma_start3A, %dma_start3A_89] : memref<10000x128xf32, #tpu.memory_space<vmem_shared>> -> memref<32x128xf32, #tpu.memory_space<vmem_shared>>
        %dma_start3A_91 = arith.constant 9824 : i32
        %dma_start3A_92 = arith.constant 0 : i32
        %dma_start3A_93 = tpu.memref_slice %arg8[%dma_start3A_91, %dma_start3A_92] : memref<10000x128xf32, #tpu.memory_space<vmem_shared>> -> memref<32x128xf32, #tpu.memory_space<vmem_shared>>
        tpu.enqueue_dma source(%arg16 : memref<32x128xf32, #tpu.memory_space<vmem>>) target(%dma_start3A_93 : memref<32x128xf32, #tpu.memory_space<vmem_shared>>) target_semaphore(%run_scoped3A : memref<!tpu.dma_semaphore, #tpu.memory_space<semaphore_mem>>)
        %dma_wait3A = arith.constant 9824 : i32
        %dma_wait3A_94 = arith.constant 0 : i32
        %dma_wait3A_95 = tpu.memref_slice %arg8[%dma_wait3A, %dma_wait3A_94] : memref<10000x128xf32, #tpu.memory_space<vmem_shared>> -> memref<32x128xf32, #tpu.memory_space<vmem_shared>>
        %dma_wait3A_96 = arith.constant 9824 : i32
        %dma_wait3A_97 = arith.constant 0 : i32
        %dma_wait3A_98 = tpu.memref_slice %arg8[%dma_wait3A_96, %dma_wait3A_97] : memref<10000x128xf32, #tpu.memory_space<vmem_shared>> -> memref<32x128xf32, #tpu.memory_space<vmem_shared>>
        tpu.wait_dma2 semaphore(%run_scoped3A : memref<!tpu.dma_semaphore, #tpu.memory_space<semaphore_mem>>) src(%arg16 : memref<32x128xf32, #tpu.memory_space<vmem>>) dst(%dma_wait3A_98 : memref<32x128xf32, #tpu.memory_space<vmem_shared>>)
        tpu.yield
      }) : () -> ()
      "tpu.region"() ({
        %run_scoped3A = tpu.sem_alloc : memref<!tpu.dma_semaphore, #tpu.memory_space<semaphore_mem>>
        %dma_start3A = arith.constant 9856 : i32
        %dma_start3A_89 = arith.constant 0 : i32
        %dma_start3A_90 = tpu.memref_slice %arg8[%dma_start3A, %dma_start3A_89] : memref<10000x128xf32, #tpu.memory_space<vmem_shared>> -> memref<32x128xf32, #tpu.memory_space<vmem_shared>>
        %dma_start3A_91 = arith.constant 9856 : i32
        %dma_start3A_92 = arith.constant 0 : i32
        %dma_start3A_93 = tpu.memref_slice %arg8[%dma_start3A_91, %dma_start3A_92] : memref<10000x128xf32, #tpu.memory_space<vmem_shared>> -> memref<32x128xf32, #tpu.memory_space<vmem_shared>>
        tpu.enqueue_dma source(%arg16 : memref<32x128xf32, #tpu.memory_space<vmem>>) target(%dma_start3A_93 : memref<32x128xf32, #tpu.memory_space<vmem_shared>>) target_semaphore(%run_scoped3A : memref<!tpu.dma_semaphore, #tpu.memory_space<semaphore_mem>>)
        %dma_wait3A = arith.constant 9856 : i32
        %dma_wait3A_94 = arith.constant 0 : i32
        %dma_wait3A_95 = tpu.memref_slice %arg8[%dma_wait3A, %dma_wait3A_94] : memref<10000x128xf32, #tpu.memory_space<vmem_shared>> -> memref<32x128xf32, #tpu.memory_space<vmem_shared>>
        %dma_wait3A_96 = arith.constant 9856 : i32
        %dma_wait3A_97 = arith.constant 0 : i32
        %dma_wait3A_98 = tpu.memref_slice %arg8[%dma_wait3A_96, %dma_wait3A_97] : memref<10000x128xf32, #tpu.memory_space<vmem_shared>> -> memref<32x128xf32, #tpu.memory_space<vmem_shared>>
        tpu.wait_dma2 semaphore(%run_scoped3A : memref<!tpu.dma_semaphore, #tpu.memory_space<semaphore_mem>>) src(%arg16 : memref<32x128xf32, #tpu.memory_space<vmem>>) dst(%dma_wait3A_98 : memref<32x128xf32, #tpu.memory_space<vmem_shared>>)
        tpu.yield
      }) : () -> ()
      "tpu.region"() ({
        %run_scoped3A = tpu.sem_alloc : memref<!tpu.dma_semaphore, #tpu.memory_space<semaphore_mem>>
        %dma_start3A = arith.constant 9888 : i32
        %dma_start3A_89 = arith.constant 0 : i32
        %dma_start3A_90 = tpu.memref_slice %arg8[%dma_start3A, %dma_start3A_89] : memref<10000x128xf32, #tpu.memory_space<vmem_shared>> -> memref<32x128xf32, #tpu.memory_space<vmem_shared>>
        %dma_start3A_91 = arith.constant 9888 : i32
        %dma_start3A_92 = arith.constant 0 : i32
        %dma_start3A_93 = tpu.memref_slice %arg8[%dma_start3A_91, %dma_start3A_92] : memref<10000x128xf32, #tpu.memory_space<vmem_shared>> -> memref<32x128xf32, #tpu.memory_space<vmem_shared>>
        tpu.enqueue_dma source(%arg16 : memref<32x128xf32, #tpu.memory_space<vmem>>) target(%dma_start3A_93 : memref<32x128xf32, #tpu.memory_space<vmem_shared>>) target_semaphore(%run_scoped3A : memref<!tpu.dma_semaphore, #tpu.memory_space<semaphore_mem>>)
        %dma_wait3A = arith.constant 9888 : i32
        %dma_wait3A_94 = arith.constant 0 : i32
        %dma_wait3A_95 = tpu.memref_slice %arg8[%dma_wait3A, %dma_wait3A_94] : memref<10000x128xf32, #tpu.memory_space<vmem_shared>> -> memref<32x128xf32, #tpu.memory_space<vmem_shared>>
        %dma_wait3A_96 = arith.constant 9888 : i32
        %dma_wait3A_97 = arith.constant 0 : i32
        %dma_wait3A_98 = tpu.memref_slice %arg8[%dma_wait3A_96, %dma_wait3A_97] : memref<10000x128xf32, #tpu.memory_space<vmem_shared>> -> memref<32x128xf32, #tpu.memory_space<vmem_shared>>
        tpu.wait_dma2 semaphore(%run_scoped3A : memref<!tpu.dma_semaphore, #tpu.memory_space<semaphore_mem>>) src(%arg16 : memref<32x128xf32, #tpu.memory_space<vmem>>) dst(%dma_wait3A_98 : memref<32x128xf32, #tpu.memory_space<vmem_shared>>)
        tpu.yield
      }) : () -> ()
      "tpu.region"() ({
        %run_scoped3A = tpu.sem_alloc : memref<!tpu.dma_semaphore, #tpu.memory_space<semaphore_mem>>
        %dma_start3A = arith.constant 9920 : i32
        %dma_start3A_89 = arith.constant 0 : i32
        %dma_start3A_90 = tpu.memref_slice %arg8[%dma_start3A, %dma_start3A_89] : memref<10000x128xf32, #tpu.memory_space<vmem_shared>> -> memref<32x128xf32, #tpu.memory_space<vmem_shared>>
        %dma_start3A_91 = arith.constant 9920 : i32
        %dma_start3A_92 = arith.constant 0 : i32
        %dma_start3A_93 = tpu.memref_slice %arg8[%dma_start3A_91, %dma_start3A_92] : memref<10000x128xf32, #tpu.memory_space<vmem_shared>> -> memref<32x128xf32, #tpu.memory_space<vmem_shared>>
        tpu.enqueue_dma source(%arg16 : memref<32x128xf32, #tpu.memory_space<vmem>>) target(%dma_start3A_93 : memref<32x128xf32, #tpu.memory_space<vmem_shared>>) target_semaphore(%run_scoped3A : memref<!tpu.dma_semaphore, #tpu.memory_space<semaphore_mem>>)
        %dma_wait3A = arith.constant 9920 : i32
        %dma_wait3A_94 = arith.constant 0 : i32
        %dma_wait3A_95 = tpu.memref_slice %arg8[%dma_wait3A, %dma_wait3A_94] : memref<10000x128xf32, #tpu.memory_space<vmem_shared>> -> memref<32x128xf32, #tpu.memory_space<vmem_shared>>
        %dma_wait3A_96 = arith.constant 9920 : i32
        %dma_wait3A_97 = arith.constant 0 : i32
        %dma_wait3A_98 = tpu.memref_slice %arg8[%dma_wait3A_96, %dma_wait3A_97] : memref<10000x128xf32, #tpu.memory_space<vmem_shared>> -> memref<32x128xf32, #tpu.memory_space<vmem_shared>>
        tpu.wait_dma2 semaphore(%run_scoped3A : memref<!tpu.dma_semaphore, #tpu.memory_space<semaphore_mem>>) src(%arg16 : memref<32x128xf32, #tpu.memory_space<vmem>>) dst(%dma_wait3A_98 : memref<32x128xf32, #tpu.memory_space<vmem_shared>>)
        tpu.yield
      }) : () -> ()
      "tpu.region"() ({
        %run_scoped3A = tpu.sem_alloc : memref<!tpu.dma_semaphore, #tpu.memory_space<semaphore_mem>>
        %dma_start3A = arith.constant 9952 : i32
        %dma_start3A_89 = arith.constant 0 : i32
        %dma_start3A_90 = tpu.memref_slice %arg8[%dma_start3A, %dma_start3A_89] : memref<10000x128xf32, #tpu.memory_space<vmem_shared>> -> memref<32x128xf32, #tpu.memory_space<vmem_shared>>
        %dma_start3A_91 = arith.constant 9952 : i32
        %dma_start3A_92 = arith.constant 0 : i32
        %dma_start3A_93 = tpu.memref_slice %arg8[%dma_start3A_91, %dma_start3A_92] : memref<10000x128xf32, #tpu.memory_space<vmem_shared>> -> memref<32x128xf32, #tpu.memory_space<vmem_shared>>
        tpu.enqueue_dma source(%arg16 : memref<32x128xf32, #tpu.memory_space<vmem>>) target(%dma_start3A_93 : memref<32x128xf32, #tpu.memory_space<vmem_shared>>) target_semaphore(%run_scoped3A : memref<!tpu.dma_semaphore, #tpu.memory_space<semaphore_mem>>)
        %dma_wait3A = arith.constant 9952 : i32
        %dma_wait3A_94 = arith.constant 0 : i32
        %dma_wait3A_95 = tpu.memref_slice %arg8[%dma_wait3A, %dma_wait3A_94] : memref<10000x128xf32, #tpu.memory_space<vmem_shared>> -> memref<32x128xf32, #tpu.memory_space<vmem_shared>>
        %dma_wait3A_96 = arith.constant 9952 : i32
        %dma_wait3A_97 = arith.constant 0 : i32
        %dma_wait3A_98 = tpu.memref_slice %arg8[%dma_wait3A_96, %dma_wait3A_97] : memref<10000x128xf32, #tpu.memory_space<vmem_shared>> -> memref<32x128xf32, #tpu.memory_space<vmem_shared>>
        tpu.wait_dma2 semaphore(%run_scoped3A : memref<!tpu.dma_semaphore, #tpu.memory_space<semaphore_mem>>) src(%arg16 : memref<32x128xf32, #tpu.memory_space<vmem>>) dst(%dma_wait3A_98 : memref<32x128xf32, #tpu.memory_space<vmem_shared>>)
        tpu.yield
      }) : () -> ()
      "tpu.region"() ({
        %run_scoped3A = tpu.sem_alloc : memref<!tpu.dma_semaphore, #tpu.memory_space<semaphore_mem>>
        %dma_start3A = arith.constant 0 : i32
        %dma_start3A_89 = arith.constant 0 : i32
        %dma_start3A_90 = tpu.memref_slice %arg16[%dma_start3A, %dma_start3A_89] : memref<32x128xf32, #tpu.memory_space<vmem>> -> memref<16x128xf32, #tpu.memory_space<vmem>>
        %dma_start3A_91 = arith.constant 9984 : i32
        %dma_start3A_92 = arith.constant 0 : i32
        %dma_start3A_93 = tpu.memref_slice %arg8[%dma_start3A_91, %dma_start3A_92] : memref<10000x128xf32, #tpu.memory_space<vmem_shared>> -> memref<16x128xf32, #tpu.memory_space<vmem_shared>>
        %dma_start3A_94 = arith.constant 9984 : i32
        %dma_start3A_95 = arith.constant 0 : i32
        %dma_start3A_96 = tpu.memref_slice %arg8[%dma_start3A_94, %dma_start3A_95] : memref<10000x128xf32, #tpu.memory_space<vmem_shared>> -> memref<16x128xf32, #tpu.memory_space<vmem_shared>>
        %dma_start3A_97 = arith.constant 0 : i32
        %dma_start3A_98 = arith.constant 0 : i32
        %dma_start3A_99 = tpu.memref_slice %arg16[%dma_start3A_97, %dma_start3A_98] : memref<32x128xf32, #tpu.memory_space<vmem>> -> memref<16x128xf32, #tpu.memory_space<vmem>>
        tpu.enqueue_dma source(%dma_start3A_99 : memref<16x128xf32, #tpu.memory_space<vmem>>) target(%dma_start3A_96 : memref<16x128xf32, #tpu.memory_space<vmem_shared>>) target_semaphore(%run_scoped3A : memref<!tpu.dma_semaphore, #tpu.memory_space<semaphore_mem>>)
        %dma_wait3A = arith.constant 0 : i32
        %dma_wait3A_100 = arith.constant 0 : i32
        %dma_wait3A_101 = tpu.memref_slice %arg16[%dma_wait3A, %dma_wait3A_100] : memref<32x128xf32, #tpu.memory_space<vmem>> -> memref<16x128xf32, #tpu.memory_space<vmem>>
        %dma_wait3A_102 = arith.constant 9984 : i32
        %dma_wait3A_103 = arith.constant 0 : i32
        %dma_wait3A_104 = tpu.memref_slice %arg8[%dma_wait3A_102, %dma_wait3A_103] : memref<10000x128xf32, #tpu.memory_space<vmem_shared>> -> memref<16x128xf32, #tpu.memory_space<vmem_shared>>
        %dma_wait3A_105 = arith.constant 9984 : i32
        %dma_wait3A_106 = arith.constant 0 : i32
        %dma_wait3A_107 = tpu.memref_slice %arg8[%dma_wait3A_105, %dma_wait3A_106] : memref<10000x128xf32, #tpu.memory_space<vmem_shared>> -> memref<16x128xf32, #tpu.memory_space<vmem_shared>>
        %dma_wait3A_108 = arith.constant 0 : i32
        %dma_wait3A_109 = arith.constant 0 : i32
        %dma_wait3A_110 = tpu.memref_slice %arg16[%dma_wait3A_108, %dma_wait3A_109] : memref<32x128xf32, #tpu.memory_space<vmem>> -> memref<16x128xf32, #tpu.memory_space<vmem>>
        tpu.wait_dma2 semaphore(%run_scoped3A : memref<!tpu.dma_semaphore, #tpu.memory_space<semaphore_mem>>) src(%dma_wait3A_110 : memref<16x128xf32, #tpu.memory_space<vmem>>) dst(%dma_wait3A_107 : memref<16x128xf32, #tpu.memory_space<vmem_shared>>)
        tpu.yield
      }) : () -> ()
      "tpu.region"() ({
        %run_scoped3A = tpu.sem_alloc : memref<!tpu.dma_semaphore, #tpu.memory_space<semaphore_mem>>
        %dma_start3A = arith.constant 0 : i32
        %dma_start3A_89 = tpu.memref_slice %arg17[%dma_start3A] : memref<640xf32, #tpu.memory_space<vmem>> -> memref<400xf32, #tpu.memory_space<vmem>>
        %dma_start3A_90 = arith.constant 9600 : i32
        %dma_start3A_91 = tpu.memref_slice %arg9[%dma_start3A_90] : memref<10000xf32, #tpu.memory_space<vmem_shared>> -> memref<400xf32, #tpu.memory_space<vmem_shared>>
        %dma_start3A_92 = arith.constant 9600 : i32
        %dma_start3A_93 = tpu.memref_slice %arg9[%dma_start3A_92] : memref<10000xf32, #tpu.memory_space<vmem_shared>> -> memref<400xf32, #tpu.memory_space<vmem_shared>>
        %dma_start3A_94 = arith.constant 0 : i32
        %dma_start3A_95 = tpu.memref_slice %arg17[%dma_start3A_94] : memref<640xf32, #tpu.memory_space<vmem>> -> memref<400xf32, #tpu.memory_space<vmem>>
        tpu.enqueue_dma source(%dma_start3A_95 : memref<400xf32, #tpu.memory_space<vmem>>) target(%dma_start3A_93 : memref<400xf32, #tpu.memory_space<vmem_shared>>) target_semaphore(%run_scoped3A : memref<!tpu.dma_semaphore, #tpu.memory_space<semaphore_mem>>)
        %dma_wait3A = arith.constant 0 : i32
        %dma_wait3A_96 = tpu.memref_slice %arg17[%dma_wait3A] : memref<640xf32, #tpu.memory_space<vmem>> -> memref<400xf32, #tpu.memory_space<vmem>>
        %dma_wait3A_97 = arith.constant 9600 : i32
        %dma_wait3A_98 = tpu.memref_slice %arg9[%dma_wait3A_97] : memref<10000xf32, #tpu.memory_space<vmem_shared>> -> memref<400xf32, #tpu.memory_space<vmem_shared>>
        %dma_wait3A_99 = arith.constant 9600 : i32
        %dma_wait3A_100 = tpu.memref_slice %arg9[%dma_wait3A_99] : memref<10000xf32, #tpu.memory_space<vmem_shared>> -> memref<400xf32, #tpu.memory_space<vmem_shared>>
        %dma_wait3A_101 = arith.constant 0 : i32
        %dma_wait3A_102 = tpu.memref_slice %arg17[%dma_wait3A_101] : memref<640xf32, #tpu.memory_space<vmem>> -> memref<400xf32, #tpu.memory_space<vmem>>
        tpu.wait_dma2 semaphore(%run_scoped3A : memref<!tpu.dma_semaphore, #tpu.memory_space<semaphore_mem>>) src(%dma_wait3A_102 : memref<400xf32, #tpu.memory_space<vmem>>) dst(%dma_wait3A_100 : memref<400xf32, #tpu.memory_space<vmem_shared>>)
        tpu.yield
      }) : () -> ()
    } else {
    }
    %barrier3A = arith.constant 0 : index
    tpu.barrier barrier_id(%barrier3A)
    %lt3A_22 = arith.constant 10 : i32
    %lt3A_23 = arith.cmpi slt, %arg1, %lt3A_22 : i32
    %jit3A = arith.constant 1 : i32
    %jit3A_24 = arith.constant 0 : i32
    %select_n3A = arith.select %lt3A_23, %jit3A, %jit3A_24 : i32
    %add3A = arith.constant 15 : i32
    %add3A_25 = arith.addi %add3A, %select_n3A : i32
    %while3A = arith.constant 0 : i32
    %while3A_26 = arith.constant 0 : i32
    %while3A_27 = arith.subi %add3A_25, %while3A : i32
    %while3A_28 = arith.addi %while3A, %while3A_27 : i32
    %while3A_29 = arith.constant 1 : i32
    %while3A_30 = arith.divsi %while3A_27, %while3A_29 : i32
    %while3A_31 = arith.muli %while3A_30, %while3A_29 : i32
    %while3A_32 = arith.addi %while3A, %while3A_31 : i32
    %while3A_33 = arith.constant 1 : i32
    %while3A_34 = scf.for %while3A_89 = %while3A to %while3A_32 step %while3A_33 iter_args(%while3A_90 = %while3A_26) -> (i32)  : i32 {
      %mul3A_91 = arith.constant 16 : i32
      %mul3A_92 = arith.muli %mul3A_91, %while3A_89 : i32
      %add3A_93 = arith.addi %arg1, %mul3A_92 : i32
      %mul3A_94 = arith.constant 10 : i32
      %mul3A_95 = arith.muli %add3A_93, %mul3A_94 : i32
      %mul3A_96 = arith.constant 128 : i32
      %mul3A_97 = arith.muli %mul3A_95, %mul3A_96 : i32
      "tpu.region"() ({
        %run_scoped3A_286 = tpu.sem_alloc : memref<!tpu.dma_semaphore, #tpu.memory_space<semaphore_mem>>
        %dma_start3A_287 = tpu.memref_slice %arg4[%mul3A_97] : memref<320000xf32, #tpu.memory_space<hbm>> -> memref<1280xf32, #tpu.memory_space<hbm>>
        %dma_start3A_288 = tpu.memref_slice %arg4[%mul3A_97] : memref<320000xf32, #tpu.memory_space<hbm>> -> memref<1280xf32, #tpu.memory_space<hbm>>
        tpu.enqueue_dma source(%dma_start3A_288 : memref<1280xf32, #tpu.memory_space<hbm>>) target(%arg12 : memref<1280xf32, #tpu.memory_space<vmem>>) target_semaphore(%run_scoped3A_286 : memref<!tpu.dma_semaphore, #tpu.memory_space<semaphore_mem>>)
        %dma_wait3A_289 = tpu.memref_slice %arg4[%mul3A_97] : memref<320000xf32, #tpu.memory_space<hbm>> -> memref<1280xf32, #tpu.memory_space<hbm>>
        %dma_wait3A_290 = tpu.memref_slice %arg4[%mul3A_97] : memref<320000xf32, #tpu.memory_space<hbm>> -> memref<1280xf32, #tpu.memory_space<hbm>>
        tpu.wait_dma2 semaphore(%run_scoped3A_286 : memref<!tpu.dma_semaphore, #tpu.memory_space<semaphore_mem>>) src(%dma_wait3A_290 : memref<1280xf32, #tpu.memory_space<hbm>>) dst(%arg12 : memref<1280xf32, #tpu.memory_space<vmem>>)
        tpu.yield
      }) : () -> ()
      %add3A_98 = arith.constant 0 : i32
      %add3A_99 = arith.addi %mul3A_97, %add3A_98 : i32
      %run_scoped3A = arith.constant 0 : i32
      "tpu.region"() ({
        %run_scoped3A_286 = tpu.sem_alloc : memref<!tpu.dma_semaphore, #tpu.memory_space<semaphore_mem>>
        %dma_start3A_287 = arith.constant 0 : i32
        %dma_start3A_288 = tpu.memref_slice %arg11[%run_scoped3A, %dma_start3A_287] : memref<10x128xi32, #tpu.memory_space<vmem>> -> memref<1x128xi32, #tpu.memory_space<vmem>>
        %dma_start3A_289 = tpu.memref_squeeze %dma_start3A_288 : memref<1x128xi32, #tpu.memory_space<vmem>> -> memref<128xi32, #tpu.memory_space<vmem>>
        %dma_start3A_290 = tpu.memref_slice %arg3[%add3A_99] : memref<320000xi32, #tpu.memory_space<hbm>> -> memref<128xi32, #tpu.memory_space<hbm>>
        %dma_start3A_291 = arith.constant 0 : i32
        %dma_start3A_292 = tpu.memref_slice %arg11[%run_scoped3A, %dma_start3A_291] : memref<10x128xi32, #tpu.memory_space<vmem>> -> memref<1x128xi32, #tpu.memory_space<vmem>>
        %dma_start3A_293 = tpu.memref_squeeze %dma_start3A_292 : memref<1x128xi32, #tpu.memory_space<vmem>> -> memref<128xi32, #tpu.memory_space<vmem>>
        %dma_start3A_294 = tpu.memref_slice %arg3[%add3A_99] : memref<320000xi32, #tpu.memory_space<hbm>> -> memref<128xi32, #tpu.memory_space<hbm>>
        tpu.enqueue_dma source(%dma_start3A_294 : memref<128xi32, #tpu.memory_space<hbm>>) target(%dma_start3A_293 : memref<128xi32, #tpu.memory_space<vmem>>) target_semaphore(%run_scoped3A_286 : memref<!tpu.dma_semaphore, #tpu.memory_space<semaphore_mem>>)
        %dma_wait3A_295 = arith.constant 0 : i32
        %dma_wait3A_296 = tpu.memref_slice %arg11[%run_scoped3A, %dma_wait3A_295] : memref<10x128xi32, #tpu.memory_space<vmem>> -> memref<1x128xi32, #tpu.memory_space<vmem>>
        %dma_wait3A_297 = tpu.memref_squeeze %dma_wait3A_296 : memref<1x128xi32, #tpu.memory_space<vmem>> -> memref<128xi32, #tpu.memory_space<vmem>>
        %dma_wait3A_298 = tpu.memref_slice %arg3[%add3A_99] : memref<320000xi32, #tpu.memory_space<hbm>> -> memref<128xi32, #tpu.memory_space<hbm>>
        %dma_wait3A_299 = arith.constant 0 : i32
        %dma_wait3A_300 = tpu.memref_slice %arg11[%run_scoped3A, %dma_wait3A_299] : memref<10x128xi32, #tpu.memory_space<vmem>> -> memref<1x128xi32, #tpu.memory_space<vmem>>
        %dma_wait3A_301 = tpu.memref_squeeze %dma_wait3A_300 : memref<1x128xi32, #tpu.memory_space<vmem>> -> memref<128xi32, #tpu.memory_space<vmem>>
        %dma_wait3A_302 = tpu.memref_slice %arg3[%add3A_99] : memref<320000xi32, #tpu.memory_space<hbm>> -> memref<128xi32, #tpu.memory_space<hbm>>
        tpu.wait_dma2 semaphore(%run_scoped3A_286 : memref<!tpu.dma_semaphore, #tpu.memory_space<semaphore_mem>>) src(%dma_wait3A_302 : memref<128xi32, #tpu.memory_space<hbm>>) dst(%dma_wait3A_301 : memref<128xi32, #tpu.memory_space<vmem>>)
        tpu.yield
      }) : () -> ()
      %add3A_100 = arith.constant 128 : i32
      %add3A_101 = arith.addi %mul3A_97, %add3A_100 : i32
      %run_scoped3A_102 = arith.constant 1 : i32
      "tpu.region"() ({
        %run_scoped3A_286 = tpu.sem_alloc : memref<!tpu.dma_semaphore, #tpu.memory_space<semaphore_mem>>
        %dma_start3A_287 = arith.constant 0 : i32
        %dma_start3A_288 = tpu.memref_slice %arg11[%run_scoped3A_102, %dma_start3A_287] : memref<10x128xi32, #tpu.memory_space<vmem>> -> memref<1x128xi32, #tpu.memory_space<vmem>>
        %dma_start3A_289 = tpu.memref_squeeze %dma_start3A_288 : memref<1x128xi32, #tpu.memory_space<vmem>> -> memref<128xi32, #tpu.memory_space<vmem>>
        %dma_start3A_290 = tpu.memref_slice %arg3[%add3A_101] : memref<320000xi32, #tpu.memory_space<hbm>> -> memref<128xi32, #tpu.memory_space<hbm>>
        %dma_start3A_291 = arith.constant 0 : i32
        %dma_start3A_292 = tpu.memref_slice %arg11[%run_scoped3A_102, %dma_start3A_291] : memref<10x128xi32, #tpu.memory_space<vmem>> -> memref<1x128xi32, #tpu.memory_space<vmem>>
        %dma_start3A_293 = tpu.memref_squeeze %dma_start3A_292 : memref<1x128xi32, #tpu.memory_space<vmem>> -> memref<128xi32, #tpu.memory_space<vmem>>
        %dma_start3A_294 = tpu.memref_slice %arg3[%add3A_101] : memref<320000xi32, #tpu.memory_space<hbm>> -> memref<128xi32, #tpu.memory_space<hbm>>
        tpu.enqueue_dma source(%dma_start3A_294 : memref<128xi32, #tpu.memory_space<hbm>>) target(%dma_start3A_293 : memref<128xi32, #tpu.memory_space<vmem>>) target_semaphore(%run_scoped3A_286 : memref<!tpu.dma_semaphore, #tpu.memory_space<semaphore_mem>>)
        %dma_wait3A_295 = arith.constant 0 : i32
        %dma_wait3A_296 = tpu.memref_slice %arg11[%run_scoped3A_102, %dma_wait3A_295] : memref<10x128xi32, #tpu.memory_space<vmem>> -> memref<1x128xi32, #tpu.memory_space<vmem>>
        %dma_wait3A_297 = tpu.memref_squeeze %dma_wait3A_296 : memref<1x128xi32, #tpu.memory_space<vmem>> -> memref<128xi32, #tpu.memory_space<vmem>>
        %dma_wait3A_298 = tpu.memref_slice %arg3[%add3A_101] : memref<320000xi32, #tpu.memory_space<hbm>> -> memref<128xi32, #tpu.memory_space<hbm>>
        %dma_wait3A_299 = arith.constant 0 : i32
        %dma_wait3A_300 = tpu.memref_slice %arg11[%run_scoped3A_102, %dma_wait3A_299] : memref<10x128xi32, #tpu.memory_space<vmem>> -> memref<1x128xi32, #tpu.memory_space<vmem>>
        %dma_wait3A_301 = tpu.memref_squeeze %dma_wait3A_300 : memref<1x128xi32, #tpu.memory_space<vmem>> -> memref<128xi32, #tpu.memory_space<vmem>>
        %dma_wait3A_302 = tpu.memref_slice %arg3[%add3A_101] : memref<320000xi32, #tpu.memory_space<hbm>> -> memref<128xi32, #tpu.memory_space<hbm>>
        tpu.wait_dma2 semaphore(%run_scoped3A_286 : memref<!tpu.dma_semaphore, #tpu.memory_space<semaphore_mem>>) src(%dma_wait3A_302 : memref<128xi32, #tpu.memory_space<hbm>>) dst(%dma_wait3A_301 : memref<128xi32, #tpu.memory_space<vmem>>)
        tpu.yield
      }) : () -> ()
      %add3A_103 = arith.constant 256 : i32
      %add3A_104 = arith.addi %mul3A_97, %add3A_103 : i32
      %run_scoped3A_105 = arith.constant 2 : i32
      "tpu.region"() ({
        %run_scoped3A_286 = tpu.sem_alloc : memref<!tpu.dma_semaphore, #tpu.memory_space<semaphore_mem>>
        %dma_start3A_287 = arith.constant 0 : i32
        %dma_start3A_288 = tpu.memref_slice %arg11[%run_scoped3A_105, %dma_start3A_287] : memref<10x128xi32, #tpu.memory_space<vmem>> -> memref<1x128xi32, #tpu.memory_space<vmem>>
        %dma_start3A_289 = tpu.memref_squeeze %dma_start3A_288 : memref<1x128xi32, #tpu.memory_space<vmem>> -> memref<128xi32, #tpu.memory_space<vmem>>
        %dma_start3A_290 = tpu.memref_slice %arg3[%add3A_104] : memref<320000xi32, #tpu.memory_space<hbm>> -> memref<128xi32, #tpu.memory_space<hbm>>
        %dma_start3A_291 = arith.constant 0 : i32
        %dma_start3A_292 = tpu.memref_slice %arg11[%run_scoped3A_105, %dma_start3A_291] : memref<10x128xi32, #tpu.memory_space<vmem>> -> memref<1x128xi32, #tpu.memory_space<vmem>>
        %dma_start3A_293 = tpu.memref_squeeze %dma_start3A_292 : memref<1x128xi32, #tpu.memory_space<vmem>> -> memref<128xi32, #tpu.memory_space<vmem>>
        %dma_start3A_294 = tpu.memref_slice %arg3[%add3A_104] : memref<320000xi32, #tpu.memory_space<hbm>> -> memref<128xi32, #tpu.memory_space<hbm>>
        tpu.enqueue_dma source(%dma_start3A_294 : memref<128xi32, #tpu.memory_space<hbm>>) target(%dma_start3A_293 : memref<128xi32, #tpu.memory_space<vmem>>) target_semaphore(%run_scoped3A_286 : memref<!tpu.dma_semaphore, #tpu.memory_space<semaphore_mem>>)
        %dma_wait3A_295 = arith.constant 0 : i32
        %dma_wait3A_296 = tpu.memref_slice %arg11[%run_scoped3A_105, %dma_wait3A_295] : memref<10x128xi32, #tpu.memory_space<vmem>> -> memref<1x128xi32, #tpu.memory_space<vmem>>
        %dma_wait3A_297 = tpu.memref_squeeze %dma_wait3A_296 : memref<1x128xi32, #tpu.memory_space<vmem>> -> memref<128xi32, #tpu.memory_space<vmem>>
        %dma_wait3A_298 = tpu.memref_slice %arg3[%add3A_104] : memref<320000xi32, #tpu.memory_space<hbm>> -> memref<128xi32, #tpu.memory_space<hbm>>
        %dma_wait3A_299 = arith.constant 0 : i32
        %dma_wait3A_300 = tpu.memref_slice %arg11[%run_scoped3A_105, %dma_wait3A_299] : memref<10x128xi32, #tpu.memory_space<vmem>> -> memref<1x128xi32, #tpu.memory_space<vmem>>
        %dma_wait3A_301 = tpu.memref_squeeze %dma_wait3A_300 : memref<1x128xi32, #tpu.memory_space<vmem>> -> memref<128xi32, #tpu.memory_space<vmem>>
        %dma_wait3A_302 = tpu.memref_slice %arg3[%add3A_104] : memref<320000xi32, #tpu.memory_space<hbm>> -> memref<128xi32, #tpu.memory_space<hbm>>
        tpu.wait_dma2 semaphore(%run_scoped3A_286 : memref<!tpu.dma_semaphore, #tpu.memory_space<semaphore_mem>>) src(%dma_wait3A_302 : memref<128xi32, #tpu.memory_space<hbm>>) dst(%dma_wait3A_301 : memref<128xi32, #tpu.memory_space<vmem>>)
        tpu.yield
      }) : () -> ()
      %add3A_106 = arith.constant 384 : i32
      %add3A_107 = arith.addi %mul3A_97, %add3A_106 : i32
      %run_scoped3A_108 = arith.constant 3 : i32
      "tpu.region"() ({
        %run_scoped3A_286 = tpu.sem_alloc : memref<!tpu.dma_semaphore, #tpu.memory_space<semaphore_mem>>
        %dma_start3A_287 = arith.constant 0 : i32
        %dma_start3A_288 = tpu.memref_slice %arg11[%run_scoped3A_108, %dma_start3A_287] : memref<10x128xi32, #tpu.memory_space<vmem>> -> memref<1x128xi32, #tpu.memory_space<vmem>>
        %dma_start3A_289 = tpu.memref_squeeze %dma_start3A_288 : memref<1x128xi32, #tpu.memory_space<vmem>> -> memref<128xi32, #tpu.memory_space<vmem>>
        %dma_start3A_290 = tpu.memref_slice %arg3[%add3A_107] : memref<320000xi32, #tpu.memory_space<hbm>> -> memref<128xi32, #tpu.memory_space<hbm>>
        %dma_start3A_291 = arith.constant 0 : i32
        %dma_start3A_292 = tpu.memref_slice %arg11[%run_scoped3A_108, %dma_start3A_291] : memref<10x128xi32, #tpu.memory_space<vmem>> -> memref<1x128xi32, #tpu.memory_space<vmem>>
        %dma_start3A_293 = tpu.memref_squeeze %dma_start3A_292 : memref<1x128xi32, #tpu.memory_space<vmem>> -> memref<128xi32, #tpu.memory_space<vmem>>
        %dma_start3A_294 = tpu.memref_slice %arg3[%add3A_107] : memref<320000xi32, #tpu.memory_space<hbm>> -> memref<128xi32, #tpu.memory_space<hbm>>
        tpu.enqueue_dma source(%dma_start3A_294 : memref<128xi32, #tpu.memory_space<hbm>>) target(%dma_start3A_293 : memref<128xi32, #tpu.memory_space<vmem>>) target_semaphore(%run_scoped3A_286 : memref<!tpu.dma_semaphore, #tpu.memory_space<semaphore_mem>>)
        %dma_wait3A_295 = arith.constant 0 : i32
        %dma_wait3A_296 = tpu.memref_slice %arg11[%run_scoped3A_108, %dma_wait3A_295] : memref<10x128xi32, #tpu.memory_space<vmem>> -> memref<1x128xi32, #tpu.memory_space<vmem>>
        %dma_wait3A_297 = tpu.memref_squeeze %dma_wait3A_296 : memref<1x128xi32, #tpu.memory_space<vmem>> -> memref<128xi32, #tpu.memory_space<vmem>>
        %dma_wait3A_298 = tpu.memref_slice %arg3[%add3A_107] : memref<320000xi32, #tpu.memory_space<hbm>> -> memref<128xi32, #tpu.memory_space<hbm>>
        %dma_wait3A_299 = arith.constant 0 : i32
        %dma_wait3A_300 = tpu.memref_slice %arg11[%run_scoped3A_108, %dma_wait3A_299] : memref<10x128xi32, #tpu.memory_space<vmem>> -> memref<1x128xi32, #tpu.memory_space<vmem>>
        %dma_wait3A_301 = tpu.memref_squeeze %dma_wait3A_300 : memref<1x128xi32, #tpu.memory_space<vmem>> -> memref<128xi32, #tpu.memory_space<vmem>>
        %dma_wait3A_302 = tpu.memref_slice %arg3[%add3A_107] : memref<320000xi32, #tpu.memory_space<hbm>> -> memref<128xi32, #tpu.memory_space<hbm>>
        tpu.wait_dma2 semaphore(%run_scoped3A_286 : memref<!tpu.dma_semaphore, #tpu.memory_space<semaphore_mem>>) src(%dma_wait3A_302 : memref<128xi32, #tpu.memory_space<hbm>>) dst(%dma_wait3A_301 : memref<128xi32, #tpu.memory_space<vmem>>)
        tpu.yield
      }) : () -> ()
      %add3A_109 = arith.constant 512 : i32
      %add3A_110 = arith.addi %mul3A_97, %add3A_109 : i32
      %run_scoped3A_111 = arith.constant 4 : i32
      "tpu.region"() ({
        %run_scoped3A_286 = tpu.sem_alloc : memref<!tpu.dma_semaphore, #tpu.memory_space<semaphore_mem>>
        %dma_start3A_287 = arith.constant 0 : i32
        %dma_start3A_288 = tpu.memref_slice %arg11[%run_scoped3A_111, %dma_start3A_287] : memref<10x128xi32, #tpu.memory_space<vmem>> -> memref<1x128xi32, #tpu.memory_space<vmem>>
        %dma_start3A_289 = tpu.memref_squeeze %dma_start3A_288 : memref<1x128xi32, #tpu.memory_space<vmem>> -> memref<128xi32, #tpu.memory_space<vmem>>
        %dma_start3A_290 = tpu.memref_slice %arg3[%add3A_110] : memref<320000xi32, #tpu.memory_space<hbm>> -> memref<128xi32, #tpu.memory_space<hbm>>
        %dma_start3A_291 = arith.constant 0 : i32
        %dma_start3A_292 = tpu.memref_slice %arg11[%run_scoped3A_111, %dma_start3A_291] : memref<10x128xi32, #tpu.memory_space<vmem>> -> memref<1x128xi32, #tpu.memory_space<vmem>>
        %dma_start3A_293 = tpu.memref_squeeze %dma_start3A_292 : memref<1x128xi32, #tpu.memory_space<vmem>> -> memref<128xi32, #tpu.memory_space<vmem>>
        %dma_start3A_294 = tpu.memref_slice %arg3[%add3A_110] : memref<320000xi32, #tpu.memory_space<hbm>> -> memref<128xi32, #tpu.memory_space<hbm>>
        tpu.enqueue_dma source(%dma_start3A_294 : memref<128xi32, #tpu.memory_space<hbm>>) target(%dma_start3A_293 : memref<128xi32, #tpu.memory_space<vmem>>) target_semaphore(%run_scoped3A_286 : memref<!tpu.dma_semaphore, #tpu.memory_space<semaphore_mem>>)
        %dma_wait3A_295 = arith.constant 0 : i32
        %dma_wait3A_296 = tpu.memref_slice %arg11[%run_scoped3A_111, %dma_wait3A_295] : memref<10x128xi32, #tpu.memory_space<vmem>> -> memref<1x128xi32, #tpu.memory_space<vmem>>
        %dma_wait3A_297 = tpu.memref_squeeze %dma_wait3A_296 : memref<1x128xi32, #tpu.memory_space<vmem>> -> memref<128xi32, #tpu.memory_space<vmem>>
        %dma_wait3A_298 = tpu.memref_slice %arg3[%add3A_110] : memref<320000xi32, #tpu.memory_space<hbm>> -> memref<128xi32, #tpu.memory_space<hbm>>
        %dma_wait3A_299 = arith.constant 0 : i32
        %dma_wait3A_300 = tpu.memref_slice %arg11[%run_scoped3A_111, %dma_wait3A_299] : memref<10x128xi32, #tpu.memory_space<vmem>> -> memref<1x128xi32, #tpu.memory_space<vmem>>
        %dma_wait3A_301 = tpu.memref_squeeze %dma_wait3A_300 : memref<1x128xi32, #tpu.memory_space<vmem>> -> memref<128xi32, #tpu.memory_space<vmem>>
        %dma_wait3A_302 = tpu.memref_slice %arg3[%add3A_110] : memref<320000xi32, #tpu.memory_space<hbm>> -> memref<128xi32, #tpu.memory_space<hbm>>
        tpu.wait_dma2 semaphore(%run_scoped3A_286 : memref<!tpu.dma_semaphore, #tpu.memory_space<semaphore_mem>>) src(%dma_wait3A_302 : memref<128xi32, #tpu.memory_space<hbm>>) dst(%dma_wait3A_301 : memref<128xi32, #tpu.memory_space<vmem>>)
        tpu.yield
      }) : () -> ()
      %add3A_112 = arith.constant 640 : i32
      %add3A_113 = arith.addi %mul3A_97, %add3A_112 : i32
      %run_scoped3A_114 = arith.constant 5 : i32
      "tpu.region"() ({
        %run_scoped3A_286 = tpu.sem_alloc : memref<!tpu.dma_semaphore, #tpu.memory_space<semaphore_mem>>
        %dma_start3A_287 = arith.constant 0 : i32
        %dma_start3A_288 = tpu.memref_slice %arg11[%run_scoped3A_114, %dma_start3A_287] : memref<10x128xi32, #tpu.memory_space<vmem>> -> memref<1x128xi32, #tpu.memory_space<vmem>>
        %dma_start3A_289 = tpu.memref_squeeze %dma_start3A_288 : memref<1x128xi32, #tpu.memory_space<vmem>> -> memref<128xi32, #tpu.memory_space<vmem>>
        %dma_start3A_290 = tpu.memref_slice %arg3[%add3A_113] : memref<320000xi32, #tpu.memory_space<hbm>> -> memref<128xi32, #tpu.memory_space<hbm>>
        %dma_start3A_291 = arith.constant 0 : i32
        %dma_start3A_292 = tpu.memref_slice %arg11[%run_scoped3A_114, %dma_start3A_291] : memref<10x128xi32, #tpu.memory_space<vmem>> -> memref<1x128xi32, #tpu.memory_space<vmem>>
        %dma_start3A_293 = tpu.memref_squeeze %dma_start3A_292 : memref<1x128xi32, #tpu.memory_space<vmem>> -> memref<128xi32, #tpu.memory_space<vmem>>
        %dma_start3A_294 = tpu.memref_slice %arg3[%add3A_113] : memref<320000xi32, #tpu.memory_space<hbm>> -> memref<128xi32, #tpu.memory_space<hbm>>
        tpu.enqueue_dma source(%dma_start3A_294 : memref<128xi32, #tpu.memory_space<hbm>>) target(%dma_start3A_293 : memref<128xi32, #tpu.memory_space<vmem>>) target_semaphore(%run_scoped3A_286 : memref<!tpu.dma_semaphore, #tpu.memory_space<semaphore_mem>>)
        %dma_wait3A_295 = arith.constant 0 : i32
        %dma_wait3A_296 = tpu.memref_slice %arg11[%run_scoped3A_114, %dma_wait3A_295] : memref<10x128xi32, #tpu.memory_space<vmem>> -> memref<1x128xi32, #tpu.memory_space<vmem>>
        %dma_wait3A_297 = tpu.memref_squeeze %dma_wait3A_296 : memref<1x128xi32, #tpu.memory_space<vmem>> -> memref<128xi32, #tpu.memory_space<vmem>>
        %dma_wait3A_298 = tpu.memref_slice %arg3[%add3A_113] : memref<320000xi32, #tpu.memory_space<hbm>> -> memref<128xi32, #tpu.memory_space<hbm>>
        %dma_wait3A_299 = arith.constant 0 : i32
        %dma_wait3A_300 = tpu.memref_slice %arg11[%run_scoped3A_114, %dma_wait3A_299] : memref<10x128xi32, #tpu.memory_space<vmem>> -> memref<1x128xi32, #tpu.memory_space<vmem>>
        %dma_wait3A_301 = tpu.memref_squeeze %dma_wait3A_300 : memref<1x128xi32, #tpu.memory_space<vmem>> -> memref<128xi32, #tpu.memory_space<vmem>>
        %dma_wait3A_302 = tpu.memref_slice %arg3[%add3A_113] : memref<320000xi32, #tpu.memory_space<hbm>> -> memref<128xi32, #tpu.memory_space<hbm>>
        tpu.wait_dma2 semaphore(%run_scoped3A_286 : memref<!tpu.dma_semaphore, #tpu.memory_space<semaphore_mem>>) src(%dma_wait3A_302 : memref<128xi32, #tpu.memory_space<hbm>>) dst(%dma_wait3A_301 : memref<128xi32, #tpu.memory_space<vmem>>)
        tpu.yield
      }) : () -> ()
      %add3A_115 = arith.constant 768 : i32
      %add3A_116 = arith.addi %mul3A_97, %add3A_115 : i32
      %run_scoped3A_117 = arith.constant 6 : i32
      "tpu.region"() ({
        %run_scoped3A_286 = tpu.sem_alloc : memref<!tpu.dma_semaphore, #tpu.memory_space<semaphore_mem>>
        %dma_start3A_287 = arith.constant 0 : i32
        %dma_start3A_288 = tpu.memref_slice %arg11[%run_scoped3A_117, %dma_start3A_287] : memref<10x128xi32, #tpu.memory_space<vmem>> -> memref<1x128xi32, #tpu.memory_space<vmem>>
        %dma_start3A_289 = tpu.memref_squeeze %dma_start3A_288 : memref<1x128xi32, #tpu.memory_space<vmem>> -> memref<128xi32, #tpu.memory_space<vmem>>
        %dma_start3A_290 = tpu.memref_slice %arg3[%add3A_116] : memref<320000xi32, #tpu.memory_space<hbm>> -> memref<128xi32, #tpu.memory_space<hbm>>
        %dma_start3A_291 = arith.constant 0 : i32
        %dma_start3A_292 = tpu.memref_slice %arg11[%run_scoped3A_117, %dma_start3A_291] : memref<10x128xi32, #tpu.memory_space<vmem>> -> memref<1x128xi32, #tpu.memory_space<vmem>>
        %dma_start3A_293 = tpu.memref_squeeze %dma_start3A_292 : memref<1x128xi32, #tpu.memory_space<vmem>> -> memref<128xi32, #tpu.memory_space<vmem>>
        %dma_start3A_294 = tpu.memref_slice %arg3[%add3A_116] : memref<320000xi32, #tpu.memory_space<hbm>> -> memref<128xi32, #tpu.memory_space<hbm>>
        tpu.enqueue_dma source(%dma_start3A_294 : memref<128xi32, #tpu.memory_space<hbm>>) target(%dma_start3A_293 : memref<128xi32, #tpu.memory_space<vmem>>) target_semaphore(%run_scoped3A_286 : memref<!tpu.dma_semaphore, #tpu.memory_space<semaphore_mem>>)
        %dma_wait3A_295 = arith.constant 0 : i32
        %dma_wait3A_296 = tpu.memref_slice %arg11[%run_scoped3A_117, %dma_wait3A_295] : memref<10x128xi32, #tpu.memory_space<vmem>> -> memref<1x128xi32, #tpu.memory_space<vmem>>
        %dma_wait3A_297 = tpu.memref_squeeze %dma_wait3A_296 : memref<1x128xi32, #tpu.memory_space<vmem>> -> memref<128xi32, #tpu.memory_space<vmem>>
        %dma_wait3A_298 = tpu.memref_slice %arg3[%add3A_116] : memref<320000xi32, #tpu.memory_space<hbm>> -> memref<128xi32, #tpu.memory_space<hbm>>
        %dma_wait3A_299 = arith.constant 0 : i32
        %dma_wait3A_300 = tpu.memref_slice %arg11[%run_scoped3A_117, %dma_wait3A_299] : memref<10x128xi32, #tpu.memory_space<vmem>> -> memref<1x128xi32, #tpu.memory_space<vmem>>
        %dma_wait3A_301 = tpu.memref_squeeze %dma_wait3A_300 : memref<1x128xi32, #tpu.memory_space<vmem>> -> memref<128xi32, #tpu.memory_space<vmem>>
        %dma_wait3A_302 = tpu.memref_slice %arg3[%add3A_116] : memref<320000xi32, #tpu.memory_space<hbm>> -> memref<128xi32, #tpu.memory_space<hbm>>
        tpu.wait_dma2 semaphore(%run_scoped3A_286 : memref<!tpu.dma_semaphore, #tpu.memory_space<semaphore_mem>>) src(%dma_wait3A_302 : memref<128xi32, #tpu.memory_space<hbm>>) dst(%dma_wait3A_301 : memref<128xi32, #tpu.memory_space<vmem>>)
        tpu.yield
      }) : () -> ()
      %add3A_118 = arith.constant 896 : i32
      %add3A_119 = arith.addi %mul3A_97, %add3A_118 : i32
      %run_scoped3A_120 = arith.constant 7 : i32
      "tpu.region"() ({
        %run_scoped3A_286 = tpu.sem_alloc : memref<!tpu.dma_semaphore, #tpu.memory_space<semaphore_mem>>
        %dma_start3A_287 = arith.constant 0 : i32
        %dma_start3A_288 = tpu.memref_slice %arg11[%run_scoped3A_120, %dma_start3A_287] : memref<10x128xi32, #tpu.memory_space<vmem>> -> memref<1x128xi32, #tpu.memory_space<vmem>>
        %dma_start3A_289 = tpu.memref_squeeze %dma_start3A_288 : memref<1x128xi32, #tpu.memory_space<vmem>> -> memref<128xi32, #tpu.memory_space<vmem>>
        %dma_start3A_290 = tpu.memref_slice %arg3[%add3A_119] : memref<320000xi32, #tpu.memory_space<hbm>> -> memref<128xi32, #tpu.memory_space<hbm>>
        %dma_start3A_291 = arith.constant 0 : i32
        %dma_start3A_292 = tpu.memref_slice %arg11[%run_scoped3A_120, %dma_start3A_291] : memref<10x128xi32, #tpu.memory_space<vmem>> -> memref<1x128xi32, #tpu.memory_space<vmem>>
        %dma_start3A_293 = tpu.memref_squeeze %dma_start3A_292 : memref<1x128xi32, #tpu.memory_space<vmem>> -> memref<128xi32, #tpu.memory_space<vmem>>
        %dma_start3A_294 = tpu.memref_slice %arg3[%add3A_119] : memref<320000xi32, #tpu.memory_space<hbm>> -> memref<128xi32, #tpu.memory_space<hbm>>
        tpu.enqueue_dma source(%dma_start3A_294 : memref<128xi32, #tpu.memory_space<hbm>>) target(%dma_start3A_293 : memref<128xi32, #tpu.memory_space<vmem>>) target_semaphore(%run_scoped3A_286 : memref<!tpu.dma_semaphore, #tpu.memory_space<semaphore_mem>>)
        %dma_wait3A_295 = arith.constant 0 : i32
        %dma_wait3A_296 = tpu.memref_slice %arg11[%run_scoped3A_120, %dma_wait3A_295] : memref<10x128xi32, #tpu.memory_space<vmem>> -> memref<1x128xi32, #tpu.memory_space<vmem>>
        %dma_wait3A_297 = tpu.memref_squeeze %dma_wait3A_296 : memref<1x128xi32, #tpu.memory_space<vmem>> -> memref<128xi32, #tpu.memory_space<vmem>>
        %dma_wait3A_298 = tpu.memref_slice %arg3[%add3A_119] : memref<320000xi32, #tpu.memory_space<hbm>> -> memref<128xi32, #tpu.memory_space<hbm>>
        %dma_wait3A_299 = arith.constant 0 : i32
        %dma_wait3A_300 = tpu.memref_slice %arg11[%run_scoped3A_120, %dma_wait3A_299] : memref<10x128xi32, #tpu.memory_space<vmem>> -> memref<1x128xi32, #tpu.memory_space<vmem>>
        %dma_wait3A_301 = tpu.memref_squeeze %dma_wait3A_300 : memref<1x128xi32, #tpu.memory_space<vmem>> -> memref<128xi32, #tpu.memory_space<vmem>>
        %dma_wait3A_302 = tpu.memref_slice %arg3[%add3A_119] : memref<320000xi32, #tpu.memory_space<hbm>> -> memref<128xi32, #tpu.memory_space<hbm>>
        tpu.wait_dma2 semaphore(%run_scoped3A_286 : memref<!tpu.dma_semaphore, #tpu.memory_space<semaphore_mem>>) src(%dma_wait3A_302 : memref<128xi32, #tpu.memory_space<hbm>>) dst(%dma_wait3A_301 : memref<128xi32, #tpu.memory_space<vmem>>)
        tpu.yield
      }) : () -> ()
      %add3A_121 = arith.constant 1024 : i32
      %add3A_122 = arith.addi %mul3A_97, %add3A_121 : i32
      %run_scoped3A_123 = arith.constant 8 : i32
      "tpu.region"() ({
        %run_scoped3A_286 = tpu.sem_alloc : memref<!tpu.dma_semaphore, #tpu.memory_space<semaphore_mem>>
        %dma_start3A_287 = arith.constant 0 : i32
        %dma_start3A_288 = tpu.memref_slice %arg11[%run_scoped3A_123, %dma_start3A_287] : memref<10x128xi32, #tpu.memory_space<vmem>> -> memref<1x128xi32, #tpu.memory_space<vmem>>
        %dma_start3A_289 = tpu.memref_squeeze %dma_start3A_288 : memref<1x128xi32, #tpu.memory_space<vmem>> -> memref<128xi32, #tpu.memory_space<vmem>>
        %dma_start3A_290 = tpu.memref_slice %arg3[%add3A_122] : memref<320000xi32, #tpu.memory_space<hbm>> -> memref<128xi32, #tpu.memory_space<hbm>>
        %dma_start3A_291 = arith.constant 0 : i32
        %dma_start3A_292 = tpu.memref_slice %arg11[%run_scoped3A_123, %dma_start3A_291] : memref<10x128xi32, #tpu.memory_space<vmem>> -> memref<1x128xi32, #tpu.memory_space<vmem>>
        %dma_start3A_293 = tpu.memref_squeeze %dma_start3A_292 : memref<1x128xi32, #tpu.memory_space<vmem>> -> memref<128xi32, #tpu.memory_space<vmem>>
        %dma_start3A_294 = tpu.memref_slice %arg3[%add3A_122] : memref<320000xi32, #tpu.memory_space<hbm>> -> memref<128xi32, #tpu.memory_space<hbm>>
        tpu.enqueue_dma source(%dma_start3A_294 : memref<128xi32, #tpu.memory_space<hbm>>) target(%dma_start3A_293 : memref<128xi32, #tpu.memory_space<vmem>>) target_semaphore(%run_scoped3A_286 : memref<!tpu.dma_semaphore, #tpu.memory_space<semaphore_mem>>)
        %dma_wait3A_295 = arith.constant 0 : i32
        %dma_wait3A_296 = tpu.memref_slice %arg11[%run_scoped3A_123, %dma_wait3A_295] : memref<10x128xi32, #tpu.memory_space<vmem>> -> memref<1x128xi32, #tpu.memory_space<vmem>>
        %dma_wait3A_297 = tpu.memref_squeeze %dma_wait3A_296 : memref<1x128xi32, #tpu.memory_space<vmem>> -> memref<128xi32, #tpu.memory_space<vmem>>
        %dma_wait3A_298 = tpu.memref_slice %arg3[%add3A_122] : memref<320000xi32, #tpu.memory_space<hbm>> -> memref<128xi32, #tpu.memory_space<hbm>>
        %dma_wait3A_299 = arith.constant 0 : i32
        %dma_wait3A_300 = tpu.memref_slice %arg11[%run_scoped3A_123, %dma_wait3A_299] : memref<10x128xi32, #tpu.memory_space<vmem>> -> memref<1x128xi32, #tpu.memory_space<vmem>>
        %dma_wait3A_301 = tpu.memref_squeeze %dma_wait3A_300 : memref<1x128xi32, #tpu.memory_space<vmem>> -> memref<128xi32, #tpu.memory_space<vmem>>
        %dma_wait3A_302 = tpu.memref_slice %arg3[%add3A_122] : memref<320000xi32, #tpu.memory_space<hbm>> -> memref<128xi32, #tpu.memory_space<hbm>>
        tpu.wait_dma2 semaphore(%run_scoped3A_286 : memref<!tpu.dma_semaphore, #tpu.memory_space<semaphore_mem>>) src(%dma_wait3A_302 : memref<128xi32, #tpu.memory_space<hbm>>) dst(%dma_wait3A_301 : memref<128xi32, #tpu.memory_space<vmem>>)
        tpu.yield
      }) : () -> ()
      %add3A_124 = arith.constant 1152 : i32
      %add3A_125 = arith.addi %mul3A_97, %add3A_124 : i32
      %run_scoped3A_126 = arith.constant 9 : i32
      "tpu.region"() ({
        %run_scoped3A_286 = tpu.sem_alloc : memref<!tpu.dma_semaphore, #tpu.memory_space<semaphore_mem>>
        %dma_start3A_287 = arith.constant 0 : i32
        %dma_start3A_288 = tpu.memref_slice %arg11[%run_scoped3A_126, %dma_start3A_287] : memref<10x128xi32, #tpu.memory_space<vmem>> -> memref<1x128xi32, #tpu.memory_space<vmem>>
        %dma_start3A_289 = tpu.memref_squeeze %dma_start3A_288 : memref<1x128xi32, #tpu.memory_space<vmem>> -> memref<128xi32, #tpu.memory_space<vmem>>
        %dma_start3A_290 = tpu.memref_slice %arg3[%add3A_125] : memref<320000xi32, #tpu.memory_space<hbm>> -> memref<128xi32, #tpu.memory_space<hbm>>
        %dma_start3A_291 = arith.constant 0 : i32
        %dma_start3A_292 = tpu.memref_slice %arg11[%run_scoped3A_126, %dma_start3A_291] : memref<10x128xi32, #tpu.memory_space<vmem>> -> memref<1x128xi32, #tpu.memory_space<vmem>>
        %dma_start3A_293 = tpu.memref_squeeze %dma_start3A_292 : memref<1x128xi32, #tpu.memory_space<vmem>> -> memref<128xi32, #tpu.memory_space<vmem>>
        %dma_start3A_294 = tpu.memref_slice %arg3[%add3A_125] : memref<320000xi32, #tpu.memory_space<hbm>> -> memref<128xi32, #tpu.memory_space<hbm>>
        tpu.enqueue_dma source(%dma_start3A_294 : memref<128xi32, #tpu.memory_space<hbm>>) target(%dma_start3A_293 : memref<128xi32, #tpu.memory_space<vmem>>) target_semaphore(%run_scoped3A_286 : memref<!tpu.dma_semaphore, #tpu.memory_space<semaphore_mem>>)
        %dma_wait3A_295 = arith.constant 0 : i32
        %dma_wait3A_296 = tpu.memref_slice %arg11[%run_scoped3A_126, %dma_wait3A_295] : memref<10x128xi32, #tpu.memory_space<vmem>> -> memref<1x128xi32, #tpu.memory_space<vmem>>
        %dma_wait3A_297 = tpu.memref_squeeze %dma_wait3A_296 : memref<1x128xi32, #tpu.memory_space<vmem>> -> memref<128xi32, #tpu.memory_space<vmem>>
        %dma_wait3A_298 = tpu.memref_slice %arg3[%add3A_125] : memref<320000xi32, #tpu.memory_space<hbm>> -> memref<128xi32, #tpu.memory_space<hbm>>
        %dma_wait3A_299 = arith.constant 0 : i32
        %dma_wait3A_300 = tpu.memref_slice %arg11[%run_scoped3A_126, %dma_wait3A_299] : memref<10x128xi32, #tpu.memory_space<vmem>> -> memref<1x128xi32, #tpu.memory_space<vmem>>
        %dma_wait3A_301 = tpu.memref_squeeze %dma_wait3A_300 : memref<1x128xi32, #tpu.memory_space<vmem>> -> memref<128xi32, #tpu.memory_space<vmem>>
        %dma_wait3A_302 = tpu.memref_slice %arg3[%add3A_125] : memref<320000xi32, #tpu.memory_space<hbm>> -> memref<128xi32, #tpu.memory_space<hbm>>
        tpu.wait_dma2 semaphore(%run_scoped3A_286 : memref<!tpu.dma_semaphore, #tpu.memory_space<semaphore_mem>>) src(%dma_wait3A_302 : memref<128xi32, #tpu.memory_space<hbm>>) dst(%dma_wait3A_301 : memref<128xi32, #tpu.memory_space<vmem>>)
        tpu.yield
      }) : () -> ()
      %dma_start3A = arith.constant 0 : i32
      %dma_start3A_127 = arith.constant 0 : i32
      %dma_start3A_128 = tpu.memref_slice %arg12[%dma_start3A_127] : memref<1280xf32, #tpu.memory_space<vmem>> -> memref<128xf32, #tpu.memory_space<vmem>>
      %dma_start3A_129 = arith.constant 0 : i32
      %dma_start3A_130 = tpu.memref_slice %arg11[%dma_start3A, %dma_start3A_129] : memref<10x128xi32, #tpu.memory_space<vmem>> -> memref<1x128xi32, #tpu.memory_space<vmem>>
      %dma_start3A_131 = tpu.memref_squeeze %dma_start3A_130 : memref<1x128xi32, #tpu.memory_space<vmem>> -> memref<128xi32, #tpu.memory_space<vmem>>
      %dma_start3A_132 = arith.constant 0 : i32
      %dma_start3A_133 = tpu.memref_slice %arg9[%dma_start3A_132] : memref<10000xf32, #tpu.memory_space<vmem_shared>> -> memref<10000xf32, #tpu.memory_space<vmem_shared>>
      tpu.enqueue_indirect_dma source(%dma_start3A_128 : memref<128xf32, #tpu.memory_space<vmem>>) target(%dma_start3A_133 : memref<10000xf32, #tpu.memory_space<vmem_shared>>) offsets(%dma_start3A_131 : memref<128xi32, #tpu.memory_space<vmem>>) semaphore(%arg18 : memref<!tpu.dma_semaphore, #tpu.memory_space<semaphore_mem>>) {add = true}
      %dma_start3A_134 = arith.constant 1 : i32
      %dma_start3A_135 = arith.constant 128 : i32
      %dma_start3A_136 = tpu.memref_slice %arg12[%dma_start3A_135] : memref<1280xf32, #tpu.memory_space<vmem>> -> memref<128xf32, #tpu.memory_space<vmem>>
      %dma_start3A_137 = arith.constant 0 : i32
      %dma_start3A_138 = tpu.memref_slice %arg11[%dma_start3A_134, %dma_start3A_137] : memref<10x128xi32, #tpu.memory_space<vmem>> -> memref<1x128xi32, #tpu.memory_space<vmem>>
      %dma_start3A_139 = tpu.memref_squeeze %dma_start3A_138 : memref<1x128xi32, #tpu.memory_space<vmem>> -> memref<128xi32, #tpu.memory_space<vmem>>
      %dma_start3A_140 = arith.constant 0 : i32
      %dma_start3A_141 = tpu.memref_slice %arg9[%dma_start3A_140] : memref<10000xf32, #tpu.memory_space<vmem_shared>> -> memref<10000xf32, #tpu.memory_space<vmem_shared>>
      tpu.enqueue_indirect_dma source(%dma_start3A_136 : memref<128xf32, #tpu.memory_space<vmem>>) target(%dma_start3A_141 : memref<10000xf32, #tpu.memory_space<vmem_shared>>) offsets(%dma_start3A_139 : memref<128xi32, #tpu.memory_space<vmem>>) semaphore(%arg18 : memref<!tpu.dma_semaphore, #tpu.memory_space<semaphore_mem>>) {add = true}
      %dma_start3A_142 = arith.constant 2 : i32
      %dma_start3A_143 = arith.constant 256 : i32
      %dma_start3A_144 = tpu.memref_slice %arg12[%dma_start3A_143] : memref<1280xf32, #tpu.memory_space<vmem>> -> memref<128xf32, #tpu.memory_space<vmem>>
      %dma_start3A_145 = arith.constant 0 : i32
      %dma_start3A_146 = tpu.memref_slice %arg11[%dma_start3A_142, %dma_start3A_145] : memref<10x128xi32, #tpu.memory_space<vmem>> -> memref<1x128xi32, #tpu.memory_space<vmem>>
      %dma_start3A_147 = tpu.memref_squeeze %dma_start3A_146 : memref<1x128xi32, #tpu.memory_space<vmem>> -> memref<128xi32, #tpu.memory_space<vmem>>
      %dma_start3A_148 = arith.constant 0 : i32
      %dma_start3A_149 = tpu.memref_slice %arg9[%dma_start3A_148] : memref<10000xf32, #tpu.memory_space<vmem_shared>> -> memref<10000xf32, #tpu.memory_space<vmem_shared>>
      tpu.enqueue_indirect_dma source(%dma_start3A_144 : memref<128xf32, #tpu.memory_space<vmem>>) target(%dma_start3A_149 : memref<10000xf32, #tpu.memory_space<vmem_shared>>) offsets(%dma_start3A_147 : memref<128xi32, #tpu.memory_space<vmem>>) semaphore(%arg18 : memref<!tpu.dma_semaphore, #tpu.memory_space<semaphore_mem>>) {add = true}
      %dma_start3A_150 = arith.constant 3 : i32
      %dma_start3A_151 = arith.constant 384 : i32
      %dma_start3A_152 = tpu.memref_slice %arg12[%dma_start3A_151] : memref<1280xf32, #tpu.memory_space<vmem>> -> memref<128xf32, #tpu.memory_space<vmem>>
      %dma_start3A_153 = arith.constant 0 : i32
      %dma_start3A_154 = tpu.memref_slice %arg11[%dma_start3A_150, %dma_start3A_153] : memref<10x128xi32, #tpu.memory_space<vmem>> -> memref<1x128xi32, #tpu.memory_space<vmem>>
      %dma_start3A_155 = tpu.memref_squeeze %dma_start3A_154 : memref<1x128xi32, #tpu.memory_space<vmem>> -> memref<128xi32, #tpu.memory_space<vmem>>
      %dma_start3A_156 = arith.constant 0 : i32
      %dma_start3A_157 = tpu.memref_slice %arg9[%dma_start3A_156] : memref<10000xf32, #tpu.memory_space<vmem_shared>> -> memref<10000xf32, #tpu.memory_space<vmem_shared>>
      tpu.enqueue_indirect_dma source(%dma_start3A_152 : memref<128xf32, #tpu.memory_space<vmem>>) target(%dma_start3A_157 : memref<10000xf32, #tpu.memory_space<vmem_shared>>) offsets(%dma_start3A_155 : memref<128xi32, #tpu.memory_space<vmem>>) semaphore(%arg18 : memref<!tpu.dma_semaphore, #tpu.memory_space<semaphore_mem>>) {add = true}
      %dma_start3A_158 = arith.constant 4 : i32
      %dma_start3A_159 = arith.constant 512 : i32
      %dma_start3A_160 = tpu.memref_slice %arg12[%dma_start3A_159] : memref<1280xf32, #tpu.memory_space<vmem>> -> memref<128xf32, #tpu.memory_space<vmem>>
      %dma_start3A_161 = arith.constant 0 : i32
      %dma_start3A_162 = tpu.memref_slice %arg11[%dma_start3A_158, %dma_start3A_161] : memref<10x128xi32, #tpu.memory_space<vmem>> -> memref<1x128xi32, #tpu.memory_space<vmem>>
      %dma_start3A_163 = tpu.memref_squeeze %dma_start3A_162 : memref<1x128xi32, #tpu.memory_space<vmem>> -> memref<128xi32, #tpu.memory_space<vmem>>
      %dma_start3A_164 = arith.constant 0 : i32
      %dma_start3A_165 = tpu.memref_slice %arg9[%dma_start3A_164] : memref<10000xf32, #tpu.memory_space<vmem_shared>> -> memref<10000xf32, #tpu.memory_space<vmem_shared>>
      tpu.enqueue_indirect_dma source(%dma_start3A_160 : memref<128xf32, #tpu.memory_space<vmem>>) target(%dma_start3A_165 : memref<10000xf32, #tpu.memory_space<vmem_shared>>) offsets(%dma_start3A_163 : memref<128xi32, #tpu.memory_space<vmem>>) semaphore(%arg18 : memref<!tpu.dma_semaphore, #tpu.memory_space<semaphore_mem>>) {add = true}
      %dma_start3A_166 = arith.constant 5 : i32
      %dma_start3A_167 = arith.constant 640 : i32
      %dma_start3A_168 = tpu.memref_slice %arg12[%dma_start3A_167] : memref<1280xf32, #tpu.memory_space<vmem>> -> memref<128xf32, #tpu.memory_space<vmem>>
      %dma_start3A_169 = arith.constant 0 : i32
      %dma_start3A_170 = tpu.memref_slice %arg11[%dma_start3A_166, %dma_start3A_169] : memref<10x128xi32, #tpu.memory_space<vmem>> -> memref<1x128xi32, #tpu.memory_space<vmem>>
      %dma_start3A_171 = tpu.memref_squeeze %dma_start3A_170 : memref<1x128xi32, #tpu.memory_space<vmem>> -> memref<128xi32, #tpu.memory_space<vmem>>
      %dma_start3A_172 = arith.constant 0 : i32
      %dma_start3A_173 = tpu.memref_slice %arg9[%dma_start3A_172] : memref<10000xf32, #tpu.memory_space<vmem_shared>> -> memref<10000xf32, #tpu.memory_space<vmem_shared>>
      tpu.enqueue_indirect_dma source(%dma_start3A_168 : memref<128xf32, #tpu.memory_space<vmem>>) target(%dma_start3A_173 : memref<10000xf32, #tpu.memory_space<vmem_shared>>) offsets(%dma_start3A_171 : memref<128xi32, #tpu.memory_space<vmem>>) semaphore(%arg18 : memref<!tpu.dma_semaphore, #tpu.memory_space<semaphore_mem>>) {add = true}
      %dma_start3A_174 = arith.constant 6 : i32
      %dma_start3A_175 = arith.constant 768 : i32
      %dma_start3A_176 = tpu.memref_slice %arg12[%dma_start3A_175] : memref<1280xf32, #tpu.memory_space<vmem>> -> memref<128xf32, #tpu.memory_space<vmem>>
      %dma_start3A_177 = arith.constant 0 : i32
      %dma_start3A_178 = tpu.memref_slice %arg11[%dma_start3A_174, %dma_start3A_177] : memref<10x128xi32, #tpu.memory_space<vmem>> -> memref<1x128xi32, #tpu.memory_space<vmem>>
      %dma_start3A_179 = tpu.memref_squeeze %dma_start3A_178 : memref<1x128xi32, #tpu.memory_space<vmem>> -> memref<128xi32, #tpu.memory_space<vmem>>
      %dma_start3A_180 = arith.constant 0 : i32
      %dma_start3A_181 = tpu.memref_slice %arg9[%dma_start3A_180] : memref<10000xf32, #tpu.memory_space<vmem_shared>> -> memref<10000xf32, #tpu.memory_space<vmem_shared>>
      tpu.enqueue_indirect_dma source(%dma_start3A_176 : memref<128xf32, #tpu.memory_space<vmem>>) target(%dma_start3A_181 : memref<10000xf32, #tpu.memory_space<vmem_shared>>) offsets(%dma_start3A_179 : memref<128xi32, #tpu.memory_space<vmem>>) semaphore(%arg18 : memref<!tpu.dma_semaphore, #tpu.memory_space<semaphore_mem>>) {add = true}
      %dma_start3A_182 = arith.constant 7 : i32
      %dma_start3A_183 = arith.constant 896 : i32
      %dma_start3A_184 = tpu.memref_slice %arg12[%dma_start3A_183] : memref<1280xf32, #tpu.memory_space<vmem>> -> memref<128xf32, #tpu.memory_space<vmem>>
      %dma_start3A_185 = arith.constant 0 : i32
      %dma_start3A_186 = tpu.memref_slice %arg11[%dma_start3A_182, %dma_start3A_185] : memref<10x128xi32, #tpu.memory_space<vmem>> -> memref<1x128xi32, #tpu.memory_space<vmem>>
      %dma_start3A_187 = tpu.memref_squeeze %dma_start3A_186 : memref<1x128xi32, #tpu.memory_space<vmem>> -> memref<128xi32, #tpu.memory_space<vmem>>
      %dma_start3A_188 = arith.constant 0 : i32
      %dma_start3A_189 = tpu.memref_slice %arg9[%dma_start3A_188] : memref<10000xf32, #tpu.memory_space<vmem_shared>> -> memref<10000xf32, #tpu.memory_space<vmem_shared>>
      tpu.enqueue_indirect_dma source(%dma_start3A_184 : memref<128xf32, #tpu.memory_space<vmem>>) target(%dma_start3A_189 : memref<10000xf32, #tpu.memory_space<vmem_shared>>) offsets(%dma_start3A_187 : memref<128xi32, #tpu.memory_space<vmem>>) semaphore(%arg18 : memref<!tpu.dma_semaphore, #tpu.memory_space<semaphore_mem>>) {add = true}
      %dma_start3A_190 = arith.constant 8 : i32
      %dma_start3A_191 = arith.constant 1024 : i32
      %dma_start3A_192 = tpu.memref_slice %arg12[%dma_start3A_191] : memref<1280xf32, #tpu.memory_space<vmem>> -> memref<128xf32, #tpu.memory_space<vmem>>
      %dma_start3A_193 = arith.constant 0 : i32
      %dma_start3A_194 = tpu.memref_slice %arg11[%dma_start3A_190, %dma_start3A_193] : memref<10x128xi32, #tpu.memory_space<vmem>> -> memref<1x128xi32, #tpu.memory_space<vmem>>
      %dma_start3A_195 = tpu.memref_squeeze %dma_start3A_194 : memref<1x128xi32, #tpu.memory_space<vmem>> -> memref<128xi32, #tpu.memory_space<vmem>>
      %dma_start3A_196 = arith.constant 0 : i32
      %dma_start3A_197 = tpu.memref_slice %arg9[%dma_start3A_196] : memref<10000xf32, #tpu.memory_space<vmem_shared>> -> memref<10000xf32, #tpu.memory_space<vmem_shared>>
      tpu.enqueue_indirect_dma source(%dma_start3A_192 : memref<128xf32, #tpu.memory_space<vmem>>) target(%dma_start3A_197 : memref<10000xf32, #tpu.memory_space<vmem_shared>>) offsets(%dma_start3A_195 : memref<128xi32, #tpu.memory_space<vmem>>) semaphore(%arg18 : memref<!tpu.dma_semaphore, #tpu.memory_space<semaphore_mem>>) {add = true}
      %dma_start3A_198 = arith.constant 9 : i32
      %dma_start3A_199 = arith.constant 1152 : i32
      %dma_start3A_200 = tpu.memref_slice %arg12[%dma_start3A_199] : memref<1280xf32, #tpu.memory_space<vmem>> -> memref<128xf32, #tpu.memory_space<vmem>>
      %dma_start3A_201 = arith.constant 0 : i32
      %dma_start3A_202 = tpu.memref_slice %arg11[%dma_start3A_198, %dma_start3A_201] : memref<10x128xi32, #tpu.memory_space<vmem>> -> memref<1x128xi32, #tpu.memory_space<vmem>>
      %dma_start3A_203 = tpu.memref_squeeze %dma_start3A_202 : memref<1x128xi32, #tpu.memory_space<vmem>> -> memref<128xi32, #tpu.memory_space<vmem>>
      %dma_start3A_204 = arith.constant 0 : i32
      %dma_start3A_205 = tpu.memref_slice %arg9[%dma_start3A_204] : memref<10000xf32, #tpu.memory_space<vmem_shared>> -> memref<10000xf32, #tpu.memory_space<vmem_shared>>
      tpu.enqueue_indirect_dma source(%dma_start3A_200 : memref<128xf32, #tpu.memory_space<vmem>>) target(%dma_start3A_205 : memref<10000xf32, #tpu.memory_space<vmem_shared>>) offsets(%dma_start3A_203 : memref<128xi32, #tpu.memory_space<vmem>>) semaphore(%arg18 : memref<!tpu.dma_semaphore, #tpu.memory_space<semaphore_mem>>) {add = true}
      %dma_wait3A = arith.constant 0 : i32
      %dma_wait3A_206 = arith.constant 0 : i32
      %dma_wait3A_207 = tpu.memref_slice %arg12[%dma_wait3A_206] : memref<1280xf32, #tpu.memory_space<vmem>> -> memref<128xf32, #tpu.memory_space<vmem>>
      %dma_wait3A_208 = arith.constant 0 : i32
      %dma_wait3A_209 = tpu.memref_slice %arg11[%dma_wait3A, %dma_wait3A_208] : memref<10x128xi32, #tpu.memory_space<vmem>> -> memref<1x128xi32, #tpu.memory_space<vmem>>
      %dma_wait3A_210 = tpu.memref_squeeze %dma_wait3A_209 : memref<1x128xi32, #tpu.memory_space<vmem>> -> memref<128xi32, #tpu.memory_space<vmem>>
      %dma_wait3A_211 = arith.constant 0 : i32
      %dma_wait3A_212 = tpu.memref_slice %arg9[%dma_wait3A_211] : memref<10000xf32, #tpu.memory_space<vmem_shared>> -> memref<10000xf32, #tpu.memory_space<vmem_shared>>
      tpu.wait_indirect_dma semaphore(%arg18 : memref<!tpu.dma_semaphore, #tpu.memory_space<semaphore_mem>>) src(%dma_wait3A_207 : memref<128xf32, #tpu.memory_space<vmem>>) dst(%dma_wait3A_212 : memref<10000xf32, #tpu.memory_space<vmem_shared>>)
      %dma_wait3A_213 = arith.constant 1 : i32
      %dma_wait3A_214 = arith.constant 128 : i32
      %dma_wait3A_215 = tpu.memref_slice %arg12[%dma_wait3A_214] : memref<1280xf32, #tpu.memory_space<vmem>> -> memref<128xf32, #tpu.memory_space<vmem>>
      %dma_wait3A_216 = arith.constant 0 : i32
      %dma_wait3A_217 = tpu.memref_slice %arg11[%dma_wait3A_213, %dma_wait3A_216] : memref<10x128xi32, #tpu.memory_space<vmem>> -> memref<1x128xi32, #tpu.memory_space<vmem>>
      %dma_wait3A_218 = tpu.memref_squeeze %dma_wait3A_217 : memref<1x128xi32, #tpu.memory_space<vmem>> -> memref<128xi32, #tpu.memory_space<vmem>>
      %dma_wait3A_219 = arith.constant 0 : i32
      %dma_wait3A_220 = tpu.memref_slice %arg9[%dma_wait3A_219] : memref<10000xf32, #tpu.memory_space<vmem_shared>> -> memref<10000xf32, #tpu.memory_space<vmem_shared>>
      tpu.wait_indirect_dma semaphore(%arg18 : memref<!tpu.dma_semaphore, #tpu.memory_space<semaphore_mem>>) src(%dma_wait3A_215 : memref<128xf32, #tpu.memory_space<vmem>>) dst(%dma_wait3A_220 : memref<10000xf32, #tpu.memory_space<vmem_shared>>)
      %dma_wait3A_221 = arith.constant 2 : i32
      %dma_wait3A_222 = arith.constant 256 : i32
      %dma_wait3A_223 = tpu.memref_slice %arg12[%dma_wait3A_222] : memref<1280xf32, #tpu.memory_space<vmem>> -> memref<128xf32, #tpu.memory_space<vmem>>
      %dma_wait3A_224 = arith.constant 0 : i32
      %dma_wait3A_225 = tpu.memref_slice %arg11[%dma_wait3A_221, %dma_wait3A_224] : memref<10x128xi32, #tpu.memory_space<vmem>> -> memref<1x128xi32, #tpu.memory_space<vmem>>
      %dma_wait3A_226 = tpu.memref_squeeze %dma_wait3A_225 : memref<1x128xi32, #tpu.memory_space<vmem>> -> memref<128xi32, #tpu.memory_space<vmem>>
      %dma_wait3A_227 = arith.constant 0 : i32
      %dma_wait3A_228 = tpu.memref_slice %arg9[%dma_wait3A_227] : memref<10000xf32, #tpu.memory_space<vmem_shared>> -> memref<10000xf32, #tpu.memory_space<vmem_shared>>
      tpu.wait_indirect_dma semaphore(%arg18 : memref<!tpu.dma_semaphore, #tpu.memory_space<semaphore_mem>>) src(%dma_wait3A_223 : memref<128xf32, #tpu.memory_space<vmem>>) dst(%dma_wait3A_228 : memref<10000xf32, #tpu.memory_space<vmem_shared>>)
      %dma_wait3A_229 = arith.constant 3 : i32
      %dma_wait3A_230 = arith.constant 384 : i32
      %dma_wait3A_231 = tpu.memref_slice %arg12[%dma_wait3A_230] : memref<1280xf32, #tpu.memory_space<vmem>> -> memref<128xf32, #tpu.memory_space<vmem>>
      %dma_wait3A_232 = arith.constant 0 : i32
      %dma_wait3A_233 = tpu.memref_slice %arg11[%dma_wait3A_229, %dma_wait3A_232] : memref<10x128xi32, #tpu.memory_space<vmem>> -> memref<1x128xi32, #tpu.memory_space<vmem>>
      %dma_wait3A_234 = tpu.memref_squeeze %dma_wait3A_233 : memref<1x128xi32, #tpu.memory_space<vmem>> -> memref<128xi32, #tpu.memory_space<vmem>>
      %dma_wait3A_235 = arith.constant 0 : i32
      %dma_wait3A_236 = tpu.memref_slice %arg9[%dma_wait3A_235] : memref<10000xf32, #tpu.memory_space<vmem_shared>> -> memref<10000xf32, #tpu.memory_space<vmem_shared>>
      tpu.wait_indirect_dma semaphore(%arg18 : memref<!tpu.dma_semaphore, #tpu.memory_space<semaphore_mem>>) src(%dma_wait3A_231 : memref<128xf32, #tpu.memory_space<vmem>>) dst(%dma_wait3A_236 : memref<10000xf32, #tpu.memory_space<vmem_shared>>)
      %dma_wait3A_237 = arith.constant 4 : i32
      %dma_wait3A_238 = arith.constant 512 : i32
      %dma_wait3A_239 = tpu.memref_slice %arg12[%dma_wait3A_238] : memref<1280xf32, #tpu.memory_space<vmem>> -> memref<128xf32, #tpu.memory_space<vmem>>
      %dma_wait3A_240 = arith.constant 0 : i32
      %dma_wait3A_241 = tpu.memref_slice %arg11[%dma_wait3A_237, %dma_wait3A_240] : memref<10x128xi32, #tpu.memory_space<vmem>> -> memref<1x128xi32, #tpu.memory_space<vmem>>
      %dma_wait3A_242 = tpu.memref_squeeze %dma_wait3A_241 : memref<1x128xi32, #tpu.memory_space<vmem>> -> memref<128xi32, #tpu.memory_space<vmem>>
      %dma_wait3A_243 = arith.constant 0 : i32
      %dma_wait3A_244 = tpu.memref_slice %arg9[%dma_wait3A_243] : memref<10000xf32, #tpu.memory_space<vmem_shared>> -> memref<10000xf32, #tpu.memory_space<vmem_shared>>
      tpu.wait_indirect_dma semaphore(%arg18 : memref<!tpu.dma_semaphore, #tpu.memory_space<semaphore_mem>>) src(%dma_wait3A_239 : memref<128xf32, #tpu.memory_space<vmem>>) dst(%dma_wait3A_244 : memref<10000xf32, #tpu.memory_space<vmem_shared>>)
      %dma_wait3A_245 = arith.constant 5 : i32
      %dma_wait3A_246 = arith.constant 640 : i32
      %dma_wait3A_247 = tpu.memref_slice %arg12[%dma_wait3A_246] : memref<1280xf32, #tpu.memory_space<vmem>> -> memref<128xf32, #tpu.memory_space<vmem>>
      %dma_wait3A_248 = arith.constant 0 : i32
      %dma_wait3A_249 = tpu.memref_slice %arg11[%dma_wait3A_245, %dma_wait3A_248] : memref<10x128xi32, #tpu.memory_space<vmem>> -> memref<1x128xi32, #tpu.memory_space<vmem>>
      %dma_wait3A_250 = tpu.memref_squeeze %dma_wait3A_249 : memref<1x128xi32, #tpu.memory_space<vmem>> -> memref<128xi32, #tpu.memory_space<vmem>>
      %dma_wait3A_251 = arith.constant 0 : i32
      %dma_wait3A_252 = tpu.memref_slice %arg9[%dma_wait3A_251] : memref<10000xf32, #tpu.memory_space<vmem_shared>> -> memref<10000xf32, #tpu.memory_space<vmem_shared>>
      tpu.wait_indirect_dma semaphore(%arg18 : memref<!tpu.dma_semaphore, #tpu.memory_space<semaphore_mem>>) src(%dma_wait3A_247 : memref<128xf32, #tpu.memory_space<vmem>>) dst(%dma_wait3A_252 : memref<10000xf32, #tpu.memory_space<vmem_shared>>)
      %dma_wait3A_253 = arith.constant 6 : i32
      %dma_wait3A_254 = arith.constant 768 : i32
      %dma_wait3A_255 = tpu.memref_slice %arg12[%dma_wait3A_254] : memref<1280xf32, #tpu.memory_space<vmem>> -> memref<128xf32, #tpu.memory_space<vmem>>
      %dma_wait3A_256 = arith.constant 0 : i32
      %dma_wait3A_257 = tpu.memref_slice %arg11[%dma_wait3A_253, %dma_wait3A_256] : memref<10x128xi32, #tpu.memory_space<vmem>> -> memref<1x128xi32, #tpu.memory_space<vmem>>
      %dma_wait3A_258 = tpu.memref_squeeze %dma_wait3A_257 : memref<1x128xi32, #tpu.memory_space<vmem>> -> memref<128xi32, #tpu.memory_space<vmem>>
      %dma_wait3A_259 = arith.constant 0 : i32
      %dma_wait3A_260 = tpu.memref_slice %arg9[%dma_wait3A_259] : memref<10000xf32, #tpu.memory_space<vmem_shared>> -> memref<10000xf32, #tpu.memory_space<vmem_shared>>
      tpu.wait_indirect_dma semaphore(%arg18 : memref<!tpu.dma_semaphore, #tpu.memory_space<semaphore_mem>>) src(%dma_wait3A_255 : memref<128xf32, #tpu.memory_space<vmem>>) dst(%dma_wait3A_260 : memref<10000xf32, #tpu.memory_space<vmem_shared>>)
      %dma_wait3A_261 = arith.constant 7 : i32
      %dma_wait3A_262 = arith.constant 896 : i32
      %dma_wait3A_263 = tpu.memref_slice %arg12[%dma_wait3A_262] : memref<1280xf32, #tpu.memory_space<vmem>> -> memref<128xf32, #tpu.memory_space<vmem>>
      %dma_wait3A_264 = arith.constant 0 : i32
      %dma_wait3A_265 = tpu.memref_slice %arg11[%dma_wait3A_261, %dma_wait3A_264] : memref<10x128xi32, #tpu.memory_space<vmem>> -> memref<1x128xi32, #tpu.memory_space<vmem>>
      %dma_wait3A_266 = tpu.memref_squeeze %dma_wait3A_265 : memref<1x128xi32, #tpu.memory_space<vmem>> -> memref<128xi32, #tpu.memory_space<vmem>>
      %dma_wait3A_267 = arith.constant 0 : i32
      %dma_wait3A_268 = tpu.memref_slice %arg9[%dma_wait3A_267] : memref<10000xf32, #tpu.memory_space<vmem_shared>> -> memref<10000xf32, #tpu.memory_space<vmem_shared>>
      tpu.wait_indirect_dma semaphore(%arg18 : memref<!tpu.dma_semaphore, #tpu.memory_space<semaphore_mem>>) src(%dma_wait3A_263 : memref<128xf32, #tpu.memory_space<vmem>>) dst(%dma_wait3A_268 : memref<10000xf32, #tpu.memory_space<vmem_shared>>)
      %dma_wait3A_269 = arith.constant 8 : i32
      %dma_wait3A_270 = arith.constant 1024 : i32
      %dma_wait3A_271 = tpu.memref_slice %arg12[%dma_wait3A_270] : memref<1280xf32, #tpu.memory_space<vmem>> -> memref<128xf32, #tpu.memory_space<vmem>>
      %dma_wait3A_272 = arith.constant 0 : i32
      %dma_wait3A_273 = tpu.memref_slice %arg11[%dma_wait3A_269, %dma_wait3A_272] : memref<10x128xi32, #tpu.memory_space<vmem>> -> memref<1x128xi32, #tpu.memory_space<vmem>>
      %dma_wait3A_274 = tpu.memref_squeeze %dma_wait3A_273 : memref<1x128xi32, #tpu.memory_space<vmem>> -> memref<128xi32, #tpu.memory_space<vmem>>
      %dma_wait3A_275 = arith.constant 0 : i32
      %dma_wait3A_276 = tpu.memref_slice %arg9[%dma_wait3A_275] : memref<10000xf32, #tpu.memory_space<vmem_shared>> -> memref<10000xf32, #tpu.memory_space<vmem_shared>>
      tpu.wait_indirect_dma semaphore(%arg18 : memref<!tpu.dma_semaphore, #tpu.memory_space<semaphore_mem>>) src(%dma_wait3A_271 : memref<128xf32, #tpu.memory_space<vmem>>) dst(%dma_wait3A_276 : memref<10000xf32, #tpu.memory_space<vmem_shared>>)
      %dma_wait3A_277 = arith.constant 9 : i32
      %dma_wait3A_278 = arith.constant 1152 : i32
      %dma_wait3A_279 = tpu.memref_slice %arg12[%dma_wait3A_278] : memref<1280xf32, #tpu.memory_space<vmem>> -> memref<128xf32, #tpu.memory_space<vmem>>
      %dma_wait3A_280 = arith.constant 0 : i32
      %dma_wait3A_281 = tpu.memref_slice %arg11[%dma_wait3A_277, %dma_wait3A_280] : memref<10x128xi32, #tpu.memory_space<vmem>> -> memref<1x128xi32, #tpu.memory_space<vmem>>
      %dma_wait3A_282 = tpu.memref_squeeze %dma_wait3A_281 : memref<1x128xi32, #tpu.memory_space<vmem>> -> memref<128xi32, #tpu.memory_space<vmem>>
      %dma_wait3A_283 = arith.constant 0 : i32
      %dma_wait3A_284 = tpu.memref_slice %arg9[%dma_wait3A_283] : memref<10000xf32, #tpu.memory_space<vmem_shared>> -> memref<10000xf32, #tpu.memory_space<vmem_shared>>
      tpu.wait_indirect_dma semaphore(%arg18 : memref<!tpu.dma_semaphore, #tpu.memory_space<semaphore_mem>>) src(%dma_wait3A_279 : memref<128xf32, #tpu.memory_space<vmem>>) dst(%dma_wait3A_284 : memref<10000xf32, #tpu.memory_space<vmem_shared>>)
      %while3A_285 = arith.constant 0 : i32
      scf.yield %while3A_285 : i32
    }
    %while3A_35 = arith.constant 1 : i32
    %while3A_36 = scf.for %while3A_89 = %while3A_32 to %while3A_28 step %while3A_35 iter_args(%while3A_90 = %while3A_34) -> (i32)  : i32 {
      %mul3A_91 = arith.constant 16 : i32
      %mul3A_92 = arith.muli %mul3A_91, %while3A_89 : i32
      %add3A_93 = arith.addi %arg1, %mul3A_92 : i32
      %mul3A_94 = arith.constant 10 : i32
      %mul3A_95 = arith.muli %add3A_93, %mul3A_94 : i32
      %mul3A_96 = arith.constant 128 : i32
      %mul3A_97 = arith.muli %mul3A_95, %mul3A_96 : i32
      "tpu.region"() ({
        %run_scoped3A_286 = tpu.sem_alloc : memref<!tpu.dma_semaphore, #tpu.memory_space<semaphore_mem>>
        %dma_start3A_287 = tpu.memref_slice %arg4[%mul3A_97] : memref<320000xf32, #tpu.memory_space<hbm>> -> memref<1280xf32, #tpu.memory_space<hbm>>
        %dma_start3A_288 = tpu.memref_slice %arg4[%mul3A_97] : memref<320000xf32, #tpu.memory_space<hbm>> -> memref<1280xf32, #tpu.memory_space<hbm>>
        tpu.enqueue_dma source(%dma_start3A_288 : memref<1280xf32, #tpu.memory_space<hbm>>) target(%arg12 : memref<1280xf32, #tpu.memory_space<vmem>>) target_semaphore(%run_scoped3A_286 : memref<!tpu.dma_semaphore, #tpu.memory_space<semaphore_mem>>)
        %dma_wait3A_289 = tpu.memref_slice %arg4[%mul3A_97] : memref<320000xf32, #tpu.memory_space<hbm>> -> memref<1280xf32, #tpu.memory_space<hbm>>
        %dma_wait3A_290 = tpu.memref_slice %arg4[%mul3A_97] : memref<320000xf32, #tpu.memory_space<hbm>> -> memref<1280xf32, #tpu.memory_space<hbm>>
        tpu.wait_dma2 semaphore(%run_scoped3A_286 : memref<!tpu.dma_semaphore, #tpu.memory_space<semaphore_mem>>) src(%dma_wait3A_290 : memref<1280xf32, #tpu.memory_space<hbm>>) dst(%arg12 : memref<1280xf32, #tpu.memory_space<vmem>>)
        tpu.yield
      }) : () -> ()
      %add3A_98 = arith.constant 0 : i32
      %add3A_99 = arith.addi %mul3A_97, %add3A_98 : i32
      %run_scoped3A = arith.constant 0 : i32
      "tpu.region"() ({
        %run_scoped3A_286 = tpu.sem_alloc : memref<!tpu.dma_semaphore, #tpu.memory_space<semaphore_mem>>
        %dma_start3A_287 = arith.constant 0 : i32
        %dma_start3A_288 = tpu.memref_slice %arg11[%run_scoped3A, %dma_start3A_287] : memref<10x128xi32, #tpu.memory_space<vmem>> -> memref<1x128xi32, #tpu.memory_space<vmem>>
        %dma_start3A_289 = tpu.memref_squeeze %dma_start3A_288 : memref<1x128xi32, #tpu.memory_space<vmem>> -> memref<128xi32, #tpu.memory_space<vmem>>
        %dma_start3A_290 = tpu.memref_slice %arg3[%add3A_99] : memref<320000xi32, #tpu.memory_space<hbm>> -> memref<128xi32, #tpu.memory_space<hbm>>
        %dma_start3A_291 = arith.constant 0 : i32
        %dma_start3A_292 = tpu.memref_slice %arg11[%run_scoped3A, %dma_start3A_291] : memref<10x128xi32, #tpu.memory_space<vmem>> -> memref<1x128xi32, #tpu.memory_space<vmem>>
        %dma_start3A_293 = tpu.memref_squeeze %dma_start3A_292 : memref<1x128xi32, #tpu.memory_space<vmem>> -> memref<128xi32, #tpu.memory_space<vmem>>
        %dma_start3A_294 = tpu.memref_slice %arg3[%add3A_99] : memref<320000xi32, #tpu.memory_space<hbm>> -> memref<128xi32, #tpu.memory_space<hbm>>
        tpu.enqueue_dma source(%dma_start3A_294 : memref<128xi32, #tpu.memory_space<hbm>>) target(%dma_start3A_293 : memref<128xi32, #tpu.memory_space<vmem>>) target_semaphore(%run_scoped3A_286 : memref<!tpu.dma_semaphore, #tpu.memory_space<semaphore_mem>>)
        %dma_wait3A_295 = arith.constant 0 : i32
        %dma_wait3A_296 = tpu.memref_slice %arg11[%run_scoped3A, %dma_wait3A_295] : memref<10x128xi32, #tpu.memory_space<vmem>> -> memref<1x128xi32, #tpu.memory_space<vmem>>
        %dma_wait3A_297 = tpu.memref_squeeze %dma_wait3A_296 : memref<1x128xi32, #tpu.memory_space<vmem>> -> memref<128xi32, #tpu.memory_space<vmem>>
        %dma_wait3A_298 = tpu.memref_slice %arg3[%add3A_99] : memref<320000xi32, #tpu.memory_space<hbm>> -> memref<128xi32, #tpu.memory_space<hbm>>
        %dma_wait3A_299 = arith.constant 0 : i32
        %dma_wait3A_300 = tpu.memref_slice %arg11[%run_scoped3A, %dma_wait3A_299] : memref<10x128xi32, #tpu.memory_space<vmem>> -> memref<1x128xi32, #tpu.memory_space<vmem>>
        %dma_wait3A_301 = tpu.memref_squeeze %dma_wait3A_300 : memref<1x128xi32, #tpu.memory_space<vmem>> -> memref<128xi32, #tpu.memory_space<vmem>>
        %dma_wait3A_302 = tpu.memref_slice %arg3[%add3A_99] : memref<320000xi32, #tpu.memory_space<hbm>> -> memref<128xi32, #tpu.memory_space<hbm>>
        tpu.wait_dma2 semaphore(%run_scoped3A_286 : memref<!tpu.dma_semaphore, #tpu.memory_space<semaphore_mem>>) src(%dma_wait3A_302 : memref<128xi32, #tpu.memory_space<hbm>>) dst(%dma_wait3A_301 : memref<128xi32, #tpu.memory_space<vmem>>)
        tpu.yield
      }) : () -> ()
      %add3A_100 = arith.constant 128 : i32
      %add3A_101 = arith.addi %mul3A_97, %add3A_100 : i32
      %run_scoped3A_102 = arith.constant 1 : i32
      "tpu.region"() ({
        %run_scoped3A_286 = tpu.sem_alloc : memref<!tpu.dma_semaphore, #tpu.memory_space<semaphore_mem>>
        %dma_start3A_287 = arith.constant 0 : i32
        %dma_start3A_288 = tpu.memref_slice %arg11[%run_scoped3A_102, %dma_start3A_287] : memref<10x128xi32, #tpu.memory_space<vmem>> -> memref<1x128xi32, #tpu.memory_space<vmem>>
        %dma_start3A_289 = tpu.memref_squeeze %dma_start3A_288 : memref<1x128xi32, #tpu.memory_space<vmem>> -> memref<128xi32, #tpu.memory_space<vmem>>
        %dma_start3A_290 = tpu.memref_slice %arg3[%add3A_101] : memref<320000xi32, #tpu.memory_space<hbm>> -> memref<128xi32, #tpu.memory_space<hbm>>
        %dma_start3A_291 = arith.constant 0 : i32
        %dma_start3A_292 = tpu.memref_slice %arg11[%run_scoped3A_102, %dma_start3A_291] : memref<10x128xi32, #tpu.memory_space<vmem>> -> memref<1x128xi32, #tpu.memory_space<vmem>>
        %dma_start3A_293 = tpu.memref_squeeze %dma_start3A_292 : memref<1x128xi32, #tpu.memory_space<vmem>> -> memref<128xi32, #tpu.memory_space<vmem>>
        %dma_start3A_294 = tpu.memref_slice %arg3[%add3A_101] : memref<320000xi32, #tpu.memory_space<hbm>> -> memref<128xi32, #tpu.memory_space<hbm>>
        tpu.enqueue_dma source(%dma_start3A_294 : memref<128xi32, #tpu.memory_space<hbm>>) target(%dma_start3A_293 : memref<128xi32, #tpu.memory_space<vmem>>) target_semaphore(%run_scoped3A_286 : memref<!tpu.dma_semaphore, #tpu.memory_space<semaphore_mem>>)
        %dma_wait3A_295 = arith.constant 0 : i32
        %dma_wait3A_296 = tpu.memref_slice %arg11[%run_scoped3A_102, %dma_wait3A_295] : memref<10x128xi32, #tpu.memory_space<vmem>> -> memref<1x128xi32, #tpu.memory_space<vmem>>
        %dma_wait3A_297 = tpu.memref_squeeze %dma_wait3A_296 : memref<1x128xi32, #tpu.memory_space<vmem>> -> memref<128xi32, #tpu.memory_space<vmem>>
        %dma_wait3A_298 = tpu.memref_slice %arg3[%add3A_101] : memref<320000xi32, #tpu.memory_space<hbm>> -> memref<128xi32, #tpu.memory_space<hbm>>
        %dma_wait3A_299 = arith.constant 0 : i32
        %dma_wait3A_300 = tpu.memref_slice %arg11[%run_scoped3A_102, %dma_wait3A_299] : memref<10x128xi32, #tpu.memory_space<vmem>> -> memref<1x128xi32, #tpu.memory_space<vmem>>
        %dma_wait3A_301 = tpu.memref_squeeze %dma_wait3A_300 : memref<1x128xi32, #tpu.memory_space<vmem>> -> memref<128xi32, #tpu.memory_space<vmem>>
        %dma_wait3A_302 = tpu.memref_slice %arg3[%add3A_101] : memref<320000xi32, #tpu.memory_space<hbm>> -> memref<128xi32, #tpu.memory_space<hbm>>
        tpu.wait_dma2 semaphore(%run_scoped3A_286 : memref<!tpu.dma_semaphore, #tpu.memory_space<semaphore_mem>>) src(%dma_wait3A_302 : memref<128xi32, #tpu.memory_space<hbm>>) dst(%dma_wait3A_301 : memref<128xi32, #tpu.memory_space<vmem>>)
        tpu.yield
      }) : () -> ()
      %add3A_103 = arith.constant 256 : i32
      %add3A_104 = arith.addi %mul3A_97, %add3A_103 : i32
      %run_scoped3A_105 = arith.constant 2 : i32
      "tpu.region"() ({
        %run_scoped3A_286 = tpu.sem_alloc : memref<!tpu.dma_semaphore, #tpu.memory_space<semaphore_mem>>
        %dma_start3A_287 = arith.constant 0 : i32
        %dma_start3A_288 = tpu.memref_slice %arg11[%run_scoped3A_105, %dma_start3A_287] : memref<10x128xi32, #tpu.memory_space<vmem>> -> memref<1x128xi32, #tpu.memory_space<vmem>>
        %dma_start3A_289 = tpu.memref_squeeze %dma_start3A_288 : memref<1x128xi32, #tpu.memory_space<vmem>> -> memref<128xi32, #tpu.memory_space<vmem>>
        %dma_start3A_290 = tpu.memref_slice %arg3[%add3A_104] : memref<320000xi32, #tpu.memory_space<hbm>> -> memref<128xi32, #tpu.memory_space<hbm>>
        %dma_start3A_291 = arith.constant 0 : i32
        %dma_start3A_292 = tpu.memref_slice %arg11[%run_scoped3A_105, %dma_start3A_291] : memref<10x128xi32, #tpu.memory_space<vmem>> -> memref<1x128xi32, #tpu.memory_space<vmem>>
        %dma_start3A_293 = tpu.memref_squeeze %dma_start3A_292 : memref<1x128xi32, #tpu.memory_space<vmem>> -> memref<128xi32, #tpu.memory_space<vmem>>
        %dma_start3A_294 = tpu.memref_slice %arg3[%add3A_104] : memref<320000xi32, #tpu.memory_space<hbm>> -> memref<128xi32, #tpu.memory_space<hbm>>
        tpu.enqueue_dma source(%dma_start3A_294 : memref<128xi32, #tpu.memory_space<hbm>>) target(%dma_start3A_293 : memref<128xi32, #tpu.memory_space<vmem>>) target_semaphore(%run_scoped3A_286 : memref<!tpu.dma_semaphore, #tpu.memory_space<semaphore_mem>>)
        %dma_wait3A_295 = arith.constant 0 : i32
        %dma_wait3A_296 = tpu.memref_slice %arg11[%run_scoped3A_105, %dma_wait3A_295] : memref<10x128xi32, #tpu.memory_space<vmem>> -> memref<1x128xi32, #tpu.memory_space<vmem>>
        %dma_wait3A_297 = tpu.memref_squeeze %dma_wait3A_296 : memref<1x128xi32, #tpu.memory_space<vmem>> -> memref<128xi32, #tpu.memory_space<vmem>>
        %dma_wait3A_298 = tpu.memref_slice %arg3[%add3A_104] : memref<320000xi32, #tpu.memory_space<hbm>> -> memref<128xi32, #tpu.memory_space<hbm>>
        %dma_wait3A_299 = arith.constant 0 : i32
        %dma_wait3A_300 = tpu.memref_slice %arg11[%run_scoped3A_105, %dma_wait3A_299] : memref<10x128xi32, #tpu.memory_space<vmem>> -> memref<1x128xi32, #tpu.memory_space<vmem>>
        %dma_wait3A_301 = tpu.memref_squeeze %dma_wait3A_300 : memref<1x128xi32, #tpu.memory_space<vmem>> -> memref<128xi32, #tpu.memory_space<vmem>>
        %dma_wait3A_302 = tpu.memref_slice %arg3[%add3A_104] : memref<320000xi32, #tpu.memory_space<hbm>> -> memref<128xi32, #tpu.memory_space<hbm>>
        tpu.wait_dma2 semaphore(%run_scoped3A_286 : memref<!tpu.dma_semaphore, #tpu.memory_space<semaphore_mem>>) src(%dma_wait3A_302 : memref<128xi32, #tpu.memory_space<hbm>>) dst(%dma_wait3A_301 : memref<128xi32, #tpu.memory_space<vmem>>)
        tpu.yield
      }) : () -> ()
      %add3A_106 = arith.constant 384 : i32
      %add3A_107 = arith.addi %mul3A_97, %add3A_106 : i32
      %run_scoped3A_108 = arith.constant 3 : i32
      "tpu.region"() ({
        %run_scoped3A_286 = tpu.sem_alloc : memref<!tpu.dma_semaphore, #tpu.memory_space<semaphore_mem>>
        %dma_start3A_287 = arith.constant 0 : i32
        %dma_start3A_288 = tpu.memref_slice %arg11[%run_scoped3A_108, %dma_start3A_287] : memref<10x128xi32, #tpu.memory_space<vmem>> -> memref<1x128xi32, #tpu.memory_space<vmem>>
        %dma_start3A_289 = tpu.memref_squeeze %dma_start3A_288 : memref<1x128xi32, #tpu.memory_space<vmem>> -> memref<128xi32, #tpu.memory_space<vmem>>
        %dma_start3A_290 = tpu.memref_slice %arg3[%add3A_107] : memref<320000xi32, #tpu.memory_space<hbm>> -> memref<128xi32, #tpu.memory_space<hbm>>
        %dma_start3A_291 = arith.constant 0 : i32
        %dma_start3A_292 = tpu.memref_slice %arg11[%run_scoped3A_108, %dma_start3A_291] : memref<10x128xi32, #tpu.memory_space<vmem>> -> memref<1x128xi32, #tpu.memory_space<vmem>>
        %dma_start3A_293 = tpu.memref_squeeze %dma_start3A_292 : memref<1x128xi32, #tpu.memory_space<vmem>> -> memref<128xi32, #tpu.memory_space<vmem>>
        %dma_start3A_294 = tpu.memref_slice %arg3[%add3A_107] : memref<320000xi32, #tpu.memory_space<hbm>> -> memref<128xi32, #tpu.memory_space<hbm>>
        tpu.enqueue_dma source(%dma_start3A_294 : memref<128xi32, #tpu.memory_space<hbm>>) target(%dma_start3A_293 : memref<128xi32, #tpu.memory_space<vmem>>) target_semaphore(%run_scoped3A_286 : memref<!tpu.dma_semaphore, #tpu.memory_space<semaphore_mem>>)
        %dma_wait3A_295 = arith.constant 0 : i32
        %dma_wait3A_296 = tpu.memref_slice %arg11[%run_scoped3A_108, %dma_wait3A_295] : memref<10x128xi32, #tpu.memory_space<vmem>> -> memref<1x128xi32, #tpu.memory_space<vmem>>
        %dma_wait3A_297 = tpu.memref_squeeze %dma_wait3A_296 : memref<1x128xi32, #tpu.memory_space<vmem>> -> memref<128xi32, #tpu.memory_space<vmem>>
        %dma_wait3A_298 = tpu.memref_slice %arg3[%add3A_107] : memref<320000xi32, #tpu.memory_space<hbm>> -> memref<128xi32, #tpu.memory_space<hbm>>
        %dma_wait3A_299 = arith.constant 0 : i32
        %dma_wait3A_300 = tpu.memref_slice %arg11[%run_scoped3A_108, %dma_wait3A_299] : memref<10x128xi32, #tpu.memory_space<vmem>> -> memref<1x128xi32, #tpu.memory_space<vmem>>
        %dma_wait3A_301 = tpu.memref_squeeze %dma_wait3A_300 : memref<1x128xi32, #tpu.memory_space<vmem>> -> memref<128xi32, #tpu.memory_space<vmem>>
        %dma_wait3A_302 = tpu.memref_slice %arg3[%add3A_107] : memref<320000xi32, #tpu.memory_space<hbm>> -> memref<128xi32, #tpu.memory_space<hbm>>
        tpu.wait_dma2 semaphore(%run_scoped3A_286 : memref<!tpu.dma_semaphore, #tpu.memory_space<semaphore_mem>>) src(%dma_wait3A_302 : memref<128xi32, #tpu.memory_space<hbm>>) dst(%dma_wait3A_301 : memref<128xi32, #tpu.memory_space<vmem>>)
        tpu.yield
      }) : () -> ()
      %add3A_109 = arith.constant 512 : i32
      %add3A_110 = arith.addi %mul3A_97, %add3A_109 : i32
      %run_scoped3A_111 = arith.constant 4 : i32
      "tpu.region"() ({
        %run_scoped3A_286 = tpu.sem_alloc : memref<!tpu.dma_semaphore, #tpu.memory_space<semaphore_mem>>
        %dma_start3A_287 = arith.constant 0 : i32
        %dma_start3A_288 = tpu.memref_slice %arg11[%run_scoped3A_111, %dma_start3A_287] : memref<10x128xi32, #tpu.memory_space<vmem>> -> memref<1x128xi32, #tpu.memory_space<vmem>>
        %dma_start3A_289 = tpu.memref_squeeze %dma_start3A_288 : memref<1x128xi32, #tpu.memory_space<vmem>> -> memref<128xi32, #tpu.memory_space<vmem>>
        %dma_start3A_290 = tpu.memref_slice %arg3[%add3A_110] : memref<320000xi32, #tpu.memory_space<hbm>> -> memref<128xi32, #tpu.memory_space<hbm>>
        %dma_start3A_291 = arith.constant 0 : i32
        %dma_start3A_292 = tpu.memref_slice %arg11[%run_scoped3A_111, %dma_start3A_291] : memref<10x128xi32, #tpu.memory_space<vmem>> -> memref<1x128xi32, #tpu.memory_space<vmem>>
        %dma_start3A_293 = tpu.memref_squeeze %dma_start3A_292 : memref<1x128xi32, #tpu.memory_space<vmem>> -> memref<128xi32, #tpu.memory_space<vmem>>
        %dma_start3A_294 = tpu.memref_slice %arg3[%add3A_110] : memref<320000xi32, #tpu.memory_space<hbm>> -> memref<128xi32, #tpu.memory_space<hbm>>
        tpu.enqueue_dma source(%dma_start3A_294 : memref<128xi32, #tpu.memory_space<hbm>>) target(%dma_start3A_293 : memref<128xi32, #tpu.memory_space<vmem>>) target_semaphore(%run_scoped3A_286 : memref<!tpu.dma_semaphore, #tpu.memory_space<semaphore_mem>>)
        %dma_wait3A_295 = arith.constant 0 : i32
        %dma_wait3A_296 = tpu.memref_slice %arg11[%run_scoped3A_111, %dma_wait3A_295] : memref<10x128xi32, #tpu.memory_space<vmem>> -> memref<1x128xi32, #tpu.memory_space<vmem>>
        %dma_wait3A_297 = tpu.memref_squeeze %dma_wait3A_296 : memref<1x128xi32, #tpu.memory_space<vmem>> -> memref<128xi32, #tpu.memory_space<vmem>>
        %dma_wait3A_298 = tpu.memref_slice %arg3[%add3A_110] : memref<320000xi32, #tpu.memory_space<hbm>> -> memref<128xi32, #tpu.memory_space<hbm>>
        %dma_wait3A_299 = arith.constant 0 : i32
        %dma_wait3A_300 = tpu.memref_slice %arg11[%run_scoped3A_111, %dma_wait3A_299] : memref<10x128xi32, #tpu.memory_space<vmem>> -> memref<1x128xi32, #tpu.memory_space<vmem>>
        %dma_wait3A_301 = tpu.memref_squeeze %dma_wait3A_300 : memref<1x128xi32, #tpu.memory_space<vmem>> -> memref<128xi32, #tpu.memory_space<vmem>>
        %dma_wait3A_302 = tpu.memref_slice %arg3[%add3A_110] : memref<320000xi32, #tpu.memory_space<hbm>> -> memref<128xi32, #tpu.memory_space<hbm>>
        tpu.wait_dma2 semaphore(%run_scoped3A_286 : memref<!tpu.dma_semaphore, #tpu.memory_space<semaphore_mem>>) src(%dma_wait3A_302 : memref<128xi32, #tpu.memory_space<hbm>>) dst(%dma_wait3A_301 : memref<128xi32, #tpu.memory_space<vmem>>)
        tpu.yield
      }) : () -> ()
      %add3A_112 = arith.constant 640 : i32
      %add3A_113 = arith.addi %mul3A_97, %add3A_112 : i32
      %run_scoped3A_114 = arith.constant 5 : i32
      "tpu.region"() ({
        %run_scoped3A_286 = tpu.sem_alloc : memref<!tpu.dma_semaphore, #tpu.memory_space<semaphore_mem>>
        %dma_start3A_287 = arith.constant 0 : i32
        %dma_start3A_288 = tpu.memref_slice %arg11[%run_scoped3A_114, %dma_start3A_287] : memref<10x128xi32, #tpu.memory_space<vmem>> -> memref<1x128xi32, #tpu.memory_space<vmem>>
        %dma_start3A_289 = tpu.memref_squeeze %dma_start3A_288 : memref<1x128xi32, #tpu.memory_space<vmem>> -> memref<128xi32, #tpu.memory_space<vmem>>
        %dma_start3A_290 = tpu.memref_slice %arg3[%add3A_113] : memref<320000xi32, #tpu.memory_space<hbm>> -> memref<128xi32, #tpu.memory_space<hbm>>
        %dma_start3A_291 = arith.constant 0 : i32
        %dma_start3A_292 = tpu.memref_slice %arg11[%run_scoped3A_114, %dma_start3A_291] : memref<10x128xi32, #tpu.memory_space<vmem>> -> memref<1x128xi32, #tpu.memory_space<vmem>>
        %dma_start3A_293 = tpu.memref_squeeze %dma_start3A_292 : memref<1x128xi32, #tpu.memory_space<vmem>> -> memref<128xi32, #tpu.memory_space<vmem>>
        %dma_start3A_294 = tpu.memref_slice %arg3[%add3A_113] : memref<320000xi32, #tpu.memory_space<hbm>> -> memref<128xi32, #tpu.memory_space<hbm>>
        tpu.enqueue_dma source(%dma_start3A_294 : memref<128xi32, #tpu.memory_space<hbm>>) target(%dma_start3A_293 : memref<128xi32, #tpu.memory_space<vmem>>) target_semaphore(%run_scoped3A_286 : memref<!tpu.dma_semaphore, #tpu.memory_space<semaphore_mem>>)
        %dma_wait3A_295 = arith.constant 0 : i32
        %dma_wait3A_296 = tpu.memref_slice %arg11[%run_scoped3A_114, %dma_wait3A_295] : memref<10x128xi32, #tpu.memory_space<vmem>> -> memref<1x128xi32, #tpu.memory_space<vmem>>
        %dma_wait3A_297 = tpu.memref_squeeze %dma_wait3A_296 : memref<1x128xi32, #tpu.memory_space<vmem>> -> memref<128xi32, #tpu.memory_space<vmem>>
        %dma_wait3A_298 = tpu.memref_slice %arg3[%add3A_113] : memref<320000xi32, #tpu.memory_space<hbm>> -> memref<128xi32, #tpu.memory_space<hbm>>
        %dma_wait3A_299 = arith.constant 0 : i32
        %dma_wait3A_300 = tpu.memref_slice %arg11[%run_scoped3A_114, %dma_wait3A_299] : memref<10x128xi32, #tpu.memory_space<vmem>> -> memref<1x128xi32, #tpu.memory_space<vmem>>
        %dma_wait3A_301 = tpu.memref_squeeze %dma_wait3A_300 : memref<1x128xi32, #tpu.memory_space<vmem>> -> memref<128xi32, #tpu.memory_space<vmem>>
        %dma_wait3A_302 = tpu.memref_slice %arg3[%add3A_113] : memref<320000xi32, #tpu.memory_space<hbm>> -> memref<128xi32, #tpu.memory_space<hbm>>
        tpu.wait_dma2 semaphore(%run_scoped3A_286 : memref<!tpu.dma_semaphore, #tpu.memory_space<semaphore_mem>>) src(%dma_wait3A_302 : memref<128xi32, #tpu.memory_space<hbm>>) dst(%dma_wait3A_301 : memref<128xi32, #tpu.memory_space<vmem>>)
        tpu.yield
      }) : () -> ()
      %add3A_115 = arith.constant 768 : i32
      %add3A_116 = arith.addi %mul3A_97, %add3A_115 : i32
      %run_scoped3A_117 = arith.constant 6 : i32
      "tpu.region"() ({
        %run_scoped3A_286 = tpu.sem_alloc : memref<!tpu.dma_semaphore, #tpu.memory_space<semaphore_mem>>
        %dma_start3A_287 = arith.constant 0 : i32
        %dma_start3A_288 = tpu.memref_slice %arg11[%run_scoped3A_117, %dma_start3A_287] : memref<10x128xi32, #tpu.memory_space<vmem>> -> memref<1x128xi32, #tpu.memory_space<vmem>>
        %dma_start3A_289 = tpu.memref_squeeze %dma_start3A_288 : memref<1x128xi32, #tpu.memory_space<vmem>> -> memref<128xi32, #tpu.memory_space<vmem>>
        %dma_start3A_290 = tpu.memref_slice %arg3[%add3A_116] : memref<320000xi32, #tpu.memory_space<hbm>> -> memref<128xi32, #tpu.memory_space<hbm>>
        %dma_start3A_291 = arith.constant 0 : i32
        %dma_start3A_292 = tpu.memref_slice %arg11[%run_scoped3A_117, %dma_start3A_291] : memref<10x128xi32, #tpu.memory_space<vmem>> -> memref<1x128xi32, #tpu.memory_space<vmem>>
        %dma_start3A_293 = tpu.memref_squeeze %dma_start3A_292 : memref<1x128xi32, #tpu.memory_space<vmem>> -> memref<128xi32, #tpu.memory_space<vmem>>
        %dma_start3A_294 = tpu.memref_slice %arg3[%add3A_116] : memref<320000xi32, #tpu.memory_space<hbm>> -> memref<128xi32, #tpu.memory_space<hbm>>
        tpu.enqueue_dma source(%dma_start3A_294 : memref<128xi32, #tpu.memory_space<hbm>>) target(%dma_start3A_293 : memref<128xi32, #tpu.memory_space<vmem>>) target_semaphore(%run_scoped3A_286 : memref<!tpu.dma_semaphore, #tpu.memory_space<semaphore_mem>>)
        %dma_wait3A_295 = arith.constant 0 : i32
        %dma_wait3A_296 = tpu.memref_slice %arg11[%run_scoped3A_117, %dma_wait3A_295] : memref<10x128xi32, #tpu.memory_space<vmem>> -> memref<1x128xi32, #tpu.memory_space<vmem>>
        %dma_wait3A_297 = tpu.memref_squeeze %dma_wait3A_296 : memref<1x128xi32, #tpu.memory_space<vmem>> -> memref<128xi32, #tpu.memory_space<vmem>>
        %dma_wait3A_298 = tpu.memref_slice %arg3[%add3A_116] : memref<320000xi32, #tpu.memory_space<hbm>> -> memref<128xi32, #tpu.memory_space<hbm>>
        %dma_wait3A_299 = arith.constant 0 : i32
        %dma_wait3A_300 = tpu.memref_slice %arg11[%run_scoped3A_117, %dma_wait3A_299] : memref<10x128xi32, #tpu.memory_space<vmem>> -> memref<1x128xi32, #tpu.memory_space<vmem>>
        %dma_wait3A_301 = tpu.memref_squeeze %dma_wait3A_300 : memref<1x128xi32, #tpu.memory_space<vmem>> -> memref<128xi32, #tpu.memory_space<vmem>>
        %dma_wait3A_302 = tpu.memref_slice %arg3[%add3A_116] : memref<320000xi32, #tpu.memory_space<hbm>> -> memref<128xi32, #tpu.memory_space<hbm>>
        tpu.wait_dma2 semaphore(%run_scoped3A_286 : memref<!tpu.dma_semaphore, #tpu.memory_space<semaphore_mem>>) src(%dma_wait3A_302 : memref<128xi32, #tpu.memory_space<hbm>>) dst(%dma_wait3A_301 : memref<128xi32, #tpu.memory_space<vmem>>)
        tpu.yield
      }) : () -> ()
      %add3A_118 = arith.constant 896 : i32
      %add3A_119 = arith.addi %mul3A_97, %add3A_118 : i32
      %run_scoped3A_120 = arith.constant 7 : i32
      "tpu.region"() ({
        %run_scoped3A_286 = tpu.sem_alloc : memref<!tpu.dma_semaphore, #tpu.memory_space<semaphore_mem>>
        %dma_start3A_287 = arith.constant 0 : i32
        %dma_start3A_288 = tpu.memref_slice %arg11[%run_scoped3A_120, %dma_start3A_287] : memref<10x128xi32, #tpu.memory_space<vmem>> -> memref<1x128xi32, #tpu.memory_space<vmem>>
        %dma_start3A_289 = tpu.memref_squeeze %dma_start3A_288 : memref<1x128xi32, #tpu.memory_space<vmem>> -> memref<128xi32, #tpu.memory_space<vmem>>
        %dma_start3A_290 = tpu.memref_slice %arg3[%add3A_119] : memref<320000xi32, #tpu.memory_space<hbm>> -> memref<128xi32, #tpu.memory_space<hbm>>
        %dma_start3A_291 = arith.constant 0 : i32
        %dma_start3A_292 = tpu.memref_slice %arg11[%run_scoped3A_120, %dma_start3A_291] : memref<10x128xi32, #tpu.memory_space<vmem>> -> memref<1x128xi32, #tpu.memory_space<vmem>>
        %dma_start3A_293 = tpu.memref_squeeze %dma_start3A_292 : memref<1x128xi32, #tpu.memory_space<vmem>> -> memref<128xi32, #tpu.memory_space<vmem>>
        %dma_start3A_294 = tpu.memref_slice %arg3[%add3A_119] : memref<320000xi32, #tpu.memory_space<hbm>> -> memref<128xi32, #tpu.memory_space<hbm>>
        tpu.enqueue_dma source(%dma_start3A_294 : memref<128xi32, #tpu.memory_space<hbm>>) target(%dma_start3A_293 : memref<128xi32, #tpu.memory_space<vmem>>) target_semaphore(%run_scoped3A_286 : memref<!tpu.dma_semaphore, #tpu.memory_space<semaphore_mem>>)
        %dma_wait3A_295 = arith.constant 0 : i32
        %dma_wait3A_296 = tpu.memref_slice %arg11[%run_scoped3A_120, %dma_wait3A_295] : memref<10x128xi32, #tpu.memory_space<vmem>> -> memref<1x128xi32, #tpu.memory_space<vmem>>
        %dma_wait3A_297 = tpu.memref_squeeze %dma_wait3A_296 : memref<1x128xi32, #tpu.memory_space<vmem>> -> memref<128xi32, #tpu.memory_space<vmem>>
        %dma_wait3A_298 = tpu.memref_slice %arg3[%add3A_119] : memref<320000xi32, #tpu.memory_space<hbm>> -> memref<128xi32, #tpu.memory_space<hbm>>
        %dma_wait3A_299 = arith.constant 0 : i32
        %dma_wait3A_300 = tpu.memref_slice %arg11[%run_scoped3A_120, %dma_wait3A_299] : memref<10x128xi32, #tpu.memory_space<vmem>> -> memref<1x128xi32, #tpu.memory_space<vmem>>
        %dma_wait3A_301 = tpu.memref_squeeze %dma_wait3A_300 : memref<1x128xi32, #tpu.memory_space<vmem>> -> memref<128xi32, #tpu.memory_space<vmem>>
        %dma_wait3A_302 = tpu.memref_slice %arg3[%add3A_119] : memref<320000xi32, #tpu.memory_space<hbm>> -> memref<128xi32, #tpu.memory_space<hbm>>
        tpu.wait_dma2 semaphore(%run_scoped3A_286 : memref<!tpu.dma_semaphore, #tpu.memory_space<semaphore_mem>>) src(%dma_wait3A_302 : memref<128xi32, #tpu.memory_space<hbm>>) dst(%dma_wait3A_301 : memref<128xi32, #tpu.memory_space<vmem>>)
        tpu.yield
      }) : () -> ()
      %add3A_121 = arith.constant 1024 : i32
      %add3A_122 = arith.addi %mul3A_97, %add3A_121 : i32
      %run_scoped3A_123 = arith.constant 8 : i32
      "tpu.region"() ({
        %run_scoped3A_286 = tpu.sem_alloc : memref<!tpu.dma_semaphore, #tpu.memory_space<semaphore_mem>>
        %dma_start3A_287 = arith.constant 0 : i32
        %dma_start3A_288 = tpu.memref_slice %arg11[%run_scoped3A_123, %dma_start3A_287] : memref<10x128xi32, #tpu.memory_space<vmem>> -> memref<1x128xi32, #tpu.memory_space<vmem>>
        %dma_start3A_289 = tpu.memref_squeeze %dma_start3A_288 : memref<1x128xi32, #tpu.memory_space<vmem>> -> memref<128xi32, #tpu.memory_space<vmem>>
        %dma_start3A_290 = tpu.memref_slice %arg3[%add3A_122] : memref<320000xi32, #tpu.memory_space<hbm>> -> memref<128xi32, #tpu.memory_space<hbm>>
        %dma_start3A_291 = arith.constant 0 : i32
        %dma_start3A_292 = tpu.memref_slice %arg11[%run_scoped3A_123, %dma_start3A_291] : memref<10x128xi32, #tpu.memory_space<vmem>> -> memref<1x128xi32, #tpu.memory_space<vmem>>
        %dma_start3A_293 = tpu.memref_squeeze %dma_start3A_292 : memref<1x128xi32, #tpu.memory_space<vmem>> -> memref<128xi32, #tpu.memory_space<vmem>>
        %dma_start3A_294 = tpu.memref_slice %arg3[%add3A_122] : memref<320000xi32, #tpu.memory_space<hbm>> -> memref<128xi32, #tpu.memory_space<hbm>>
        tpu.enqueue_dma source(%dma_start3A_294 : memref<128xi32, #tpu.memory_space<hbm>>) target(%dma_start3A_293 : memref<128xi32, #tpu.memory_space<vmem>>) target_semaphore(%run_scoped3A_286 : memref<!tpu.dma_semaphore, #tpu.memory_space<semaphore_mem>>)
        %dma_wait3A_295 = arith.constant 0 : i32
        %dma_wait3A_296 = tpu.memref_slice %arg11[%run_scoped3A_123, %dma_wait3A_295] : memref<10x128xi32, #tpu.memory_space<vmem>> -> memref<1x128xi32, #tpu.memory_space<vmem>>
        %dma_wait3A_297 = tpu.memref_squeeze %dma_wait3A_296 : memref<1x128xi32, #tpu.memory_space<vmem>> -> memref<128xi32, #tpu.memory_space<vmem>>
        %dma_wait3A_298 = tpu.memref_slice %arg3[%add3A_122] : memref<320000xi32, #tpu.memory_space<hbm>> -> memref<128xi32, #tpu.memory_space<hbm>>
        %dma_wait3A_299 = arith.constant 0 : i32
        %dma_wait3A_300 = tpu.memref_slice %arg11[%run_scoped3A_123, %dma_wait3A_299] : memref<10x128xi32, #tpu.memory_space<vmem>> -> memref<1x128xi32, #tpu.memory_space<vmem>>
        %dma_wait3A_301 = tpu.memref_squeeze %dma_wait3A_300 : memref<1x128xi32, #tpu.memory_space<vmem>> -> memref<128xi32, #tpu.memory_space<vmem>>
        %dma_wait3A_302 = tpu.memref_slice %arg3[%add3A_122] : memref<320000xi32, #tpu.memory_space<hbm>> -> memref<128xi32, #tpu.memory_space<hbm>>
        tpu.wait_dma2 semaphore(%run_scoped3A_286 : memref<!tpu.dma_semaphore, #tpu.memory_space<semaphore_mem>>) src(%dma_wait3A_302 : memref<128xi32, #tpu.memory_space<hbm>>) dst(%dma_wait3A_301 : memref<128xi32, #tpu.memory_space<vmem>>)
        tpu.yield
      }) : () -> ()
      %add3A_124 = arith.constant 1152 : i32
      %add3A_125 = arith.addi %mul3A_97, %add3A_124 : i32
      %run_scoped3A_126 = arith.constant 9 : i32
      "tpu.region"() ({
        %run_scoped3A_286 = tpu.sem_alloc : memref<!tpu.dma_semaphore, #tpu.memory_space<semaphore_mem>>
        %dma_start3A_287 = arith.constant 0 : i32
        %dma_start3A_288 = tpu.memref_slice %arg11[%run_scoped3A_126, %dma_start3A_287] : memref<10x128xi32, #tpu.memory_space<vmem>> -> memref<1x128xi32, #tpu.memory_space<vmem>>
        %dma_start3A_289 = tpu.memref_squeeze %dma_start3A_288 : memref<1x128xi32, #tpu.memory_space<vmem>> -> memref<128xi32, #tpu.memory_space<vmem>>
        %dma_start3A_290 = tpu.memref_slice %arg3[%add3A_125] : memref<320000xi32, #tpu.memory_space<hbm>> -> memref<128xi32, #tpu.memory_space<hbm>>
        %dma_start3A_291 = arith.constant 0 : i32
        %dma_start3A_292 = tpu.memref_slice %arg11[%run_scoped3A_126, %dma_start3A_291] : memref<10x128xi32, #tpu.memory_space<vmem>> -> memref<1x128xi32, #tpu.memory_space<vmem>>
        %dma_start3A_293 = tpu.memref_squeeze %dma_start3A_292 : memref<1x128xi32, #tpu.memory_space<vmem>> -> memref<128xi32, #tpu.memory_space<vmem>>
        %dma_start3A_294 = tpu.memref_slice %arg3[%add3A_125] : memref<320000xi32, #tpu.memory_space<hbm>> -> memref<128xi32, #tpu.memory_space<hbm>>
        tpu.enqueue_dma source(%dma_start3A_294 : memref<128xi32, #tpu.memory_space<hbm>>) target(%dma_start3A_293 : memref<128xi32, #tpu.memory_space<vmem>>) target_semaphore(%run_scoped3A_286 : memref<!tpu.dma_semaphore, #tpu.memory_space<semaphore_mem>>)
        %dma_wait3A_295 = arith.constant 0 : i32
        %dma_wait3A_296 = tpu.memref_slice %arg11[%run_scoped3A_126, %dma_wait3A_295] : memref<10x128xi32, #tpu.memory_space<vmem>> -> memref<1x128xi32, #tpu.memory_space<vmem>>
        %dma_wait3A_297 = tpu.memref_squeeze %dma_wait3A_296 : memref<1x128xi32, #tpu.memory_space<vmem>> -> memref<128xi32, #tpu.memory_space<vmem>>
        %dma_wait3A_298 = tpu.memref_slice %arg3[%add3A_125] : memref<320000xi32, #tpu.memory_space<hbm>> -> memref<128xi32, #tpu.memory_space<hbm>>
        %dma_wait3A_299 = arith.constant 0 : i32
        %dma_wait3A_300 = tpu.memref_slice %arg11[%run_scoped3A_126, %dma_wait3A_299] : memref<10x128xi32, #tpu.memory_space<vmem>> -> memref<1x128xi32, #tpu.memory_space<vmem>>
        %dma_wait3A_301 = tpu.memref_squeeze %dma_wait3A_300 : memref<1x128xi32, #tpu.memory_space<vmem>> -> memref<128xi32, #tpu.memory_space<vmem>>
        %dma_wait3A_302 = tpu.memref_slice %arg3[%add3A_125] : memref<320000xi32, #tpu.memory_space<hbm>> -> memref<128xi32, #tpu.memory_space<hbm>>
        tpu.wait_dma2 semaphore(%run_scoped3A_286 : memref<!tpu.dma_semaphore, #tpu.memory_space<semaphore_mem>>) src(%dma_wait3A_302 : memref<128xi32, #tpu.memory_space<hbm>>) dst(%dma_wait3A_301 : memref<128xi32, #tpu.memory_space<vmem>>)
        tpu.yield
      }) : () -> ()
      %dma_start3A = arith.constant 0 : i32
      %dma_start3A_127 = arith.constant 0 : i32
      %dma_start3A_128 = tpu.memref_slice %arg12[%dma_start3A_127] : memref<1280xf32, #tpu.memory_space<vmem>> -> memref<128xf32, #tpu.memory_space<vmem>>
      %dma_start3A_129 = arith.constant 0 : i32
      %dma_start3A_130 = tpu.memref_slice %arg11[%dma_start3A, %dma_start3A_129] : memref<10x128xi32, #tpu.memory_space<vmem>> -> memref<1x128xi32, #tpu.memory_space<vmem>>
      %dma_start3A_131 = tpu.memref_squeeze %dma_start3A_130 : memref<1x128xi32, #tpu.memory_space<vmem>> -> memref<128xi32, #tpu.memory_space<vmem>>
      %dma_start3A_132 = arith.constant 0 : i32
      %dma_start3A_133 = tpu.memref_slice %arg9[%dma_start3A_132] : memref<10000xf32, #tpu.memory_space<vmem_shared>> -> memref<10000xf32, #tpu.memory_space<vmem_shared>>
      tpu.enqueue_indirect_dma source(%dma_start3A_128 : memref<128xf32, #tpu.memory_space<vmem>>) target(%dma_start3A_133 : memref<10000xf32, #tpu.memory_space<vmem_shared>>) offsets(%dma_start3A_131 : memref<128xi32, #tpu.memory_space<vmem>>) semaphore(%arg18 : memref<!tpu.dma_semaphore, #tpu.memory_space<semaphore_mem>>) {add = true}
      %dma_start3A_134 = arith.constant 1 : i32
      %dma_start3A_135 = arith.constant 128 : i32
      %dma_start3A_136 = tpu.memref_slice %arg12[%dma_start3A_135] : memref<1280xf32, #tpu.memory_space<vmem>> -> memref<128xf32, #tpu.memory_space<vmem>>
      %dma_start3A_137 = arith.constant 0 : i32
      %dma_start3A_138 = tpu.memref_slice %arg11[%dma_start3A_134, %dma_start3A_137] : memref<10x128xi32, #tpu.memory_space<vmem>> -> memref<1x128xi32, #tpu.memory_space<vmem>>
      %dma_start3A_139 = tpu.memref_squeeze %dma_start3A_138 : memref<1x128xi32, #tpu.memory_space<vmem>> -> memref<128xi32, #tpu.memory_space<vmem>>
      %dma_start3A_140 = arith.constant 0 : i32
      %dma_start3A_141 = tpu.memref_slice %arg9[%dma_start3A_140] : memref<10000xf32, #tpu.memory_space<vmem_shared>> -> memref<10000xf32, #tpu.memory_space<vmem_shared>>
      tpu.enqueue_indirect_dma source(%dma_start3A_136 : memref<128xf32, #tpu.memory_space<vmem>>) target(%dma_start3A_141 : memref<10000xf32, #tpu.memory_space<vmem_shared>>) offsets(%dma_start3A_139 : memref<128xi32, #tpu.memory_space<vmem>>) semaphore(%arg18 : memref<!tpu.dma_semaphore, #tpu.memory_space<semaphore_mem>>) {add = true}
      %dma_start3A_142 = arith.constant 2 : i32
      %dma_start3A_143 = arith.constant 256 : i32
      %dma_start3A_144 = tpu.memref_slice %arg12[%dma_start3A_143] : memref<1280xf32, #tpu.memory_space<vmem>> -> memref<128xf32, #tpu.memory_space<vmem>>
      %dma_start3A_145 = arith.constant 0 : i32
      %dma_start3A_146 = tpu.memref_slice %arg11[%dma_start3A_142, %dma_start3A_145] : memref<10x128xi32, #tpu.memory_space<vmem>> -> memref<1x128xi32, #tpu.memory_space<vmem>>
      %dma_start3A_147 = tpu.memref_squeeze %dma_start3A_146 : memref<1x128xi32, #tpu.memory_space<vmem>> -> memref<128xi32, #tpu.memory_space<vmem>>
      %dma_start3A_148 = arith.constant 0 : i32
      %dma_start3A_149 = tpu.memref_slice %arg9[%dma_start3A_148] : memref<10000xf32, #tpu.memory_space<vmem_shared>> -> memref<10000xf32, #tpu.memory_space<vmem_shared>>
      tpu.enqueue_indirect_dma source(%dma_start3A_144 : memref<128xf32, #tpu.memory_space<vmem>>) target(%dma_start3A_149 : memref<10000xf32, #tpu.memory_space<vmem_shared>>) offsets(%dma_start3A_147 : memref<128xi32, #tpu.memory_space<vmem>>) semaphore(%arg18 : memref<!tpu.dma_semaphore, #tpu.memory_space<semaphore_mem>>) {add = true}
      %dma_start3A_150 = arith.constant 3 : i32
      %dma_start3A_151 = arith.constant 384 : i32
      %dma_start3A_152 = tpu.memref_slice %arg12[%dma_start3A_151] : memref<1280xf32, #tpu.memory_space<vmem>> -> memref<128xf32, #tpu.memory_space<vmem>>
      %dma_start3A_153 = arith.constant 0 : i32
      %dma_start3A_154 = tpu.memref_slice %arg11[%dma_start3A_150, %dma_start3A_153] : memref<10x128xi32, #tpu.memory_space<vmem>> -> memref<1x128xi32, #tpu.memory_space<vmem>>
      %dma_start3A_155 = tpu.memref_squeeze %dma_start3A_154 : memref<1x128xi32, #tpu.memory_space<vmem>> -> memref<128xi32, #tpu.memory_space<vmem>>
      %dma_start3A_156 = arith.constant 0 : i32
      %dma_start3A_157 = tpu.memref_slice %arg9[%dma_start3A_156] : memref<10000xf32, #tpu.memory_space<vmem_shared>> -> memref<10000xf32, #tpu.memory_space<vmem_shared>>
      tpu.enqueue_indirect_dma source(%dma_start3A_152 : memref<128xf32, #tpu.memory_space<vmem>>) target(%dma_start3A_157 : memref<10000xf32, #tpu.memory_space<vmem_shared>>) offsets(%dma_start3A_155 : memref<128xi32, #tpu.memory_space<vmem>>) semaphore(%arg18 : memref<!tpu.dma_semaphore, #tpu.memory_space<semaphore_mem>>) {add = true}
      %dma_start3A_158 = arith.constant 4 : i32
      %dma_start3A_159 = arith.constant 512 : i32
      %dma_start3A_160 = tpu.memref_slice %arg12[%dma_start3A_159] : memref<1280xf32, #tpu.memory_space<vmem>> -> memref<128xf32, #tpu.memory_space<vmem>>
      %dma_start3A_161 = arith.constant 0 : i32
      %dma_start3A_162 = tpu.memref_slice %arg11[%dma_start3A_158, %dma_start3A_161] : memref<10x128xi32, #tpu.memory_space<vmem>> -> memref<1x128xi32, #tpu.memory_space<vmem>>
      %dma_start3A_163 = tpu.memref_squeeze %dma_start3A_162 : memref<1x128xi32, #tpu.memory_space<vmem>> -> memref<128xi32, #tpu.memory_space<vmem>>
      %dma_start3A_164 = arith.constant 0 : i32
      %dma_start3A_165 = tpu.memref_slice %arg9[%dma_start3A_164] : memref<10000xf32, #tpu.memory_space<vmem_shared>> -> memref<10000xf32, #tpu.memory_space<vmem_shared>>
      tpu.enqueue_indirect_dma source(%dma_start3A_160 : memref<128xf32, #tpu.memory_space<vmem>>) target(%dma_start3A_165 : memref<10000xf32, #tpu.memory_space<vmem_shared>>) offsets(%dma_start3A_163 : memref<128xi32, #tpu.memory_space<vmem>>) semaphore(%arg18 : memref<!tpu.dma_semaphore, #tpu.memory_space<semaphore_mem>>) {add = true}
      %dma_start3A_166 = arith.constant 5 : i32
      %dma_start3A_167 = arith.constant 640 : i32
      %dma_start3A_168 = tpu.memref_slice %arg12[%dma_start3A_167] : memref<1280xf32, #tpu.memory_space<vmem>> -> memref<128xf32, #tpu.memory_space<vmem>>
      %dma_start3A_169 = arith.constant 0 : i32
      %dma_start3A_170 = tpu.memref_slice %arg11[%dma_start3A_166, %dma_start3A_169] : memref<10x128xi32, #tpu.memory_space<vmem>> -> memref<1x128xi32, #tpu.memory_space<vmem>>
      %dma_start3A_171 = tpu.memref_squeeze %dma_start3A_170 : memref<1x128xi32, #tpu.memory_space<vmem>> -> memref<128xi32, #tpu.memory_space<vmem>>
      %dma_start3A_172 = arith.constant 0 : i32
      %dma_start3A_173 = tpu.memref_slice %arg9[%dma_start3A_172] : memref<10000xf32, #tpu.memory_space<vmem_shared>> -> memref<10000xf32, #tpu.memory_space<vmem_shared>>
      tpu.enqueue_indirect_dma source(%dma_start3A_168 : memref<128xf32, #tpu.memory_space<vmem>>) target(%dma_start3A_173 : memref<10000xf32, #tpu.memory_space<vmem_shared>>) offsets(%dma_start3A_171 : memref<128xi32, #tpu.memory_space<vmem>>) semaphore(%arg18 : memref<!tpu.dma_semaphore, #tpu.memory_space<semaphore_mem>>) {add = true}
      %dma_start3A_174 = arith.constant 6 : i32
      %dma_start3A_175 = arith.constant 768 : i32
      %dma_start3A_176 = tpu.memref_slice %arg12[%dma_start3A_175] : memref<1280xf32, #tpu.memory_space<vmem>> -> memref<128xf32, #tpu.memory_space<vmem>>
      %dma_start3A_177 = arith.constant 0 : i32
      %dma_start3A_178 = tpu.memref_slice %arg11[%dma_start3A_174, %dma_start3A_177] : memref<10x128xi32, #tpu.memory_space<vmem>> -> memref<1x128xi32, #tpu.memory_space<vmem>>
      %dma_start3A_179 = tpu.memref_squeeze %dma_start3A_178 : memref<1x128xi32, #tpu.memory_space<vmem>> -> memref<128xi32, #tpu.memory_space<vmem>>
      %dma_start3A_180 = arith.constant 0 : i32
      %dma_start3A_181 = tpu.memref_slice %arg9[%dma_start3A_180] : memref<10000xf32, #tpu.memory_space<vmem_shared>> -> memref<10000xf32, #tpu.memory_space<vmem_shared>>
      tpu.enqueue_indirect_dma source(%dma_start3A_176 : memref<128xf32, #tpu.memory_space<vmem>>) target(%dma_start3A_181 : memref<10000xf32, #tpu.memory_space<vmem_shared>>) offsets(%dma_start3A_179 : memref<128xi32, #tpu.memory_space<vmem>>) semaphore(%arg18 : memref<!tpu.dma_semaphore, #tpu.memory_space<semaphore_mem>>) {add = true}
      %dma_start3A_182 = arith.constant 7 : i32
      %dma_start3A_183 = arith.constant 896 : i32
      %dma_start3A_184 = tpu.memref_slice %arg12[%dma_start3A_183] : memref<1280xf32, #tpu.memory_space<vmem>> -> memref<128xf32, #tpu.memory_space<vmem>>
      %dma_start3A_185 = arith.constant 0 : i32
      %dma_start3A_186 = tpu.memref_slice %arg11[%dma_start3A_182, %dma_start3A_185] : memref<10x128xi32, #tpu.memory_space<vmem>> -> memref<1x128xi32, #tpu.memory_space<vmem>>
      %dma_start3A_187 = tpu.memref_squeeze %dma_start3A_186 : memref<1x128xi32, #tpu.memory_space<vmem>> -> memref<128xi32, #tpu.memory_space<vmem>>
      %dma_start3A_188 = arith.constant 0 : i32
      %dma_start3A_189 = tpu.memref_slice %arg9[%dma_start3A_188] : memref<10000xf32, #tpu.memory_space<vmem_shared>> -> memref<10000xf32, #tpu.memory_space<vmem_shared>>
      tpu.enqueue_indirect_dma source(%dma_start3A_184 : memref<128xf32, #tpu.memory_space<vmem>>) target(%dma_start3A_189 : memref<10000xf32, #tpu.memory_space<vmem_shared>>) offsets(%dma_start3A_187 : memref<128xi32, #tpu.memory_space<vmem>>) semaphore(%arg18 : memref<!tpu.dma_semaphore, #tpu.memory_space<semaphore_mem>>) {add = true}
      %dma_start3A_190 = arith.constant 8 : i32
      %dma_start3A_191 = arith.constant 1024 : i32
      %dma_start3A_192 = tpu.memref_slice %arg12[%dma_start3A_191] : memref<1280xf32, #tpu.memory_space<vmem>> -> memref<128xf32, #tpu.memory_space<vmem>>
      %dma_start3A_193 = arith.constant 0 : i32
      %dma_start3A_194 = tpu.memref_slice %arg11[%dma_start3A_190, %dma_start3A_193] : memref<10x128xi32, #tpu.memory_space<vmem>> -> memref<1x128xi32, #tpu.memory_space<vmem>>
      %dma_start3A_195 = tpu.memref_squeeze %dma_start3A_194 : memref<1x128xi32, #tpu.memory_space<vmem>> -> memref<128xi32, #tpu.memory_space<vmem>>
      %dma_start3A_196 = arith.constant 0 : i32
      %dma_start3A_197 = tpu.memref_slice %arg9[%dma_start3A_196] : memref<10000xf32, #tpu.memory_space<vmem_shared>> -> memref<10000xf32, #tpu.memory_space<vmem_shared>>
      tpu.enqueue_indirect_dma source(%dma_start3A_192 : memref<128xf32, #tpu.memory_space<vmem>>) target(%dma_start3A_197 : memref<10000xf32, #tpu.memory_space<vmem_shared>>) offsets(%dma_start3A_195 : memref<128xi32, #tpu.memory_space<vmem>>) semaphore(%arg18 : memref<!tpu.dma_semaphore, #tpu.memory_space<semaphore_mem>>) {add = true}
      %dma_start3A_198 = arith.constant 9 : i32
      %dma_start3A_199 = arith.constant 1152 : i32
      %dma_start3A_200 = tpu.memref_slice %arg12[%dma_start3A_199] : memref<1280xf32, #tpu.memory_space<vmem>> -> memref<128xf32, #tpu.memory_space<vmem>>
      %dma_start3A_201 = arith.constant 0 : i32
      %dma_start3A_202 = tpu.memref_slice %arg11[%dma_start3A_198, %dma_start3A_201] : memref<10x128xi32, #tpu.memory_space<vmem>> -> memref<1x128xi32, #tpu.memory_space<vmem>>
      %dma_start3A_203 = tpu.memref_squeeze %dma_start3A_202 : memref<1x128xi32, #tpu.memory_space<vmem>> -> memref<128xi32, #tpu.memory_space<vmem>>
      %dma_start3A_204 = arith.constant 0 : i32
      %dma_start3A_205 = tpu.memref_slice %arg9[%dma_start3A_204] : memref<10000xf32, #tpu.memory_space<vmem_shared>> -> memref<10000xf32, #tpu.memory_space<vmem_shared>>
      tpu.enqueue_indirect_dma source(%dma_start3A_200 : memref<128xf32, #tpu.memory_space<vmem>>) target(%dma_start3A_205 : memref<10000xf32, #tpu.memory_space<vmem_shared>>) offsets(%dma_start3A_203 : memref<128xi32, #tpu.memory_space<vmem>>) semaphore(%arg18 : memref<!tpu.dma_semaphore, #tpu.memory_space<semaphore_mem>>) {add = true}
      %dma_wait3A = arith.constant 0 : i32
      %dma_wait3A_206 = arith.constant 0 : i32
      %dma_wait3A_207 = tpu.memref_slice %arg12[%dma_wait3A_206] : memref<1280xf32, #tpu.memory_space<vmem>> -> memref<128xf32, #tpu.memory_space<vmem>>
      %dma_wait3A_208 = arith.constant 0 : i32
      %dma_wait3A_209 = tpu.memref_slice %arg11[%dma_wait3A, %dma_wait3A_208] : memref<10x128xi32, #tpu.memory_space<vmem>> -> memref<1x128xi32, #tpu.memory_space<vmem>>
      %dma_wait3A_210 = tpu.memref_squeeze %dma_wait3A_209 : memref<1x128xi32, #tpu.memory_space<vmem>> -> memref<128xi32, #tpu.memory_space<vmem>>
      %dma_wait3A_211 = arith.constant 0 : i32
      %dma_wait3A_212 = tpu.memref_slice %arg9[%dma_wait3A_211] : memref<10000xf32, #tpu.memory_space<vmem_shared>> -> memref<10000xf32, #tpu.memory_space<vmem_shared>>
      tpu.wait_indirect_dma semaphore(%arg18 : memref<!tpu.dma_semaphore, #tpu.memory_space<semaphore_mem>>) src(%dma_wait3A_207 : memref<128xf32, #tpu.memory_space<vmem>>) dst(%dma_wait3A_212 : memref<10000xf32, #tpu.memory_space<vmem_shared>>)
      %dma_wait3A_213 = arith.constant 1 : i32
      %dma_wait3A_214 = arith.constant 128 : i32
      %dma_wait3A_215 = tpu.memref_slice %arg12[%dma_wait3A_214] : memref<1280xf32, #tpu.memory_space<vmem>> -> memref<128xf32, #tpu.memory_space<vmem>>
      %dma_wait3A_216 = arith.constant 0 : i32
      %dma_wait3A_217 = tpu.memref_slice %arg11[%dma_wait3A_213, %dma_wait3A_216] : memref<10x128xi32, #tpu.memory_space<vmem>> -> memref<1x128xi32, #tpu.memory_space<vmem>>
      %dma_wait3A_218 = tpu.memref_squeeze %dma_wait3A_217 : memref<1x128xi32, #tpu.memory_space<vmem>> -> memref<128xi32, #tpu.memory_space<vmem>>
      %dma_wait3A_219 = arith.constant 0 : i32
      %dma_wait3A_220 = tpu.memref_slice %arg9[%dma_wait3A_219] : memref<10000xf32, #tpu.memory_space<vmem_shared>> -> memref<10000xf32, #tpu.memory_space<vmem_shared>>
      tpu.wait_indirect_dma semaphore(%arg18 : memref<!tpu.dma_semaphore, #tpu.memory_space<semaphore_mem>>) src(%dma_wait3A_215 : memref<128xf32, #tpu.memory_space<vmem>>) dst(%dma_wait3A_220 : memref<10000xf32, #tpu.memory_space<vmem_shared>>)
      %dma_wait3A_221 = arith.constant 2 : i32
      %dma_wait3A_222 = arith.constant 256 : i32
      %dma_wait3A_223 = tpu.memref_slice %arg12[%dma_wait3A_222] : memref<1280xf32, #tpu.memory_space<vmem>> -> memref<128xf32, #tpu.memory_space<vmem>>
      %dma_wait3A_224 = arith.constant 0 : i32
      %dma_wait3A_225 = tpu.memref_slice %arg11[%dma_wait3A_221, %dma_wait3A_224] : memref<10x128xi32, #tpu.memory_space<vmem>> -> memref<1x128xi32, #tpu.memory_space<vmem>>
      %dma_wait3A_226 = tpu.memref_squeeze %dma_wait3A_225 : memref<1x128xi32, #tpu.memory_space<vmem>> -> memref<128xi32, #tpu.memory_space<vmem>>
      %dma_wait3A_227 = arith.constant 0 : i32
      %dma_wait3A_228 = tpu.memref_slice %arg9[%dma_wait3A_227] : memref<10000xf32, #tpu.memory_space<vmem_shared>> -> memref<10000xf32, #tpu.memory_space<vmem_shared>>
      tpu.wait_indirect_dma semaphore(%arg18 : memref<!tpu.dma_semaphore, #tpu.memory_space<semaphore_mem>>) src(%dma_wait3A_223 : memref<128xf32, #tpu.memory_space<vmem>>) dst(%dma_wait3A_228 : memref<10000xf32, #tpu.memory_space<vmem_shared>>)
      %dma_wait3A_229 = arith.constant 3 : i32
      %dma_wait3A_230 = arith.constant 384 : i32
      %dma_wait3A_231 = tpu.memref_slice %arg12[%dma_wait3A_230] : memref<1280xf32, #tpu.memory_space<vmem>> -> memref<128xf32, #tpu.memory_space<vmem>>
      %dma_wait3A_232 = arith.constant 0 : i32
      %dma_wait3A_233 = tpu.memref_slice %arg11[%dma_wait3A_229, %dma_wait3A_232] : memref<10x128xi32, #tpu.memory_space<vmem>> -> memref<1x128xi32, #tpu.memory_space<vmem>>
      %dma_wait3A_234 = tpu.memref_squeeze %dma_wait3A_233 : memref<1x128xi32, #tpu.memory_space<vmem>> -> memref<128xi32, #tpu.memory_space<vmem>>
      %dma_wait3A_235 = arith.constant 0 : i32
      %dma_wait3A_236 = tpu.memref_slice %arg9[%dma_wait3A_235] : memref<10000xf32, #tpu.memory_space<vmem_shared>> -> memref<10000xf32, #tpu.memory_space<vmem_shared>>
      tpu.wait_indirect_dma semaphore(%arg18 : memref<!tpu.dma_semaphore, #tpu.memory_space<semaphore_mem>>) src(%dma_wait3A_231 : memref<128xf32, #tpu.memory_space<vmem>>) dst(%dma_wait3A_236 : memref<10000xf32, #tpu.memory_space<vmem_shared>>)
      %dma_wait3A_237 = arith.constant 4 : i32
      %dma_wait3A_238 = arith.constant 512 : i32
      %dma_wait3A_239 = tpu.memref_slice %arg12[%dma_wait3A_238] : memref<1280xf32, #tpu.memory_space<vmem>> -> memref<128xf32, #tpu.memory_space<vmem>>
      %dma_wait3A_240 = arith.constant 0 : i32
      %dma_wait3A_241 = tpu.memref_slice %arg11[%dma_wait3A_237, %dma_wait3A_240] : memref<10x128xi32, #tpu.memory_space<vmem>> -> memref<1x128xi32, #tpu.memory_space<vmem>>
      %dma_wait3A_242 = tpu.memref_squeeze %dma_wait3A_241 : memref<1x128xi32, #tpu.memory_space<vmem>> -> memref<128xi32, #tpu.memory_space<vmem>>
      %dma_wait3A_243 = arith.constant 0 : i32
      %dma_wait3A_244 = tpu.memref_slice %arg9[%dma_wait3A_243] : memref<10000xf32, #tpu.memory_space<vmem_shared>> -> memref<10000xf32, #tpu.memory_space<vmem_shared>>
      tpu.wait_indirect_dma semaphore(%arg18 : memref<!tpu.dma_semaphore, #tpu.memory_space<semaphore_mem>>) src(%dma_wait3A_239 : memref<128xf32, #tpu.memory_space<vmem>>) dst(%dma_wait3A_244 : memref<10000xf32, #tpu.memory_space<vmem_shared>>)
      %dma_wait3A_245 = arith.constant 5 : i32
      %dma_wait3A_246 = arith.constant 640 : i32
      %dma_wait3A_247 = tpu.memref_slice %arg12[%dma_wait3A_246] : memref<1280xf32, #tpu.memory_space<vmem>> -> memref<128xf32, #tpu.memory_space<vmem>>
      %dma_wait3A_248 = arith.constant 0 : i32
      %dma_wait3A_249 = tpu.memref_slice %arg11[%dma_wait3A_245, %dma_wait3A_248] : memref<10x128xi32, #tpu.memory_space<vmem>> -> memref<1x128xi32, #tpu.memory_space<vmem>>
      %dma_wait3A_250 = tpu.memref_squeeze %dma_wait3A_249 : memref<1x128xi32, #tpu.memory_space<vmem>> -> memref<128xi32, #tpu.memory_space<vmem>>
      %dma_wait3A_251 = arith.constant 0 : i32
      %dma_wait3A_252 = tpu.memref_slice %arg9[%dma_wait3A_251] : memref<10000xf32, #tpu.memory_space<vmem_shared>> -> memref<10000xf32, #tpu.memory_space<vmem_shared>>
      tpu.wait_indirect_dma semaphore(%arg18 : memref<!tpu.dma_semaphore, #tpu.memory_space<semaphore_mem>>) src(%dma_wait3A_247 : memref<128xf32, #tpu.memory_space<vmem>>) dst(%dma_wait3A_252 : memref<10000xf32, #tpu.memory_space<vmem_shared>>)
      %dma_wait3A_253 = arith.constant 6 : i32
      %dma_wait3A_254 = arith.constant 768 : i32
      %dma_wait3A_255 = tpu.memref_slice %arg12[%dma_wait3A_254] : memref<1280xf32, #tpu.memory_space<vmem>> -> memref<128xf32, #tpu.memory_space<vmem>>
      %dma_wait3A_256 = arith.constant 0 : i32
      %dma_wait3A_257 = tpu.memref_slice %arg11[%dma_wait3A_253, %dma_wait3A_256] : memref<10x128xi32, #tpu.memory_space<vmem>> -> memref<1x128xi32, #tpu.memory_space<vmem>>
      %dma_wait3A_258 = tpu.memref_squeeze %dma_wait3A_257 : memref<1x128xi32, #tpu.memory_space<vmem>> -> memref<128xi32, #tpu.memory_space<vmem>>
      %dma_wait3A_259 = arith.constant 0 : i32
      %dma_wait3A_260 = tpu.memref_slice %arg9[%dma_wait3A_259] : memref<10000xf32, #tpu.memory_space<vmem_shared>> -> memref<10000xf32, #tpu.memory_space<vmem_shared>>
      tpu.wait_indirect_dma semaphore(%arg18 : memref<!tpu.dma_semaphore, #tpu.memory_space<semaphore_mem>>) src(%dma_wait3A_255 : memref<128xf32, #tpu.memory_space<vmem>>) dst(%dma_wait3A_260 : memref<10000xf32, #tpu.memory_space<vmem_shared>>)
      %dma_wait3A_261 = arith.constant 7 : i32
      %dma_wait3A_262 = arith.constant 896 : i32
      %dma_wait3A_263 = tpu.memref_slice %arg12[%dma_wait3A_262] : memref<1280xf32, #tpu.memory_space<vmem>> -> memref<128xf32, #tpu.memory_space<vmem>>
      %dma_wait3A_264 = arith.constant 0 : i32
      %dma_wait3A_265 = tpu.memref_slice %arg11[%dma_wait3A_261, %dma_wait3A_264] : memref<10x128xi32, #tpu.memory_space<vmem>> -> memref<1x128xi32, #tpu.memory_space<vmem>>
      %dma_wait3A_266 = tpu.memref_squeeze %dma_wait3A_265 : memref<1x128xi32, #tpu.memory_space<vmem>> -> memref<128xi32, #tpu.memory_space<vmem>>
      %dma_wait3A_267 = arith.constant 0 : i32
      %dma_wait3A_268 = tpu.memref_slice %arg9[%dma_wait3A_267] : memref<10000xf32, #tpu.memory_space<vmem_shared>> -> memref<10000xf32, #tpu.memory_space<vmem_shared>>
      tpu.wait_indirect_dma semaphore(%arg18 : memref<!tpu.dma_semaphore, #tpu.memory_space<semaphore_mem>>) src(%dma_wait3A_263 : memref<128xf32, #tpu.memory_space<vmem>>) dst(%dma_wait3A_268 : memref<10000xf32, #tpu.memory_space<vmem_shared>>)
      %dma_wait3A_269 = arith.constant 8 : i32
      %dma_wait3A_270 = arith.constant 1024 : i32
      %dma_wait3A_271 = tpu.memref_slice %arg12[%dma_wait3A_270] : memref<1280xf32, #tpu.memory_space<vmem>> -> memref<128xf32, #tpu.memory_space<vmem>>
      %dma_wait3A_272 = arith.constant 0 : i32
      %dma_wait3A_273 = tpu.memref_slice %arg11[%dma_wait3A_269, %dma_wait3A_272] : memref<10x128xi32, #tpu.memory_space<vmem>> -> memref<1x128xi32, #tpu.memory_space<vmem>>
      %dma_wait3A_274 = tpu.memref_squeeze %dma_wait3A_273 : memref<1x128xi32, #tpu.memory_space<vmem>> -> memref<128xi32, #tpu.memory_space<vmem>>
      %dma_wait3A_275 = arith.constant 0 : i32
      %dma_wait3A_276 = tpu.memref_slice %arg9[%dma_wait3A_275] : memref<10000xf32, #tpu.memory_space<vmem_shared>> -> memref<10000xf32, #tpu.memory_space<vmem_shared>>
      tpu.wait_indirect_dma semaphore(%arg18 : memref<!tpu.dma_semaphore, #tpu.memory_space<semaphore_mem>>) src(%dma_wait3A_271 : memref<128xf32, #tpu.memory_space<vmem>>) dst(%dma_wait3A_276 : memref<10000xf32, #tpu.memory_space<vmem_shared>>)
      %dma_wait3A_277 = arith.constant 9 : i32
      %dma_wait3A_278 = arith.constant 1152 : i32
      %dma_wait3A_279 = tpu.memref_slice %arg12[%dma_wait3A_278] : memref<1280xf32, #tpu.memory_space<vmem>> -> memref<128xf32, #tpu.memory_space<vmem>>
      %dma_wait3A_280 = arith.constant 0 : i32
      %dma_wait3A_281 = tpu.memref_slice %arg11[%dma_wait3A_277, %dma_wait3A_280] : memref<10x128xi32, #tpu.memory_space<vmem>> -> memref<1x128xi32, #tpu.memory_space<vmem>>
      %dma_wait3A_282 = tpu.memref_squeeze %dma_wait3A_281 : memref<1x128xi32, #tpu.memory_space<vmem>> -> memref<128xi32, #tpu.memory_space<vmem>>
      %dma_wait3A_283 = arith.constant 0 : i32
      %dma_wait3A_284 = tpu.memref_slice %arg9[%dma_wait3A_283] : memref<10000xf32, #tpu.memory_space<vmem_shared>> -> memref<10000xf32, #tpu.memory_space<vmem_shared>>
      tpu.wait_indirect_dma semaphore(%arg18 : memref<!tpu.dma_semaphore, #tpu.memory_space<semaphore_mem>>) src(%dma_wait3A_279 : memref<128xf32, #tpu.memory_space<vmem>>) dst(%dma_wait3A_284 : memref<10000xf32, #tpu.memory_space<vmem_shared>>)
      %while3A_285 = arith.constant 0 : i32
      scf.yield %while3A_285 : i32
    }
    %barrier3A_37 = arith.constant 0 : index
    tpu.barrier barrier_id(%barrier3A_37)
    "tpu.region"() ({
      %run_scoped3A = tpu.sem_alloc : memref<!tpu.dma_semaphore, #tpu.memory_space<semaphore_mem>>
      tpu.enqueue_dma source(%arg9 : memref<10000xf32, #tpu.memory_space<vmem_shared>>) target(%arg10 : memref<10000xf32, #tpu.memory_space<vmem>>) target_semaphore(%run_scoped3A : memref<!tpu.dma_semaphore, #tpu.memory_space<semaphore_mem>>)
      tpu.wait_dma2 semaphore(%run_scoped3A : memref<!tpu.dma_semaphore, #tpu.memory_space<semaphore_mem>>) src(%arg9 : memref<10000xf32, #tpu.memory_space<vmem_shared>>) dst(%arg10 : memref<10000xf32, #tpu.memory_space<vmem>>)
      tpu.yield
    }) : () -> ()
    %scan3A_38 = arith.constant 0 : i32
    %scan3A_39 = arith.constant 0 : i32
    %scan3A_40 = arith.constant 625 : i32
    %scan3A_41 = arith.addi %scan3A_39, %scan3A_40 : i32
    %scan3A_42 = arith.constant 1 : i32
    %scan3A_43 = scf.for %scan3A_89 = %scan3A_39 to %scan3A_41 step %scan3A_42 iter_args(%scan3A_90 = %scan3A_38) -> (i32)  : i32 {
      %mul3A_91 = arith.constant 16 : i32
      %mul3A_92 = arith.muli %mul3A_91, %scan3A_89 : i32
      %get3A = arith.index_cast %mul3A_92 : i32 to index
      %get3A_93 = tpu.vector_load %arg10[%get3A] {strides = array<i32>} : memref<10000xf32, #tpu.memory_space<vmem>>, vector<16xf32>,
      %bitcast_convert_type3A = tpu.bitcast %get3A_93 : vector<16xf32> -> vector<16xi32>
      %shift_right_arithmetic3A = arith.constant 1 : i32
      %shift_right_arithmetic3A_94 = vector.broadcast %shift_right_arithmetic3A : i32 to vector<16xi32>
      %shift_right_arithmetic3A_95 = arith.shrsi %bitcast_convert_type3A, %shift_right_arithmetic3A_94 : vector<16xi32>
      %sub3A = arith.constant 1597463007 : i32
      %sub3A_96 = vector.broadcast %sub3A : i32 to vector<16xi32>
      %sub3A_97 = arith.subi %sub3A_96, %shift_right_arithmetic3A_95 : vector<16xi32>
      %bitcast_convert_type3A_98 = tpu.bitcast %sub3A_97 : vector<16xi32> -> vector<16xf32>
      %mul3A_99 = arith.constant 5.000000e-01 : f32
      %mul3A_100 = vector.broadcast %mul3A_99 : f32 to vector<16xf32>
      %mul3A_101 = arith.mulf %mul3A_100, %get3A_93 : vector<16xf32>
      %mul3A_102 = arith.mulf %mul3A_101, %bitcast_convert_type3A_98 : vector<16xf32>
      %mul3A_103 = arith.mulf %mul3A_102, %bitcast_convert_type3A_98 : vector<16xf32>
      %sub3A_104 = arith.constant 1.500000e+00 : f32
      %sub3A_105 = vector.broadcast %sub3A_104 : f32 to vector<16xf32>
      %sub3A_106 = arith.subf %sub3A_105, %mul3A_103 : vector<16xf32>
      %mul3A_107 = arith.mulf %bitcast_convert_type3A_98, %sub3A_106 : vector<16xf32>
      %mul3A_108 = arith.constant 5.000000e-01 : f32
      %mul3A_109 = vector.broadcast %mul3A_108 : f32 to vector<16xf32>
      %mul3A_110 = arith.mulf %mul3A_109, %get3A_93 : vector<16xf32>
      %mul3A_111 = arith.mulf %mul3A_110, %mul3A_107 : vector<16xf32>
      %mul3A_112 = arith.mulf %mul3A_111, %mul3A_107 : vector<16xf32>
      %sub3A_113 = arith.constant 1.500000e+00 : f32
      %sub3A_114 = vector.broadcast %sub3A_113 : f32 to vector<16xf32>
      %sub3A_115 = arith.subf %sub3A_114, %mul3A_112 : vector<16xf32>
      %mul3A_116 = arith.mulf %mul3A_107, %sub3A_115 : vector<16xf32>
      %mul3A_117 = arith.constant 5.000000e-01 : f32
      %mul3A_118 = vector.broadcast %mul3A_117 : f32 to vector<16xf32>
      %mul3A_119 = arith.mulf %mul3A_118, %get3A_93 : vector<16xf32>
      %mul3A_120 = arith.mulf %mul3A_119, %mul3A_116 : vector<16xf32>
      %mul3A_121 = arith.mulf %mul3A_120, %mul3A_116 : vector<16xf32>
      %sub3A_122 = arith.constant 1.500000e+00 : f32
      %sub3A_123 = vector.broadcast %sub3A_122 : f32 to vector<16xf32>
      %sub3A_124 = arith.subf %sub3A_123, %mul3A_121 : vector<16xf32>
      %mul3A_125 = arith.mulf %mul3A_116, %sub3A_124 : vector<16xf32>
      %gt3A = arith.constant 0.000000e+00 : f32
      %gt3A_126 = vector.broadcast %gt3A : f32 to vector<16xf32>
      %gt3A_127 = arith.cmpf ogt, %get3A_93, %gt3A_126 : vector<16xf32>
      %jit3A_128 = arith.constant 0.000000e+00 : f32
      %broadcast_in_dim3A_129 = vector.broadcast %jit3A_128 : f32 to vector<16xf32>
      %select_n3A_130 = arith.select %gt3A_127, %mul3A_125, %broadcast_in_dim3A_129 : vector<16xi1>, vector<16xf32>
      %mul3A_131 = arith.constant 16 : i32
      %mul3A_132 = arith.muli %mul3A_131, %scan3A_89 : i32
      %swap3A = arith.index_cast %mul3A_132 : i32 to index
      %swap3A_133 = tpu.vector_load %arg10[%swap3A] {strides = array<i32>} : memref<10000xf32, #tpu.memory_space<vmem>>, vector<16xf32>,
      tpu.vector_store %arg10[%swap3A], %select_n3A_130 {strides = array<i32>} : memref<10000xf32, #tpu.memory_space<vmem>>, vector<16xf32>,
      %scan3A_134 = arith.constant 0 : i32
      scf.yield %scan3A_134 : i32
    }
    %scan3A_44 = arith.constant 625 : i32
    %barrier3A_45 = arith.constant 0 : index
    tpu.barrier barrier_id(%barrier3A_45)
    %mul3A = arith.constant 1250 : i32
    %mul3A_46 = arith.muli %arg0, %mul3A : i32
    %mul3A_47 = arith.constant 78 : i32
    %mul3A_48 = arith.muli %arg1, %mul3A_47 : i32
    %add3A_49 = arith.addi %mul3A_46, %mul3A_48 : i32
    %min3A = arith.constant 2 : i32
    %min3A_50 = arith.minsi %arg1, %min3A : i32
    %add3A_51 = arith.addi %add3A_49, %min3A_50 : i32
    %lt3A_52 = arith.constant 2 : i32
    %lt3A_53 = arith.cmpi slt, %arg1, %lt3A_52 : i32
    %jit3A_54 = arith.constant 1 : i32
    %jit3A_55 = arith.constant 0 : i32
    %select_n3A_56 = arith.select %lt3A_53, %jit3A_54, %jit3A_55 : i32
    %add3A_57 = arith.constant 78 : i32
    %add3A_58 = arith.addi %add3A_57, %select_n3A_56 : i32
    %while3A_59 = arith.constant 0 : i32
    %while3A_60 = arith.constant 0 : i32
    %while3A_61 = arith.subi %add3A_58, %while3A_59 : i32
    %while3A_62 = arith.addi %while3A_59, %while3A_61 : i32
    %while3A_63 = arith.constant 1 : i32
    %while3A_64 = arith.divsi %while3A_61, %while3A_63 : i32
    %while3A_65 = arith.muli %while3A_64, %while3A_63 : i32
    %while3A_66 = arith.addi %while3A_59, %while3A_65 : i32
    %while3A_67 = arith.constant 1 : i32
    %while3A_68 = scf.for %while3A_89 = %while3A_59 to %while3A_66 step %while3A_67 iter_args(%while3A_90 = %while3A_60) -> (i32)  : i32 {
      %add3A_91 = arith.addi %add3A_51, %while3A_89 : i32
      %mul3A_92 = arith.constant 128 : i32
      %mul3A_93 = arith.muli %add3A_91, %mul3A_92 : i32
      "tpu.region"() ({
        %run_scoped3A_229 = tpu.sem_alloc : memref<!tpu.dma_semaphore, #tpu.memory_space<semaphore_mem>>
        %dma_start3A_230 = tpu.memref_slice %arg2[%mul3A_93] : memref<320000xi32, #tpu.memory_space<hbm>> -> memref<128xi32, #tpu.memory_space<hbm>>
        %dma_start3A_231 = tpu.memref_slice %arg2[%mul3A_93] : memref<320000xi32, #tpu.memory_space<hbm>> -> memref<128xi32, #tpu.memory_space<hbm>>
        tpu.enqueue_dma source(%dma_start3A_231 : memref<128xi32, #tpu.memory_space<hbm>>) target(%arg13 : memref<128xi32, #tpu.memory_space<vmem>>) target_semaphore(%run_scoped3A_229 : memref<!tpu.dma_semaphore, #tpu.memory_space<semaphore_mem>>)
        %dma_wait3A_232 = tpu.memref_slice %arg2[%mul3A_93] : memref<320000xi32, #tpu.memory_space<hbm>> -> memref<128xi32, #tpu.memory_space<hbm>>
        %dma_wait3A_233 = tpu.memref_slice %arg2[%mul3A_93] : memref<320000xi32, #tpu.memory_space<hbm>> -> memref<128xi32, #tpu.memory_space<hbm>>
        tpu.wait_dma2 semaphore(%run_scoped3A_229 : memref<!tpu.dma_semaphore, #tpu.memory_space<semaphore_mem>>) src(%dma_wait3A_233 : memref<128xi32, #tpu.memory_space<hbm>>) dst(%arg13 : memref<128xi32, #tpu.memory_space<vmem>>)
        tpu.yield
      }) : () -> ()
      %run_scoped3A = arith.constant 0 : i32
      "tpu.region"() ({
        %run_scoped3A_229 = tpu.sem_alloc : memref<!tpu.dma_semaphore, #tpu.memory_space<semaphore_mem>>
        %dma_start3A_230 = arith.constant 0 : i32
        %dma_start3A_231 = tpu.memref_slice %arg11[%run_scoped3A, %dma_start3A_230] : memref<10x128xi32, #tpu.memory_space<vmem>> -> memref<1x128xi32, #tpu.memory_space<vmem>>
        %dma_start3A_232 = tpu.memref_squeeze %dma_start3A_231 : memref<1x128xi32, #tpu.memory_space<vmem>> -> memref<128xi32, #tpu.memory_space<vmem>>
        %dma_start3A_233 = tpu.memref_slice %arg3[%mul3A_93] : memref<320000xi32, #tpu.memory_space<hbm>> -> memref<128xi32, #tpu.memory_space<hbm>>
        %dma_start3A_234 = arith.constant 0 : i32
        %dma_start3A_235 = tpu.memref_slice %arg11[%run_scoped3A, %dma_start3A_234] : memref<10x128xi32, #tpu.memory_space<vmem>> -> memref<1x128xi32, #tpu.memory_space<vmem>>
        %dma_start3A_236 = tpu.memref_squeeze %dma_start3A_235 : memref<1x128xi32, #tpu.memory_space<vmem>> -> memref<128xi32, #tpu.memory_space<vmem>>
        %dma_start3A_237 = tpu.memref_slice %arg3[%mul3A_93] : memref<320000xi32, #tpu.memory_space<hbm>> -> memref<128xi32, #tpu.memory_space<hbm>>
        tpu.enqueue_dma source(%dma_start3A_237 : memref<128xi32, #tpu.memory_space<hbm>>) target(%dma_start3A_236 : memref<128xi32, #tpu.memory_space<vmem>>) target_semaphore(%run_scoped3A_229 : memref<!tpu.dma_semaphore, #tpu.memory_space<semaphore_mem>>)
        %dma_wait3A_238 = arith.constant 0 : i32
        %dma_wait3A_239 = tpu.memref_slice %arg11[%run_scoped3A, %dma_wait3A_238] : memref<10x128xi32, #tpu.memory_space<vmem>> -> memref<1x128xi32, #tpu.memory_space<vmem>>
        %dma_wait3A_240 = tpu.memref_squeeze %dma_wait3A_239 : memref<1x128xi32, #tpu.memory_space<vmem>> -> memref<128xi32, #tpu.memory_space<vmem>>
        %dma_wait3A_241 = tpu.memref_slice %arg3[%mul3A_93] : memref<320000xi32, #tpu.memory_space<hbm>> -> memref<128xi32, #tpu.memory_space<hbm>>
        %dma_wait3A_242 = arith.constant 0 : i32
        %dma_wait3A_243 = tpu.memref_slice %arg11[%run_scoped3A, %dma_wait3A_242] : memref<10x128xi32, #tpu.memory_space<vmem>> -> memref<1x128xi32, #tpu.memory_space<vmem>>
        %dma_wait3A_244 = tpu.memref_squeeze %dma_wait3A_243 : memref<1x128xi32, #tpu.memory_space<vmem>> -> memref<128xi32, #tpu.memory_space<vmem>>
        %dma_wait3A_245 = tpu.memref_slice %arg3[%mul3A_93] : memref<320000xi32, #tpu.memory_space<hbm>> -> memref<128xi32, #tpu.memory_space<hbm>>
        tpu.wait_dma2 semaphore(%run_scoped3A_229 : memref<!tpu.dma_semaphore, #tpu.memory_space<semaphore_mem>>) src(%dma_wait3A_245 : memref<128xi32, #tpu.memory_space<hbm>>) dst(%dma_wait3A_244 : memref<128xi32, #tpu.memory_space<vmem>>)
        tpu.yield
      }) : () -> ()
      "tpu.region"() ({
        %run_scoped3A_229 = tpu.sem_alloc : memref<!tpu.dma_semaphore, #tpu.memory_space<semaphore_mem>>
        %dma_start3A_230 = arith.constant 0 : i32
        %dma_start3A_231 = tpu.memref_slice %arg12[%dma_start3A_230] : memref<1280xf32, #tpu.memory_space<vmem>> -> memref<128xf32, #tpu.memory_space<vmem>>
        %dma_start3A_232 = tpu.memref_slice %arg4[%mul3A_93] : memref<320000xf32, #tpu.memory_space<hbm>> -> memref<128xf32, #tpu.memory_space<hbm>>
        %dma_start3A_233 = arith.constant 0 : i32
        %dma_start3A_234 = tpu.memref_slice %arg12[%dma_start3A_233] : memref<1280xf32, #tpu.memory_space<vmem>> -> memref<128xf32, #tpu.memory_space<vmem>>
        %dma_start3A_235 = tpu.memref_slice %arg4[%mul3A_93] : memref<320000xf32, #tpu.memory_space<hbm>> -> memref<128xf32, #tpu.memory_space<hbm>>
        tpu.enqueue_dma source(%dma_start3A_235 : memref<128xf32, #tpu.memory_space<hbm>>) target(%dma_start3A_234 : memref<128xf32, #tpu.memory_space<vmem>>) target_semaphore(%run_scoped3A_229 : memref<!tpu.dma_semaphore, #tpu.memory_space<semaphore_mem>>)
        %dma_wait3A_236 = arith.constant 0 : i32
        %dma_wait3A_237 = tpu.memref_slice %arg12[%dma_wait3A_236] : memref<1280xf32, #tpu.memory_space<vmem>> -> memref<128xf32, #tpu.memory_space<vmem>>
        %dma_wait3A_238 = tpu.memref_slice %arg4[%mul3A_93] : memref<320000xf32, #tpu.memory_space<hbm>> -> memref<128xf32, #tpu.memory_space<hbm>>
        %dma_wait3A_239 = arith.constant 0 : i32
        %dma_wait3A_240 = tpu.memref_slice %arg12[%dma_wait3A_239] : memref<1280xf32, #tpu.memory_space<vmem>> -> memref<128xf32, #tpu.memory_space<vmem>>
        %dma_wait3A_241 = tpu.memref_slice %arg4[%mul3A_93] : memref<320000xf32, #tpu.memory_space<hbm>> -> memref<128xf32, #tpu.memory_space<hbm>>
        tpu.wait_dma2 semaphore(%run_scoped3A_229 : memref<!tpu.dma_semaphore, #tpu.memory_space<semaphore_mem>>) src(%dma_wait3A_241 : memref<128xf32, #tpu.memory_space<hbm>>) dst(%dma_wait3A_240 : memref<128xf32, #tpu.memory_space<vmem>>)
        tpu.yield
      }) : () -> ()
      %dma_start3A = arith.constant 0 : i32
      %dma_start3A_94 = arith.constant 0 : i32
      %dma_start3A_95 = tpu.memref_slice %arg5[%dma_start3A, %dma_start3A_94] : memref<10000x128xf32, #tpu.memory_space<hbm>> -> memref<10000x128xf32, #tpu.memory_space<hbm>>
      tpu.enqueue_indirect_dma source(%dma_start3A_95 : memref<10000x128xf32, #tpu.memory_space<hbm>>) target(%arg14 : memref<128x128xf32, #tpu.memory_space<vmem>>) offsets(%arg13 : memref<128xi32, #tpu.memory_space<vmem>>) semaphore(%arg19 : memref<!tpu.dma_semaphore, #tpu.memory_space<semaphore_mem>>)
      %dma_wait3A = arith.constant 0 : i32
      %dma_wait3A_96 = arith.constant 0 : i32
      %dma_wait3A_97 = tpu.memref_slice %arg5[%dma_wait3A, %dma_wait3A_96] : memref<10000x128xf32, #tpu.memory_space<hbm>> -> memref<10000x128xf32, #tpu.memory_space<hbm>>
      tpu.wait_indirect_dma semaphore(%arg19 : memref<!tpu.dma_semaphore, #tpu.memory_space<semaphore_mem>>) src(%dma_wait3A_97 : memref<10000x128xf32, #tpu.memory_space<hbm>>) dst(%arg14 : memref<128x128xf32, #tpu.memory_space<vmem>>)
      %get3A = arith.constant 0 : index
      %get3A_98 = tpu.vector_load %arg13[%get3A] {strides = array<i32>} : memref<128xi32, #tpu.memory_space<vmem>>, vector<16xi32>,
      %get3A_99 = arith.constant 0 : i32
      %get3A_100 = arith.index_cast %get3A_99 : i32 to index
      %get3A_101 = arith.constant 0 : index
      %get3A_102 = tpu.vector_load %arg11[%get3A_100, %get3A_101] {strides = array<i32>} : memref<10x128xi32, #tpu.memory_space<vmem>>, vector<16xi32>,
      %get3A_103 = arith.constant 0 : index
      %get3A_104 = tpu.vector_load %arg12[%get3A_103] {strides = array<i32>} : memref<1280xf32, #tpu.memory_space<vmem>>, vector<16xf32>,
      %gather3A = tpu.vector_load_idx %arg10[%get3A_98] : memref<10000xf32, #tpu.memory_space<vmem>>[vector<16xi32>], vector<16xf32>,
      %mul3A_105 = arith.mulf %gather3A, %get3A_104 : vector<16xf32>
      %gather3A_106 = tpu.vector_load_idx %arg10[%get3A_102] : memref<10000xf32, #tpu.memory_space<vmem>>[vector<16xi32>], vector<16xf32>,
      %mul3A_107 = arith.mulf %mul3A_105, %gather3A_106 : vector<16xf32>
      %swap3A = arith.constant 0 : index
      %swap3A_108 = tpu.vector_load %arg15[%swap3A] {strides = array<i32>} : memref<128xf32, #tpu.memory_space<vmem>>, vector<16xf32>,
      tpu.vector_store %arg15[%swap3A], %mul3A_107 {strides = array<i32>} : memref<128xf32, #tpu.memory_space<vmem>>, vector<16xf32>,
      %get3A_109 = arith.constant 16 : index
      %get3A_110 = tpu.vector_load %arg13[%get3A_109] {strides = array<i32>} : memref<128xi32, #tpu.memory_space<vmem>>, vector<16xi32>,
      %get3A_111 = arith.constant 0 : i32
      %get3A_112 = arith.index_cast %get3A_111 : i32 to index
      %get3A_113 = arith.constant 16 : index
      %get3A_114 = tpu.vector_load %arg11[%get3A_112, %get3A_113] {strides = array<i32>} : memref<10x128xi32, #tpu.memory_space<vmem>>, vector<16xi32>,
      %get3A_115 = arith.constant 16 : index
      %get3A_116 = tpu.vector_load %arg12[%get3A_115] {strides = array<i32>} : memref<1280xf32, #tpu.memory_space<vmem>>, vector<16xf32>,
      %gather3A_117 = tpu.vector_load_idx %arg10[%get3A_110] : memref<10000xf32, #tpu.memory_space<vmem>>[vector<16xi32>], vector<16xf32>,
      %mul3A_118 = arith.mulf %gather3A_117, %get3A_116 : vector<16xf32>
      %gather3A_119 = tpu.vector_load_idx %arg10[%get3A_114] : memref<10000xf32, #tpu.memory_space<vmem>>[vector<16xi32>], vector<16xf32>,
      %mul3A_120 = arith.mulf %mul3A_118, %gather3A_119 : vector<16xf32>
      %swap3A_121 = arith.constant 16 : index
      %swap3A_122 = tpu.vector_load %arg15[%swap3A_121] {strides = array<i32>} : memref<128xf32, #tpu.memory_space<vmem>>, vector<16xf32>,
      tpu.vector_store %arg15[%swap3A_121], %mul3A_120 {strides = array<i32>} : memref<128xf32, #tpu.memory_space<vmem>>, vector<16xf32>,
      %get3A_123 = arith.constant 32 : index
      %get3A_124 = tpu.vector_load %arg13[%get3A_123] {strides = array<i32>} : memref<128xi32, #tpu.memory_space<vmem>>, vector<16xi32>,
      %get3A_125 = arith.constant 0 : i32
      %get3A_126 = arith.index_cast %get3A_125 : i32 to index
      %get3A_127 = arith.constant 32 : index
      %get3A_128 = tpu.vector_load %arg11[%get3A_126, %get3A_127] {strides = array<i32>} : memref<10x128xi32, #tpu.memory_space<vmem>>, vector<16xi32>,
      %get3A_129 = arith.constant 32 : index
      %get3A_130 = tpu.vector_load %arg12[%get3A_129] {strides = array<i32>} : memref<1280xf32, #tpu.memory_space<vmem>>, vector<16xf32>,
      %gather3A_131 = tpu.vector_load_idx %arg10[%get3A_124] : memref<10000xf32, #tpu.memory_space<vmem>>[vector<16xi32>], vector<16xf32>,
      %mul3A_132 = arith.mulf %gather3A_131, %get3A_130 : vector<16xf32>
      %gather3A_133 = tpu.vector_load_idx %arg10[%get3A_128] : memref<10000xf32, #tpu.memory_space<vmem>>[vector<16xi32>], vector<16xf32>,
      %mul3A_134 = arith.mulf %mul3A_132, %gather3A_133 : vector<16xf32>
      %swap3A_135 = arith.constant 32 : index
      %swap3A_136 = tpu.vector_load %arg15[%swap3A_135] {strides = array<i32>} : memref<128xf32, #tpu.memory_space<vmem>>, vector<16xf32>,
      tpu.vector_store %arg15[%swap3A_135], %mul3A_134 {strides = array<i32>} : memref<128xf32, #tpu.memory_space<vmem>>, vector<16xf32>,
      %get3A_137 = arith.constant 48 : index
      %get3A_138 = tpu.vector_load %arg13[%get3A_137] {strides = array<i32>} : memref<128xi32, #tpu.memory_space<vmem>>, vector<16xi32>,
      %get3A_139 = arith.constant 0 : i32
      %get3A_140 = arith.index_cast %get3A_139 : i32 to index
      %get3A_141 = arith.constant 48 : index
      %get3A_142 = tpu.vector_load %arg11[%get3A_140, %get3A_141] {strides = array<i32>} : memref<10x128xi32, #tpu.memory_space<vmem>>, vector<16xi32>,
      %get3A_143 = arith.constant 48 : index
      %get3A_144 = tpu.vector_load %arg12[%get3A_143] {strides = array<i32>} : memref<1280xf32, #tpu.memory_space<vmem>>, vector<16xf32>,
      %gather3A_145 = tpu.vector_load_idx %arg10[%get3A_138] : memref<10000xf32, #tpu.memory_space<vmem>>[vector<16xi32>], vector<16xf32>,
      %mul3A_146 = arith.mulf %gather3A_145, %get3A_144 : vector<16xf32>
      %gather3A_147 = tpu.vector_load_idx %arg10[%get3A_142] : memref<10000xf32, #tpu.memory_space<vmem>>[vector<16xi32>], vector<16xf32>,
      %mul3A_148 = arith.mulf %mul3A_146, %gather3A_147 : vector<16xf32>
      %swap3A_149 = arith.constant 48 : index
      %swap3A_150 = tpu.vector_load %arg15[%swap3A_149] {strides = array<i32>} : memref<128xf32, #tpu.memory_space<vmem>>, vector<16xf32>,
      tpu.vector_store %arg15[%swap3A_149], %mul3A_148 {strides = array<i32>} : memref<128xf32, #tpu.memory_space<vmem>>, vector<16xf32>,
      %get3A_151 = arith.constant 64 : index
      %get3A_152 = tpu.vector_load %arg13[%get3A_151] {strides = array<i32>} : memref<128xi32, #tpu.memory_space<vmem>>, vector<16xi32>,
      %get3A_153 = arith.constant 0 : i32
      %get3A_154 = arith.index_cast %get3A_153 : i32 to index
      %get3A_155 = arith.constant 64 : index
      %get3A_156 = tpu.vector_load %arg11[%get3A_154, %get3A_155] {strides = array<i32>} : memref<10x128xi32, #tpu.memory_space<vmem>>, vector<16xi32>,
      %get3A_157 = arith.constant 64 : index
      %get3A_158 = tpu.vector_load %arg12[%get3A_157] {strides = array<i32>} : memref<1280xf32, #tpu.memory_space<vmem>>, vector<16xf32>,
      %gather3A_159 = tpu.vector_load_idx %arg10[%get3A_152] : memref<10000xf32, #tpu.memory_space<vmem>>[vector<16xi32>], vector<16xf32>,
      %mul3A_160 = arith.mulf %gather3A_159, %get3A_158 : vector<16xf32>
      %gather3A_161 = tpu.vector_load_idx %arg10[%get3A_156] : memref<10000xf32, #tpu.memory_space<vmem>>[vector<16xi32>], vector<16xf32>,
      %mul3A_162 = arith.mulf %mul3A_160, %gather3A_161 : vector<16xf32>
      %swap3A_163 = arith.constant 64 : index
      %swap3A_164 = tpu.vector_load %arg15[%swap3A_163] {strides = array<i32>} : memref<128xf32, #tpu.memory_space<vmem>>, vector<16xf32>,
      tpu.vector_store %arg15[%swap3A_163], %mul3A_162 {strides = array<i32>} : memref<128xf32, #tpu.memory_space<vmem>>, vector<16xf32>,
      %get3A_165 = arith.constant 80 : index
      %get3A_166 = tpu.vector_load %arg13[%get3A_165] {strides = array<i32>} : memref<128xi32, #tpu.memory_space<vmem>>, vector<16xi32>,
      %get3A_167 = arith.constant 0 : i32
      %get3A_168 = arith.index_cast %get3A_167 : i32 to index
      %get3A_169 = arith.constant 80 : index
      %get3A_170 = tpu.vector_load %arg11[%get3A_168, %get3A_169] {strides = array<i32>} : memref<10x128xi32, #tpu.memory_space<vmem>>, vector<16xi32>,
      %get3A_171 = arith.constant 80 : index
      %get3A_172 = tpu.vector_load %arg12[%get3A_171] {strides = array<i32>} : memref<1280xf32, #tpu.memory_space<vmem>>, vector<16xf32>,
      %gather3A_173 = tpu.vector_load_idx %arg10[%get3A_166] : memref<10000xf32, #tpu.memory_space<vmem>>[vector<16xi32>], vector<16xf32>,
      %mul3A_174 = arith.mulf %gather3A_173, %get3A_172 : vector<16xf32>
      %gather3A_175 = tpu.vector_load_idx %arg10[%get3A_170] : memref<10000xf32, #tpu.memory_space<vmem>>[vector<16xi32>], vector<16xf32>,
      %mul3A_176 = arith.mulf %mul3A_174, %gather3A_175 : vector<16xf32>
      %swap3A_177 = arith.constant 80 : index
      %swap3A_178 = tpu.vector_load %arg15[%swap3A_177] {strides = array<i32>} : memref<128xf32, #tpu.memory_space<vmem>>, vector<16xf32>,
      tpu.vector_store %arg15[%swap3A_177], %mul3A_176 {strides = array<i32>} : memref<128xf32, #tpu.memory_space<vmem>>, vector<16xf32>,
      %get3A_179 = arith.constant 96 : index
      %get3A_180 = tpu.vector_load %arg13[%get3A_179] {strides = array<i32>} : memref<128xi32, #tpu.memory_space<vmem>>, vector<16xi32>,
      %get3A_181 = arith.constant 0 : i32
      %get3A_182 = arith.index_cast %get3A_181 : i32 to index
      %get3A_183 = arith.constant 96 : index
      %get3A_184 = tpu.vector_load %arg11[%get3A_182, %get3A_183] {strides = array<i32>} : memref<10x128xi32, #tpu.memory_space<vmem>>, vector<16xi32>,
      %get3A_185 = arith.constant 96 : index
      %get3A_186 = tpu.vector_load %arg12[%get3A_185] {strides = array<i32>} : memref<1280xf32, #tpu.memory_space<vmem>>, vector<16xf32>,
      %gather3A_187 = tpu.vector_load_idx %arg10[%get3A_180] : memref<10000xf32, #tpu.memory_space<vmem>>[vector<16xi32>], vector<16xf32>,
      %mul3A_188 = arith.mulf %gather3A_187, %get3A_186 : vector<16xf32>
      %gather3A_189 = tpu.vector_load_idx %arg10[%get3A_184] : memref<10000xf32, #tpu.memory_space<vmem>>[vector<16xi32>], vector<16xf32>,
      %mul3A_190 = arith.mulf %mul3A_188, %gather3A_189 : vector<16xf32>
      %swap3A_191 = arith.constant 96 : index
      %swap3A_192 = tpu.vector_load %arg15[%swap3A_191] {strides = array<i32>} : memref<128xf32, #tpu.memory_space<vmem>>, vector<16xf32>,
      tpu.vector_store %arg15[%swap3A_191], %mul3A_190 {strides = array<i32>} : memref<128xf32, #tpu.memory_space<vmem>>, vector<16xf32>,
      %get3A_193 = arith.constant 112 : index
      %get3A_194 = tpu.vector_load %arg13[%get3A_193] {strides = array<i32>} : memref<128xi32, #tpu.memory_space<vmem>>, vector<16xi32>,
      %get3A_195 = arith.constant 0 : i32
      %get3A_196 = arith.index_cast %get3A_195 : i32 to index
      %get3A_197 = arith.constant 112 : index
      %get3A_198 = tpu.vector_load %arg11[%get3A_196, %get3A_197] {strides = array<i32>} : memref<10x128xi32, #tpu.memory_space<vmem>>, vector<16xi32>,
      %get3A_199 = arith.constant 112 : index
      %get3A_200 = tpu.vector_load %arg12[%get3A_199] {strides = array<i32>} : memref<1280xf32, #tpu.memory_space<vmem>>, vector<16xf32>,
      %gather3A_201 = tpu.vector_load_idx %arg10[%get3A_194] : memref<10000xf32, #tpu.memory_space<vmem>>[vector<16xi32>], vector<16xf32>,
      %mul3A_202 = arith.mulf %gather3A_201, %get3A_200 : vector<16xf32>
      %gather3A_203 = tpu.vector_load_idx %arg10[%get3A_198] : memref<10000xf32, #tpu.memory_space<vmem>>[vector<16xi32>], vector<16xf32>,
      %mul3A_204 = arith.mulf %mul3A_202, %gather3A_203 : vector<16xf32>
      %swap3A_205 = arith.constant 112 : index
      %swap3A_206 = tpu.vector_load %arg15[%swap3A_205] {strides = array<i32>} : memref<128xf32, #tpu.memory_space<vmem>>, vector<16xf32>,
      tpu.vector_store %arg15[%swap3A_205], %mul3A_204 {strides = array<i32>} : memref<128xf32, #tpu.memory_space<vmem>>, vector<16xf32>,
      %scan3A_207 = arith.constant 0 : i32
      %scan3A_208 = arith.constant 0 : i32
      %scan3A_209 = arith.constant 128 : i32
      %scan3A_210 = arith.addi %scan3A_208, %scan3A_209 : i32
      %scan3A_211 = arith.constant 1 : i32
      %scan3A_212 = scf.for %scan3A_229 = %scan3A_208 to %scan3A_210 step %scan3A_211 iter_args(%scan3A_230 = %scan3A_207) -> (i32)  : i32 {
        %broadcast_in_dim3A_231 = vector.broadcast %scan3A_229 : i32 to vector<16xi32>
        %gather3A_232 = tpu.vector_load_idx %arg15[%broadcast_in_dim3A_231] : memref<128xf32, #tpu.memory_space<vmem>>[vector<16xi32>], vector<16xf32>,
        %get3A_233 = arith.index_cast %scan3A_229 : i32 to index
        %get3A_234 = arith.constant 0 : index
        %get3A_235 = tpu.vector_load %arg14[%get3A_233, %get3A_234] {strides = array<i32>} : memref<128x128xf32, #tpu.memory_space<vmem>>, vector<16xf32>,
        %mul3A_236 = arith.mulf %get3A_235, %gather3A_232 : vector<16xf32>
        %swap3A_237 = arith.index_cast %scan3A_229 : i32 to index
        %swap3A_238 = arith.constant 0 : index
        %swap3A_239 = tpu.vector_load %arg14[%swap3A_237, %swap3A_238] {strides = array<i32>} : memref<128x128xf32, #tpu.memory_space<vmem>>, vector<16xf32>,
        tpu.vector_store %arg14[%swap3A_237, %swap3A_238], %mul3A_236 {strides = array<i32>} : memref<128x128xf32, #tpu.memory_space<vmem>>, vector<16xf32>,
        %get3A_240 = arith.index_cast %scan3A_229 : i32 to index
        %get3A_241 = arith.constant 16 : index
        %get3A_242 = tpu.vector_load %arg14[%get3A_240, %get3A_241] {strides = array<i32>} : memref<128x128xf32, #tpu.memory_space<vmem>>, vector<16xf32>,
        %mul3A_243 = arith.mulf %get3A_242, %gather3A_232 : vector<16xf32>
        %swap3A_244 = arith.index_cast %scan3A_229 : i32 to index
        %swap3A_245 = arith.constant 16 : index
        %swap3A_246 = tpu.vector_load %arg14[%swap3A_244, %swap3A_245] {strides = array<i32>} : memref<128x128xf32, #tpu.memory_space<vmem>>, vector<16xf32>,
        tpu.vector_store %arg14[%swap3A_244, %swap3A_245], %mul3A_243 {strides = array<i32>} : memref<128x128xf32, #tpu.memory_space<vmem>>, vector<16xf32>,
        %get3A_247 = arith.index_cast %scan3A_229 : i32 to index
        %get3A_248 = arith.constant 32 : index
        %get3A_249 = tpu.vector_load %arg14[%get3A_247, %get3A_248] {strides = array<i32>} : memref<128x128xf32, #tpu.memory_space<vmem>>, vector<16xf32>,
        %mul3A_250 = arith.mulf %get3A_249, %gather3A_232 : vector<16xf32>
        %swap3A_251 = arith.index_cast %scan3A_229 : i32 to index
        %swap3A_252 = arith.constant 32 : index
        %swap3A_253 = tpu.vector_load %arg14[%swap3A_251, %swap3A_252] {strides = array<i32>} : memref<128x128xf32, #tpu.memory_space<vmem>>, vector<16xf32>,
        tpu.vector_store %arg14[%swap3A_251, %swap3A_252], %mul3A_250 {strides = array<i32>} : memref<128x128xf32, #tpu.memory_space<vmem>>, vector<16xf32>,
        %get3A_254 = arith.index_cast %scan3A_229 : i32 to index
        %get3A_255 = arith.constant 48 : index
        %get3A_256 = tpu.vector_load %arg14[%get3A_254, %get3A_255] {strides = array<i32>} : memref<128x128xf32, #tpu.memory_space<vmem>>, vector<16xf32>,
        %mul3A_257 = arith.mulf %get3A_256, %gather3A_232 : vector<16xf32>
        %swap3A_258 = arith.index_cast %scan3A_229 : i32 to index
        %swap3A_259 = arith.constant 48 : index
        %swap3A_260 = tpu.vector_load %arg14[%swap3A_258, %swap3A_259] {strides = array<i32>} : memref<128x128xf32, #tpu.memory_space<vmem>>, vector<16xf32>,
        tpu.vector_store %arg14[%swap3A_258, %swap3A_259], %mul3A_257 {strides = array<i32>} : memref<128x128xf32, #tpu.memory_space<vmem>>, vector<16xf32>,
        %get3A_261 = arith.index_cast %scan3A_229 : i32 to index
        %get3A_262 = arith.constant 64 : index
        %get3A_263 = tpu.vector_load %arg14[%get3A_261, %get3A_262] {strides = array<i32>} : memref<128x128xf32, #tpu.memory_space<vmem>>, vector<16xf32>,
        %mul3A_264 = arith.mulf %get3A_263, %gather3A_232 : vector<16xf32>
        %swap3A_265 = arith.index_cast %scan3A_229 : i32 to index
        %swap3A_266 = arith.constant 64 : index
        %swap3A_267 = tpu.vector_load %arg14[%swap3A_265, %swap3A_266] {strides = array<i32>} : memref<128x128xf32, #tpu.memory_space<vmem>>, vector<16xf32>,
        tpu.vector_store %arg14[%swap3A_265, %swap3A_266], %mul3A_264 {strides = array<i32>} : memref<128x128xf32, #tpu.memory_space<vmem>>, vector<16xf32>,
        %get3A_268 = arith.index_cast %scan3A_229 : i32 to index
        %get3A_269 = arith.constant 80 : index
        %get3A_270 = tpu.vector_load %arg14[%get3A_268, %get3A_269] {strides = array<i32>} : memref<128x128xf32, #tpu.memory_space<vmem>>, vector<16xf32>,
        %mul3A_271 = arith.mulf %get3A_270, %gather3A_232 : vector<16xf32>
        %swap3A_272 = arith.index_cast %scan3A_229 : i32 to index
        %swap3A_273 = arith.constant 80 : index
        %swap3A_274 = tpu.vector_load %arg14[%swap3A_272, %swap3A_273] {strides = array<i32>} : memref<128x128xf32, #tpu.memory_space<vmem>>, vector<16xf32>,
        tpu.vector_store %arg14[%swap3A_272, %swap3A_273], %mul3A_271 {strides = array<i32>} : memref<128x128xf32, #tpu.memory_space<vmem>>, vector<16xf32>,
        %get3A_275 = arith.index_cast %scan3A_229 : i32 to index
        %get3A_276 = arith.constant 96 : index
        %get3A_277 = tpu.vector_load %arg14[%get3A_275, %get3A_276] {strides = array<i32>} : memref<128x128xf32, #tpu.memory_space<vmem>>, vector<16xf32>,
        %mul3A_278 = arith.mulf %get3A_277, %gather3A_232 : vector<16xf32>
        %swap3A_279 = arith.index_cast %scan3A_229 : i32 to index
        %swap3A_280 = arith.constant 96 : index
        %swap3A_281 = tpu.vector_load %arg14[%swap3A_279, %swap3A_280] {strides = array<i32>} : memref<128x128xf32, #tpu.memory_space<vmem>>, vector<16xf32>,
        tpu.vector_store %arg14[%swap3A_279, %swap3A_280], %mul3A_278 {strides = array<i32>} : memref<128x128xf32, #tpu.memory_space<vmem>>, vector<16xf32>,
        %get3A_282 = arith.index_cast %scan3A_229 : i32 to index
        %get3A_283 = arith.constant 112 : index
        %get3A_284 = tpu.vector_load %arg14[%get3A_282, %get3A_283] {strides = array<i32>} : memref<128x128xf32, #tpu.memory_space<vmem>>, vector<16xf32>,
        %mul3A_285 = arith.mulf %get3A_284, %gather3A_232 : vector<16xf32>
        %swap3A_286 = arith.index_cast %scan3A_229 : i32 to index
        %swap3A_287 = arith.constant 112 : index
        %swap3A_288 = tpu.vector_load %arg14[%swap3A_286, %swap3A_287] {strides = array<i32>} : memref<128x128xf32, #tpu.memory_space<vmem>>, vector<16xf32>,
        tpu.vector_store %arg14[%swap3A_286, %swap3A_287], %mul3A_285 {strides = array<i32>} : memref<128x128xf32, #tpu.memory_space<vmem>>, vector<16xf32>,
        %scan3A_289 = arith.constant 0 : i32
        scf.yield %scan3A_289 : i32
      }
      %scan3A_213 = arith.constant 128 : i32
      %dma_start3A_214 = arith.constant 0 : i32
      %dma_start3A_215 = arith.constant 0 : i32
      %dma_start3A_216 = tpu.memref_slice %arg11[%dma_start3A_214, %dma_start3A_215] : memref<10x128xi32, #tpu.memory_space<vmem>> -> memref<1x128xi32, #tpu.memory_space<vmem>>
      %dma_start3A_217 = tpu.memref_squeeze %dma_start3A_216 : memref<1x128xi32, #tpu.memory_space<vmem>> -> memref<128xi32, #tpu.memory_space<vmem>>
      %dma_start3A_218 = arith.constant 0 : i32
      %dma_start3A_219 = arith.constant 0 : i32
      %dma_start3A_220 = tpu.memref_slice %arg8[%dma_start3A_218, %dma_start3A_219] : memref<10000x128xf32, #tpu.memory_space<vmem_shared>> -> memref<10000x128xf32, #tpu.memory_space<vmem_shared>>
      tpu.enqueue_indirect_dma source(%arg14 : memref<128x128xf32, #tpu.memory_space<vmem>>) target(%dma_start3A_220 : memref<10000x128xf32, #tpu.memory_space<vmem_shared>>) offsets(%dma_start3A_217 : memref<128xi32, #tpu.memory_space<vmem>>) semaphore(%arg18 : memref<!tpu.dma_semaphore, #tpu.memory_space<semaphore_mem>>) {add = true}
      %dma_wait3A_221 = arith.constant 0 : i32
      %dma_wait3A_222 = arith.constant 0 : i32
      %dma_wait3A_223 = tpu.memref_slice %arg11[%dma_wait3A_221, %dma_wait3A_222] : memref<10x128xi32, #tpu.memory_space<vmem>> -> memref<1x128xi32, #tpu.memory_space<vmem>>
      %dma_wait3A_224 = tpu.memref_squeeze %dma_wait3A_223 : memref<1x128xi32, #tpu.memory_space<vmem>> -> memref<128xi32, #tpu.memory_space<vmem>>
      %dma_wait3A_225 = arith.constant 0 : i32
      %dma_wait3A_226 = arith.constant 0 : i32
      %dma_wait3A_227 = tpu.memref_slice %arg8[%dma_wait3A_225, %dma_wait3A_226] : memref<10000x128xf32, #tpu.memory_space<vmem_shared>> -> memref<10000x128xf32, #tpu.memory_space<vmem_shared>>
      tpu.wait_indirect_dma semaphore(%arg18 : memref<!tpu.dma_semaphore, #tpu.memory_space<semaphore_mem>>) src(%arg14 : memref<128x128xf32, #tpu.memory_space<vmem>>) dst(%dma_wait3A_227 : memref<10000x128xf32, #tpu.memory_space<vmem_shared>>)
      %while3A_228 = arith.constant 0 : i32
      scf.yield %while3A_228 : i32
    }
    %while3A_69 = arith.constant 1 : i32
    %while3A_70 = scf.for %while3A_89 = %while3A_66 to %while3A_62 step %while3A_69 iter_args(%while3A_90 = %while3A_68) -> (i32)  : i32 {
      %add3A_91 = arith.addi %add3A_51, %while3A_89 : i32
      %mul3A_92 = arith.constant 128 : i32
      %mul3A_93 = arith.muli %add3A_91, %mul3A_92 : i32
      "tpu.region"() ({
        %run_scoped3A_229 = tpu.sem_alloc : memref<!tpu.dma_semaphore, #tpu.memory_space<semaphore_mem>>
        %dma_start3A_230 = tpu.memref_slice %arg2[%mul3A_93] : memref<320000xi32, #tpu.memory_space<hbm>> -> memref<128xi32, #tpu.memory_space<hbm>>
        %dma_start3A_231 = tpu.memref_slice %arg2[%mul3A_93] : memref<320000xi32, #tpu.memory_space<hbm>> -> memref<128xi32, #tpu.memory_space<hbm>>
        tpu.enqueue_dma source(%dma_start3A_231 : memref<128xi32, #tpu.memory_space<hbm>>) target(%arg13 : memref<128xi32, #tpu.memory_space<vmem>>) target_semaphore(%run_scoped3A_229 : memref<!tpu.dma_semaphore, #tpu.memory_space<semaphore_mem>>)
        %dma_wait3A_232 = tpu.memref_slice %arg2[%mul3A_93] : memref<320000xi32, #tpu.memory_space<hbm>> -> memref<128xi32, #tpu.memory_space<hbm>>
        %dma_wait3A_233 = tpu.memref_slice %arg2[%mul3A_93] : memref<320000xi32, #tpu.memory_space<hbm>> -> memref<128xi32, #tpu.memory_space<hbm>>
        tpu.wait_dma2 semaphore(%run_scoped3A_229 : memref<!tpu.dma_semaphore, #tpu.memory_space<semaphore_mem>>) src(%dma_wait3A_233 : memref<128xi32, #tpu.memory_space<hbm>>) dst(%arg13 : memref<128xi32, #tpu.memory_space<vmem>>)
        tpu.yield
      }) : () -> ()
      %run_scoped3A = arith.constant 0 : i32
      "tpu.region"() ({
        %run_scoped3A_229 = tpu.sem_alloc : memref<!tpu.dma_semaphore, #tpu.memory_space<semaphore_mem>>
        %dma_start3A_230 = arith.constant 0 : i32
        %dma_start3A_231 = tpu.memref_slice %arg11[%run_scoped3A, %dma_start3A_230] : memref<10x128xi32, #tpu.memory_space<vmem>> -> memref<1x128xi32, #tpu.memory_space<vmem>>
        %dma_start3A_232 = tpu.memref_squeeze %dma_start3A_231 : memref<1x128xi32, #tpu.memory_space<vmem>> -> memref<128xi32, #tpu.memory_space<vmem>>
        %dma_start3A_233 = tpu.memref_slice %arg3[%mul3A_93] : memref<320000xi32, #tpu.memory_space<hbm>> -> memref<128xi32, #tpu.memory_space<hbm>>
        %dma_start3A_234 = arith.constant 0 : i32
        %dma_start3A_235 = tpu.memref_slice %arg11[%run_scoped3A, %dma_start3A_234] : memref<10x128xi32, #tpu.memory_space<vmem>> -> memref<1x128xi32, #tpu.memory_space<vmem>>
        %dma_start3A_236 = tpu.memref_squeeze %dma_start3A_235 : memref<1x128xi32, #tpu.memory_space<vmem>> -> memref<128xi32, #tpu.memory_space<vmem>>
        %dma_start3A_237 = tpu.memref_slice %arg3[%mul3A_93] : memref<320000xi32, #tpu.memory_space<hbm>> -> memref<128xi32, #tpu.memory_space<hbm>>
        tpu.enqueue_dma source(%dma_start3A_237 : memref<128xi32, #tpu.memory_space<hbm>>) target(%dma_start3A_236 : memref<128xi32, #tpu.memory_space<vmem>>) target_semaphore(%run_scoped3A_229 : memref<!tpu.dma_semaphore, #tpu.memory_space<semaphore_mem>>)
        %dma_wait3A_238 = arith.constant 0 : i32
        %dma_wait3A_239 = tpu.memref_slice %arg11[%run_scoped3A, %dma_wait3A_238] : memref<10x128xi32, #tpu.memory_space<vmem>> -> memref<1x128xi32, #tpu.memory_space<vmem>>
        %dma_wait3A_240 = tpu.memref_squeeze %dma_wait3A_239 : memref<1x128xi32, #tpu.memory_space<vmem>> -> memref<128xi32, #tpu.memory_space<vmem>>
        %dma_wait3A_241 = tpu.memref_slice %arg3[%mul3A_93] : memref<320000xi32, #tpu.memory_space<hbm>> -> memref<128xi32, #tpu.memory_space<hbm>>
        %dma_wait3A_242 = arith.constant 0 : i32
        %dma_wait3A_243 = tpu.memref_slice %arg11[%run_scoped3A, %dma_wait3A_242] : memref<10x128xi32, #tpu.memory_space<vmem>> -> memref<1x128xi32, #tpu.memory_space<vmem>>
        %dma_wait3A_244 = tpu.memref_squeeze %dma_wait3A_243 : memref<1x128xi32, #tpu.memory_space<vmem>> -> memref<128xi32, #tpu.memory_space<vmem>>
        %dma_wait3A_245 = tpu.memref_slice %arg3[%mul3A_93] : memref<320000xi32, #tpu.memory_space<hbm>> -> memref<128xi32, #tpu.memory_space<hbm>>
        tpu.wait_dma2 semaphore(%run_scoped3A_229 : memref<!tpu.dma_semaphore, #tpu.memory_space<semaphore_mem>>) src(%dma_wait3A_245 : memref<128xi32, #tpu.memory_space<hbm>>) dst(%dma_wait3A_244 : memref<128xi32, #tpu.memory_space<vmem>>)
        tpu.yield
      }) : () -> ()
      "tpu.region"() ({
        %run_scoped3A_229 = tpu.sem_alloc : memref<!tpu.dma_semaphore, #tpu.memory_space<semaphore_mem>>
        %dma_start3A_230 = arith.constant 0 : i32
        %dma_start3A_231 = tpu.memref_slice %arg12[%dma_start3A_230] : memref<1280xf32, #tpu.memory_space<vmem>> -> memref<128xf32, #tpu.memory_space<vmem>>
        %dma_start3A_232 = tpu.memref_slice %arg4[%mul3A_93] : memref<320000xf32, #tpu.memory_space<hbm>> -> memref<128xf32, #tpu.memory_space<hbm>>
        %dma_start3A_233 = arith.constant 0 : i32
        %dma_start3A_234 = tpu.memref_slice %arg12[%dma_start3A_233] : memref<1280xf32, #tpu.memory_space<vmem>> -> memref<128xf32, #tpu.memory_space<vmem>>
        %dma_start3A_235 = tpu.memref_slice %arg4[%mul3A_93] : memref<320000xf32, #tpu.memory_space<hbm>> -> memref<128xf32, #tpu.memory_space<hbm>>
        tpu.enqueue_dma source(%dma_start3A_235 : memref<128xf32, #tpu.memory_space<hbm>>) target(%dma_start3A_234 : memref<128xf32, #tpu.memory_space<vmem>>) target_semaphore(%run_scoped3A_229 : memref<!tpu.dma_semaphore, #tpu.memory_space<semaphore_mem>>)
        %dma_wait3A_236 = arith.constant 0 : i32
        %dma_wait3A_237 = tpu.memref_slice %arg12[%dma_wait3A_236] : memref<1280xf32, #tpu.memory_space<vmem>> -> memref<128xf32, #tpu.memory_space<vmem>>
        %dma_wait3A_238 = tpu.memref_slice %arg4[%mul3A_93] : memref<320000xf32, #tpu.memory_space<hbm>> -> memref<128xf32, #tpu.memory_space<hbm>>
        %dma_wait3A_239 = arith.constant 0 : i32
        %dma_wait3A_240 = tpu.memref_slice %arg12[%dma_wait3A_239] : memref<1280xf32, #tpu.memory_space<vmem>> -> memref<128xf32, #tpu.memory_space<vmem>>
        %dma_wait3A_241 = tpu.memref_slice %arg4[%mul3A_93] : memref<320000xf32, #tpu.memory_space<hbm>> -> memref<128xf32, #tpu.memory_space<hbm>>
        tpu.wait_dma2 semaphore(%run_scoped3A_229 : memref<!tpu.dma_semaphore, #tpu.memory_space<semaphore_mem>>) src(%dma_wait3A_241 : memref<128xf32, #tpu.memory_space<hbm>>) dst(%dma_wait3A_240 : memref<128xf32, #tpu.memory_space<vmem>>)
        tpu.yield
      }) : () -> ()
      %dma_start3A = arith.constant 0 : i32
      %dma_start3A_94 = arith.constant 0 : i32
      %dma_start3A_95 = tpu.memref_slice %arg5[%dma_start3A, %dma_start3A_94] : memref<10000x128xf32, #tpu.memory_space<hbm>> -> memref<10000x128xf32, #tpu.memory_space<hbm>>
      tpu.enqueue_indirect_dma source(%dma_start3A_95 : memref<10000x128xf32, #tpu.memory_space<hbm>>) target(%arg14 : memref<128x128xf32, #tpu.memory_space<vmem>>) offsets(%arg13 : memref<128xi32, #tpu.memory_space<vmem>>) semaphore(%arg19 : memref<!tpu.dma_semaphore, #tpu.memory_space<semaphore_mem>>)
      %dma_wait3A = arith.constant 0 : i32
      %dma_wait3A_96 = arith.constant 0 : i32
      %dma_wait3A_97 = tpu.memref_slice %arg5[%dma_wait3A, %dma_wait3A_96] : memref<10000x128xf32, #tpu.memory_space<hbm>> -> memref<10000x128xf32, #tpu.memory_space<hbm>>
      tpu.wait_indirect_dma semaphore(%arg19 : memref<!tpu.dma_semaphore, #tpu.memory_space<semaphore_mem>>) src(%dma_wait3A_97 : memref<10000x128xf32, #tpu.memory_space<hbm>>) dst(%arg14 : memref<128x128xf32, #tpu.memory_space<vmem>>)
      %get3A = arith.constant 0 : index
      %get3A_98 = tpu.vector_load %arg13[%get3A] {strides = array<i32>} : memref<128xi32, #tpu.memory_space<vmem>>, vector<16xi32>,
      %get3A_99 = arith.constant 0 : i32
      %get3A_100 = arith.index_cast %get3A_99 : i32 to index
      %get3A_101 = arith.constant 0 : index
      %get3A_102 = tpu.vector_load %arg11[%get3A_100, %get3A_101] {strides = array<i32>} : memref<10x128xi32, #tpu.memory_space<vmem>>, vector<16xi32>,
      %get3A_103 = arith.constant 0 : index
      %get3A_104 = tpu.vector_load %arg12[%get3A_103] {strides = array<i32>} : memref<1280xf32, #tpu.memory_space<vmem>>, vector<16xf32>,
      %gather3A = tpu.vector_load_idx %arg10[%get3A_98] : memref<10000xf32, #tpu.memory_space<vmem>>[vector<16xi32>], vector<16xf32>,
      %mul3A_105 = arith.mulf %gather3A, %get3A_104 : vector<16xf32>
      %gather3A_106 = tpu.vector_load_idx %arg10[%get3A_102] : memref<10000xf32, #tpu.memory_space<vmem>>[vector<16xi32>], vector<16xf32>,
      %mul3A_107 = arith.mulf %mul3A_105, %gather3A_106 : vector<16xf32>
      %swap3A = arith.constant 0 : index
      %swap3A_108 = tpu.vector_load %arg15[%swap3A] {strides = array<i32>} : memref<128xf32, #tpu.memory_space<vmem>>, vector<16xf32>,
      tpu.vector_store %arg15[%swap3A], %mul3A_107 {strides = array<i32>} : memref<128xf32, #tpu.memory_space<vmem>>, vector<16xf32>,
      %get3A_109 = arith.constant 16 : index
      %get3A_110 = tpu.vector_load %arg13[%get3A_109] {strides = array<i32>} : memref<128xi32, #tpu.memory_space<vmem>>, vector<16xi32>,
      %get3A_111 = arith.constant 0 : i32
      %get3A_112 = arith.index_cast %get3A_111 : i32 to index
      %get3A_113 = arith.constant 16 : index
      %get3A_114 = tpu.vector_load %arg11[%get3A_112, %get3A_113] {strides = array<i32>} : memref<10x128xi32, #tpu.memory_space<vmem>>, vector<16xi32>,
      %get3A_115 = arith.constant 16 : index
      %get3A_116 = tpu.vector_load %arg12[%get3A_115] {strides = array<i32>} : memref<1280xf32, #tpu.memory_space<vmem>>, vector<16xf32>,
      %gather3A_117 = tpu.vector_load_idx %arg10[%get3A_110] : memref<10000xf32, #tpu.memory_space<vmem>>[vector<16xi32>], vector<16xf32>,
      %mul3A_118 = arith.mulf %gather3A_117, %get3A_116 : vector<16xf32>
      %gather3A_119 = tpu.vector_load_idx %arg10[%get3A_114] : memref<10000xf32, #tpu.memory_space<vmem>>[vector<16xi32>], vector<16xf32>,
      %mul3A_120 = arith.mulf %mul3A_118, %gather3A_119 : vector<16xf32>
      %swap3A_121 = arith.constant 16 : index
      %swap3A_122 = tpu.vector_load %arg15[%swap3A_121] {strides = array<i32>} : memref<128xf32, #tpu.memory_space<vmem>>, vector<16xf32>,
      tpu.vector_store %arg15[%swap3A_121], %mul3A_120 {strides = array<i32>} : memref<128xf32, #tpu.memory_space<vmem>>, vector<16xf32>,
      %get3A_123 = arith.constant 32 : index
      %get3A_124 = tpu.vector_load %arg13[%get3A_123] {strides = array<i32>} : memref<128xi32, #tpu.memory_space<vmem>>, vector<16xi32>,
      %get3A_125 = arith.constant 0 : i32
      %get3A_126 = arith.index_cast %get3A_125 : i32 to index
      %get3A_127 = arith.constant 32 : index
      %get3A_128 = tpu.vector_load %arg11[%get3A_126, %get3A_127] {strides = array<i32>} : memref<10x128xi32, #tpu.memory_space<vmem>>, vector<16xi32>,
      %get3A_129 = arith.constant 32 : index
      %get3A_130 = tpu.vector_load %arg12[%get3A_129] {strides = array<i32>} : memref<1280xf32, #tpu.memory_space<vmem>>, vector<16xf32>,
      %gather3A_131 = tpu.vector_load_idx %arg10[%get3A_124] : memref<10000xf32, #tpu.memory_space<vmem>>[vector<16xi32>], vector<16xf32>,
      %mul3A_132 = arith.mulf %gather3A_131, %get3A_130 : vector<16xf32>
      %gather3A_133 = tpu.vector_load_idx %arg10[%get3A_128] : memref<10000xf32, #tpu.memory_space<vmem>>[vector<16xi32>], vector<16xf32>,
      %mul3A_134 = arith.mulf %mul3A_132, %gather3A_133 : vector<16xf32>
      %swap3A_135 = arith.constant 32 : index
      %swap3A_136 = tpu.vector_load %arg15[%swap3A_135] {strides = array<i32>} : memref<128xf32, #tpu.memory_space<vmem>>, vector<16xf32>,
      tpu.vector_store %arg15[%swap3A_135], %mul3A_134 {strides = array<i32>} : memref<128xf32, #tpu.memory_space<vmem>>, vector<16xf32>,
      %get3A_137 = arith.constant 48 : index
      %get3A_138 = tpu.vector_load %arg13[%get3A_137] {strides = array<i32>} : memref<128xi32, #tpu.memory_space<vmem>>, vector<16xi32>,
      %get3A_139 = arith.constant 0 : i32
      %get3A_140 = arith.index_cast %get3A_139 : i32 to index
      %get3A_141 = arith.constant 48 : index
      %get3A_142 = tpu.vector_load %arg11[%get3A_140, %get3A_141] {strides = array<i32>} : memref<10x128xi32, #tpu.memory_space<vmem>>, vector<16xi32>,
      %get3A_143 = arith.constant 48 : index
      %get3A_144 = tpu.vector_load %arg12[%get3A_143] {strides = array<i32>} : memref<1280xf32, #tpu.memory_space<vmem>>, vector<16xf32>,
      %gather3A_145 = tpu.vector_load_idx %arg10[%get3A_138] : memref<10000xf32, #tpu.memory_space<vmem>>[vector<16xi32>], vector<16xf32>,
      %mul3A_146 = arith.mulf %gather3A_145, %get3A_144 : vector<16xf32>
      %gather3A_147 = tpu.vector_load_idx %arg10[%get3A_142] : memref<10000xf32, #tpu.memory_space<vmem>>[vector<16xi32>], vector<16xf32>,
      %mul3A_148 = arith.mulf %mul3A_146, %gather3A_147 : vector<16xf32>
      %swap3A_149 = arith.constant 48 : index
      %swap3A_150 = tpu.vector_load %arg15[%swap3A_149] {strides = array<i32>} : memref<128xf32, #tpu.memory_space<vmem>>, vector<16xf32>,
      tpu.vector_store %arg15[%swap3A_149], %mul3A_148 {strides = array<i32>} : memref<128xf32, #tpu.memory_space<vmem>>, vector<16xf32>,
      %get3A_151 = arith.constant 64 : index
      %get3A_152 = tpu.vector_load %arg13[%get3A_151] {strides = array<i32>} : memref<128xi32, #tpu.memory_space<vmem>>, vector<16xi32>,
      %get3A_153 = arith.constant 0 : i32
      %get3A_154 = arith.index_cast %get3A_153 : i32 to index
      %get3A_155 = arith.constant 64 : index
      %get3A_156 = tpu.vector_load %arg11[%get3A_154, %get3A_155] {strides = array<i32>} : memref<10x128xi32, #tpu.memory_space<vmem>>, vector<16xi32>,
      %get3A_157 = arith.constant 64 : index
      %get3A_158 = tpu.vector_load %arg12[%get3A_157] {strides = array<i32>} : memref<1280xf32, #tpu.memory_space<vmem>>, vector<16xf32>,
      %gather3A_159 = tpu.vector_load_idx %arg10[%get3A_152] : memref<10000xf32, #tpu.memory_space<vmem>>[vector<16xi32>], vector<16xf32>,
      %mul3A_160 = arith.mulf %gather3A_159, %get3A_158 : vector<16xf32>
      %gather3A_161 = tpu.vector_load_idx %arg10[%get3A_156] : memref<10000xf32, #tpu.memory_space<vmem>>[vector<16xi32>], vector<16xf32>,
      %mul3A_162 = arith.mulf %mul3A_160, %gather3A_161 : vector<16xf32>
      %swap3A_163 = arith.constant 64 : index
      %swap3A_164 = tpu.vector_load %arg15[%swap3A_163] {strides = array<i32>} : memref<128xf32, #tpu.memory_space<vmem>>, vector<16xf32>,
      tpu.vector_store %arg15[%swap3A_163], %mul3A_162 {strides = array<i32>} : memref<128xf32, #tpu.memory_space<vmem>>, vector<16xf32>,
      %get3A_165 = arith.constant 80 : index
      %get3A_166 = tpu.vector_load %arg13[%get3A_165] {strides = array<i32>} : memref<128xi32, #tpu.memory_space<vmem>>, vector<16xi32>,
      %get3A_167 = arith.constant 0 : i32
      %get3A_168 = arith.index_cast %get3A_167 : i32 to index
      %get3A_169 = arith.constant 80 : index
      %get3A_170 = tpu.vector_load %arg11[%get3A_168, %get3A_169] {strides = array<i32>} : memref<10x128xi32, #tpu.memory_space<vmem>>, vector<16xi32>,
      %get3A_171 = arith.constant 80 : index
      %get3A_172 = tpu.vector_load %arg12[%get3A_171] {strides = array<i32>} : memref<1280xf32, #tpu.memory_space<vmem>>, vector<16xf32>,
      %gather3A_173 = tpu.vector_load_idx %arg10[%get3A_166] : memref<10000xf32, #tpu.memory_space<vmem>>[vector<16xi32>], vector<16xf32>,
      %mul3A_174 = arith.mulf %gather3A_173, %get3A_172 : vector<16xf32>
      %gather3A_175 = tpu.vector_load_idx %arg10[%get3A_170] : memref<10000xf32, #tpu.memory_space<vmem>>[vector<16xi32>], vector<16xf32>,
      %mul3A_176 = arith.mulf %mul3A_174, %gather3A_175 : vector<16xf32>
      %swap3A_177 = arith.constant 80 : index
      %swap3A_178 = tpu.vector_load %arg15[%swap3A_177] {strides = array<i32>} : memref<128xf32, #tpu.memory_space<vmem>>, vector<16xf32>,
      tpu.vector_store %arg15[%swap3A_177], %mul3A_176 {strides = array<i32>} : memref<128xf32, #tpu.memory_space<vmem>>, vector<16xf32>,
      %get3A_179 = arith.constant 96 : index
      %get3A_180 = tpu.vector_load %arg13[%get3A_179] {strides = array<i32>} : memref<128xi32, #tpu.memory_space<vmem>>, vector<16xi32>,
      %get3A_181 = arith.constant 0 : i32
      %get3A_182 = arith.index_cast %get3A_181 : i32 to index
      %get3A_183 = arith.constant 96 : index
      %get3A_184 = tpu.vector_load %arg11[%get3A_182, %get3A_183] {strides = array<i32>} : memref<10x128xi32, #tpu.memory_space<vmem>>, vector<16xi32>,
      %get3A_185 = arith.constant 96 : index
      %get3A_186 = tpu.vector_load %arg12[%get3A_185] {strides = array<i32>} : memref<1280xf32, #tpu.memory_space<vmem>>, vector<16xf32>,
      %gather3A_187 = tpu.vector_load_idx %arg10[%get3A_180] : memref<10000xf32, #tpu.memory_space<vmem>>[vector<16xi32>], vector<16xf32>,
      %mul3A_188 = arith.mulf %gather3A_187, %get3A_186 : vector<16xf32>
      %gather3A_189 = tpu.vector_load_idx %arg10[%get3A_184] : memref<10000xf32, #tpu.memory_space<vmem>>[vector<16xi32>], vector<16xf32>,
      %mul3A_190 = arith.mulf %mul3A_188, %gather3A_189 : vector<16xf32>
      %swap3A_191 = arith.constant 96 : index
      %swap3A_192 = tpu.vector_load %arg15[%swap3A_191] {strides = array<i32>} : memref<128xf32, #tpu.memory_space<vmem>>, vector<16xf32>,
      tpu.vector_store %arg15[%swap3A_191], %mul3A_190 {strides = array<i32>} : memref<128xf32, #tpu.memory_space<vmem>>, vector<16xf32>,
      %get3A_193 = arith.constant 112 : index
      %get3A_194 = tpu.vector_load %arg13[%get3A_193] {strides = array<i32>} : memref<128xi32, #tpu.memory_space<vmem>>, vector<16xi32>,
      %get3A_195 = arith.constant 0 : i32
      %get3A_196 = arith.index_cast %get3A_195 : i32 to index
      %get3A_197 = arith.constant 112 : index
      %get3A_198 = tpu.vector_load %arg11[%get3A_196, %get3A_197] {strides = array<i32>} : memref<10x128xi32, #tpu.memory_space<vmem>>, vector<16xi32>,
      %get3A_199 = arith.constant 112 : index
      %get3A_200 = tpu.vector_load %arg12[%get3A_199] {strides = array<i32>} : memref<1280xf32, #tpu.memory_space<vmem>>, vector<16xf32>,
      %gather3A_201 = tpu.vector_load_idx %arg10[%get3A_194] : memref<10000xf32, #tpu.memory_space<vmem>>[vector<16xi32>], vector<16xf32>,
      %mul3A_202 = arith.mulf %gather3A_201, %get3A_200 : vector<16xf32>
      %gather3A_203 = tpu.vector_load_idx %arg10[%get3A_198] : memref<10000xf32, #tpu.memory_space<vmem>>[vector<16xi32>], vector<16xf32>,
      %mul3A_204 = arith.mulf %mul3A_202, %gather3A_203 : vector<16xf32>
      %swap3A_205 = arith.constant 112 : index
      %swap3A_206 = tpu.vector_load %arg15[%swap3A_205] {strides = array<i32>} : memref<128xf32, #tpu.memory_space<vmem>>, vector<16xf32>,
      tpu.vector_store %arg15[%swap3A_205], %mul3A_204 {strides = array<i32>} : memref<128xf32, #tpu.memory_space<vmem>>, vector<16xf32>,
      %scan3A_207 = arith.constant 0 : i32
      %scan3A_208 = arith.constant 0 : i32
      %scan3A_209 = arith.constant 128 : i32
      %scan3A_210 = arith.addi %scan3A_208, %scan3A_209 : i32
      %scan3A_211 = arith.constant 1 : i32
      %scan3A_212 = scf.for %scan3A_229 = %scan3A_208 to %scan3A_210 step %scan3A_211 iter_args(%scan3A_230 = %scan3A_207) -> (i32)  : i32 {
        %broadcast_in_dim3A_231 = vector.broadcast %scan3A_229 : i32 to vector<16xi32>
        %gather3A_232 = tpu.vector_load_idx %arg15[%broadcast_in_dim3A_231] : memref<128xf32, #tpu.memory_space<vmem>>[vector<16xi32>], vector<16xf32>,
        %get3A_233 = arith.index_cast %scan3A_229 : i32 to index
        %get3A_234 = arith.constant 0 : index
        %get3A_235 = tpu.vector_load %arg14[%get3A_233, %get3A_234] {strides = array<i32>} : memref<128x128xf32, #tpu.memory_space<vmem>>, vector<16xf32>,
        %mul3A_236 = arith.mulf %get3A_235, %gather3A_232 : vector<16xf32>
        %swap3A_237 = arith.index_cast %scan3A_229 : i32 to index
        %swap3A_238 = arith.constant 0 : index
        %swap3A_239 = tpu.vector_load %arg14[%swap3A_237, %swap3A_238] {strides = array<i32>} : memref<128x128xf32, #tpu.memory_space<vmem>>, vector<16xf32>,
        tpu.vector_store %arg14[%swap3A_237, %swap3A_238], %mul3A_236 {strides = array<i32>} : memref<128x128xf32, #tpu.memory_space<vmem>>, vector<16xf32>,
        %get3A_240 = arith.index_cast %scan3A_229 : i32 to index
        %get3A_241 = arith.constant 16 : index
        %get3A_242 = tpu.vector_load %arg14[%get3A_240, %get3A_241] {strides = array<i32>} : memref<128x128xf32, #tpu.memory_space<vmem>>, vector<16xf32>,
        %mul3A_243 = arith.mulf %get3A_242, %gather3A_232 : vector<16xf32>
        %swap3A_244 = arith.index_cast %scan3A_229 : i32 to index
        %swap3A_245 = arith.constant 16 : index
        %swap3A_246 = tpu.vector_load %arg14[%swap3A_244, %swap3A_245] {strides = array<i32>} : memref<128x128xf32, #tpu.memory_space<vmem>>, vector<16xf32>,
        tpu.vector_store %arg14[%swap3A_244, %swap3A_245], %mul3A_243 {strides = array<i32>} : memref<128x128xf32, #tpu.memory_space<vmem>>, vector<16xf32>,
        %get3A_247 = arith.index_cast %scan3A_229 : i32 to index
        %get3A_248 = arith.constant 32 : index
        %get3A_249 = tpu.vector_load %arg14[%get3A_247, %get3A_248] {strides = array<i32>} : memref<128x128xf32, #tpu.memory_space<vmem>>, vector<16xf32>,
        %mul3A_250 = arith.mulf %get3A_249, %gather3A_232 : vector<16xf32>
        %swap3A_251 = arith.index_cast %scan3A_229 : i32 to index
        %swap3A_252 = arith.constant 32 : index
        %swap3A_253 = tpu.vector_load %arg14[%swap3A_251, %swap3A_252] {strides = array<i32>} : memref<128x128xf32, #tpu.memory_space<vmem>>, vector<16xf32>,
        tpu.vector_store %arg14[%swap3A_251, %swap3A_252], %mul3A_250 {strides = array<i32>} : memref<128x128xf32, #tpu.memory_space<vmem>>, vector<16xf32>,
        %get3A_254 = arith.index_cast %scan3A_229 : i32 to index
        %get3A_255 = arith.constant 48 : index
        %get3A_256 = tpu.vector_load %arg14[%get3A_254, %get3A_255] {strides = array<i32>} : memref<128x128xf32, #tpu.memory_space<vmem>>, vector<16xf32>,
        %mul3A_257 = arith.mulf %get3A_256, %gather3A_232 : vector<16xf32>
        %swap3A_258 = arith.index_cast %scan3A_229 : i32 to index
        %swap3A_259 = arith.constant 48 : index
        %swap3A_260 = tpu.vector_load %arg14[%swap3A_258, %swap3A_259] {strides = array<i32>} : memref<128x128xf32, #tpu.memory_space<vmem>>, vector<16xf32>,
        tpu.vector_store %arg14[%swap3A_258, %swap3A_259], %mul3A_257 {strides = array<i32>} : memref<128x128xf32, #tpu.memory_space<vmem>>, vector<16xf32>,
        %get3A_261 = arith.index_cast %scan3A_229 : i32 to index
        %get3A_262 = arith.constant 64 : index
        %get3A_263 = tpu.vector_load %arg14[%get3A_261, %get3A_262] {strides = array<i32>} : memref<128x128xf32, #tpu.memory_space<vmem>>, vector<16xf32>,
        %mul3A_264 = arith.mulf %get3A_263, %gather3A_232 : vector<16xf32>
        %swap3A_265 = arith.index_cast %scan3A_229 : i32 to index
        %swap3A_266 = arith.constant 64 : index
        %swap3A_267 = tpu.vector_load %arg14[%swap3A_265, %swap3A_266] {strides = array<i32>} : memref<128x128xf32, #tpu.memory_space<vmem>>, vector<16xf32>,
        tpu.vector_store %arg14[%swap3A_265, %swap3A_266], %mul3A_264 {strides = array<i32>} : memref<128x128xf32, #tpu.memory_space<vmem>>, vector<16xf32>,
        %get3A_268 = arith.index_cast %scan3A_229 : i32 to index
        %get3A_269 = arith.constant 80 : index
        %get3A_270 = tpu.vector_load %arg14[%get3A_268, %get3A_269] {strides = array<i32>} : memref<128x128xf32, #tpu.memory_space<vmem>>, vector<16xf32>,
        %mul3A_271 = arith.mulf %get3A_270, %gather3A_232 : vector<16xf32>
        %swap3A_272 = arith.index_cast %scan3A_229 : i32 to index
        %swap3A_273 = arith.constant 80 : index
        %swap3A_274 = tpu.vector_load %arg14[%swap3A_272, %swap3A_273] {strides = array<i32>} : memref<128x128xf32, #tpu.memory_space<vmem>>, vector<16xf32>,
        tpu.vector_store %arg14[%swap3A_272, %swap3A_273], %mul3A_271 {strides = array<i32>} : memref<128x128xf32, #tpu.memory_space<vmem>>, vector<16xf32>,
        %get3A_275 = arith.index_cast %scan3A_229 : i32 to index
        %get3A_276 = arith.constant 96 : index
        %get3A_277 = tpu.vector_load %arg14[%get3A_275, %get3A_276] {strides = array<i32>} : memref<128x128xf32, #tpu.memory_space<vmem>>, vector<16xf32>,
        %mul3A_278 = arith.mulf %get3A_277, %gather3A_232 : vector<16xf32>
        %swap3A_279 = arith.index_cast %scan3A_229 : i32 to index
        %swap3A_280 = arith.constant 96 : index
        %swap3A_281 = tpu.vector_load %arg14[%swap3A_279, %swap3A_280] {strides = array<i32>} : memref<128x128xf32, #tpu.memory_space<vmem>>, vector<16xf32>,
        tpu.vector_store %arg14[%swap3A_279, %swap3A_280], %mul3A_278 {strides = array<i32>} : memref<128x128xf32, #tpu.memory_space<vmem>>, vector<16xf32>,
        %get3A_282 = arith.index_cast %scan3A_229 : i32 to index
        %get3A_283 = arith.constant 112 : index
        %get3A_284 = tpu.vector_load %arg14[%get3A_282, %get3A_283] {strides = array<i32>} : memref<128x128xf32, #tpu.memory_space<vmem>>, vector<16xf32>,
        %mul3A_285 = arith.mulf %get3A_284, %gather3A_232 : vector<16xf32>
        %swap3A_286 = arith.index_cast %scan3A_229 : i32 to index
        %swap3A_287 = arith.constant 112 : index
        %swap3A_288 = tpu.vector_load %arg14[%swap3A_286, %swap3A_287] {strides = array<i32>} : memref<128x128xf32, #tpu.memory_space<vmem>>, vector<16xf32>,
        tpu.vector_store %arg14[%swap3A_286, %swap3A_287], %mul3A_285 {strides = array<i32>} : memref<128x128xf32, #tpu.memory_space<vmem>>, vector<16xf32>,
        %scan3A_289 = arith.constant 0 : i32
        scf.yield %scan3A_289 : i32
      }
      %scan3A_213 = arith.constant 128 : i32
      %dma_start3A_214 = arith.constant 0 : i32
      %dma_start3A_215 = arith.constant 0 : i32
      %dma_start3A_216 = tpu.memref_slice %arg11[%dma_start3A_214, %dma_start3A_215] : memref<10x128xi32, #tpu.memory_space<vmem>> -> memref<1x128xi32, #tpu.memory_space<vmem>>
      %dma_start3A_217 = tpu.memref_squeeze %dma_start3A_216 : memref<1x128xi32, #tpu.memory_space<vmem>> -> memref<128xi32, #tpu.memory_space<vmem>>
      %dma_start3A_218 = arith.constant 0 : i32
      %dma_start3A_219 = arith.constant 0 : i32
      %dma_start3A_220 = tpu.memref_slice %arg8[%dma_start3A_218, %dma_start3A_219] : memref<10000x128xf32, #tpu.memory_space<vmem_shared>> -> memref<10000x128xf32, #tpu.memory_space<vmem_shared>>
      tpu.enqueue_indirect_dma source(%arg14 : memref<128x128xf32, #tpu.memory_space<vmem>>) target(%dma_start3A_220 : memref<10000x128xf32, #tpu.memory_space<vmem_shared>>) offsets(%dma_start3A_217 : memref<128xi32, #tpu.memory_space<vmem>>) semaphore(%arg18 : memref<!tpu.dma_semaphore, #tpu.memory_space<semaphore_mem>>) {add = true}
      %dma_wait3A_221 = arith.constant 0 : i32
      %dma_wait3A_222 = arith.constant 0 : i32
      %dma_wait3A_223 = tpu.memref_slice %arg11[%dma_wait3A_221, %dma_wait3A_222] : memref<10x128xi32, #tpu.memory_space<vmem>> -> memref<1x128xi32, #tpu.memory_space<vmem>>
      %dma_wait3A_224 = tpu.memref_squeeze %dma_wait3A_223 : memref<1x128xi32, #tpu.memory_space<vmem>> -> memref<128xi32, #tpu.memory_space<vmem>>
      %dma_wait3A_225 = arith.constant 0 : i32
      %dma_wait3A_226 = arith.constant 0 : i32
      %dma_wait3A_227 = tpu.memref_slice %arg8[%dma_wait3A_225, %dma_wait3A_226] : memref<10000x128xf32, #tpu.memory_space<vmem_shared>> -> memref<10000x128xf32, #tpu.memory_space<vmem_shared>>
      tpu.wait_indirect_dma semaphore(%arg18 : memref<!tpu.dma_semaphore, #tpu.memory_space<semaphore_mem>>) src(%arg14 : memref<128x128xf32, #tpu.memory_space<vmem>>) dst(%dma_wait3A_227 : memref<10000x128xf32, #tpu.memory_space<vmem_shared>>)
      %while3A_228 = arith.constant 0 : i32
      scf.yield %while3A_228 : i32
    }
    %barrier3A_71 = arith.constant 0 : index
    tpu.barrier barrier_id(%barrier3A_71)
    %lt3A_72 = arith.constant 15 : i32
    %lt3A_73 = arith.cmpi slt, %arg1, %lt3A_72 : i32
    %convert_element_type3A_74 = arith.extui %lt3A_73 : i1 to i32
    %cond3A_75 = arith.constant 0 : i32
    %cond3A_76 = arith.cmpi ne, %convert_element_type3A_74, %cond3A_75 : i32
    scf.if %cond3A_76 {
      %mul3A_89 = arith.constant 640 : i32
      %mul3A_90 = arith.muli %arg1, %mul3A_89 : i32
      %mul3A_91 = arith.constant 10000 : i32
      %mul3A_92 = arith.muli %arg0, %mul3A_91 : i32
      %mul3A_93 = arith.constant 640 : i32
      %mul3A_94 = arith.muli %arg1, %mul3A_93 : i32
      %add3A_95 = arith.addi %mul3A_92, %mul3A_94 : i32
      "tpu.region"() ({
        %run_scoped3A = tpu.sem_alloc : memref<!tpu.dma_semaphore, #tpu.memory_space<semaphore_mem>>
        %dma_start3A = arith.constant 0 : i32
        %dma_start3A_96 = tpu.memref_slice %arg6[%add3A_95, %dma_start3A] : memref<20000x128xf32, #tpu.memory_space<hbm>> -> memref<640x128xf32, #tpu.memory_space<hbm>>
        %dma_start3A_97 = arith.constant 0 : i32
        %dma_start3A_98 = tpu.memref_slice %arg8[%mul3A_90, %dma_start3A_97] : memref<10000x128xf32, #tpu.memory_space<vmem_shared>> -> memref<640x128xf32, #tpu.memory_space<vmem_shared>>
        tpu.enqueue_dma source(%dma_start3A_98 : memref<640x128xf32, #tpu.memory_space<vmem_shared>>) target(%dma_start3A_96 : memref<640x128xf32, #tpu.memory_space<hbm>>) target_semaphore(%run_scoped3A : memref<!tpu.dma_semaphore, #tpu.memory_space<semaphore_mem>>)
        %dma_wait3A = arith.constant 0 : i32
        %dma_wait3A_99 = tpu.memref_slice %arg6[%add3A_95, %dma_wait3A] : memref<20000x128xf32, #tpu.memory_space<hbm>> -> memref<640x128xf32, #tpu.memory_space<hbm>>
        %dma_wait3A_100 = arith.constant 0 : i32
        %dma_wait3A_101 = tpu.memref_slice %arg8[%mul3A_90, %dma_wait3A_100] : memref<10000x128xf32, #tpu.memory_space<vmem_shared>> -> memref<640x128xf32, #tpu.memory_space<vmem_shared>>
        tpu.wait_dma2 semaphore(%run_scoped3A : memref<!tpu.dma_semaphore, #tpu.memory_space<semaphore_mem>>) src(%dma_wait3A_101 : memref<640x128xf32, #tpu.memory_space<vmem_shared>>) dst(%dma_wait3A_99 : memref<640x128xf32, #tpu.memory_space<hbm>>)
        tpu.yield
      }) : () -> ()
    } else {
    }
    %eq3A_77 = arith.constant 15 : i32
    %eq3A_78 = arith.cmpi eq, %arg1, %eq3A_77 : i32
    %convert_element_type3A_79 = arith.extui %eq3A_78 : i1 to i32
    %cond3A_80 = arith.constant 0 : i32
    %cond3A_81 = arith.cmpi ne, %convert_element_type3A_79, %cond3A_80 : i32
    scf.if %cond3A_81 {
      %mul3A_89 = arith.constant 10000 : i32
      %mul3A_90 = arith.muli %arg0, %mul3A_89 : i32
      %add3A_91 = arith.constant 9600 : i32
      %add3A_92 = arith.addi %mul3A_90, %add3A_91 : i32
      "tpu.region"() ({
        %run_scoped3A = tpu.sem_alloc : memref<!tpu.dma_semaphore, #tpu.memory_space<semaphore_mem>>
        %dma_start3A = arith.constant 0 : i32
        %dma_start3A_93 = tpu.memref_slice %arg6[%add3A_92, %dma_start3A] : memref<20000x128xf32, #tpu.memory_space<hbm>> -> memref<400x128xf32, #tpu.memory_space<hbm>>
        %dma_start3A_94 = arith.constant 9600 : i32
        %dma_start3A_95 = arith.constant 0 : i32
        %dma_start3A_96 = tpu.memref_slice %arg8[%dma_start3A_94, %dma_start3A_95] : memref<10000x128xf32, #tpu.memory_space<vmem_shared>> -> memref<400x128xf32, #tpu.memory_space<vmem_shared>>
        tpu.enqueue_dma source(%dma_start3A_96 : memref<400x128xf32, #tpu.memory_space<vmem_shared>>) target(%dma_start3A_93 : memref<400x128xf32, #tpu.memory_space<hbm>>) target_semaphore(%run_scoped3A : memref<!tpu.dma_semaphore, #tpu.memory_space<semaphore_mem>>)
        %dma_wait3A = arith.constant 0 : i32
        %dma_wait3A_97 = tpu.memref_slice %arg6[%add3A_92, %dma_wait3A] : memref<20000x128xf32, #tpu.memory_space<hbm>> -> memref<400x128xf32, #tpu.memory_space<hbm>>
        %dma_wait3A_98 = arith.constant 9600 : i32
        %dma_wait3A_99 = arith.constant 0 : i32
        %dma_wait3A_100 = tpu.memref_slice %arg8[%dma_wait3A_98, %dma_wait3A_99] : memref<10000x128xf32, #tpu.memory_space<vmem_shared>> -> memref<400x128xf32, #tpu.memory_space<vmem_shared>>
        tpu.wait_dma2 semaphore(%run_scoped3A : memref<!tpu.dma_semaphore, #tpu.memory_space<semaphore_mem>>) src(%dma_wait3A_100 : memref<400x128xf32, #tpu.memory_space<vmem_shared>>) dst(%dma_wait3A_97 : memref<400x128xf32, #tpu.memory_space<hbm>>)
        tpu.yield
      }) : () -> ()
    } else {
    }
    %eq3A_82 = arith.constant 0 : i32
    %eq3A_83 = arith.cmpi eq, %arg0, %eq3A_82 : i32
    %eq3A_84 = arith.constant 0 : i32
    %eq3A_85 = arith.cmpi eq, %arg1, %eq3A_84 : i32
    %and3A = arith.andi %eq3A_83, %eq3A_85 : i1
    %convert_element_type3A_86 = arith.extui %and3A : i1 to i32
    %cond3A_87 = arith.constant 0 : i32
    %cond3A_88 = arith.cmpi ne, %convert_element_type3A_86, %cond3A_87 : i32
    scf.if %cond3A_88 {
      "tpu.region"() ({
        %run_scoped3A = tpu.sem_alloc : memref<!tpu.dma_semaphore, #tpu.memory_space<semaphore_mem>>
        tpu.enqueue_dma source(%arg10 : memref<10000xf32, #tpu.memory_space<vmem>>) target(%arg7 : memref<10000xf32, #tpu.memory_space<hbm>>) target_semaphore(%run_scoped3A : memref<!tpu.dma_semaphore, #tpu.memory_space<semaphore_mem>>)
        tpu.wait_dma2 semaphore(%run_scoped3A : memref<!tpu.dma_semaphore, #tpu.memory_space<semaphore_mem>>) src(%arg10 : memref<10000xf32, #tpu.memory_space<vmem>>) dst(%arg7 : memref<10000xf32, #tpu.memory_space<hbm>>)
        tpu.yield
      }) : () -> ()
    } else {
    }
    return
  }
}

module attributes {stable_mosaic.version = 14 : i64} {
  func.func @body(%arg0: i32, %arg1: memref<1000x128xf32, #tpu.memory_space<vmem>>, %arg2: memref<1000x128xf32, #tpu.memory_space<vmem>>, %arg3: memref<1000x128xf32, #tpu.memory_space<vmem>>, %arg4: memref<1000x1xf32, #tpu.memory_space<vmem>>, %arg5: memref<128x128xf32, #tpu.memory_space<vmem>>, %arg6: memref<1x128xf32, #tpu.memory_space<vmem>>, %arg7: memref<128x128xf32, #tpu.memory_space<vmem>>, %arg8: memref<1x128xf32, #tpu.memory_space<vmem>>, %arg9: memref<128x128xf32, #tpu.memory_space<vmem>>, %arg10: memref<1x128xf32, #tpu.memory_space<vmem>>, %arg11: memref<128x128xf32, #tpu.memory_space<vmem>>, %arg12: memref<1x128xf32, #tpu.memory_space<vmem>>, %arg13: memref<128x1xf32, #tpu.memory_space<vmem>>, %arg14: memref<1x1xf32, #tpu.memory_space<vmem>>, %arg15: memref<1000x1xf32, #tpu.memory_space<vmem>>) attributes {dimension_semantics = [#tpu.dimension_semantics<arbitrary>], iteration_bounds = array<i64: 10>, scalar_prefetch = 0 : i64, scratch_operands = 0 : i64, tpu.core_type = #tpu.core_type<tc>, window_params = [{transform_indices = @transform_0, window_bounds = array<i64: 1000, 128>}, {transform_indices = @transform_1, window_bounds = array<i64: 1000, 128>}, {transform_indices = @transform_2, window_bounds = array<i64: 1000, 128>}, {transform_indices = @transform_3, window_bounds = array<i64: 1000, 1>}, {pipeline_mode = #tpu.pipeline_mode<synchronous>, transform_indices = @transform_4, window_bounds = array<i64: 128, 128>}, {pipeline_mode = #tpu.pipeline_mode<synchronous>, transform_indices = @transform_5, window_bounds = array<i64: 1, 128>}, {pipeline_mode = #tpu.pipeline_mode<synchronous>, transform_indices = @transform_6, window_bounds = array<i64: 128, 128>}, {pipeline_mode = #tpu.pipeline_mode<synchronous>, transform_indices = @transform_7, window_bounds = array<i64: 1, 128>}, {pipeline_mode = #tpu.pipeline_mode<synchronous>, transform_indices = @transform_8, window_bounds = array<i64: 128, 128>}, {pipeline_mode = #tpu.pipeline_mode<synchronous>, transform_indices = @transform_9, window_bounds = array<i64: 1, 128>}, {pipeline_mode = #tpu.pipeline_mode<synchronous>, transform_indices = @transform_10, window_bounds = array<i64: 128, 128>}, {pipeline_mode = #tpu.pipeline_mode<synchronous>, transform_indices = @transform_11, window_bounds = array<i64: 1, 128>}, {pipeline_mode = #tpu.pipeline_mode<synchronous>, transform_indices = @transform_12, window_bounds = array<i64: 128, 1>}, {pipeline_mode = #tpu.pipeline_mode<synchronous>, transform_indices = @transform_13, window_bounds = array<i64: 1, 1>}, {transform_indices = @transform_14, window_bounds = array<i64: 1000, 1>}]} {
    %get3A = arith.constant 0 : index
    %get3A_0 = arith.constant 0 : index
    %get3A_1 = vector.load %arg4[%get3A, %get3A_0] : memref<1000x1xf32, #tpu.memory_space<vmem>>, vector<1000x1xf32>
    %get3A_2 = arith.constant 0 : index
    %get3A_3 = arith.constant 0 : index
    %get3A_4 = vector.load %arg1[%get3A_2, %get3A_3] : memref<1000x128xf32, #tpu.memory_space<vmem>>, vector<1000x128xf32>
    %get3A_5 = arith.constant 0 : index
    %get3A_6 = arith.constant 0 : index
    %get3A_7 = vector.load %arg2[%get3A_5, %get3A_6] : memref<1000x128xf32, #tpu.memory_space<vmem>>, vector<1000x128xf32>
    %add3A = arith.addf %get3A_4, %get3A_7 : vector<1000x128xf32>
    %mul3A = arith.mulf %get3A_1, %get3A_1 : vector<1000x1xf32>
    %get3A_8 = arith.constant 0 : index
    %get3A_9 = arith.constant 0 : index
    %get3A_10 = vector.load %arg3[%get3A_8, %get3A_9] : memref<1000x128xf32, #tpu.memory_space<vmem>>, vector<1000x128xf32>
    %mul3A_11 = vector.broadcast %mul3A : vector<1000x1xf32> to vector<1000x128xf32>
    %mul3A_12 = arith.mulf %mul3A_11, %get3A_10 : vector<1000x128xf32>
    %add3A_13 = arith.addf %add3A, %mul3A_12 : vector<1000x128xf32>
    %get3A_14 = arith.constant 0 : index
    %get3A_15 = arith.constant 0 : index
    %get3A_16 = vector.load %arg5[%get3A_14, %get3A_15] : memref<128x128xf32, #tpu.memory_space<vmem>>, vector<128x128xf32>
    %get3A_17 = arith.constant 0 : index
    %get3A_18 = arith.constant 0 : index
    %get3A_19 = vector.load %arg7[%get3A_17, %get3A_18] : memref<128x128xf32, #tpu.memory_space<vmem>>, vector<128x128xf32>
    %dot_general3A = arith.constant dense<0.000000e+00> : vector<128x128xf32>
    %dot_general3A_20 = tpu.matmul %get3A_16, %get3A_19, %dot_general3A {dimension_numbers = #tpu.dot_dimension_numbers<[1], [0], [0], [1], [0, 0, 1, 1], [], []>, transpose_lhs_hint = false} : vector<128x128xf32>, vector<128x128xf32>, vector<128x128xf32> -> vector<128x128xf32>
    %get3A_21 = arith.constant 0 : index
    %get3A_22 = arith.constant 0 : index
    %get3A_23 = vector.load %arg6[%get3A_21, %get3A_22] : memref<1x128xf32, #tpu.memory_space<vmem>>, vector<1x128xf32>
    %get3A_24 = arith.constant 0 : index
    %get3A_25 = arith.constant 0 : index
    %get3A_26 = vector.load %arg7[%get3A_24, %get3A_25] : memref<128x128xf32, #tpu.memory_space<vmem>>, vector<128x128xf32>
    %dot_general3A_27 = arith.constant dense<0.000000e+00> : vector<1x128xf32>
    %dot_general3A_28 = tpu.matmul %get3A_23, %get3A_26, %dot_general3A_27 {dimension_numbers = #tpu.dot_dimension_numbers<[1], [0], [0], [1], [0, 0, 1, 1], [], []>, transpose_lhs_hint = false} : vector<1x128xf32>, vector<128x128xf32>, vector<1x128xf32> -> vector<1x128xf32>
    %get3A_29 = arith.constant 0 : index
    %get3A_30 = arith.constant 0 : index
    %get3A_31 = vector.load %arg8[%get3A_29, %get3A_30] : memref<1x128xf32, #tpu.memory_space<vmem>>, vector<1x128xf32>
    %add3A_32 = arith.addf %dot_general3A_28, %get3A_31 : vector<1x128xf32>
    %get3A_33 = arith.constant 0 : index
    %get3A_34 = arith.constant 0 : index
    %get3A_35 = vector.load %arg9[%get3A_33, %get3A_34] : memref<128x128xf32, #tpu.memory_space<vmem>>, vector<128x128xf32>
    %get3A_36 = arith.constant 0 : index
    %get3A_37 = arith.constant 0 : index
    %get3A_38 = vector.load %arg11[%get3A_36, %get3A_37] : memref<128x128xf32, #tpu.memory_space<vmem>>, vector<128x128xf32>
    %dot_general3A_39 = arith.constant dense<0.000000e+00> : vector<128x128xf32>
    %dot_general3A_40 = tpu.matmul %get3A_35, %get3A_38, %dot_general3A_39 {dimension_numbers = #tpu.dot_dimension_numbers<[1], [0], [0], [1], [0, 0, 1, 1], [], []>, transpose_lhs_hint = false} : vector<128x128xf32>, vector<128x128xf32>, vector<128x128xf32> -> vector<128x128xf32>
    %get3A_41 = arith.constant 0 : index
    %get3A_42 = arith.constant 0 : index
    %get3A_43 = vector.load %arg10[%get3A_41, %get3A_42] : memref<1x128xf32, #tpu.memory_space<vmem>>, vector<1x128xf32>
    %get3A_44 = arith.constant 0 : index
    %get3A_45 = arith.constant 0 : index
    %get3A_46 = vector.load %arg11[%get3A_44, %get3A_45] : memref<128x128xf32, #tpu.memory_space<vmem>>, vector<128x128xf32>
    %dot_general3A_47 = arith.constant dense<0.000000e+00> : vector<1x128xf32>
    %dot_general3A_48 = tpu.matmul %get3A_43, %get3A_46, %dot_general3A_47 {dimension_numbers = #tpu.dot_dimension_numbers<[1], [0], [0], [1], [0, 0, 1, 1], [], []>, transpose_lhs_hint = false} : vector<1x128xf32>, vector<128x128xf32>, vector<1x128xf32> -> vector<1x128xf32>
    %get3A_49 = arith.constant 0 : index
    %get3A_50 = arith.constant 0 : index
    %get3A_51 = vector.load %arg12[%get3A_49, %get3A_50] : memref<1x128xf32, #tpu.memory_space<vmem>>, vector<1x128xf32>
    %add3A_52 = arith.addf %dot_general3A_48, %get3A_51 : vector<1x128xf32>
    %dot_general3A_53 = arith.constant dense<0.000000e+00> : vector<1000x128xf32>
    %dot_general3A_54 = tpu.matmul %add3A_13, %dot_general3A_20, %dot_general3A_53 {dimension_numbers = #tpu.dot_dimension_numbers<[1], [0], [0], [1], [0, 0, 1, 1], [], []>, transpose_lhs_hint = false} : vector<1000x128xf32>, vector<128x128xf32>, vector<1000x128xf32> -> vector<1000x128xf32>
    %add3A_55 = vector.broadcast %add3A_32 : vector<1x128xf32> to vector<1000x128xf32>
    %add3A_56 = arith.addf %dot_general3A_54, %add3A_55 : vector<1000x128xf32>
    %logistic3A = arith.negf %add3A_56 : vector<1000x128xf32>
    %logistic3A_57 = math.exp %logistic3A : vector<1000x128xf32>
    %logistic3A_58 = arith.constant 1.000000e+00 : f32
    %logistic3A_59 = vector.broadcast %logistic3A_58 : f32 to vector<1000x128xf32>
    %logistic3A_60 = arith.addf %logistic3A_59, %logistic3A_57 : vector<1000x128xf32>
    %logistic3A_61 = arith.divf %logistic3A_59, %logistic3A_60 : vector<1000x128xf32>
    %dot_general3A_62 = arith.constant dense<0.000000e+00> : vector<1000x128xf32>
    %dot_general3A_63 = tpu.matmul %add3A_13, %dot_general3A_40, %dot_general3A_62 {dimension_numbers = #tpu.dot_dimension_numbers<[1], [0], [0], [1], [0, 0, 1, 1], [], []>, transpose_lhs_hint = false} : vector<1000x128xf32>, vector<128x128xf32>, vector<1000x128xf32> -> vector<1000x128xf32>
    %add3A_64 = vector.broadcast %add3A_52 : vector<1x128xf32> to vector<1000x128xf32>
    %add3A_65 = arith.addf %dot_general3A_63, %add3A_64 : vector<1000x128xf32>
    %tanh3A = math.tanh %add3A_65 : vector<1000x128xf32>
    %sub3A = arith.constant 1.000000e+00 : f32
    %sub3A_66 = vector.broadcast %sub3A : f32 to vector<1000x128xf32>
    %sub3A_67 = arith.subf %sub3A_66, %logistic3A_61 : vector<1000x128xf32>
    %mul3A_68 = arith.mulf %sub3A_67, %tanh3A : vector<1000x128xf32>
    %max3A = arith.constant 0.000000e+00 : f32
    %max3A_69 = vector.broadcast %max3A : f32 to vector<1000x128xf32>
    %max3A_70 = arith.maximumf %mul3A_68, %max3A_69 : vector<1000x128xf32>
    %get3A_71 = arith.constant 0 : index
    %get3A_72 = arith.constant 0 : index
    %get3A_73 = vector.load %arg13[%get3A_71, %get3A_72] : memref<128x1xf32, #tpu.memory_space<vmem>>, vector<128x1xf32>
    %dot_general3A_74 = arith.constant dense<0.000000e+00> : vector<1000x1xf32>
    %dot_general3A_75 = tpu.matmul %max3A_70, %get3A_73, %dot_general3A_74 {dimension_numbers = #tpu.dot_dimension_numbers<[1], [0], [0], [1], [0, 0, 1, 1], [], []>, transpose_lhs_hint = false} : vector<1000x128xf32>, vector<128x1xf32>, vector<1000x1xf32> -> vector<1000x1xf32>
    %get3A_76 = arith.constant 0 : index
    %get3A_77 = arith.constant 0 : index
    %get3A_78 = vector.load %arg14[%get3A_76, %get3A_77] : memref<1x1xf32, #tpu.memory_space<vmem>>, vector<1x1xf32>
    %add3A_79 = vector.broadcast %get3A_78 : vector<1x1xf32> to vector<1000x1xf32>
    %add3A_80 = arith.addf %dot_general3A_75, %add3A_79 : vector<1000x1xf32>
    %swap3A = arith.constant 0 : index
    %swap3A_81 = arith.constant 0 : index
    %swap3A_82 = vector.load %arg15[%swap3A, %swap3A_81] : memref<1000x1xf32, #tpu.memory_space<vmem>>, vector<1000x1xf32>
    tpu.vector_store %arg15[%swap3A, %swap3A_81], %add3A_80 {strides = array<i32>} : memref<1000x1xf32, #tpu.memory_space<vmem>>, vector<1000x1xf32>,
    return
  }
  func.func @transform_0(%arg0: i32) -> (i32, i32) {
    %c0_i32 = arith.constant 0 : i32
    %c0_i32_0 = arith.constant 0 : i32
    return %arg0, %c0_i32 : i32, i32
  }
  func.func @transform_1(%arg0: i32) -> (i32, i32) {
    %c0_i32 = arith.constant 0 : i32
    %c0_i32_0 = arith.constant 0 : i32
    return %arg0, %c0_i32 : i32, i32
  }
  func.func @transform_2(%arg0: i32) -> (i32, i32) {
    %c0_i32 = arith.constant 0 : i32
    %c0_i32_0 = arith.constant 0 : i32
    return %arg0, %c0_i32 : i32, i32
  }
  func.func @transform_3(%arg0: i32) -> (i32, i32) {
    %c0_i32 = arith.constant 0 : i32
    %c0_i32_0 = arith.constant 0 : i32
    return %arg0, %c0_i32 : i32, i32
  }
  func.func @transform_4(%arg0: i32) -> (i32, i32) {
    %c0_i32 = arith.constant 0 : i32
    %c0_i32_0 = arith.constant 0 : i32
    %c0_i32_1 = arith.constant 0 : i32
    return %c0_i32, %c0_i32_0 : i32, i32
  }
  func.func @transform_5(%arg0: i32) -> (i32, i32) {
    %c0_i32 = arith.constant 0 : i32
    %c0_i32_0 = arith.constant 0 : i32
    %c0_i32_1 = arith.constant 0 : i32
    return %c0_i32, %c0_i32_0 : i32, i32
  }
  func.func @transform_6(%arg0: i32) -> (i32, i32) {
    %c0_i32 = arith.constant 0 : i32
    %c0_i32_0 = arith.constant 0 : i32
    %c0_i32_1 = arith.constant 0 : i32
    return %c0_i32, %c0_i32_0 : i32, i32
  }
  func.func @transform_7(%arg0: i32) -> (i32, i32) {
    %c0_i32 = arith.constant 0 : i32
    %c0_i32_0 = arith.constant 0 : i32
    %c0_i32_1 = arith.constant 0 : i32
    return %c0_i32, %c0_i32_0 : i32, i32
  }
  func.func @transform_8(%arg0: i32) -> (i32, i32) {
    %c0_i32 = arith.constant 0 : i32
    %c0_i32_0 = arith.constant 0 : i32
    %c0_i32_1 = arith.constant 0 : i32
    return %c0_i32, %c0_i32_0 : i32, i32
  }
  func.func @transform_9(%arg0: i32) -> (i32, i32) {
    %c0_i32 = arith.constant 0 : i32
    %c0_i32_0 = arith.constant 0 : i32
    %c0_i32_1 = arith.constant 0 : i32
    return %c0_i32, %c0_i32_0 : i32, i32
  }
  func.func @transform_10(%arg0: i32) -> (i32, i32) {
    %c0_i32 = arith.constant 0 : i32
    %c0_i32_0 = arith.constant 0 : i32
    %c0_i32_1 = arith.constant 0 : i32
    return %c0_i32, %c0_i32_0 : i32, i32
  }
  func.func @transform_11(%arg0: i32) -> (i32, i32) {
    %c0_i32 = arith.constant 0 : i32
    %c0_i32_0 = arith.constant 0 : i32
    %c0_i32_1 = arith.constant 0 : i32
    return %c0_i32, %c0_i32_0 : i32, i32
  }
  func.func @transform_12(%arg0: i32) -> (i32, i32) {
    %c0_i32 = arith.constant 0 : i32
    %c0_i32_0 = arith.constant 0 : i32
    %c0_i32_1 = arith.constant 0 : i32
    return %c0_i32, %c0_i32_0 : i32, i32
  }
  func.func @transform_13(%arg0: i32) -> (i32, i32) {
    %c0_i32 = arith.constant 0 : i32
    %c0_i32_0 = arith.constant 0 : i32
    %c0_i32_1 = arith.constant 0 : i32
    return %c0_i32, %c0_i32_0 : i32, i32
  }
  func.func @transform_14(%arg0: i32) -> (i32, i32) {
    %c0_i32 = arith.constant 0 : i32
    %c0_i32_0 = arith.constant 0 : i32
    return %arg0, %c0_i32 : i32, i32
  }
}

</mosaic_0001>

<sc_bundles>
// kernel: kernel.4.cloned.1.call-start
scs
__scs_entry_jumppad:
0x0: {  	(pc) =	sbr.rel $0x88, $3  }
0x1: {  	(tag) =	ssettag $0x0;
	lr =	simm.s32 $0x1  }
0x2: {  	[smem:$0x3F94] =	sst lr;
	_ =	strace $0xD0000000  }
0x3: {  	_ = 	snop  }
0x4: {  	_ = 	snop  }
0x5: {  	_ = 	snop  }
0x6: {  	_ = 	snop  }
0x7: {  	_ = 	snop  }
__scs_overlays_trampoline_lowered:
0x8: {  	[smem:$0x3FA3] =	sst s0  }
0x9: {  	[smem:$0x3FA4] =	sst s1  }
0xa: {  	[smem:$0x3FA5] =	sst s2  }
0xb: {  	[smem:$0x3FA6] =	sst s3  }
0xc: {  	[smem:$0x3FA7] =	sst s4  }
0xd: {  	[smem:$0x3FA8] =	sst s5  }
0xe: {  	[smem:$0x3FA9] =	sst s6  }
0xf: {  	[smem:$0x3FAA] =	sst s7  }
0x10: {  	[smem:$0x3FAB] =	sst s8  }
0x11: {  	[smem:$0x3FAC] =	sst s9;
	s0 =	simm.s32 @!p0 $0x0  }
0x12: {  	s1 =	sld [smem:$0x3F92];
	s0 =	simm.s32 @p0 $0x1  }
0x13: {  	[smem:$0x3FAD] =	sst s0;
	s0 =	simm.s32 @!p1 $0x0  }
0x14: {  	s2 =	sld [smem:$0x3F91];
	s0 =	simm.s32 @p1 $0x1  }
0x15: {  	[smem:$0x3FAE] =	sst s0;
	s0 =	simm.s32 @!p2 $0x0  }
0x16: {  	s3 =	sld [smem:$0x3FDB];
	s0 =	simm.s32 @p2 $0x1  }
0x17: {  	s4 =	simm.s32 $0x1BF5;
	[smem:$0x3FB0] =	sst s0  }
0x18: {  	s0 =	sld [smem:$0x3F93];
	_ =	swait.ge [sflag:s4], $0x0  }
0x19: {  	s7 =	sld [smem:$0x3F94]  }
0x1a: {  	s8 =	sadd.s32 $0xFFFFE003, lr  }
0x1b: {  	s9 =	sadd.s32 $0xFFFFFEF7, lr;
	s5 =	simm.s32 $0xFFFFFFFF;
	p2 =	slt.u32 s8, $0xFFFFF086  }
0x1c: {  	p1 =	slt.u32 s9, $0xF7A;
	s5 =	simm.s32 @!p2 $0x0  }
0x1d: {  	s5 =	simm.s32 @p1 $0x1;
	p0 =	seq.s32 s7, s2  }
0x1e: {  	s7 =	smul.u32 @!p0 $0xF7A, s2;
	p2 =	seq.s32 @!p0 s5, $0x0  }
0x1f: {  	s9 =	smul.u32 $0xF7A, s1;
	s8 =	simm.s32 @!p0 $0x1BF5;
	p2 =	por !p2, p0  }
0x20: {  	[sflag:s8] =	ssyncset.s32 @!p0 $0xFFFFF086;
	s6 =	sadd.s32 @!p0 s3, s7;
	s7 =	simm.s32 @!p0 $0x108  }
0x21: {  	s3 =	sadd.s32 s3, s9;
	s6 =	sadd.s32 @!p0 $0x88, s6;
	s7 =	simm.s32 @p2 $0x1082  }
0x22: {  	[simem:s7], [sflag:s8] =	dma.local @!p0 [hbm:s6], $0xF7A  }
0x23: {  	s9 =	sor.u32 $0xD0000000, s2;
	s6 =	simm.s32 $0x108;
	_ =	swait.ge @!p0 [sflag:s8], $0x0  }
0x24: {  	s3 =	sadd.s32 $0x88, s3;
	s6 =	simm.s32 @!p1 $0x1082;
	[sflag:s4] =	ssyncset.s32 $0xFFFFF086  }
0x25: {  	[simem:s6], [sflag:s4] =	dma.local [hbm:s3], $0xF7A  }
0x26: {  	[smem:$0x3F94] =	sst s1;
	(tag) =	ssettag s2;
	_ =	strace s9  }
0x27: {  	s1 =	sld [smem:$0x3FA4]  }
0x28: {  	s2 =	sld [smem:$0x3FA5]  }
0x29: {  	s4 =	sld [smem:$0x3FA7]  }
0x2a: {  	p0 =	seq.s32 s5, $0x0;
	s5 =	sld [smem:$0x3FA8]  }
0x2b: {  	s6 =	sld [smem:$0x3FA9]  }
0x2c: {  	s7 =	sld [smem:$0x3FAA]  }
0x2d: {  	s3 =	simm.s32 $0x108;
	s8 =	sld [smem:$0x3FAB]  }
0x2e: {  	s3 =	simm.s32 @!p0 $0x1082;
	s9 =	sld [smem:$0x3FAC]  }
0x2f: {  	lr =	sadd.s32 s0, s3;
	s0 =	sld [smem:$0x3FA3]  }
0x30: {  	s3 =	sld [smem:$0x3FA6]  }
0x31: {  	[smem:$0x3FAF] =	sst s10  }
0x32: {  	s10 =	sld [smem:$0x3FAD];
	_ =	sdelay $0x3  }
0x33: {  	p0 =	seq.s32 s10, $0x1;
	s10 =	sld [smem:$0x3FAF];
	_ =	sdelay $0x3  }
0x34: {  	[smem:$0x3FAF] =	sst s10  }
0x35: {  	s10 =	sld [smem:$0x3FAE];
	_ =	sdelay $0x3  }
0x36: {  	p1 =	seq.s32 s10, $0x1;
	s10 =	sld [smem:$0x3FAF];
	_ =	sdelay $0x3  }
0x37: {  	[smem:$0x3FAF] =	sst s10  }
0x38: {  	s10 =	sld [smem:$0x3FB0]  }
0x39: {  	_ = 	snop;
	(pc) =	sbr.ind lr, $3  }
0x3a: {  	_ = 	snop  }
0x3b: {  	_ = 	snop  }
0x3c: {  	p2 =	seq.s32 s10, $0x1;
	s10 =	sld [smem:$0x3FAF]  }
0x3d: {  	_ =	shalt  }
0x3e: {  	_ =	shalt  }
0x3f: {  	_ =	shalt  }
0x40: {  	_ =	shalt  }
0x41: {  	_ =	shalt  }
0x42: {  	_ =	shalt  }
0x43: {  	_ =	shalt  }
0x44: {  	_ =	shalt  }
0x45: {  	_ =	shalt  }
0x46: {  	_ =	shalt  }
0x47: {  	_ =	shalt  }
0x48: {  	_ =	shalt  }
0x49: {  	_ =	shalt  }
0x4a: {  	_ =	shalt  }
0x4b: {  	_ =	shalt  }
0x4c: {  	_ =	shalt  }
0x4d: {  	_ =	shalt  }
0x4e: {  	_ =	shalt  }
0x4f: {  	_ =	shalt  }
0x50: {  	_ =	shalt  }
0x51: {  	_ =	shalt  }
0x52: {  	_ =	shalt  }
0x53: {  	_ =	shalt  }
0x54: {  	_ =	shalt  }
0x55: {  	_ =	shalt  }
0x56: {  	_ =	shalt  }
0x57: {  	_ =	shalt  }
0x58: {  	_ =	shalt  }
0x59: {  	_ =	shalt  }
0x5a: {  	_ =	shalt  }
0x5b: {  	_ =	shalt  }
0x5c: {  	_ =	shalt  }
0x5d: {  	_ =	shalt  }
0x5e: {  	_ =	shalt  }
0x5f: {  	_ =	shalt  }
0x60: {  	_ =	shalt  }
0x61: {  	_ =	shalt  }
0x62: {  	_ =	shalt  }
0x63: {  	_ =	shalt  }
0x64: {  	_ =	shalt  }
0x65: {  	_ =	shalt  }
0x66: {  	_ =	shalt  }
0x67: {  	_ =	shalt  }
0x68: {  	_ =	shalt  }
0x69: {  	_ =	shalt  }
0x6a: {  	_ =	shalt  }
0x6b: {  	_ =	shalt  }
0x6c: {  	_ =	shalt  }
0x6d: {  	_ =	shalt  }
0x6e: {  	_ =	shalt  }
0x6f: {  	_ =	shalt  }
0x70: {  	_ =	shalt  }
0x71: {  	_ =	shalt  }
0x72: {  	_ =	shalt  }
0x73: {  	_ =	shalt  }
0x74: {  	_ =	shalt  }
0x75: {  	_ =	shalt  }
0x76: {  	_ =	shalt  }
0x77: {  	_ =	shalt  }
0x78: {  	_ =	shalt  }
0x79: {  	_ =	shalt  }
0x7a: {  	_ =	shalt  }
0x7b: {  	_ =	shalt  }
0x7c: {  	_ =	shalt  }
0x7d: {  	_ =	shalt  }
0x7e: {  	_ =	shalt  }
0x7f: {  	_ =	shalt  }
0x80: {  	_ =	shalt  }
0x81: {  	_ =	shalt  }
0x82: {  	_ =	shalt  }
0x83: {  	_ =	shalt  }
0x84: {  	_ =	shalt  }
0x85: {  	_ =	shalt  }
0x86: {  	_ =	shalt  }
0x87: {  	_ =	shalt  }
.Lfunc_end0:
.L_simem_size_0:
called_computation_lowered:
.L_overlay_start_0:
0x88: {  	s2 =	sld [smem:$0x3FD9]  }
0x89: {  	s3 =	sld [smem:$0x3FFE];
	_ =	sdelay $0x1  }
0x8a: {  	s1 =	srdreg.scid  }
0x8b: {  	s0 =	sand.u32 $0x1, s1  }
0x8c: {  	s17 =	sshll.u32 s0, $0xA;
	s2 =	sadd.s32 s3, s2  }
0x8d: {  	s2 =	sadd.s32 s2, s17  }
0x8e: {  	[smem:$0x3FBB] =	sst s2  }
0x8f: {  	_ = 	snop  }
0x90: {  	s2 =	sld [smem:$0x3FC9]  }
0x91: {  	s18 =	sld [smem:$0x3FC7];
	(tm) =	ssettm $0x1  }
0x92: {  	s4 =	sld [smem:$0x3FFB];
	_ =	sdelay $0x3  }
0x93: {  	_ =	strace s4  }
0x94: {  	s4 =	sld [smem:$0x3FFC];
	_ =	sdelay $0x3  }
0x95: {  	_ =	strace s4  }
0x96: {  	s4 =	sld [smem:$0x3FFD];
	_ =	sdelay $0x3  }
0x97: {  	_ =	strace s4  }
0x98: {  	_ =	strace $0x8FFFFFFF  }
0x99: {  	s19 =	sld [smem:$0x3FDB];
	_ =	sdelay $0x1  }
0x9a: {  	s5 =	simm.s32 $_scs_section_size  }
0x9b: {  	s6 =	simm.s32 $_size__tile_overlayer_lowered;
	s7 =	simm.s32 $_tile_overlayer_lowered  }
0x9c: {  	s22 =	simm.s32 $0x1BFF;
	s21 =	sshll.u32 s7, $0x1;
	s4 =	sadd.s32 s5, s19  }
0x9d: {  	s8 =	simm.s32 $0x0;
	s20 =	sshll.u32 s6, $0x1;
	s6 =	sadd.s32 s21, s4  }
0x9e: {  	[timem:s8], [sflag:s22] =	dma.local [hbm:s6], s20  }
0x9f: {  	_ =	swait.ge [sflag:s22], s20  }
0xa0: {  	s5 =	ssub.s32 $0x0, s20;
	[sflag:s22] =	ssyncset.done $0x0  }
0xa1: {  	[sflag:s22] =	ssyncadd.s32 s5;
	_ =	sdelay $0x1  }
0xa2: {  	s23 =	simm.s32 $0x1B8B  }
0xa3: {  	_ =	swait.ge [sflag:s23], $0x1  }
0xa4: {  	[sflag:s23] =	ssyncset.done $0x0  }
0xa5: {  	s25 =	simm.s32 $0x1B8E;
	s24 =	sld [smem:$0x3FFE];
	[sflag:s23] =	ssyncadd.s32 $0xFFFFFFFF  }
0xa6: {  	s26 =	simm.s32 $execute0_lowered;
	[smem:$0x3FD2] =	sst s25  }
0xa7: {  	s6 =	sshll.u32 s26, $0x1;
	_ =	strace $0x80000046;
	[dreg:$0x1] =	wrdreg $0xFFFFFFFF  }
0xa8: {  	s28 =	simm.s32 $_size_execute0_lowered;
	s4 =	sadd.s32 s4, s6;
	[dreg:$0x0] =	wrdreg $0x0  }
0xa9: {  	s6 =	sshll.u32 s28, $0x1;
	[dreg:$0x2] =	wrdreg s4  }
0xaa: {  	[dreg:$0x3] =	wrdreg s6  }
0xab: {  	[dreg:$0x4] =	wrdreg $0xC0  }
0xac: {  	_ =	task [dreg:s8], $0x5FFFF  }
0xad: {  	[dreg:$0x1] =	wrdreg $0xFFFFFFFF  }
0xae: {  	[dreg:$0x0] =	wrdreg $0x60  }
0xaf: {  	[dreg:$0x2] =	wrdreg s24  }
0xb0: {  	[dreg:$0x3] =	wrdreg s18  }
0xb1: {  	[dreg:$0x4] =	wrdreg s2  }
0xb2: {  	[dreg:$0x5] =	wrdreg $0x0  }
0xb3: {  	[dreg:$0x6] =	wrdreg $0x138800  }
0xb4: {  	[dreg:$0x7] =	wrdreg $0x9  }
0xb5: {  	_ =	task.clear_ibuf [dreg:s8], $0x8FFFF;
	_ =	strace $0x90000046  }
0xb6: {  	s29 =	simm.s32 $0x9;
	_ =	strace $0x80000048  }
0xb7: {  	_ =	swait.ge [sflag:s29], $0x1  }
0xb8: {  	[sflag:s29] =	ssyncadd.s32 $0xFFFFFFFF  }
0xb9: {  	_ =	strace $0x90000048  }
0xba: {  	_ =	sfence  }
0xbb: {  	s30 =	sld [smem:$0x0];
	_ =	sdelay $0x2  }
0xbc: {  	s31 =	sshll.u32 s1, $0xD;
	s1 =	sshrl.u32 s1, $0x2  }
0xbd: {  	s3 =	sand.u32 $0x4000, s31;
	s1 =	sadd.s32 s1, s30  }
0xbe: {  	s0 =	sor.u32 s3, s0;
	s1 =	sshll.u32 s1, $0x11  }
0xbf: {  	s0 =	sor.u32 s1, s0  }
0xc0: {  	s0 =	sadd.s32 $0x8F2B, s0  }
0xc1: {  	[sflag:s0] =	ssyncadd.remote.s32 $0x1  }
0xc2: {  	_ =	sfence.sel $0xFFFF  }
0xc3: {  	[dreg:$0x0] =	wrdreg $0xFFFFFFFF;
	(pc) =	sbr.abs _section_cstart, $3  }
0xc4: {  	[dreg:$0x1] =	wrdreg $0xFFFFFFFF  }
0xc5: {  	_ =	task.clear_ibuf [dreg:s8], $0x2FFFF;
	_ =	strace $0x9FFFFFFF  }
0xc6: {  	(tm) =	ssettm $0x7FFFFFFF  }
0xc7: {  	_ =	shalt  }
tec
execute0_lowered:
.L_overlay_start_1:
0x0: {  	(tag) =	ssettag $0x1  }
0x1: {  	s0 =	rddreg [dreg:$0x0]  }
0x2: {  	s1 =	rddreg [dreg:$0x1]  }
0x3: {  	s7 =	rddreg [dreg:$0x3]  }
0x4: {  	s4 =	rddreg [dreg:$0x4];
	s6 =	simm.s32 $0x0;
	s2 =	srdreg.scid  }
0x5: {  	s13 =	stileid.u32;
	[smem:$0x7FF] =	sst s6  }
0x6: {  	s2 =	sand.u32 $0x1, s2;
	s3 =	smul.u32 $0x50000, s13;
	s5 =	sadd.s32 $0xBC00, s0  }
0x7: {  	s8 =	sadd.s32 $0x1E00, s0;
	s9 =	sadd.s32 $0x15A00, s0;
	s25 =	smul.u32 $0x4E, s13  }
0x8: {  	s11 =	sadd.s32 $0x63C00, s0;
	s0 =	sadd.s32 $0x1E10, s0;
	s15 =	smul.u32 $0x2800, s13  }
0x9: {  	_ =	strace $0x80000047;
	[dreg:$0x10] =	wrdreg s5;
	s22 =	smul.u32 $0x4E2, s2  }
0xa: {  	s17 =	ssub.s32 $0x2, s2;
	[dreg:$0x11] =	wrdreg s11;
	s26 =	smul.u32 $0x27100, s2  }
0xb: {  	[dreg:$0x6] =	wrdreg s0;
	s11 =	simm.s32 $0x16EF8;
	s10 =	sshrl.u32 s17, $0x1  }
0xc: {  	s3 =	sshrl.u32 s3, $0x2;
	[dreg:$0xf] =	wrdreg s11;
	s11 =	sadd.s32 $0x12D000, s7  }
0xd: {  	s5 =	ssub.s32 s17, s10;
	s17 =	simm.s32 $0x16AF8;
	[smem:$0x7F0] =	sst s11  }
0xe: {  	s10 =	sadd.s32 s25, s22;
	s25 =	simm.s32 $0x16D78;
	[dreg:$0x7] =	wrdreg s17  }
0xf: {  	s0 =	sadd.s32 s15, s26;
	s26 =	simm.s32 $0x16DF8;
	[dreg:$0xc] =	wrdreg s25  }
0x10: {  	s14 =	sadd.s32 s3, s7;
	[dreg:$0xd] =	wrdreg s26  }
0x11: {  	s3 =	sadd.s32 $0x1000, s14;
	[dreg:$0x12] =	wrdreg s14  }
0x12: {  	s18 =	sadd.s32 $0x2000, s14;
	[dreg:$0x13] =	wrdreg s3  }
0x13: {  	s20 =	sadd.s32 $0x3000, s14;
	[dreg:$0x14] =	wrdreg s18  }
0x14: {  	s21 =	sadd.s32 $0x4000, s14;
	[dreg:$0x15] =	wrdreg s20  }
0x15: {  	s23 =	sadd.s32 $0x5000, s14;
	[dreg:$0x16] =	wrdreg s21  }
0x16: {  	s24 =	sadd.s32 $0x6000, s14;
	[dreg:$0x17] =	wrdreg s23  }
0x17: {  	s12 =	sadd.s32 $0x7000, s14;
	[dreg:$0x18] =	wrdreg s24  }
0x18: {  	s0 =	sadd.s32 s9, s0;
	[dreg:$0x19] =	wrdreg s12  }
0x19: {  	s17 =	smax.u32 s5, $0x1;
	[dreg:$0x1a] =	wrdreg s0  }
0x1a: {  	s25 =	sadd.s32 $0xE000, s14;
	[dreg:$0x1f] =	wrdreg s17  }
0x1b: {  	s28 =	simm.s32 $0x162F8;
	s26 =	sadd.s32 $0xF000, s14;
	[smem:$0x7E9] =	sst s25  }
0x1c: {  	s29 =	simm.s32 $0x16378;
	s5 =	sadd.s32 $0x12000, s14;
	[smem:$0x7EA] =	sst s26  }
0x1d: {  	s30 =	simm.s32 $0x163F8;
	s20 =	simm.s32 $0x16B78;
	[smem:$0x7ED] =	sst s5  }
0x1e: {  	s31 =	simm.s32 $0x16478;
	s21 =	simm.s32 $0x16BF8;
	[dreg:$0x8] =	wrdreg s20  }
0x1f: {  	s19 =	smul.u32 $0xA00, s13;
	s23 =	simm.s32 $0x16C78;
	[dreg:$0x9] =	wrdreg s21  }
0x20: {  	p0 =	slt.u32 s13, $0xA;
	s24 =	simm.s32 $0x16CF8;
	[dreg:$0xa] =	wrdreg s23  }
0x21: {  	s16 =	smin.u32 s13, $0x2;
	s12 =	sadd.s32 $0x8000, s14;
	[dreg:$0xb] =	wrdreg s24  }
0x22: {  	p1 =	slt.u32 s13, $0x2;
	s17 =	sadd.s32 $0x132000, s7;
	[dreg:$0x1c] =	wrdreg s12  }
0x23: {  	s18 =	sadd.s32 s16, s10;
	s25 =	sadd.s32 $0x138000, s7;
	[smem:$0x7F5] =	sst s17  }
0x24: {  	s10 =	simm.s32 $0x10;
	s26 =	sadd.s32 $0x2580, s4;
	[smem:$0x7FB] =	sst s25  }
0x25: {  	s3 =	sshrl.u32 s19, $0x2;
	s10 =	simm.s32 @!p0 $0xF;
	[smem:$0x7FC] =	sst s26  }
0x26: {  	s11 =	simm.s32 $0x16578;
	s15 =	sadd.s32 s3, s4;
	[dreg:$0x1b] =	wrdreg s10  }
0x27: {  	s19 =	smul.u32 $0x138800, s2;
	s20 =	sadd.s32 $0xA000, s14;
	[dreg:$0x1d] =	wrdreg s15  }
0x28: {  	s2 =	sor.u32 s13, s2;
	s23 =	sadd.s32 $0xC000, s14;
	[smem:$0x7E5] =	sst s20  }
0x29: {  	s0 =	simm.s32 $0x164F8;
	s24 =	sadd.s32 $0xD000, s14;
	[smem:$0x7E7] =	sst s23  }
0x2a: {  	p0 =	sne.s32 s2, $0x0;
	s2 =	sadd.s32 $0x10000, s14;
	[smem:$0x7E8] =	sst s24  }
0x2b: {  	s5 =	simm.s32 $0x80;
	s3 =	sadd.s32 $0x11000, s14;
	[smem:$0x7EB] =	sst s2  }
0x2c: {  	s21 =	simm.s32 $0x4F;
	s12 =	sadd.s32 $0x12E000, s7;
	[smem:$0x7EC] =	sst s3  }
0x2d: {  	s26 =	simm.s32 $0x16278;
	s10 =	simm.s32 $0x16E78;
	[smem:$0x7F1] =	sst s12  }
0x2e: {  	s22 =	sshrl.u32 s19, $0x3;
	s19 =	sadd.s32 $0x9000, s14;
	[dreg:$0xe] =	wrdreg s10  }
0x2f: {  	s25 =	simm.s32 $0x16FF8;
	s15 =	sadd.s32 $0x130000, s7;
	[smem:$0x7E4] =	sst s19  }
0x30: {  	s21 =	simm.s32 @!p1 $0x4E;
	s20 =	sadd.s32 $0x134000, s7;
	[smem:$0x7F3] =	sst s15  }
0x31: {  	p1 =	seq.s32 s13, $0xF;
	s23 =	sadd.s32 $0x136000, s7;
	[smem:$0x7F7] =	sst s20  }
0x32: {  	s24 =	sadd.s32 $0x137000, s7;
	s12 =	simm.s32 $0x165F8;
	[smem:$0x7F9] =	sst s23  }
0x33: {  	s9 =	sadd.s32 s9, s22;
	s22 =	sadd.s32 $0xB000, s14;
	[smem:$0x7FA] =	sst s24  }
0x34: {  	s10 =	sadd.s32 $0x12C000, s7;
	s19 =	sadd.s32 $0x133000, s7;
	[smem:$0x7E6] =	sst s22  }
0x35: {  	s23 =	simm.s32 $0x16A78;
	s24 =	simm.s32 $0x16F78;
	[smem:$0x7EF] =	sst s10  }
0x36: {  	s15 =	simm.s32 $0x0;
	s16 =	sadd.s32 $0x25800, s9;
	[smem:$0x7F6] =	sst s19  }
0x37: {  	s9 =	sadd.s32 $0x13000, s14;
	s14 =	sadd.s32 $0x12F000, s7;
	[dreg:$0x1e] =	wrdreg s16  }
0x38: {  	s22 =	sadd.s32 $0x135000, s7;
	s19 =	simm.s32 $0x13AF8;
	[smem:$0x7EE] =	sst s9  }
0x39: {  	s10 =	simm.s32 $0x1AFF8;
	[smem:$0x7F2] =	sst s14;
	s16 =	sadd.s32 $0x131000, s7  }
0x3a: {  	[smem:$0x7F8] =	sst s22;
	s7 =	smul.u32 $0x500, s13;
	s22 =	simm.s32 $0x3  }
0x3b: {  	s13 =	simm.s32 $0x16678;
	s14 =	simm.s32 $0x166F8;
	[smem:$0x7F4] =	sst s16  }
0x3c: {  	v0 =	vimm.f32 $0.0e+00;
	v1 =	vimm.f32 $1.000000000e+00;
	s9 =	simm.s32 $0x1;
	s16 =	simm.s32 $0x2;
	[smem:$0x7FD] =	sst s7  }
.LBB2_1:
0x3d: {  	s2 =	simm.s32 $0x0;
	s3 =	simm.s32 $0x200  }
.LBB2_2:
0x3e: {  	p2 =	sne.s32 s3, $0x3E00;
	[tilespmem:s2+$0x1B0E8] =	vst v0  }
0x3f: {  	[tilespmem:s2+$0x1B078] =	vst v0  }
0x40: {  	[tilespmem:s2+$0x1B088] =	vst v0  }
.Ltmp0:
0x41: {  	[tilespmem:s2+$0x1B098] =	vst v0;
	(pc) =	sbr.rel @p2 .LBB2_2-.Ltmp0, $4  }
0x42: {  	[tilespmem:s2+$0x1B0A8] =	vst v0  }
0x43: {  	[tilespmem:s2+$0x1B0B8] =	vst v0  }
0x44: {  	[tilespmem:s2+$0x1B0C8] =	vst v0  }
0x45: {  	[tilespmem:s2+$0x1B0D8] =	vst v0;
	s2 =	sshra.s32 s3, $0x2;
	s3 =	sadd.s32 $0x200, s3  }
0x46: {  	[tilespmem:s2+$0x1B0E8] =	vst v0  }
0x47: {  	[tilespmem:s2+$0x1B078] =	vst v0  }
0x48: {  	[tilespmem:s2+$0x1B088] =	vst v0  }
0x49: {  	[tilespmem:s2+$0x1B098] =	vst v0  }
0x4a: {  	[tilespmem:s2+$0x1B0A8] =	vst v0  }
0x4b: {  	[tilespmem:s2+$0x1B0B8] =	vst v0  }
0x4c: {  	[tilespmem:s2+$0x1B0C8] =	vst v0  }
0x4d: {  	[tilespmem:s2+$0x1B0D8] =	vst v0  }
0x4e: {  	[tilespmem:$0x1C078] =	vst v1  }
0x4f: {  	[tilespmem:$0x1C088] =	vst v1  }
0x50: {  	[tilespmem:$0x1C098] =	vst v1  }
0x51: {  	[tilespmem:$0x1C0A8] =	vst v1  }
0x52: {  	[tilespmem:$0x1C0B8] =	vst v1  }
0x53: {  	[tilespmem:$0x1C0C8] =	vst v1  }
0x54: {  	[tilespmem:$0x1C0D8] =	vst v1  }
0x55: {  	[tilespmem:$0x1C0E8] =	vst v1  }
0x56: {  	[tilespmem:$0x1C0F8] =	vst v1  }
0x57: {  	[tilespmem:$0x1C108] =	vst v1  }
0x58: {  	[tilespmem:$0x1C118] =	vst v1  }
0x59: {  	[tilespmem:$0x1C128] =	vst v1  }
0x5a: {  	[tilespmem:$0x1C138] =	vst v1  }
0x5b: {  	[tilespmem:$0x1C148] =	vst v1  }
0x5c: {  	[tilespmem:$0x1C158] =	vst v1  }
0x5d: {  	[tilespmem:$0x1C168] =	vst v1  }
0x5e: {  	[tilespmem:$0x1C178] =	vst v1  }
0x5f: {  	[tilespmem:$0x1C188] =	vst v1  }
0x60: {  	[tilespmem:$0x1C198] =	vst v1  }
0x61: {  	[tilespmem:$0x1C1A8] =	vst v1  }
0x62: {  	[tilespmem:$0x1C1B8] =	vst v1  }
0x63: {  	[tilespmem:$0x1C1C8] =	vst v1  }
0x64: {  	[tilespmem:$0x1C1D8] =	vst v1  }
0x65: {  	[tilespmem:$0x1C1E8] =	vst v1  }
0x66: {  	[tilespmem:$0x1C1F8] =	vst v1  }
0x67: {  	[tilespmem:$0x1C208] =	vst v1  }
0x68: {  	[tilespmem:$0x1C218] =	vst v1  }
0x69: {  	[tilespmem:$0x1C228] =	vst v1  }
0x6a: {  	[tilespmem:$0x1C238] =	vst v1  }
0x6b: {  	[tilespmem:$0x1C248] =	vst v1  }
0x6c: {  	[tilespmem:$0x1C258] =	vst v1  }
0x6d: {  	[tilespmem:$0x1C268] =	vst v1  }
0x6e: {  	[tilespmem:$0x1C278] =	vst v1  }
0x6f: {  	[tilespmem:$0x1C288] =	vst v1  }
0x70: {  	[tilespmem:$0x1C298] =	vst v1  }
.Ltmp1:
0x71: {  	[tilespmem:$0x1C2A8] =	vst v1;
	(pc) =	sbr.rel @!p1 .LBB2_4-.Ltmp1, $4  }
0x72: {  	[tilespmem:$0x1C2B8] =	vst v1  }
0x73: {  	[tilespmem:$0x1C2C8] =	vst v1  }
0x74: {  	[tilespmem:$0x1C2D8] =	vst v1  }
0x75: {  	[smem:$0x7E3] =	sst s15;
	[tilespmem:$0x1C2E8] =	vst v1  }
0x76: {  	s2 =	sld [smem:$0x7EF];
	_ =	sdelay $0x1  }
0x77: {  	s3 =	simm.s32 $0x1B078  }
0x78: {  	[spmem:s2] =	stream.linear.scatter [tilespmem:s3], [sflag:$0x3], $0x1000, $0x38;
	[tilespmem:$0x1C2F8] =	vst v63  }
0x79: {  	_ =	swait.ge [sflag:s22], $0x1000  }
0x7a: {  	s17 =	sld [smem:$0x7F0]  }
0x7b: {  	[sflag:s22] =	ssyncset.done $0x0  }
0x7c: {  	[sflag:s22] =	ssyncadd.s32 $0xFFFFF000  }
0x7d: {  	[spmem:s17] =	stream.linear.scatter [tilespmem:s3], [sflag:$0x3], $0x1000, $0x38;
	[tilespmem:$0x1C2F8] =	vst v63  }
0x7e: {  	_ =	swait.ge [sflag:s22], $0x1000  }
0x7f: {  	s20 =	sld [smem:$0x7F1]  }
0x80: {  	[sflag:s22] =	ssyncset.done $0x0  }
0x81: {  	[sflag:s22] =	ssyncadd.s32 $0xFFFFF000  }
0x82: {  	[spmem:s20] =	stream.linear.scatter [tilespmem:s3], [sflag:$0x3], $0x1000, $0x38;
	[tilespmem:$0x1C2F8] =	vst v63  }
0x83: {  	_ =	swait.ge [sflag:s22], $0x1000  }
0x84: {  	s15 =	sld [smem:$0x7F2]  }
0x85: {  	[sflag:s22] =	ssyncset.done $0x0  }
0x86: {  	[sflag:s22] =	ssyncadd.s32 $0xFFFFF000  }
0x87: {  	[spmem:s15] =	stream.linear.scatter [tilespmem:s3], [sflag:$0x3], $0x1000, $0x38;
	[tilespmem:$0x1C2F8] =	vst v63  }
0x88: {  	_ =	swait.ge [sflag:s22], $0x1000  }
0x89: {  	s17 =	sld [smem:$0x7F3]  }
0x8a: {  	[sflag:s22] =	ssyncset.done $0x0  }
0x8b: {  	[sflag:s22] =	ssyncadd.s32 $0xFFFFF000  }
0x8c: {  	[spmem:s17] =	stream.linear.scatter [tilespmem:s3], [sflag:$0x3], $0x1000, $0x38;
	[tilespmem:$0x1C2F8] =	vst v63  }
0x8d: {  	_ =	swait.ge [sflag:s22], $0x1000  }
0x8e: {  	s20 =	sld [smem:$0x7F4]  }
0x8f: {  	[sflag:s22] =	ssyncset.done $0x0  }
0x90: {  	[sflag:s22] =	ssyncadd.s32 $0xFFFFF000  }
0x91: {  	[spmem:s20] =	stream.linear.scatter [tilespmem:s3], [sflag:$0x3], $0x1000, $0x38;
	[tilespmem:$0x1C2F8] =	vst v63  }
0x92: {  	_ =	swait.ge [sflag:s22], $0x1000  }
0x93: {  	s15 =	sld [smem:$0x7F5]  }
0x94: {  	[sflag:s22] =	ssyncset.done $0x0  }
0x95: {  	[sflag:s22] =	ssyncadd.s32 $0xFFFFF000  }
0x96: {  	[spmem:s15] =	stream.linear.scatter [tilespmem:s3], [sflag:$0x3], $0x1000, $0x38;
	[tilespmem:$0x1C2F8] =	vst v63  }
0x97: {  	_ =	swait.ge [sflag:s22], $0x1000  }
0x98: {  	s17 =	sld [smem:$0x7F6]  }
0x99: {  	[sflag:s22] =	ssyncset.done $0x0  }
0x9a: {  	[sflag:s22] =	ssyncadd.s32 $0xFFFFF000  }
0x9b: {  	[spmem:s17] =	stream.linear.scatter [tilespmem:s3], [sflag:$0x3], $0x1000, $0x38;
	[tilespmem:$0x1C2F8] =	vst v63  }
0x9c: {  	_ =	swait.ge [sflag:s22], $0x1000  }
0x9d: {  	s20 =	sld [smem:$0x7F7]  }
0x9e: {  	[sflag:s22] =	ssyncset.done $0x0  }
0x9f: {  	[sflag:s22] =	ssyncadd.s32 $0xFFFFF000  }
0xa0: {  	[spmem:s20] =	stream.linear.scatter [tilespmem:s3], [sflag:$0x3], $0x1000, $0x38;
	[tilespmem:$0x1C2F8] =	vst v63  }
0xa1: {  	_ =	swait.ge [sflag:s22], $0x1000  }
0xa2: {  	s15 =	sld [smem:$0x7F8]  }
0xa3: {  	[sflag:s22] =	ssyncset.done $0x0  }
0xa4: {  	[sflag:s22] =	ssyncadd.s32 $0xFFFFF000  }
0xa5: {  	[spmem:s15] =	stream.linear.scatter [tilespmem:s3], [sflag:$0x3], $0x1000, $0x38;
	[tilespmem:$0x1C2F8] =	vst v63  }
0xa6: {  	_ =	swait.ge [sflag:s22], $0x1000  }
0xa7: {  	s17 =	sld [smem:$0x7F9]  }
0xa8: {  	[sflag:s22] =	ssyncset.done $0x0  }
0xa9: {  	[sflag:s22] =	ssyncadd.s32 $0xFFFFF000  }
0xaa: {  	[spmem:s17] =	stream.linear.scatter [tilespmem:s3], [sflag:$0x3], $0x1000, $0x38;
	[tilespmem:$0x1C2F8] =	vst v63  }
0xab: {  	_ =	swait.ge [sflag:s22], $0x1000  }
0xac: {  	s20 =	sld [smem:$0x7FA]  }
0xad: {  	[sflag:s22] =	ssyncset.done $0x0  }
0xae: {  	[sflag:s22] =	ssyncadd.s32 $0xFFFFF000  }
0xaf: {  	[spmem:s20] =	stream.linear.scatter [tilespmem:s3], [sflag:$0x3], $0x1000, $0x38;
	[tilespmem:$0x1C2F8] =	vst v63  }
0xb0: {  	_ =	swait.ge [sflag:s22], $0x1000  }
0xb1: {  	s15 =	sld [smem:$0x7FB]  }
0xb2: {  	[sflag:s22] =	ssyncset.done $0x0  }
0xb3: {  	[sflag:s22] =	ssyncadd.s32 $0xFFFFF000  }
0xb4: {  	[spmem:s15] =	stream.linear.scatter [tilespmem:s3], [sflag:$0x3], $0x800, $0x38;
	[tilespmem:$0x1C2F8] =	vst v63  }
0xb5: {  	_ =	swait.ge [sflag:s22], $0x800  }
0xb6: {  	s17 =	sld [smem:$0x7FC]  }
0xb7: {  	[sflag:s22] =	ssyncset.done $0x0  }
.Ltmp2:
0xb8: {  	s20 =	simm.s32 $0x1C078;
	[sflag:s22] =	ssyncadd.s32 $0xFFFFF800;
	(pc) =	sbr.rel .LBB2_6-.Ltmp2, $4  }
0xb9: {  	[spmem:s17] =	stream.linear.scatter [tilespmem:s20], [sflag:$0x3], $0x190, $0x38;
	[tilespmem:$0x1C2F8] =	vst v63  }
0xba: {  	_ =	swait.ge [sflag:s22], $0x190  }
0xbb: {  	[sflag:s22] =	ssyncset.done $0x0  }
0xbc: {  	[sflag:s22] =	ssyncadd.s32 $0xFFFFFE70  }
.LBB2_4:
0xbd: {  	s2 =	rddreg [dreg:$0x12];
	s3 =	simm.s32 $0x1B078  }
0xbe: {  	[spmem:s2] =	stream.linear.scatter [tilespmem:s3], [sflag:$0x3], $0x1000, $0x38;
	[tilespmem:$0x1C2F8] =	vst v63  }
0xbf: {  	_ =	swait.ge [sflag:s22], $0x1000  }
0xc0: {  	[sflag:s22] =	ssyncset.done $0x0  }
0xc1: {  	s15 =	rddreg [dreg:$0x13];
	[sflag:s22] =	ssyncadd.s32 $0xFFFFF000  }
0xc2: {  	[spmem:s15] =	stream.linear.scatter [tilespmem:s3], [sflag:$0x3], $0x1000, $0x38;
	[tilespmem:$0x1C2F8] =	vst v63  }
0xc3: {  	_ =	swait.ge [sflag:s22], $0x1000  }
0xc4: {  	[sflag:s22] =	ssyncset.done $0x0  }
0xc5: {  	s17 =	rddreg [dreg:$0x14];
	[sflag:s22] =	ssyncadd.s32 $0xFFFFF000  }
0xc6: {  	[spmem:s17] =	stream.linear.scatter [tilespmem:s3], [sflag:$0x3], $0x1000, $0x38;
	[tilespmem:$0x1C2F8] =	vst v63  }
0xc7: {  	_ =	swait.ge [sflag:s22], $0x1000  }
0xc8: {  	[sflag:s22] =	ssyncset.done $0x0  }
0xc9: {  	s20 =	rddreg [dreg:$0x15];
	[sflag:s22] =	ssyncadd.s32 $0xFFFFF000  }
0xca: {  	[spmem:s20] =	stream.linear.scatter [tilespmem:s3], [sflag:$0x3], $0x1000, $0x38;
	[tilespmem:$0x1C2F8] =	vst v63  }
0xcb: {  	_ =	swait.ge [sflag:s22], $0x1000  }
0xcc: {  	[sflag:s22] =	ssyncset.done $0x0  }
0xcd: {  	s15 =	rddreg [dreg:$0x16];
	[sflag:s22] =	ssyncadd.s32 $0xFFFFF000  }
0xce: {  	[spmem:s15] =	stream.linear.scatter [tilespmem:s3], [sflag:$0x3], $0x1000, $0x38;
	[tilespmem:$0x1C2F8] =	vst v63  }
0xcf: {  	_ =	swait.ge [sflag:s22], $0x1000  }
0xd0: {  	[sflag:s22] =	ssyncset.done $0x0  }
0xd1: {  	s17 =	rddreg [dreg:$0x17];
	[sflag:s22] =	ssyncadd.s32 $0xFFFFF000  }
0xd2: {  	[spmem:s17] =	stream.linear.scatter [tilespmem:s3], [sflag:$0x3], $0x1000, $0x38;
	[tilespmem:$0x1C2F8] =	vst v63  }
0xd3: {  	_ =	swait.ge [sflag:s22], $0x1000  }
0xd4: {  	[sflag:s22] =	ssyncset.done $0x0  }
0xd5: {  	s20 =	rddreg [dreg:$0x18];
	[sflag:s22] =	ssyncadd.s32 $0xFFFFF000  }
0xd6: {  	[spmem:s20] =	stream.linear.scatter [tilespmem:s3], [sflag:$0x3], $0x1000, $0x38;
	[tilespmem:$0x1C2F8] =	vst v63  }
0xd7: {  	_ =	swait.ge [sflag:s22], $0x1000  }
0xd8: {  	[sflag:s22] =	ssyncset.done $0x0  }
0xd9: {  	s15 =	rddreg [dreg:$0x19];
	[sflag:s22] =	ssyncadd.s32 $0xFFFFF000  }
0xda: {  	[spmem:s15] =	stream.linear.scatter [tilespmem:s3], [sflag:$0x3], $0x1000, $0x38;
	[tilespmem:$0x1C2F8] =	vst v63  }
0xdb: {  	_ =	swait.ge [sflag:s22], $0x1000  }
0xdc: {  	[sflag:s22] =	ssyncset.done $0x0  }
0xdd: {  	s17 =	rddreg [dreg:$0x1c];
	[sflag:s22] =	ssyncadd.s32 $0xFFFFF000  }
0xde: {  	[spmem:s17] =	stream.linear.scatter [tilespmem:s3], [sflag:$0x3], $0x1000, $0x38;
	[tilespmem:$0x1C2F8] =	vst v63  }
0xdf: {  	_ =	swait.ge [sflag:s22], $0x1000  }
0xe0: {  	s20 =	sld [smem:$0x7E4]  }
0xe1: {  	[sflag:s22] =	ssyncset.done $0x0  }
0xe2: {  	[sflag:s22] =	ssyncadd.s32 $0xFFFFF000  }
0xe3: {  	[spmem:s20] =	stream.linear.scatter [tilespmem:s3], [sflag:$0x3], $0x1000, $0x38;
	[tilespmem:$0x1C2F8] =	vst v63  }
0xe4: {  	_ =	swait.ge [sflag:s22], $0x1000  }
0xe5: {  	s15 =	sld [smem:$0x7E5]  }
0xe6: {  	[sflag:s22] =	ssyncset.done $0x0  }
0xe7: {  	[sflag:s22] =	ssyncadd.s32 $0xFFFFF000  }
0xe8: {  	[spmem:s15] =	stream.linear.scatter [tilespmem:s3], [sflag:$0x3], $0x1000, $0x38;
	[tilespmem:$0x1C2F8] =	vst v63  }
0xe9: {  	_ =	swait.ge [sflag:s22], $0x1000  }
0xea: {  	s17 =	sld [smem:$0x7E6]  }
0xeb: {  	[sflag:s22] =	ssyncset.done $0x0  }
0xec: {  	[sflag:s22] =	ssyncadd.s32 $0xFFFFF000  }
0xed: {  	[spmem:s17] =	stream.linear.scatter [tilespmem:s3], [sflag:$0x3], $0x1000, $0x38;
	[tilespmem:$0x1C2F8] =	vst v63  }
0xee: {  	_ =	swait.ge [sflag:s22], $0x1000  }
0xef: {  	s20 =	sld [smem:$0x7E7]  }
0xf0: {  	[sflag:s22] =	ssyncset.done $0x0  }
0xf1: {  	[sflag:s22] =	ssyncadd.s32 $0xFFFFF000  }
0xf2: {  	[spmem:s20] =	stream.linear.scatter [tilespmem:s3], [sflag:$0x3], $0x1000, $0x38;
	[tilespmem:$0x1C2F8] =	vst v63  }
0xf3: {  	_ =	swait.ge [sflag:s22], $0x1000  }
0xf4: {  	s15 =	sld [smem:$0x7E8]  }
0xf5: {  	[sflag:s22] =	ssyncset.done $0x0  }
0xf6: {  	[sflag:s22] =	ssyncadd.s32 $0xFFFFF000  }
0xf7: {  	[spmem:s15] =	stream.linear.scatter [tilespmem:s3], [sflag:$0x3], $0x1000, $0x38;
	[tilespmem:$0x1C2F8] =	vst v63  }
0xf8: {  	_ =	swait.ge [sflag:s22], $0x1000  }
0xf9: {  	s17 =	sld [smem:$0x7E9]  }
0xfa: {  	[sflag:s22] =	ssyncset.done $0x0  }
0xfb: {  	[sflag:s22] =	ssyncadd.s32 $0xFFFFF000  }
0xfc: {  	[spmem:s17] =	stream.linear.scatter [tilespmem:s3], [sflag:$0x3], $0x1000, $0x38;
	[tilespmem:$0x1C2F8] =	vst v63  }
0xfd: {  	_ =	swait.ge [sflag:s22], $0x1000  }
0xfe: {  	s20 =	sld [smem:$0x7EA]  }
0xff: {  	[sflag:s22] =	ssyncset.done $0x0  }
0x100: {  	[sflag:s22] =	ssyncadd.s32 $0xFFFFF000  }
0x101: {  	[spmem:s20] =	stream.linear.scatter [tilespmem:s3], [sflag:$0x3], $0x1000, $0x38;
	[tilespmem:$0x1C2F8] =	vst v63  }
0x102: {  	_ =	swait.ge [sflag:s22], $0x1000  }
0x103: {  	s15 =	sld [smem:$0x7EB]  }
0x104: {  	[sflag:s22] =	ssyncset.done $0x0  }
0x105: {  	[sflag:s22] =	ssyncadd.s32 $0xFFFFF000  }
0x106: {  	[spmem:s15] =	stream.linear.scatter [tilespmem:s3], [sflag:$0x3], $0x1000, $0x38;
	[tilespmem:$0x1C2F8] =	vst v63  }
0x107: {  	_ =	swait.ge [sflag:s22], $0x1000  }
0x108: {  	s17 =	sld [smem:$0x7EC]  }
0x109: {  	[sflag:s22] =	ssyncset.done $0x0  }
0x10a: {  	[sflag:s22] =	ssyncadd.s32 $0xFFFFF000  }
0x10b: {  	[spmem:s17] =	stream.linear.scatter [tilespmem:s3], [sflag:$0x3], $0x1000, $0x38;
	[tilespmem:$0x1C2F8] =	vst v63  }
0x10c: {  	_ =	swait.ge [sflag:s22], $0x1000  }
0x10d: {  	s20 =	sld [smem:$0x7ED]  }
0x10e: {  	[sflag:s22] =	ssyncset.done $0x0  }
0x10f: {  	[sflag:s22] =	ssyncadd.s32 $0xFFFFF000  }
0x110: {  	[spmem:s20] =	stream.linear.scatter [tilespmem:s3], [sflag:$0x3], $0x1000, $0x38;
	[tilespmem:$0x1C2F8] =	vst v63  }
0x111: {  	_ =	swait.ge [sflag:s22], $0x1000  }
0x112: {  	s15 =	sld [smem:$0x7EE]  }
0x113: {  	[sflag:s22] =	ssyncset.done $0x0  }
0x114: {  	[sflag:s22] =	ssyncadd.s32 $0xFFFFF000  }
0x115: {  	[spmem:s15] =	stream.linear.scatter [tilespmem:s3], [sflag:$0x3], $0x1000, $0x38;
	[tilespmem:$0x1C2F8] =	vst v63  }
0x116: {  	_ =	swait.ge [sflag:s22], $0x1000  }
0x117: {  	[sflag:s22] =	ssyncset.done $0x0  }
0x118: {  	s20 =	simm.s32 $0x1C078;
	s17 =	rddreg [dreg:$0x1d];
	[sflag:s22] =	ssyncadd.s32 $0xFFFFF000  }
0x119: {  	[spmem:s17] =	stream.linear.scatter [tilespmem:s20], [sflag:$0x3], $0x280, $0x38;
	[tilespmem:$0x1C2F8] =	vst v63  }
0x11a: {  	_ =	swait.ge [sflag:s22], $0x280  }
0x11b: {  	[sflag:s22] =	ssyncset.done $0x0  }
0x11c: {  	[sflag:s22] =	ssyncadd.s32 $0xFFFFFD80  }
.LBB2_6:
0x11d: {  	[bflag:$0x0] =	sbarrier.arrive $0xFFFF  }
0x11e: {  	s2 =	rddreg [dreg:$0x1b]  }
0x11f: {  	p3 =	sne.s32 s2, $0x1  }
.Ltmp3:
0x120: {  	_ = 	snop;
	(pc) =	sbr.rel @!p3 .LBB2_7-.Ltmp3, $2  }
0x121: {  	_ =	sdelay $0x2  }
0x122: {  	s20 =	sshrl.u32 s7, $0x3;
	p2 =	por $0x0, $0x0;
	s15 =	sadd.s32 $0xFFFFFFFF, s2  }
0x123: {  	s2 =	sadd.s32 s1, s20  }
0x124: {  	[tilespmem:s23], [sflag:$0x3] =	stream.linear.gather [hbm4b:s2+s6], $0x500, $0x38;
	[tilespmem:$0x1C2F8] =	vst v63  }
0x125: {  	_ =	swait.ge [sflag:s22], $0x500  }
0x126: {  	[sflag:s22] =	ssyncset.done $0x0  }
0x127: {  	s3 =	sadd.s32 s8, s20;
	[sflag:s22] =	ssyncadd.s32 $0xFFFFFB00  }
0x128: {  	[tilespmem:s26], [sflag:$0x3] =	stream.linear.gather [hbm4b:s3+s6], $0x80, $0x38;
	[tilespmem:$0x1C2F8] =	vst v63  }
0x129: {  	_ =	swait.ge [sflag:s22], $0x80  }
0x12a: {  	s17 =	rddreg [dreg:$0x6];
	[sflag:s22] =	ssyncset.done $0x0  }
0x12b: {  	[sflag:s22] =	ssyncadd.s32 $0xFFFFFF80;
	s2 =	sadd.s32 s20, s17  }
0x12c: {  	[tilespmem:s28], [sflag:$0x3] =	stream.linear.gather [hbm4b:s2+s6], $0x80, $0x38;
	[tilespmem:$0x1C2F8] =	vst v63  }
0x12d: {  	s20 =	sadd.s32 $0x100, s7;
	_ =	swait.ge [sflag:s22], $0x80  }
0x12e: {  	s2 =	sshrl.u32 s20, $0x3;
	[sflag:s22] =	ssyncset.done $0x0  }
0x12f: {  	s2 =	sadd.s32 s8, s2;
	[sflag:s22] =	ssyncadd.s32 $0xFFFFFF80  }
0x130: {  	[tilespmem:s29], [sflag:$0x3] =	stream.linear.gather [hbm4b:s2+s6], $0x80, $0x38;
	[tilespmem:$0x1C2F8] =	vst v63  }
0x131: {  	s3 =	sadd.s32 $0x180, s7;
	_ =	swait.ge [sflag:s22], $0x80  }
0x132: {  	s2 =	sshrl.u32 s3, $0x3;
	[sflag:s22] =	ssyncset.done $0x0  }
0x133: {  	s2 =	sadd.s32 s8, s2;
	[sflag:s22] =	ssyncadd.s32 $0xFFFFFF80  }
0x134: {  	[tilespmem:s30], [sflag:$0x3] =	stream.linear.gather [hbm4b:s2+s6], $0x80, $0x38;
	[tilespmem:$0x1C2F8] =	vst v63  }
0x135: {  	s17 =	sadd.s32 $0x200, s7;
	_ =	swait.ge [sflag:s22], $0x80  }
0x136: {  	s2 =	sshrl.u32 s17, $0x3;
	[sflag:s22] =	ssyncset.done $0x0  }
0x137: {  	s2 =	sadd.s32 s8, s2;
	[sflag:s22] =	ssyncadd.s32 $0xFFFFFF80  }
0x138: {  	[tilespmem:s31], [sflag:$0x3] =	stream.linear.gather [hbm4b:s2+s6], $0x80, $0x38;
	[tilespmem:$0x1C2F8] =	vst v63  }
0x139: {  	s20 =	sadd.s32 $0x280, s7;
	_ =	swait.ge [sflag:s22], $0x80  }
0x13a: {  	s2 =	sshrl.u32 s20, $0x3;
	[sflag:s22] =	ssyncset.done $0x0  }
0x13b: {  	s2 =	sadd.s32 s8, s2;
	[sflag:s22] =	ssyncadd.s32 $0xFFFFFF80  }
0x13c: {  	[tilespmem:s0], [sflag:$0x3] =	stream.linear.gather [hbm4b:s2+s6], $0x80, $0x38;
	[tilespmem:$0x1C2F8] =	vst v63  }
0x13d: {  	s3 =	sadd.s32 $0x300, s7;
	_ =	swait.ge [sflag:s22], $0x80  }
0x13e: {  	s2 =	sshrl.u32 s3, $0x3;
	[sflag:s22] =	ssyncset.done $0x0  }
0x13f: {  	s2 =	sadd.s32 s8, s2;
	[sflag:s22] =	ssyncadd.s32 $0xFFFFFF80  }
0x140: {  	[tilespmem:s11], [sflag:$0x3] =	stream.linear.gather [hbm4b:s2+s6], $0x80, $0x38;
	[tilespmem:$0x1C2F8] =	vst v63  }
0x141: {  	s17 =	sadd.s32 $0x380, s7;
	_ =	swait.ge [sflag:s22], $0x80  }
0x142: {  	s2 =	sshrl.u32 s17, $0x3;
	[sflag:s22] =	ssyncset.done $0x0  }
0x143: {  	s2 =	sadd.s32 s8, s2;
	[sflag:s22] =	ssyncadd.s32 $0xFFFFFF80  }
0x144: {  	[tilespmem:s12], [sflag:$0x3] =	stream.linear.gather [hbm4b:s2+s6], $0x80, $0x38;
	[tilespmem:$0x1C2F8] =	vst v63  }
0x145: {  	s20 =	sadd.s32 $0x400, s7;
	_ =	swait.ge [sflag:s22], $0x80  }
0x146: {  	s2 =	sshrl.u32 s20, $0x3;
	[sflag:s22] =	ssyncset.done $0x0  }
0x147: {  	s2 =	sadd.s32 s8, s2;
	[sflag:s22] =	ssyncadd.s32 $0xFFFFFF80  }
0x148: {  	[tilespmem:s13], [sflag:$0x3] =	stream.linear.gather [hbm4b:s2+s6], $0x80, $0x38;
	[tilespmem:$0x1C2F8] =	vst v63  }
0x149: {  	s3 =	sadd.s32 $0x480, s7;
	_ =	swait.ge [sflag:s22], $0x80  }
0x14a: {  	s2 =	sshrl.u32 s3, $0x3;
	[sflag:s22] =	ssyncset.done $0x0  }
0x14b: {  	s2 =	sadd.s32 s8, s2;
	[sflag:s22] =	ssyncadd.s32 $0xFFFFFF80  }
0x14c: {  	[tilespmem:s14], [sflag:$0x3] =	stream.linear.gather [hbm4b:s2+s6], $0x80, $0x38;
	[tilespmem:$0x1C2F8] =	vst v63  }
0x14d: {  	_ =	swait.ge [sflag:s22], $0x80  }
0x14e: {  	[sflag:s22] =	ssyncset.done $0x0  }
0x14f: {  	[sflag:s22] =	ssyncadd.s32 $0xFFFFFF80  }
0x150: {  	[spmem:s4] =	stream.indirect.scatter.add.f32 [tilespmem:s23], [sflag:$0x1], $0x1, s26, s5, $0xb8;
	[tilespmem:$0x1C2F8] =	vst v63  }
0x151: {  	s17 =	rddreg [dreg:$0x7]  }
0x152: {  	[spmem:s4] =	stream.indirect.scatter.add.f32 [tilespmem:s17], [sflag:$0x1], $0x1, s28, s5, $0xb8;
	[tilespmem:$0x1C2F8] =	vst v63  }
0x153: {  	s3 =	rddreg [dreg:$0x8]  }
0x154: {  	[spmem:s4] =	stream.indirect.scatter.add.f32 [tilespmem:s3], [sflag:$0x1], $0x1, s29, s5, $0xb8;
	[tilespmem:$0x1C2F8] =	vst v63  }
0x155: {  	s20 =	rddreg [dreg:$0x9]  }
0x156: {  	[spmem:s4] =	stream.indirect.scatter.add.f32 [tilespmem:s20], [sflag:$0x1], $0x1, s30, s5, $0xb8;
	[tilespmem:$0x1C2F8] =	vst v63  }
0x157: {  	s17 =	rddreg [dreg:$0xa]  }
0x158: {  	[spmem:s4] =	stream.indirect.scatter.add.f32 [tilespmem:s17], [sflag:$0x1], $0x1, s31, s5, $0xb8;
	[tilespmem:$0x1C2F8] =	vst v63  }
0x159: {  	s20 =	rddreg [dreg:$0xb]  }
0x15a: {  	[spmem:s4] =	stream.indirect.scatter.add.f32 [tilespmem:s20], [sflag:$0x1], $0x1, s0, s5, $0xb8;
	[tilespmem:$0x1C2F8] =	vst v63  }
0x15b: {  	s17 =	rddreg [dreg:$0xc]  }
0x15c: {  	[spmem:s4] =	stream.indirect.scatter.add.f32 [tilespmem:s17], [sflag:$0x1], $0x1, s11, s5, $0xb8;
	[tilespmem:$0x1C2F8] =	vst v63  }
0x15d: {  	s20 =	rddreg [dreg:$0xd]  }
0x15e: {  	[spmem:s4] =	stream.indirect.scatter.add.f32 [tilespmem:s20], [sflag:$0x1], $0x1, s12, s5, $0xb8;
	[tilespmem:$0x1C2F8] =	vst v63  }
0x15f: {  	s17 =	rddreg [dreg:$0xe]  }
0x160: {  	[spmem:s4] =	stream.indirect.scatter.add.f32 [tilespmem:s17], [sflag:$0x1], $0x1, s13, s5, $0xb8;
	[tilespmem:$0x1C2F8] =	vst v63  }
0x161: {  	s20 =	rddreg [dreg:$0xf]  }
0x162: {  	[spmem:s4] =	stream.indirect.scatter.add.f32 [tilespmem:s20], [sflag:$0x1], $0x1, s14, s5, $0xb8;
	[tilespmem:$0x1C2F8] =	vst v63  }
0x163: {  	_ =	swait.ge [sflag:s9], $0x80  }
0x164: {  	[sflag:s9] =	ssyncset.done $0x0  }
0x165: {  	[sflag:s9] =	ssyncadd.s32 $0xFFFFFF80  }
0x166: {  	_ =	swait.ge [sflag:s9], $0x80  }
0x167: {  	[sflag:s9] =	ssyncset.done $0x0  }
0x168: {  	[sflag:s9] =	ssyncadd.s32 $0xFFFFFF80  }
0x169: {  	_ =	swait.ge [sflag:s9], $0x80  }
0x16a: {  	[sflag:s9] =	ssyncset.done $0x0  }
0x16b: {  	[sflag:s9] =	ssyncadd.s32 $0xFFFFFF80  }
0x16c: {  	_ =	swait.ge [sflag:s9], $0x80  }
0x16d: {  	[sflag:s9] =	ssyncset.done $0x0  }
0x16e: {  	[sflag:s9] =	ssyncadd.s32 $0xFFFFFF80  }
0x16f: {  	_ =	swait.ge [sflag:s9], $0x80  }
0x170: {  	[sflag:s9] =	ssyncset.done $0x0  }
0x171: {  	[sflag:s9] =	ssyncadd.s32 $0xFFFFFF80  }
0x172: {  	_ =	swait.ge [sflag:s9], $0x80  }
0x173: {  	[sflag:s9] =	ssyncset.done $0x0  }
0x174: {  	[sflag:s9] =	ssyncadd.s32 $0xFFFFFF80  }
0x175: {  	_ =	swait.ge [sflag:s9], $0x80  }
0x176: {  	[sflag:s9] =	ssyncset.done $0x0  }
0x177: {  	[sflag:s9] =	ssyncadd.s32 $0xFFFFFF80  }
0x178: {  	_ =	swait.ge [sflag:s9], $0x80  }
0x179: {  	[sflag:s9] =	ssyncset.done $0x0  }
0x17a: {  	p3 =	sne.s32 s15, $0x1;
	[sflag:s9] =	ssyncadd.s32 $0xFFFFFF80  }
.Ltmp4:
0x17b: {  	_ =	swait.ge [sflag:s9], $0x80;
	(pc) =	sbr.rel @!p3 .LBB2_10-.Ltmp4, $4  }
0x17c: {  	[sflag:s9] =	ssyncset.done $0x0  }
0x17d: {  	[sflag:s9] =	ssyncadd.s32 $0xFFFFFF80  }
0x17e: {  	s17 =	sadd.s32 $0xFFFFFFFF, s15;
	s15 =	sadd.s32 $0x5000, s7;
	_ =	swait.ge [sflag:s9], $0x80  }
0x17f: {  	p2 =	por $0x1, $0x1;
	s20 =	sshrl.u32 s15, $0x3;
	[sflag:s9] =	ssyncset.done $0x0  }
.LBB2_9:
0x180: {  	s2 =	sadd.s32 s1, s20;
	[sflag:s9] =	ssyncadd.s32 $0xFFFFFF80  }
0x181: {  	[tilespmem:s23], [sflag:$0x3] =	stream.linear.gather [hbm4b:s2+s6], $0x500, $0x38;
	[tilespmem:$0x1C2F8] =	vst v63  }
0x182: {  	_ =	swait.ge [sflag:s22], $0x500  }
0x183: {  	[sflag:s22] =	ssyncset.done $0x0  }
0x184: {  	s3 =	sadd.s32 s8, s20;
	[sflag:s22] =	ssyncadd.s32 $0xFFFFFB00  }
0x185: {  	[tilespmem:s26], [sflag:$0x3] =	stream.linear.gather [hbm4b:s3+s6], $0x80, $0x38;
	[tilespmem:$0x1C2F8] =	vst v63  }
0x186: {  	_ =	swait.ge [sflag:s22], $0x80  }
0x187: {  	s7 =	rddreg [dreg:$0x6];
	[sflag:s22] =	ssyncset.done $0x0  }
0x188: {  	[sflag:s22] =	ssyncadd.s32 $0xFFFFFF80;
	s2 =	sadd.s32 s20, s7  }
0x189: {  	[tilespmem:s28], [sflag:$0x3] =	stream.linear.gather [hbm4b:s2+s6], $0x80, $0x38;
	[tilespmem:$0x1C2F8] =	vst v63  }
0x18a: {  	s20 =	sadd.s32 $0x100, s15;
	_ =	swait.ge [sflag:s22], $0x80  }
0x18b: {  	s2 =	sshrl.u32 s20, $0x3;
	[sflag:s22] =	ssyncset.done $0x0  }
0x18c: {  	s2 =	sadd.s32 s8, s2;
	[sflag:s22] =	ssyncadd.s32 $0xFFFFFF80  }
0x18d: {  	[tilespmem:s29], [sflag:$0x3] =	stream.linear.gather [hbm4b:s2+s6], $0x80, $0x38;
	[tilespmem:$0x1C2F8] =	vst v63  }
0x18e: {  	s3 =	sadd.s32 $0x180, s15;
	_ =	swait.ge [sflag:s22], $0x80  }
0x18f: {  	s2 =	sshrl.u32 s3, $0x3;
	[sflag:s22] =	ssyncset.done $0x0  }
0x190: {  	s2 =	sadd.s32 s8, s2;
	[sflag:s22] =	ssyncadd.s32 $0xFFFFFF80  }
0x191: {  	[tilespmem:s30], [sflag:$0x3] =	stream.linear.gather [hbm4b:s2+s6], $0x80, $0x38;
	[tilespmem:$0x1C2F8] =	vst v63  }
0x192: {  	s7 =	sadd.s32 $0x200, s15;
	_ =	swait.ge [sflag:s22], $0x80  }
0x193: {  	s2 =	sshrl.u32 s7, $0x3;
	[sflag:s22] =	ssyncset.done $0x0  }
0x194: {  	s2 =	sadd.s32 s8, s2;
	[sflag:s22] =	ssyncadd.s32 $0xFFFFFF80  }
0x195: {  	[tilespmem:s31], [sflag:$0x3] =	stream.linear.gather [hbm4b:s2+s6], $0x80, $0x38;
	[tilespmem:$0x1C2F8] =	vst v63  }
0x196: {  	s20 =	sadd.s32 $0x280, s15;
	_ =	swait.ge [sflag:s22], $0x80  }
0x197: {  	s2 =	sshrl.u32 s20, $0x3;
	[sflag:s22] =	ssyncset.done $0x0  }
0x198: {  	s2 =	sadd.s32 s8, s2;
	[sflag:s22] =	ssyncadd.s32 $0xFFFFFF80  }
0x199: {  	[tilespmem:s0], [sflag:$0x3] =	stream.linear.gather [hbm4b:s2+s6], $0x80, $0x38;
	[tilespmem:$0x1C2F8] =	vst v63  }
0x19a: {  	s3 =	sadd.s32 $0x300, s15;
	_ =	swait.ge [sflag:s22], $0x80  }
0x19b: {  	s2 =	sshrl.u32 s3, $0x3;
	[sflag:s22] =	ssyncset.done $0x0  }
0x19c: {  	s2 =	sadd.s32 s8, s2;
	[sflag:s22] =	ssyncadd.s32 $0xFFFFFF80  }
0x19d: {  	[tilespmem:s11], [sflag:$0x3] =	stream.linear.gather [hbm4b:s2+s6], $0x80, $0x38;
	[tilespmem:$0x1C2F8] =	vst v63  }
0x19e: {  	s7 =	sadd.s32 $0x380, s15;
	_ =	swait.ge [sflag:s22], $0x80  }
0x19f: {  	s2 =	sshrl.u32 s7, $0x3;
	[sflag:s22] =	ssyncset.done $0x0  }
0x1a0: {  	s2 =	sadd.s32 s8, s2;
	[sflag:s22] =	ssyncadd.s32 $0xFFFFFF80  }
0x1a1: {  	[tilespmem:s12], [sflag:$0x3] =	stream.linear.gather [hbm4b:s2+s6], $0x80, $0x38;
	[tilespmem:$0x1C2F8] =	vst v63  }
0x1a2: {  	s20 =	sadd.s32 $0x400, s15;
	_ =	swait.ge [sflag:s22], $0x80  }
0x1a3: {  	s2 =	sshrl.u32 s20, $0x3;
	[sflag:s22] =	ssyncset.done $0x0  }
0x1a4: {  	s2 =	sadd.s32 s8, s2;
	[sflag:s22] =	ssyncadd.s32 $0xFFFFFF80  }
0x1a5: {  	[tilespmem:s13], [sflag:$0x3] =	stream.linear.gather [hbm4b:s2+s6], $0x80, $0x38;
	[tilespmem:$0x1C2F8] =	vst v63  }
0x1a6: {  	s3 =	sadd.s32 $0x480, s15;
	_ =	swait.ge [sflag:s22], $0x80  }
0x1a7: {  	s2 =	sshrl.u32 s3, $0x3;
	[sflag:s22] =	ssyncset.done $0x0  }
0x1a8: {  	s2 =	sadd.s32 s8, s2;
	[sflag:s22] =	ssyncadd.s32 $0xFFFFFF80  }
0x1a9: {  	[tilespmem:s14], [sflag:$0x3] =	stream.linear.gather [hbm4b:s2+s6], $0x80, $0x38;
	[tilespmem:$0x1C2F8] =	vst v63  }
0x1aa: {  	_ =	swait.ge [sflag:s22], $0x80  }
0x1ab: {  	[sflag:s22] =	ssyncset.done $0x0  }
0x1ac: {  	[sflag:s22] =	ssyncadd.s32 $0xFFFFFF80  }
0x1ad: {  	[spmem:s4] =	stream.indirect.scatter.add.f32 [tilespmem:s23], [sflag:$0x1], $0x1, s26, s5, $0xb8;
	[tilespmem:$0x1C2F8] =	vst v63  }
0x1ae: {  	s7 =	rddreg [dreg:$0x7]  }
0x1af: {  	[spmem:s4] =	stream.indirect.scatter.add.f32 [tilespmem:s7], [sflag:$0x1], $0x1, s28, s5, $0xb8;
	[tilespmem:$0x1C2F8] =	vst v63  }
0x1b0: {  	s3 =	rddreg [dreg:$0x8]  }
0x1b1: {  	[spmem:s4] =	stream.indirect.scatter.add.f32 [tilespmem:s3], [sflag:$0x1], $0x1, s29, s5, $0xb8;
	[tilespmem:$0x1C2F8] =	vst v63  }
0x1b2: {  	s20 =	rddreg [dreg:$0x9]  }
0x1b3: {  	[spmem:s4] =	stream.indirect.scatter.add.f32 [tilespmem:s20], [sflag:$0x1], $0x1, s30, s5, $0xb8;
	[tilespmem:$0x1C2F8] =	vst v63  }
0x1b4: {  	s7 =	rddreg [dreg:$0xa]  }
0x1b5: {  	[spmem:s4] =	stream.indirect.scatter.add.f32 [tilespmem:s7], [sflag:$0x1], $0x1, s31, s5, $0xb8;
	[tilespmem:$0x1C2F8] =	vst v63  }
0x1b6: {  	s20 =	rddreg [dreg:$0xb]  }
0x1b7: {  	[spmem:s4] =	stream.indirect.scatter.add.f32 [tilespmem:s20], [sflag:$0x1], $0x1, s0, s5, $0xb8;
	[tilespmem:$0x1C2F8] =	vst v63  }
0x1b8: {  	s7 =	rddreg [dreg:$0xc]  }
0x1b9: {  	[spmem:s4] =	stream.indirect.scatter.add.f32 [tilespmem:s7], [sflag:$0x1], $0x1, s11, s5, $0xb8;
	[tilespmem:$0x1C2F8] =	vst v63  }
0x1ba: {  	s20 =	rddreg [dreg:$0xd]  }
0x1bb: {  	[spmem:s4] =	stream.indirect.scatter.add.f32 [tilespmem:s20], [sflag:$0x1], $0x1, s12, s5, $0xb8;
	[tilespmem:$0x1C2F8] =	vst v63  }
0x1bc: {  	s7 =	rddreg [dreg:$0xe]  }
0x1bd: {  	[spmem:s4] =	stream.indirect.scatter.add.f32 [tilespmem:s7], [sflag:$0x1], $0x1, s13, s5, $0xb8;
	[tilespmem:$0x1C2F8] =	vst v63  }
0x1be: {  	s20 =	rddreg [dreg:$0xf]  }
0x1bf: {  	[spmem:s4] =	stream.indirect.scatter.add.f32 [tilespmem:s20], [sflag:$0x1], $0x1, s14, s5, $0xb8;
	[tilespmem:$0x1C2F8] =	vst v63  }
0x1c0: {  	_ =	swait.ge [sflag:s9], $0x80  }
0x1c1: {  	[sflag:s9] =	ssyncset.done $0x0  }
0x1c2: {  	[sflag:s9] =	ssyncadd.s32 $0xFFFFFF80  }
0x1c3: {  	_ =	swait.ge [sflag:s9], $0x80  }
0x1c4: {  	[sflag:s9] =	ssyncset.done $0x0  }
0x1c5: {  	[sflag:s9] =	ssyncadd.s32 $0xFFFFFF80  }
0x1c6: {  	_ =	swait.ge [sflag:s9], $0x80  }
0x1c7: {  	[sflag:s9] =	ssyncset.done $0x0  }
0x1c8: {  	[sflag:s9] =	ssyncadd.s32 $0xFFFFFF80  }
0x1c9: {  	_ =	swait.ge [sflag:s9], $0x80  }
0x1ca: {  	[sflag:s9] =	ssyncset.done $0x0  }
0x1cb: {  	[sflag:s9] =	ssyncadd.s32 $0xFFFFFF80  }
0x1cc: {  	_ =	swait.ge [sflag:s9], $0x80  }
0x1cd: {  	[sflag:s9] =	ssyncset.done $0x0  }
0x1ce: {  	[sflag:s9] =	ssyncadd.s32 $0xFFFFFF80  }
0x1cf: {  	_ =	swait.ge [sflag:s9], $0x80  }
0x1d0: {  	[sflag:s9] =	ssyncset.done $0x0  }
0x1d1: {  	[sflag:s9] =	ssyncadd.s32 $0xFFFFFF80  }
0x1d2: {  	_ =	swait.ge [sflag:s9], $0x80  }
0x1d3: {  	[sflag:s9] =	ssyncset.done $0x0  }
0x1d4: {  	[sflag:s9] =	ssyncadd.s32 $0xFFFFFF80  }
0x1d5: {  	_ =	swait.ge [sflag:s9], $0x80  }
0x1d6: {  	[sflag:s9] =	ssyncset.done $0x0  }
0x1d7: {  	p3 =	sne.s32 s17, $0x1;
	[sflag:s9] =	ssyncadd.s32 $0xFFFFFF80  }
.Ltmp5:
0x1d8: {  	_ =	swait.ge [sflag:s9], $0x80;
	(pc) =	sbr.rel @p3 .LBB2_9-.Ltmp5, $4  }
0x1d9: {  	[sflag:s9] =	ssyncset.done $0x0  }
0x1da: {  	[sflag:s9] =	ssyncadd.s32 $0xFFFFFF80  }
0x1db: {  	s15 =	sadd.s32 $0x5000, s15;
	_ =	swait.ge [sflag:s9], $0x80  }
0x1dc: {  	s17 =	sadd.s32 $0xFFFFFFFF, s17;
	s20 =	sshrl.u32 s15, $0x3;
	[sflag:s9] =	ssyncset.done $0x0  }
.LBB2_10:
0x1dd: {  	s2 =	sadd.s32 s1, s20;
	[sflag:s9] =	ssyncadd.s32 @p2 $0xFFFFFF80  }
0x1de: {  	[tilespmem:s23], [sflag:$0x3] =	stream.linear.gather [hbm4b:s2+s6], $0x500, $0x38;
	[tilespmem:$0x1C2F8] =	vst v63  }
0x1df: {  	_ =	swait.ge [sflag:s22], $0x500  }
0x1e0: {  	[sflag:s22] =	ssyncset.done $0x0  }
0x1e1: {  	s17 =	sadd.s32 s8, s20;
	[sflag:s22] =	ssyncadd.s32 $0xFFFFFB00  }
0x1e2: {  	[tilespmem:s26], [sflag:$0x3] =	stream.linear.gather [hbm4b:s17+s6], $0x80, $0x38;
	[tilespmem:$0x1C2F8] =	vst v63  }
0x1e3: {  	_ =	swait.ge [sflag:s22], $0x80  }
0x1e4: {  	s3 =	rddreg [dreg:$0x6];
	[sflag:s22] =	ssyncset.done $0x0  }
0x1e5: {  	[sflag:s22] =	ssyncadd.s32 $0xFFFFFF80;
	s2 =	sadd.s32 s20, s3  }
0x1e6: {  	[tilespmem:s28], [sflag:$0x3] =	stream.linear.gather [hbm4b:s2+s6], $0x80, $0x38;
	[tilespmem:$0x1C2F8] =	vst v63  }
0x1e7: {  	s7 =	sadd.s32 $0x100, s15;
	_ =	swait.ge [sflag:s22], $0x80  }
0x1e8: {  	s2 =	sshrl.u32 s7, $0x3;
	[sflag:s22] =	ssyncset.done $0x0  }
0x1e9: {  	s2 =	sadd.s32 s8, s2;
	[sflag:s22] =	ssyncadd.s32 $0xFFFFFF80  }
0x1ea: {  	[tilespmem:s29], [sflag:$0x3] =	stream.linear.gather [hbm4b:s2+s6], $0x80, $0x38;
	[tilespmem:$0x1C2F8] =	vst v63  }
0x1eb: {  	s17 =	sadd.s32 $0x180, s15;
	_ =	swait.ge [sflag:s22], $0x80  }
0x1ec: {  	s2 =	sshrl.u32 s17, $0x3;
	[sflag:s22] =	ssyncset.done $0x0  }
0x1ed: {  	s2 =	sadd.s32 s8, s2;
	[sflag:s22] =	ssyncadd.s32 $0xFFFFFF80  }
0x1ee: {  	[tilespmem:s30], [sflag:$0x3] =	stream.linear.gather [hbm4b:s2+s6], $0x80, $0x38;
	[tilespmem:$0x1C2F8] =	vst v63  }
0x1ef: {  	s20 =	sadd.s32 $0x200, s15;
	_ =	swait.ge [sflag:s22], $0x80  }
0x1f0: {  	s2 =	sshrl.u32 s20, $0x3;
	[sflag:s22] =	ssyncset.done $0x0  }
0x1f1: {  	s2 =	sadd.s32 s8, s2;
	[sflag:s22] =	ssyncadd.s32 $0xFFFFFF80  }
0x1f2: {  	[tilespmem:s31], [sflag:$0x3] =	stream.linear.gather [hbm4b:s2+s6], $0x80, $0x38;
	[tilespmem:$0x1C2F8] =	vst v63  }
0x1f3: {  	s3 =	sadd.s32 $0x280, s15;
	_ =	swait.ge [sflag:s22], $0x80  }
0x1f4: {  	s2 =	sshrl.u32 s3, $0x3;
	[sflag:s22] =	ssyncset.done $0x0  }
0x1f5: {  	s2 =	sadd.s32 s8, s2;
	[sflag:s22] =	ssyncadd.s32 $0xFFFFFF80  }
0x1f6: {  	[tilespmem:s0], [sflag:$0x3] =	stream.linear.gather [hbm4b:s2+s6], $0x80, $0x38;
	[tilespmem:$0x1C2F8] =	vst v63  }
0x1f7: {  	s7 =	sadd.s32 $0x300, s15;
	_ =	swait.ge [sflag:s22], $0x80  }
0x1f8: {  	s2 =	sshrl.u32 s7, $0x3;
	[sflag:s22] =	ssyncset.done $0x0  }
0x1f9: {  	s2 =	sadd.s32 s8, s2;
	[sflag:s22] =	ssyncadd.s32 $0xFFFFFF80  }
0x1fa: {  	[tilespmem:s11], [sflag:$0x3] =	stream.linear.gather [hbm4b:s2+s6], $0x80, $0x38;
	[tilespmem:$0x1C2F8] =	vst v63  }
0x1fb: {  	s17 =	sadd.s32 $0x380, s15;
	_ =	swait.ge [sflag:s22], $0x80  }
0x1fc: {  	s2 =	sshrl.u32 s17, $0x3;
	[sflag:s22] =	ssyncset.done $0x0  }
0x1fd: {  	s2 =	sadd.s32 s8, s2;
	[sflag:s22] =	ssyncadd.s32 $0xFFFFFF80  }
0x1fe: {  	[tilespmem:s12], [sflag:$0x3] =	stream.linear.gather [hbm4b:s2+s6], $0x80, $0x38;
	[tilespmem:$0x1C2F8] =	vst v63  }
0x1ff: {  	s20 =	sadd.s32 $0x400, s15;
	_ =	swait.ge [sflag:s22], $0x80  }
0x200: {  	s2 =	sshrl.u32 s20, $0x3;
	[sflag:s22] =	ssyncset.done $0x0  }
0x201: {  	s2 =	sadd.s32 s8, s2;
	[sflag:s22] =	ssyncadd.s32 $0xFFFFFF80  }
0x202: {  	[tilespmem:s13], [sflag:$0x3] =	stream.linear.gather [hbm4b:s2+s6], $0x80, $0x38;
	[tilespmem:$0x1C2F8] =	vst v63  }
0x203: {  	s3 =	sadd.s32 $0x480, s15;
	_ =	swait.ge [sflag:s22], $0x80  }
0x204: {  	s2 =	sshrl.u32 s3, $0x3;
	[sflag:s22] =	ssyncset.done $0x0  }
0x205: {  	s2 =	sadd.s32 s8, s2;
	[sflag:s22] =	ssyncadd.s32 $0xFFFFFF80  }
0x206: {  	[tilespmem:s14], [sflag:$0x3] =	stream.linear.gather [hbm4b:s2+s6], $0x80, $0x38;
	[tilespmem:$0x1C2F8] =	vst v63  }
0x207: {  	_ =	swait.ge [sflag:s22], $0x80  }
0x208: {  	[sflag:s22] =	ssyncset.done $0x0  }
0x209: {  	[sflag:s22] =	ssyncadd.s32 $0xFFFFFF80  }
0x20a: {  	[spmem:s4] =	stream.indirect.scatter.add.f32 [tilespmem:s23], [sflag:$0x1], $0x1, s26, s5, $0xb8;
	[tilespmem:$0x1C2F8] =	vst v63  }
0x20b: {  	s7 =	rddreg [dreg:$0x7]  }
0x20c: {  	[spmem:s4] =	stream.indirect.scatter.add.f32 [tilespmem:s7], [sflag:$0x1], $0x1, s28, s5, $0xb8;
	[tilespmem:$0x1C2F8] =	vst v63  }
0x20d: {  	s3 =	rddreg [dreg:$0x8]  }
0x20e: {  	[spmem:s4] =	stream.indirect.scatter.add.f32 [tilespmem:s3], [sflag:$0x1], $0x1, s29, s5, $0xb8;
	[tilespmem:$0x1C2F8] =	vst v63  }
0x20f: {  	s15 =	rddreg [dreg:$0x9]  }
0x210: {  	[spmem:s4] =	stream.indirect.scatter.add.f32 [tilespmem:s15], [sflag:$0x1], $0x1, s30, s5, $0xb8;
	[tilespmem:$0x1C2F8] =	vst v63  }
0x211: {  	s17 =	rddreg [dreg:$0xa]  }
0x212: {  	[spmem:s4] =	stream.indirect.scatter.add.f32 [tilespmem:s17], [sflag:$0x1], $0x1, s31, s5, $0xb8;
	[tilespmem:$0x1C2F8] =	vst v63  }
0x213: {  	s20 =	rddreg [dreg:$0xb]  }
0x214: {  	[spmem:s4] =	stream.indirect.scatter.add.f32 [tilespmem:s20], [sflag:$0x1], $0x1, s0, s5, $0xb8;
	[tilespmem:$0x1C2F8] =	vst v63  }
0x215: {  	s7 =	rddreg [dreg:$0xc]  }
0x216: {  	[spmem:s4] =	stream.indirect.scatter.add.f32 [tilespmem:s7], [sflag:$0x1], $0x1, s11, s5, $0xb8;
	[tilespmem:$0x1C2F8] =	vst v63  }
0x217: {  	s15 =	rddreg [dreg:$0xd]  }
0x218: {  	[spmem:s4] =	stream.indirect.scatter.add.f32 [tilespmem:s15], [sflag:$0x1], $0x1, s12, s5, $0xb8;
	[tilespmem:$0x1C2F8] =	vst v63  }
0x219: {  	s17 =	rddreg [dreg:$0xe]  }
0x21a: {  	[spmem:s4] =	stream.indirect.scatter.add.f32 [tilespmem:s17], [sflag:$0x1], $0x1, s13, s5, $0xb8;
	[tilespmem:$0x1C2F8] =	vst v63  }
0x21b: {  	s20 =	rddreg [dreg:$0xf]  }
0x21c: {  	[spmem:s4] =	stream.indirect.scatter.add.f32 [tilespmem:s20], [sflag:$0x1], $0x1, s14, s5, $0xb8;
	[tilespmem:$0x1C2F8] =	vst v63  }
0x21d: {  	_ =	swait.ge [sflag:s9], $0x80  }
0x21e: {  	[sflag:s9] =	ssyncset.done $0x0  }
0x21f: {  	[sflag:s9] =	ssyncadd.s32 $0xFFFFFF80  }
0x220: {  	_ =	swait.ge [sflag:s9], $0x80  }
0x221: {  	[sflag:s9] =	ssyncset.done $0x0  }
0x222: {  	[sflag:s9] =	ssyncadd.s32 $0xFFFFFF80  }
0x223: {  	_ =	swait.ge [sflag:s9], $0x80  }
0x224: {  	[sflag:s9] =	ssyncset.done $0x0  }
0x225: {  	[sflag:s9] =	ssyncadd.s32 $0xFFFFFF80  }
0x226: {  	_ =	swait.ge [sflag:s9], $0x80  }
0x227: {  	[sflag:s9] =	ssyncset.done $0x0  }
0x228: {  	[sflag:s9] =	ssyncadd.s32 $0xFFFFFF80  }
0x229: {  	_ =	swait.ge [sflag:s9], $0x80  }
0x22a: {  	[sflag:s9] =	ssyncset.done $0x0  }
0x22b: {  	[sflag:s9] =	ssyncadd.s32 $0xFFFFFF80  }
0x22c: {  	_ =	swait.ge [sflag:s9], $0x80  }
0x22d: {  	[sflag:s9] =	ssyncset.done $0x0  }
0x22e: {  	[sflag:s9] =	ssyncadd.s32 $0xFFFFFF80  }
0x22f: {  	_ =	swait.ge [sflag:s9], $0x80  }
0x230: {  	[sflag:s9] =	ssyncset.done $0x0  }
0x231: {  	[sflag:s9] =	ssyncadd.s32 $0xFFFFFF80  }
0x232: {  	_ =	swait.ge [sflag:s9], $0x80  }
0x233: {  	[sflag:s9] =	ssyncset.done $0x0  }
0x234: {  	[sflag:s9] =	ssyncadd.s32 $0xFFFFFF80  }
0x235: {  	_ =	swait.ge [sflag:s9], $0x80  }
0x236: {  	[sflag:s9] =	ssyncset.done $0x0  }
0x237: {  	[sflag:s9] =	ssyncadd.s32 $0xFFFFFF80  }
0x238: {  	_ =	swait.ge [sflag:s9], $0x80  }
0x239: {  	[sflag:s9] =	ssyncset.done $0x0  }
0x23a: {  	[sflag:s9] =	ssyncadd.s32 $0xFFFFFF80  }
0x23b: {  	[bflag:$0x0] =	sbarrier.arrive $0xFFFF  }
0x23c: {  	[tilespmem:s19], [sflag:$0x3] =	stream.linear.gather [spmem:s4], $0x2780, $0x38;
	[tilespmem:$0x1C2F8] =	vst v63  }
0x23d: {  	_ =	swait.ge [sflag:s22], $0x2780  }
0x23e: {  	[sflag:s22] =	ssyncset.done $0x0  }
0x23f: {  	s15 =	simm.s32 $0x0;
	s17 =	simm.s32 $0x40;
	[sflag:s22] =	ssyncadd.s32 $0xFFFFD880  }
.LBB2_11:
0x240: {  	p2 =	sne.s32 s17, $0x9C00;
	v2 =	vld [tilespmem:s15+$0x13AF8];
	_ =	sdelay $0x4  }
0x241: {  	v3 =	vshra.s32 v2, $0x1;
	v4 =	vmul.f32 $5.000000000e-01, v2  }
0x242: {  	v3 =	vsub.s32 $0x5F3759DF, v3  }
0x243: {  	v5 =	vmul.f32 v3, v4;
	_ =	sdelay $0x1  }
0x244: {  	v5 =	vmul.f32 v3, v5;
	_ =	sdelay $0x1  }
0x245: {  	v5 =	vsub.f32 $1.500000000e+00, v5;
	_ =	sdelay $0x1  }
0x246: {  	v3 =	vmul.f32 v3, v5;
	_ =	sdelay $0x1  }
0x247: {  	v5 =	vmul.f32 v3, v4;
	_ =	sdelay $0x1  }
0x248: {  	v5 =	vmul.f32 v5, v3;
	_ =	sdelay $0x1  }
0x249: {  	v5 =	vsub.f32 $1.500000000e+00, v5;
	_ =	sdelay $0x1  }
0x24a: {  	v3 =	vmul.f32 v5, v3;
	_ =	sdelay $0x1  }
0x24b: {  	v4 =	vmul.f32 v3, v4;
	_ =	sdelay $0x1  }
0x24c: {  	v4 =	vmul.f32 v4, v3;
	_ =	sdelay $0x1  }
0x24d: {  	v4 =	vsub.f32 $1.500000000e+00, v4  }
.Ltmp6:
0x24e: {  	(pc) =	sbr.rel @p2 .LBB2_11-.Ltmp6, $4  }
0x24f: {  	v3 =	vmul.f32 v4, v3  }
0x250: {  	vm0 =	vgt.f32 v2, $0.0e+00  }
0x251: {  	v2 =	vnsel vm0, $0x0, v3  }
0x252: {  	[tilespmem:s15+$0x13AF8] =	vst v2;
	s15 =	sshra.s32 s17, $0x2;
	s17 =	sadd.s32 $0x40, s17  }
0x253: {  	v2 =	vld [tilespmem:s15+$0x13AF8];
	_ =	sdelay $0x4  }
0x254: {  	v3 =	vshra.s32 v2, $0x1;
	v4 =	vmul.f32 $5.000000000e-01, v2  }
0x255: {  	v3 =	vsub.s32 $0x5F3759DF, v3  }
0x256: {  	v5 =	vmul.f32 v3, v4;
	_ =	sdelay $0x1  }
0x257: {  	v5 =	vmul.f32 v3, v5;
	_ =	sdelay $0x1  }
0x258: {  	v5 =	vsub.f32 $1.500000000e+00, v5;
	_ =	sdelay $0x1  }
0x259: {  	v3 =	vmul.f32 v3, v5;
	_ =	sdelay $0x1  }
0x25a: {  	v5 =	vmul.f32 v3, v4;
	_ =	sdelay $0x1  }
0x25b: {  	v5 =	vmul.f32 v5, v3;
	_ =	sdelay $0x1  }
0x25c: {  	v5 =	vsub.f32 $1.500000000e+00, v5;
	_ =	sdelay $0x1  }
0x25d: {  	v3 =	vmul.f32 v5, v3;
	_ =	sdelay $0x1  }
0x25e: {  	v4 =	vmul.f32 v3, v4;
	_ =	sdelay $0x1  }
0x25f: {  	v4 =	vmul.f32 v4, v3;
	_ =	sdelay $0x1  }
0x260: {  	v4 =	vsub.f32 $1.500000000e+00, v4;
	_ =	sdelay $0x1  }
0x261: {  	v3 =	vmul.f32 v4, v3  }
0x262: {  	vm0 =	vgt.f32 v2, $0.0e+00  }
0x263: {  	v2 =	vnsel vm0, $0x0, v3  }
0x264: {  	[tilespmem:s15+$0x13AF8] =	vst v2  }
0x265: {  	s17 =	simm.s32 $0x0;
	s15 =	simm.s32 $0x0;
	[bflag:$0x0] =	sbarrier.arrive $0xFFFF  }
.LBB2_13:
0x266: {  	s2 =	sadd.s32 s17, s18  }
0x267: {  	s2 =	sshll.u32 s2, $0x4  }
0x268: {  	s3 =	rddreg [dreg:$0x10];
	s2 =	sand.u32 $0x1FFFFFF0, s2  }
0x269: {  	s3 =	sadd.s32 s3, s2  }
0x26a: {  	[tilespmem:s24], [sflag:$0x3] =	stream.linear.gather [hbm4b:s3+s15], $0x80, $0x38;
	[tilespmem:$0x1C2F8] =	vst v63  }
0x26b: {  	_ =	swait.ge [sflag:s22], $0x80  }
0x26c: {  	[sflag:s22] =	ssyncset.done $0x0  }
0x26d: {  	s7 =	sadd.s32 s8, s2;
	[sflag:s22] =	ssyncadd.s32 $0xFFFFFF80  }
0x26e: {  	[tilespmem:s26], [sflag:$0x3] =	stream.linear.gather [hbm4b:s7+s15], $0x80, $0x38;
	[tilespmem:$0x1C2F8] =	vst v63  }
0x26f: {  	_ =	swait.ge [sflag:s22], $0x80  }
0x270: {  	[sflag:s22] =	ssyncset.done $0x0  }
0x271: {  	s2 =	sadd.s32 s1, s2;
	[sflag:s22] =	ssyncadd.s32 $0xFFFFFF80  }
0x272: {  	[tilespmem:s23], [sflag:$0x3] =	stream.linear.gather [hbm4b:s2+s15], $0x80, $0x38;
	[tilespmem:$0x1C2F8] =	vst v63  }
0x273: {  	_ =	swait.ge [sflag:s22], $0x80  }
0x274: {  	[sflag:s22] =	ssyncset.done $0x0  }
0x275: {  	[sflag:s22] =	ssyncadd.s32 $0xFFFFFF80  }
0x276: {  	s20 =	rddreg [dreg:$0x2]  }
0x277: {  	[tilespmem:s25], [sflag:$0x2] =	stream.indirect.gather [hbm4b:s20+s5], $0x80, s24, s5, $0xb8;
	[tilespmem:$0x1C2F8] =	vst v63  }
0x278: {  	_ =	swait.ge [sflag:s16], $0x4000  }
0x279: {  	[sflag:s16] =	ssyncset.done $0x0  }
0x27a: {  	[sflag:s16] =	ssyncadd.s32 $0xFFFFC000  }
0x27b: {  	v2 =	vld [tilespmem:$0x16F78];
	_ =	sdelay $0x1  }
0x27c: {  	v3 =	vld [tilespmem:$0x16278];
	_ =	sdelay $0x4  }
0x27d: {  	v4 =	vld [tilespmem:$0x16A78]  }
0x27e: {  	v2 =	vld.idx.msk [tilespmem:v2+s19+$0x0], $0xffff  }
0x27f: {  	v5 =	vld [tilespmem:$0x16F88]  }
0x280: {  	v3 =	vld.idx.msk [tilespmem:v3+s19+$0x0], $0xffff  }
0x281: {  	v6 =	vld [tilespmem:$0x16288];
	_ =	sdelay $0x1  }
0x282: {  	v2 =	vmul.f32 v2, v4;
	_ =	sdelay $0x1  }
0x283: {  	v2 =	vmul.f32 v3, v2;
	_ =	sdelay $0x1  }
0x284: {  	[tilespmem:$0x1AFF8] =	vst v2;
	v2 =	vld [tilespmem:$0x16A88]  }
0x285: {  	v3 =	vld.idx.msk [tilespmem:v5+s19+$0x0], $0xffff  }
0x286: {  	v4 =	vld.idx.msk [tilespmem:v6+s19+$0x0], $0xffff  }
0x287: {  	v5 =	vld [tilespmem:$0x16F98]  }
0x288: {  	v6 =	vld [tilespmem:$0x16298];
	_ =	sdelay $0x1  }
0x289: {  	v2 =	vmul.f32 v3, v2;
	_ =	sdelay $0x1  }
0x28a: {  	v2 =	vmul.f32 v4, v2;
	_ =	sdelay $0x1  }
0x28b: {  	[tilespmem:$0x1B008] =	vst v2;
	v2 =	vld [tilespmem:$0x16A98]  }
0x28c: {  	v3 =	vld.idx.msk [tilespmem:v5+s19+$0x0], $0xffff  }
0x28d: {  	v4 =	vld.idx.msk [tilespmem:v6+s19+$0x0], $0xffff  }
0x28e: {  	v5 =	vld [tilespmem:$0x16FA8]  }
0x28f: {  	v6 =	vld [tilespmem:$0x162A8];
	_ =	sdelay $0x1  }
0x290: {  	v2 =	vmul.f32 v3, v2;
	_ =	sdelay $0x1  }
0x291: {  	v2 =	vmul.f32 v4, v2;
	_ =	sdelay $0x1  }
0x292: {  	[tilespmem:$0x1B018] =	vst v2;
	v2 =	vld [tilespmem:$0x16AA8]  }
0x293: {  	v3 =	vld.idx.msk [tilespmem:v5+s19+$0x0], $0xffff  }
0x294: {  	v4 =	vld.idx.msk [tilespmem:v6+s19+$0x0], $0xffff  }
0x295: {  	v5 =	vld [tilespmem:$0x16FB8]  }
0x296: {  	v6 =	vld [tilespmem:$0x162B8];
	_ =	sdelay $0x1  }
0x297: {  	v2 =	vmul.f32 v3, v2;
	_ =	sdelay $0x1  }
0x298: {  	v2 =	vmul.f32 v4, v2;
	_ =	sdelay $0x1  }
0x299: {  	[tilespmem:$0x1B028] =	vst v2;
	v2 =	vld [tilespmem:$0x16AB8]  }
0x29a: {  	v3 =	vld.idx.msk [tilespmem:v5+s19+$0x0], $0xffff  }
0x29b: {  	v4 =	vld.idx.msk [tilespmem:v6+s19+$0x0], $0xffff  }
0x29c: {  	v5 =	vld [tilespmem:$0x16FC8]  }
0x29d: {  	v6 =	vld [tilespmem:$0x162C8];
	_ =	sdelay $0x1  }
0x29e: {  	v2 =	vmul.f32 v3, v2;
	_ =	sdelay $0x1  }
0x29f: {  	v2 =	vmul.f32 v4, v2;
	_ =	sdelay $0x1  }
0x2a0: {  	[tilespmem:$0x1B038] =	vst v2;
	v2 =	vld [tilespmem:$0x16AC8]  }
0x2a1: {  	v3 =	vld.idx.msk [tilespmem:v5+s19+$0x0], $0xffff  }
0x2a2: {  	v4 =	vld.idx.msk [tilespmem:v6+s19+$0x0], $0xffff  }
0x2a3: {  	v5 =	vld [tilespmem:$0x16FD8]  }
0x2a4: {  	v6 =	vld [tilespmem:$0x162D8];
	_ =	sdelay $0x1  }
0x2a5: {  	v2 =	vmul.f32 v3, v2;
	_ =	sdelay $0x1  }
0x2a6: {  	v2 =	vmul.f32 v4, v2;
	_ =	sdelay $0x1  }
0x2a7: {  	[tilespmem:$0x1B048] =	vst v2;
	v2 =	vld [tilespmem:$0x16AD8]  }
0x2a8: {  	v3 =	vld.idx.msk [tilespmem:v5+s19+$0x0], $0xffff  }
0x2a9: {  	v4 =	vld.idx.msk [tilespmem:v6+s19+$0x0], $0xffff  }
0x2aa: {  	v5 =	vld [tilespmem:$0x16FE8];
	_ =	sdelay $0x1  }
0x2ab: {  	v6 =	vld [tilespmem:$0x162E8]  }
0x2ac: {  	v2 =	vmul.f32 v3, v2;
	_ =	sdelay $0x1  }
0x2ad: {  	v2 =	vmul.f32 v4, v2;
	_ =	sdelay $0x1  }
0x2ae: {  	[tilespmem:$0x1B058] =	vst v2;
	v2 =	vld [tilespmem:$0x16AE8]  }
0x2af: {  	v3 =	vld.idx.msk [tilespmem:v5+s19+$0x0], $0xffff;
	_ =	sdelay $0x1  }
0x2b0: {  	v4 =	vld.idx.msk [tilespmem:v6+s19+$0x0], $0xffff;
	_ =	sdelay $0x2  }
0x2b1: {  	v2 =	vmul.f32 v3, v2;
	_ =	sdelay $0x1  }
0x2b2: {  	v2 =	vmul.f32 v4, v2  }
0x2b3: {  	v3 =	vmov s15  }
0x2b4: {  	s20 =	simm.s32 $0x17038;
	[tilespmem:$0x1B068] =	vst v2  }
0x2b5: {  	v6 =	vld [tilespmem:s20+$0x30]  }
0x2b6: {  	v9 =	vld [tilespmem:s20+$0x10]  }
0x2b7: {  	v7 =	vld [tilespmem:s20+$0xFFFFFFC0]  }
0x2b8: {  	v3 =	vld.idx.msk [tilespmem:v3+s10+$0x0], $0xffff  }
0x2b9: {  	v11 =	vld [tilespmem:s20+$0xFFFFFFE0]  }
0x2ba: {  	v2 =	vld [tilespmem:s20+$0xFFFFFFF0]  }
0x2bb: {  	v4 =	vld [tilespmem:s20+$0x20]  }
0x2bc: {  	v5 =	vld [tilespmem:s20+$0xFFFFFFD0]  }
0x2bd: {  	v10 =	vmul.f32 v6, v3;
	v6 =	vld [tilespmem:s20+$0x0]  }
0x2be: {  	v8 =	vmul.f32 v7, v3  }
0x2bf: {  	s3 =	simm.s32 $0x17038;
	s2 =	simm.s32 $0x1;
	v7 =	vmul.f32 v11, v3;
	v9 =	vmul.f32 v9, v3  }
.LBB2_14:
0x2c0: {  	p2 =	sne.s32 s2, $0x7F  }
0x2c1: {  	v5 =	vmul.f32 v5, v3;
	v4 =	vmul.f32 v4, v3;
	[tilespmem:s20+$0x30] =	vst v10;
	s3 =	sadd.s32 $0x80, s3;
	s7 =	smov.u32 s2;
	s2 =	sadd.s32 $0x1, s2  }
0x2c2: {  	[tilespmem:s20+$0xFFFFFFC0] =	vst v8;
	v8 =	vmul.f32 v2, v3;
	v3 =	vmul.f32 v6, v3  }
0x2c3: {  	[tilespmem:s20+$0x10] =	vst v9  }
0x2c4: {  	v6 =	vmov s7;
	[tilespmem:s20+$0xFFFFFFE0] =	vst v7  }
0x2c5: {  	v2 =	vld [tilespmem:s3+$0xFFFFFFF0];
	[tilespmem:s20+$0xFFFFFFF0] =	vst v8  }
0x2c6: {  	v7 =	vld [tilespmem:s3+$0x30];
	[tilespmem:s20+$0x0] =	vst v3  }
0x2c7: {  	v9 =	vld [tilespmem:s3+$0x10];
	[tilespmem:s20+$0x20] =	vst v4  }
0x2c8: {  	v8 =	vld [tilespmem:s3+$0xFFFFFFC0];
	[tilespmem:s20+$0xFFFFFFD0] =	vst v5;
	s20 =	smov.u32 s3  }
0x2c9: {  	v3 =	vld.idx.msk [tilespmem:v6+s10+$0x0], $0xffff  }
0x2ca: {  	v11 =	vld [tilespmem:s3+$0xFFFFFFE0]  }
0x2cb: {  	v4 =	vld [tilespmem:s3+$0x20]  }
.Ltmp7:
0x2cc: {  	v5 =	vld [tilespmem:s3+$0xFFFFFFD0];
	(pc) =	sbr.rel @p2 .LBB2_14-.Ltmp7, $3  }
0x2cd: {  	v6 =	vld [tilespmem:s3+$0x0];
	_ =	sdelay $0x1  }
0x2ce: {  	v8 =	vmul.f32 v8, v3;
	v10 =	vmul.f32 v7, v3  }
0x2cf: {  	v9 =	vmul.f32 v9, v3;
	v7 =	vmul.f32 v11, v3  }
0x2d0: {  	[tilespmem:s20+$0x30] =	vst v10  }
0x2d1: {  	[tilespmem:s20+$0xFFFFFFC0] =	vst v8  }
0x2d2: {  	v2 =	vmul.f32 v2, v3;
	[tilespmem:s20+$0x10] =	vst v9  }
0x2d3: {  	v4 =	vmul.f32 v4, v3;
	[tilespmem:s20+$0xFFFFFFE0] =	vst v7  }
0x2d4: {  	v6 =	vmul.f32 v6, v3;
	[tilespmem:s20+$0xFFFFFFF0] =	vst v2  }
0x2d5: {  	s17 =	sadd.s32 $0x1, s17;
	v2 =	vmul.f32 v5, v3;
	[tilespmem:s20+$0x20] =	vst v4  }
0x2d6: {  	p2 =	sne.s32 s17, s21;
	[tilespmem:s20+$0x0] =	vst v6  }
.Ltmp8:
0x2d7: {  	s2 =	rddreg [dreg:$0x3];
	[tilespmem:s20+$0xFFFFFFD0] =	vst v2;
	(pc) =	sbr.rel @p2 .LBB2_13-.Ltmp8, $4  }
0x2d8: {  	[spmem:s2] =	stream.indirect.scatter.add.f32 [tilespmem:s25], [sflag:$0x1], $0x80, s26, s5, $0xb8;
	[tilespmem:$0x1C2F8] =	vst v63  }
0x2d9: {  	_ =	swait.ge [sflag:s9], $0x4000  }
0x2da: {  	[sflag:s9] =	ssyncset.done $0x0  }
0x2db: {  	[sflag:s9] =	ssyncadd.s32 $0xFFFFC000  }
0x2dc: {  	[bflag:$0x0] =	sbarrier.arrive $0xFFFF  }
0x2dd: {  	s2 =	sld [smem:$0x7EF];
	_ =	sdelay $0x2  }
0x2de: {  	s3 =	simm.s32 @p1 $0x1FC3;
	s7 =	rddreg [dreg:$0x1e];
	s2 =	sshrl.u32 @p1 s2, $0x3  }
0x2df: {  	[hbm:s7], [sflag:s3] =	dma.local @p1 [spmem:s2], $0x1900  }
0x2e0: {  	s2 =	simm.s32 @p1 $0x3  }
0x2e1: {  	s3 =	stileid.u32;
	_ =	swait.ge @p1 [sflag:s2], $0x1900  }
0x2e2: {  	s3 =	sshll.u32 @!p1 s3, $0x6;
	[sflag:s2] =	ssyncset.done @p1 $0x0  }
0x2e3: {  	[sflag:s2] =	ssyncadd.s32 @p1 $0xFFFFE700;
	s2 =	sor.u32 @!p1 $0x1C03, s3;
	s3 =	rddreg [dreg:$0x12]  }
0x2e4: {  	s7 =	rddreg [dreg:$0x1a];
	s3 =	sshrl.u32 @!p1 s3, $0x3  }
0x2e5: {  	[hbm:s7], [sflag:s2] =	dma.local @!p1 [spmem:s3], $0x2800  }
0x2e6: {  	s2 =	simm.s32 @!p1 $0x3  }
0x2e7: {  	_ =	swait.ge @!p1 [sflag:s2], $0x2800  }
0x2e8: {  	s3 =	simm.s32 @!p0 $0x13AF8;
	[sflag:s2] =	ssyncset.done @!p1 $0x0  }
0x2e9: {  	s7 =	rddreg [dreg:$0x11];
	[sflag:s2] =	ssyncadd.s32 @!p1 $0xFFFFD800;
	s2 =	simm.s32 @!p0 $0x0  }
0x2ea: {  	[hbm4b:s7+s2] =	stream.linear.scatter @!p0 [tilespmem:s3], [sflag:$0x3], $0x2780, $0x38;
	[tilespmem:$0x1C2F8] =	vst v63  }
0x2eb: {  	s2 =	simm.s32 @!p0 $0x3  }
0x2ec: {  	_ =	swait.ge @!p0 [sflag:s2], $0x2780  }
0x2ed: {  	s15 =	sld [smem:$0x7E3];
	_ =	sdelay $0x2  }
0x2ee: {  	s20 =	rddreg [dreg:$0x1f];
	s15 =	sadd.s32 $0x1, s15  }
0x2ef: {  	p2 =	sne.s32 s15, s20  }
.Ltmp9:
0x2f0: {  	_ = 	snop;
	(pc) =	sbr.rel @p2 .LBB2_1-.Ltmp9, $4  }
.Ltmp10:
0x2f1: {  	_ = 	snop;
	(pc) =	sbr.rel @!p2 .LBB2_17-.Ltmp10, $4  }
0x2f2: {  	_ = 	snop  }
0x2f3: {  	[sflag:s2] =	ssyncset.done @!p0 $0x0  }
0x2f4: {  	s7 =	sld [smem:$0x7FD];
	[sflag:s2] =	ssyncadd.s32 @!p0 $0xFFFFD880  }
0x2f5: {  	_ = 	snop  }
.LBB2_7:
.Ltmp11:
0x2f6: {  	(pc) =	sbr.rel .LBB2_10-.Ltmp11, $2  }
0x2f7: {  	_ =	sdelay $0x2  }
0x2f8: {  	s15 =	smov.u32 s7  }
.LBB2_17:
0x2f9: {  	_ =	sfence.sel $0x180000  }
0x2fa: {  	[bflag:$0x0] =	sbarrier.arrive $0xFFFF  }
0x2fb: {  	_ =	strace $0x90000047  }
0x2fc: {  	s0 =	stileid.u32;
	[bflag:$0x2] =	sbarrier.arrive $0xFFFF  }
0x2fd: {  	p0 =	sne.s32 s0, $0x0;
	s0 =	rddreg [dreg:$0x5]  }
0x2fe: {  	s0 =	sadd.s32 @!p0 $0x100000, s0  }
0x2ff: {  	[sflag:s0] =	ssyncadd.tile.s32 @!p0 $0x1;
	_ =	shalt  }
.Lfunc_end2:
_tile_overlayer_lowered:
.L_overlay_start_2:
0x300: {  	(tag) =	ssettag $0x2  }
0x301: {  	s0 =	rddreg [dreg:$0x0];
	s2 =	stileid.u32  }
0x302: {  	s1 =	rddreg [dreg:$0x1];
	p0 =	sne.s32 s2, $0x0  }
0x303: {  	s3 =	rddreg [dreg:$0x2];
	[bflag:$0x3] =	sbarrier.arrive $0xFFFF;
	s2 =	simm.s32 @!p0 $0x1C03  }
0x304: {  	[timem:s3], [sflag:s2] =	dma.local @!p0 [hbm:s0], s1  }
0x305: {  	s0 =	simm.s32 @!p0 $0x3  }
0x306: {  	_ =	swait.ge @!p0 [sflag:s0], s1  }
0x307: {  	s1 =	ssub.s32 @!p0 $0x0, s1;
	[sflag:s0] =	ssyncset.done @!p0 $0x0  }
0x308: {  	[sflag:s0] =	ssyncadd.s32 @!p0 s1  }
0x309: {  	[bflag:$0x3] =	sbarrier.arrive $0xFFFF  }
0x30a: {  	_ =	shalt  }

</sc_bundles>
